<compile_context>
chip_gen: v7x
topology: tpu7x:2x2x1
jax: 0.10.2.dev20260603
libtpu: 0.0.44.dev20260713+nightly
codegen_flags: <defaults>
</compile_context>

<pallas_src>
import functools

import jax
import jax.numpy as jnp
from jax import lax
from jax.experimental import pallas as pl
from jax.experimental.pallas import tpu as pltpu
from jax.experimental.pallas import tpu_sc as plsc

N, D, DI = 2048, 768, 1536
H, DK, DV = 12, 64, 64
E, TOPK = 24, 2
P = N * TOPK
T = 128
NT = P // T + E
PPAD = NT * T
EPS = 1e-6

NWORK = 32



def _qkv_body(x_ref, w_ref, o_ref):
    o_ref[...] = jnp.dot(x_ref[...], w_ref[...],
                         preferred_element_type=jnp.float32)


def _qkv(x, wqkv):
    return pl.pallas_call(
        _qkv_body,
        grid=(8,),
        in_specs=[pl.BlockSpec((N // 8, D), lambda i: (i, 0)),
                  pl.BlockSpec((D, 3 * D), lambda i: (0, 0))],
        out_specs=pl.BlockSpec((N // 8, 3 * D), lambda i: (i, 0)),
        out_shape=jax.ShapeDtypeStruct((N, 3 * D), jnp.float32),
    )(x, wqkv)


def _attn_body(q_ref, k_ref, v_ref, o_ref):
    q = q_ref[0] * (1.0 / (DK ** 0.5))
    s = lax.dot_general(q, k_ref[0], (((1,), (1,)), ((), ())),
                        preferred_element_type=jnp.float32)
    m = jnp.max(s, axis=-1, keepdims=True)
    p = jnp.exp(s - m)
    p = p / jnp.sum(p, axis=-1, keepdims=True)
    o_ref[0] = jnp.dot(p, v_ref[0], preferred_element_type=jnp.float32)


def _attn(qkvh):
    qb = 512
    return pl.pallas_call(
        _attn_body,
        grid=(H, N // qb),
        in_specs=[pl.BlockSpec((1, qb, DK), lambda h, i: (h, i, 0)),
                  pl.BlockSpec((1, N, DK), lambda h, i: (H + h, 0, 0)),
                  pl.BlockSpec((1, N, DV), lambda h, i: (2 * H + h, 0, 0))],
        out_specs=pl.BlockSpec((1, qb, DV), lambda h, i: (h, i, 0)),
        out_shape=jax.ShapeDtypeStruct((H, N, DV), jnp.float32),
    )(qkvh, qkvh, qkvh)


def _post_attn_body(ctx_ref, res_ref, wfc_ref, g_ref, b_ref, wg_ref,
                    x_ref, e1_ref, e2_ref, w1_ref, w2_ref):
    c = jnp.dot(ctx_ref[...], wfc_ref[...], preferred_element_type=jnp.float32)
    h = jnp.maximum(c, 0.0) + res_ref[...]
    m = jnp.mean(h, axis=-1, keepdims=True)
    v = jnp.mean((h - m) ** 2, axis=-1, keepdims=True)
    xln = (h - m) / jnp.sqrt(v + EPS) * g_ref[...] + b_ref[...]
    x_ref[...] = xln
    logits = jnp.dot(xln, wg_ref[...], preferred_element_type=jnp.float32)
    lm = jnp.max(logits, axis=-1, keepdims=True)
    pexp = jnp.exp(logits - lm)
    p = pexp / jnp.sum(pexp, axis=-1, keepdims=True)
    idx = lax.broadcasted_iota(jnp.int32, p.shape, 1)
    m1 = jnp.max(p, axis=-1, keepdims=True)
    e1 = jnp.min(jnp.where(p == m1, idx, E), axis=-1, keepdims=True)
    p2 = jnp.where(idx == e1, -1.0, p)
    m2 = jnp.max(p2, axis=-1, keepdims=True)
    e2 = jnp.min(jnp.where(p2 == m2, idx, E), axis=-1, keepdims=True)
    tot = m1 + m2
    e1_ref[...] = e1
    e2_ref[...] = e2
    w1_ref[...] = m1 / tot
    w2_ref[...] = m2 / tot


def _post_attn(ctx, res, wfc, g, b, wg):
    rb = 256
    return pl.pallas_call(
        _post_attn_body,
        grid=(N // rb,),
        in_specs=[pl.BlockSpec((rb, H * DV), lambda i: (i, 0)),
                  pl.BlockSpec((rb, D), lambda i: (i, 0)),
                  pl.BlockSpec((H * DV, D), lambda i: (0, 0)),
                  pl.BlockSpec((1, D), lambda i: (0, 0)),
                  pl.BlockSpec((1, D), lambda i: (0, 0)),
                  pl.BlockSpec((D, E), lambda i: (0, 0))],
        out_specs=[pl.BlockSpec((rb, D), lambda i: (i, 0)),
                   pl.BlockSpec((rb, 1), lambda i: (i, 0)),
                   pl.BlockSpec((rb, 1), lambda i: (i, 0)),
                   pl.BlockSpec((rb, 1), lambda i: (i, 0)),
                   pl.BlockSpec((rb, 1), lambda i: (i, 0))],
        out_shape=[jax.ShapeDtypeStruct((N, D), jnp.float32),
                   jax.ShapeDtypeStruct((N, 1), jnp.int32),
                   jax.ShapeDtypeStruct((N, 1), jnp.int32),
                   jax.ShapeDtypeStruct((N, 1), jnp.float32),
                   jax.ShapeDtypeStruct((N, 1), jnp.float32)],
    )(ctx, res, wfc, g.reshape(1, D), b.reshape(1, D), wg)


def _route_body(e_ref, dst_ref, te_ref, tv_ref):
    ep = e_ref[...]
    iota_e = lax.broadcasted_iota(jnp.int32, (P, E), 1)
    oh = (ep == iota_e).astype(jnp.float32)
    nc = P // T
    oh3 = oh.reshape(nc, T, E)
    r3 = lax.broadcasted_iota(jnp.int32, (T, T), 0)
    c3 = lax.broadcasted_iota(jnp.int32, (T, T), 1)
    tri_t = (c3 < r3).astype(jnp.float32)
    tri_b = jnp.broadcast_to(tri_t, (nc, T, T))
    within = lax.dot_general(tri_b, oh3, (((2,), (1,)), ((0,), (0,))),
                             preferred_element_type=jnp.float32)
    csum = jnp.sum(oh3, axis=1)
    rc = lax.broadcasted_iota(jnp.int32, (nc, nc), 0)
    cc = lax.broadcasted_iota(jnp.int32, (nc, nc), 1)
    tri_c = (cc < rc).astype(jnp.float32)
    carry = jnp.dot(tri_c, csum, preferred_element_type=jnp.float32)
    rank = (within + carry[:, None, :]).reshape(P, E)
    counts = jnp.sum(csum, axis=0, keepdims=True)
    padded = jnp.ceil(counts * (1.0 / T)) * T
    re = lax.broadcasted_iota(jnp.int32, (E, E), 0)
    ce = lax.broadcasted_iota(jnp.int32, (E, E), 1)
    triu_e = (re < ce).astype(jnp.float32)
    pad_off = jnp.dot(padded, triu_e,
                      preferred_element_type=jnp.float32)
    dst = jnp.sum((rank + pad_off) * oh, axis=-1, keepdims=True)
    dst_ref[...] = dst.astype(jnp.int32)
    ends = pad_off + padded
    total = jnp.sum(padded, axis=-1, keepdims=True)
    ti = lax.broadcasted_iota(jnp.int32, (64, E), 0).astype(jnp.float32) * float(T)
    ti_c = jnp.minimum(ti, total - float(T))
    te = jnp.sum((ends <= ti_c).astype(jnp.float32), axis=-1, keepdims=True)
    te_ref[...] = te.astype(jnp.int32)
    sel = (lax.broadcasted_iota(jnp.int32, (64, E), 1).astype(jnp.float32)
           == te)
    cnt_i = jnp.sum(sel * counts, axis=-1, keepdims=True)
    off_i = jnp.sum(sel * pad_off, axis=-1, keepdims=True)
    tv = jnp.clip(cnt_i - (ti[:, :1] - off_i), 0.0, float(T))
    tv_ref[...] = tv.astype(jnp.int32)


def _route(e_pairs):
    return pl.pallas_call(
        _route_body,
        grid=(1,),
        in_specs=[pl.BlockSpec((P, 1), lambda i: (0, 0))],
        out_specs=[pl.BlockSpec((P, 1), lambda i: (0, 0)),
                   pl.BlockSpec((64, 1), lambda i: (0, 0)),
                   pl.BlockSpec((64, 1), lambda i: (0, 0))],
        out_shape=[jax.ShapeDtypeStruct((P, 1), jnp.int32),
                   jax.ShapeDtypeStruct((64, 1), jnp.int32),
                   jax.ShapeDtypeStruct((64, 1), jnp.int32)],
    )(e_pairs)


def _expert_mm_body(te_ref, tv_ref, x_ref, w_ref, b_ref, o_ref):
    @pl.when(tv_ref[pl.program_id(0)] > 0)
    def _():
        o_ref[...] = (jnp.dot(x_ref[...].astype(jnp.bfloat16), w_ref[0],
                              preferred_element_type=jnp.float32) + b_ref[0])


def _expert_mm(te, tv, xs, w, bias, din, dout):
    gs = pltpu.PrefetchScalarGridSpec(
        num_scalar_prefetch=2,
        grid=(NT,),
        in_specs=[pl.BlockSpec((T, din), lambda i, te, tv: (i, 0)),
                  pl.BlockSpec((1, din, dout),
                               lambda i, te, tv: (te[i], 0, 0)),
                  pl.BlockSpec((1, 1, dout),
                               lambda i, te, tv: (te[i], 0, 0))],
        out_specs=pl.BlockSpec((T, dout), lambda i, te, tv: (i, 0)),
    )
    return pl.pallas_call(
        _expert_mm_body,
        grid_spec=gs,
        out_shape=jax.ShapeDtypeStruct((PPAD, dout), jnp.float32),
    )(te, tv, xs, w.astype(jnp.bfloat16), bias.reshape(E, 1, dout))


def _mid_body(a_ref, b2_ref, w1_ref, w2_ref, g_ref, bb_ref, o_ref):
    y = w1_ref[...] * a_ref[...] + w2_ref[...] * b2_ref[...]
    m = jnp.mean(y, axis=-1, keepdims=True)
    v = jnp.mean((y - m) ** 2, axis=-1, keepdims=True)
    y = (y - m) / jnp.sqrt(v + EPS) * g_ref[0] + bb_ref[0]
    o_ref[...] = jnp.maximum(y, 0.0)


def _mid(a, b, w1, w2, lng, lnb):
    cb = N // 4
    return pl.pallas_call(
        _mid_body,
        grid=(4,),
        in_specs=[pl.BlockSpec((cb, DI), lambda i: (i, 0)),
                  pl.BlockSpec((cb, DI), lambda i: (i, 0)),
                  pl.BlockSpec((cb, 1), lambda i: (i, 0)),
                  pl.BlockSpec((cb, 1), lambda i: (i, 0)),
                  pl.BlockSpec((1, 1, DI), lambda i: (i, 0, 0)),
                  pl.BlockSpec((1, 1, DI), lambda i: (i, 0, 0))],
        out_specs=pl.BlockSpec((cb, DI), lambda i: (i, 0)),
        out_shape=jax.ShapeDtypeStruct((N, DI), jnp.float32),
    )(a, b, w1, w2, lng.reshape(4, 1, DI), lnb.reshape(4, 1, DI))


def _final_body(a_ref, b2_ref, w1_ref, w2_ref, res_ref, g_ref, bb_ref, o_ref):
    y = (w1_ref[...] * a_ref[...] + w2_ref[...] * b2_ref[...] + res_ref[...])
    m = jnp.mean(y, axis=-1, keepdims=True)
    v = jnp.mean((y - m) ** 2, axis=-1, keepdims=True)
    o_ref[...] = (y - m) / jnp.sqrt(v + EPS) * g_ref[...] + bb_ref[...]


def _final(a, b, w1, w2, res, g, bb):
    rb = 512
    return pl.pallas_call(
        _final_body,
        grid=(N // rb,),
        in_specs=[pl.BlockSpec((rb, D), lambda i: (i, 0)),
                  pl.BlockSpec((rb, D), lambda i: (i, 0)),
                  pl.BlockSpec((rb, 1), lambda i: (i, 0)),
                  pl.BlockSpec((rb, 1), lambda i: (i, 0)),
                  pl.BlockSpec((rb, D), lambda i: (i, 0)),
                  pl.BlockSpec((1, D), lambda i: (0, 0)),
                  pl.BlockSpec((1, D), lambda i: (0, 0))],
        out_specs=pl.BlockSpec((rb, D), lambda i: (i, 0)),
        out_shape=jax.ShapeDtypeStruct((N, D), jnp.float32),
    )(a, b, w1, w2, res, g.reshape(1, D), bb.reshape(1, D))



def _sc_gather(src, idx):
    nidx = idx.shape[0]
    dm = src.shape[1]
    rows = nidx // NWORK
    csize = 32 if dm > 768 else 64
    csize = min(csize, rows)
    mesh = plsc.VectorSubcoreMesh(core_axis_name="c", subcore_axis_name="s")

    @functools.partial(
        pl.kernel,
        out_type=jax.ShapeDtypeStruct((nidx, dm), jnp.float32),
        mesh=mesh,
        scratch_types=[pltpu.VMEM((csize,), jnp.int32),
                       pltpu.VMEM((csize, dm), jnp.float32),
                       pltpu.SemaphoreType.DMA],
    )
    def k(src_hbm, idx_hbm, out_hbm, idx_v, rows_v, sem):
        wid = lax.axis_index("s") * 2 + lax.axis_index("c")
        base = wid * rows
        for j in range(rows // csize):
            off = base + j * csize
            pltpu.sync_copy(idx_hbm.at[pl.ds(off, csize)], idx_v)
            pltpu.async_copy(src_hbm.at[idx_v], rows_v, sem).wait()
            pltpu.sync_copy(rows_v, out_hbm.at[pl.ds(off, csize)])

    return k(src, idx)


def _sc_dispatch(src, gidx, sidx):
    dm = src.shape[1]
    rows = P // NWORK
    csize = 32 if dm > 768 else 64
    mesh = plsc.VectorSubcoreMesh(core_axis_name="c", subcore_axis_name="s")

    @functools.partial(
        pl.kernel,
        out_type=jax.ShapeDtypeStruct((PPAD, dm), jnp.float32),
        mesh=mesh,
        scratch_types=[pltpu.VMEM((csize,), jnp.int32),
                       pltpu.VMEM((csize,), jnp.int32),
                       pltpu.VMEM((csize, dm), jnp.float32),
                       pltpu.SemaphoreType.DMA,
                       pltpu.SemaphoreType.DMA],
    )
    def k(src_hbm, gidx_hbm, sidx_hbm, out_hbm, gi_v, si_v, rows_v, s1, s2):
        wid = lax.axis_index("s") * 2 + lax.axis_index("c")
        base = wid * rows
        for j in range(rows // csize):
            off = base + j * csize
            pltpu.sync_copy(gidx_hbm.at[pl.ds(off, csize)], gi_v)
            pltpu.sync_copy(sidx_hbm.at[pl.ds(off, csize)], si_v)
            pltpu.async_copy(src_hbm.at[gi_v], rows_v, s1).wait()
            pltpu.async_copy(rows_v, out_hbm.at[si_v], s2).wait()

    return k(src, gidx, sidx)



def kernel(enc_input, Wq, Wk, Wv, Wfc, ln_attn_g, ln_attn_b, Wg1, W1, b1,
           W2, b2, ln1_g, ln1_b, ln2_g, ln2_b, ln3_g, ln3_b, ln4_g, ln4_b,
           lnf_g, lnf_b):
    x0 = enc_input.reshape(N, D)
    wqkv = jnp.concatenate([Wq, Wk, Wv], axis=1)
    qkv = _qkv(x0, wqkv)
    qkvh = qkv.reshape(N, 3 * H, DK).transpose(1, 0, 2)
    ctxh = _attn(qkvh)
    ctx = ctxh.transpose(1, 0, 2).reshape(N, H * DV)
    xln, e1, e2, w1, w2 = _post_attn(ctx, x0, Wfc, ln_attn_g, ln_attn_b, Wg1)

    e_pairs = jnp.concatenate([e1, e2], axis=1).reshape(P, 1)
    dst2, te2, tv2 = _route(e_pairs)
    dst = dst2.reshape(P)
    te = te2.reshape(64)[:NT]
    tv = tv2.reshape(64)[:NT]
    deven = dst[0::2]
    dodd = dst[1::2]
    gidx = (jnp.arange(P, dtype=jnp.int32) // TOPK).astype(jnp.int32)

    xs = _sc_dispatch(xln, gidx, dst)
    ys = _expert_mm(te, tv, xs, W1, b1, D, DI)
    a1 = _sc_gather(ys, deven)
    b1g = _sc_gather(ys, dodd)
    lng = jnp.stack([ln1_g, ln2_g, ln3_g, ln4_g])
    lnb = jnp.stack([ln1_b, ln2_b, ln3_b, ln4_b])
    z = _mid(a1, b1g, w1, w2, lng, lnb)

    zs = _sc_dispatch(z, gidx, dst)
    y2s = _expert_mm(te, tv, zs, W2, b2, DI, D)
    a2 = _sc_gather(y2s, deven)
    b2g = _sc_gather(y2s, dodd)
    out = _final(a2, b2g, w1, w2, xln, lnf_g, lnf_b)
    return out.reshape(1, N, D)

# --- scband reference (transcript-rebuilt; emitter-appended) ---
"""Pipeline reference for scband-encoder-layer-76106820485311 (READ-ONLY COPY).

The authoritative reference and input builder live on the scoring server;
editing this copy changes nothing except your own understanding.
"""

import jax, jax.numpy as jnp
import numpy as np

B, N, D, DI = 1, 2048, 768, 1536
H, DK, DV = 12, 64, 64
E, TOPK = 24, 2


def setup_inputs(seed: int = 0):
    key = jax.random.key(seed)
    ks = jax.random.split(key, 12)
    s = 0.02
    inp = {
        'enc_input': jax.random.normal(ks[0], (B, N, D), jnp.float32),
        'Wq': jax.random.normal(ks[1], (D, H * DK), jnp.float32) * s,
        'Wk': jax.random.normal(ks[2], (D, H * DK), jnp.float32) * s,
        'Wv': jax.random.normal(ks[3], (D, H * DV), jnp.float32) * s,
        'Wfc': jax.random.normal(ks[4], (H * DV, D), jnp.float32) * s,
        'ln_attn_g': jnp.ones((D,), jnp.float32),
        'ln_attn_b': jnp.zeros((D,), jnp.float32),
        'Wg1': jax.random.normal(ks[5], (D, E), jnp.float32) * s,
        'W1': jax.random.normal(ks[6], (E, D, DI), jnp.float32) * s,
        'b1': jnp.zeros((E, DI), jnp.float32),
        'W2': jax.random.normal(ks[7], (E, DI, D), jnp.float32) * s,
        'b2': jnp.zeros((E, D), jnp.float32),
        'ln1_g': jnp.ones((DI,), jnp.float32), 'ln1_b': jnp.zeros((DI,), jnp.float32),
        'ln2_g': jnp.ones((DI,), jnp.float32), 'ln2_b': jnp.zeros((DI,), jnp.float32),
        'ln3_g': jnp.ones((DI,), jnp.float32), 'ln3_b': jnp.zeros((DI,), jnp.float32),
        'ln4_g': jnp.ones((DI,), jnp.float32), 'ln4_b': jnp.zeros((DI,), jnp.float32),
        'lnf_g': jnp.ones((D,), jnp.float32), 'lnf_b': jnp.zeros((D,), jnp.float32),
    }
    return inp


def _ln(x, g, b, eps=1e-6):
    m = jnp.mean(x, axis=-1, keepdims=True)
    v = jnp.var(x, axis=-1, keepdims=True)
    return (x - m) / jnp.sqrt(v + eps) * g + b


def _moe(x, combine, Wg, We, be):
    # TaskMoE-style top-k gating (eval mode: no noise, no dropped tokens).
    if combine is None:
        logits = x @ Wg
        probs = jax.nn.softmax(logits, axis=-1)
        topv, topi = jax.lax.top_k(probs, TOPK)
        topv = topv / jnp.sum(topv, axis=-1, keepdims=True)
        combine = jnp.sum(topv[..., None] * jax.nn.one_hot(topi, E, dtype=x.dtype), axis=-2)
    eo = jnp.einsum('btd,edf->ebtf', x, We) + be[:, None, None, :]
    y = jnp.einsum('bte,ebtf->btf', combine, eo)
    return y, combine


def _forward(enc_input, Wq, Wk, Wv, Wfc, ln_attn_g, ln_attn_b, Wg1, W1, b1, W2, b2,
             ln1_g, ln1_b, ln2_g, ln2_b, ln3_g, ln3_b, ln4_g, ln4_b, lnf_g, lnf_b):
    x = enc_input
    # MultiHeadAttention (dropout is identity in eval)
    residual = x

    def split(t, dh):
        return t.reshape(B, N, H, dh).transpose(0, 2, 1, 3).reshape(B * H, N, dh)

    q = split(x @ Wq, DK)
    k = split(x @ Wk, DK)
    v = split(x @ Wv, DV)
    attn = jax.nn.softmax((q / (DK ** 0.5)) @ jnp.swapaxes(k, 1, 2), axis=-1)
    ctx = attn @ v
    ctx = ctx.reshape(B, H, N, DV).transpose(0, 2, 1, 3).reshape(B, N, H * DV)
    ctx = jax.nn.relu(ctx @ Wfc)
    x = _ln(ctx + residual, ln_attn_g, ln_attn_b)
    # PositionwiseFeedForward with shared MoE layers over 4 sequence chunks
    residual = x
    x4 = x.reshape(B, 4, N // 4, D)
    lns = [(ln1_g, ln1_b), (ln2_g, ln2_b), (ln3_g, ln3_b), (ln4_g, ln4_b)]
    outs = []
    for i in range(4):
        xi = x4[:, i]
        y, comb = _moe(xi, None, Wg1, W1, b1)
        y = _ln(y, lns[i][0], lns[i][1])
        y, _ = _moe(jax.nn.relu(y), comb, None, W2, b2)
        outs.append(y)
    y = jnp.concatenate(outs, axis=1) + residual
    return _ln(y, lnf_g, lnf_b)


def reference(enc_input, Wq, Wk, Wv, Wfc, ln_attn_g, ln_attn_b, Wg1, W1, b1, W2, b2,
              ln1_g, ln1_b, ln2_g, ln2_b, ln3_g, ln3_b, ln4_g, ln4_b, lnf_g, lnf_b):
    return _forward(enc_input, Wq, Wk, Wv, Wfc, ln_attn_g, ln_attn_b, Wg1, W1, b1, W2, b2,
                    ln1_g, ln1_b, ln2_g, ln2_b, ln3_g, ln3_b, ln4_g, ln4_b, lnf_g, lnf_b)

if __name__ == "__main__":
    import jax
    _d = setup_inputs()
    print(jax.jit(kernel)(*tuple(_d.values())))

</pallas_src>

<mosaic_0001>
#map = affine_map<(d0, d1) -> (0, 0)>
#map1 = affine_map<(d0, d1) -> (0)>
module attributes {stable_mosaic.version = 14 : i64} {
  func.func @k(%arg0: i32, %arg1: i32, %arg2: memref<2048x768xf32, #tpu.memory_space<hbm>>, %arg3: memref<4096xi32, #tpu.memory_space<hbm>>, %arg4: memref<4096xi32, #tpu.memory_space<hbm>>, %arg5: memref<7168x768xf32, #tpu.memory_space<hbm>>, %arg6: memref<64xi32, #tpu.memory_space<vmem>>, %arg7: memref<64xi32, #tpu.memory_space<vmem>>, %arg8: memref<64x768xf32, #tpu.memory_space<vmem>>, %arg9: memref<!tpu.dma_semaphore, #tpu.memory_space<semaphore_mem>>, %arg10: memref<!tpu.dma_semaphore, #tpu.memory_space<semaphore_mem>>) attributes {dimension_semantics = [#tpu.dimension_semantics<core_parallel>, #tpu.dimension_semantics<subcore_parallel>], iteration_bounds = array<i64: 2, 16>, scalar_prefetch = 0 : i64, scratch_operands = 5 : i64, tpu.core_type = #tpu.core_type<sc_vector_subcore>, window_params = [{transform_indices = #map}, {transform_indices = #map1}, {transform_indices = #map1}, {transform_indices = #map}]} {
    %mul3A = arith.constant 2 : i32
    %mul3A_0 = arith.muli %arg1, %mul3A : i32
    %add3A = arith.addi %mul3A_0, %arg0 : i32
    %mul3A_1 = arith.constant 128 : i32
    %mul3A_2 = arith.muli %add3A, %mul3A_1 : i32
    %add3A_3 = arith.constant 0 : i32
    %add3A_4 = arith.addi %mul3A_2, %add3A_3 : i32
    "tpu.region"() ({
      %run_scoped3A = tpu.sem_alloc : memref<!tpu.dma_semaphore, #tpu.memory_space<semaphore_mem>>
      %dma_start3A_29 = tpu.memref_slice %arg3[%add3A_4] : memref<4096xi32, #tpu.memory_space<hbm>> -> memref<64xi32, #tpu.memory_space<hbm>>
      %dma_start3A_30 = tpu.memref_slice %arg3[%add3A_4] : memref<4096xi32, #tpu.memory_space<hbm>> -> memref<64xi32, #tpu.memory_space<hbm>>
      tpu.enqueue_dma source(%dma_start3A_30 : memref<64xi32, #tpu.memory_space<hbm>>) target(%arg6 : memref<64xi32, #tpu.memory_space<vmem>>) target_semaphore(%run_scoped3A : memref<!tpu.dma_semaphore, #tpu.memory_space<semaphore_mem>>)
      %dma_wait3A_31 = tpu.memref_slice %arg3[%add3A_4] : memref<4096xi32, #tpu.memory_space<hbm>> -> memref<64xi32, #tpu.memory_space<hbm>>
      %dma_wait3A_32 = tpu.memref_slice %arg3[%add3A_4] : memref<4096xi32, #tpu.memory_space<hbm>> -> memref<64xi32, #tpu.memory_space<hbm>>
      tpu.wait_dma2 semaphore(%run_scoped3A : memref<!tpu.dma_semaphore, #tpu.memory_space<semaphore_mem>>) src(%dma_wait3A_32 : memref<64xi32, #tpu.memory_space<hbm>>) dst(%arg6 : memref<64xi32, #tpu.memory_space<vmem>>)
      tpu.yield
    }) : () -> ()
    "tpu.region"() ({
      %run_scoped3A = tpu.sem_alloc : memref<!tpu.dma_semaphore, #tpu.memory_space<semaphore_mem>>
      %dma_start3A_29 = tpu.memref_slice %arg4[%add3A_4] : memref<4096xi32, #tpu.memory_space<hbm>> -> memref<64xi32, #tpu.memory_space<hbm>>
      %dma_start3A_30 = tpu.memref_slice %arg4[%add3A_4] : memref<4096xi32, #tpu.memory_space<hbm>> -> memref<64xi32, #tpu.memory_space<hbm>>
      tpu.enqueue_dma source(%dma_start3A_30 : memref<64xi32, #tpu.memory_space<hbm>>) target(%arg7 : memref<64xi32, #tpu.memory_space<vmem>>) target_semaphore(%run_scoped3A : memref<!tpu.dma_semaphore, #tpu.memory_space<semaphore_mem>>)
      %dma_wait3A_31 = tpu.memref_slice %arg4[%add3A_4] : memref<4096xi32, #tpu.memory_space<hbm>> -> memref<64xi32, #tpu.memory_space<hbm>>
      %dma_wait3A_32 = tpu.memref_slice %arg4[%add3A_4] : memref<4096xi32, #tpu.memory_space<hbm>> -> memref<64xi32, #tpu.memory_space<hbm>>
      tpu.wait_dma2 semaphore(%run_scoped3A : memref<!tpu.dma_semaphore, #tpu.memory_space<semaphore_mem>>) src(%dma_wait3A_32 : memref<64xi32, #tpu.memory_space<hbm>>) dst(%arg7 : memref<64xi32, #tpu.memory_space<vmem>>)
      tpu.yield
    }) : () -> ()
    %dma_start3A = arith.constant 0 : i32
    %dma_start3A_5 = arith.constant 0 : i32
    %dma_start3A_6 = tpu.memref_slice %arg2[%dma_start3A, %dma_start3A_5] : memref<2048x768xf32, #tpu.memory_space<hbm>> -> memref<2048x768xf32, #tpu.memory_space<hbm>>
    tpu.enqueue_indirect_dma source(%dma_start3A_6 : memref<2048x768xf32, #tpu.memory_space<hbm>>) target(%arg8 : memref<64x768xf32, #tpu.memory_space<vmem>>) offsets(%arg6 : memref<64xi32, #tpu.memory_space<vmem>>) semaphore(%arg9 : memref<!tpu.dma_semaphore, #tpu.memory_space<semaphore_mem>>)
    %dma_wait3A = arith.constant 0 : i32
    %dma_wait3A_7 = arith.constant 0 : i32
    %dma_wait3A_8 = tpu.memref_slice %arg2[%dma_wait3A, %dma_wait3A_7] : memref<2048x768xf32, #tpu.memory_space<hbm>> -> memref<2048x768xf32, #tpu.memory_space<hbm>>
    tpu.wait_indirect_dma semaphore(%arg9 : memref<!tpu.dma_semaphore, #tpu.memory_space<semaphore_mem>>) src(%dma_wait3A_8 : memref<2048x768xf32, #tpu.memory_space<hbm>>) dst(%arg8 : memref<64x768xf32, #tpu.memory_space<vmem>>)
    %dma_start3A_9 = arith.constant 0 : i32
    %dma_start3A_10 = arith.constant 0 : i32
    %dma_start3A_11 = tpu.memref_slice %arg5[%dma_start3A_9, %dma_start3A_10] : memref<7168x768xf32, #tpu.memory_space<hbm>> -> memref<7168x768xf32, #tpu.memory_space<hbm>>
    tpu.enqueue_indirect_dma source(%arg8 : memref<64x768xf32, #tpu.memory_space<vmem>>) target(%dma_start3A_11 : memref<7168x768xf32, #tpu.memory_space<hbm>>) offsets(%arg7 : memref<64xi32, #tpu.memory_space<vmem>>) semaphore(%arg10 : memref<!tpu.dma_semaphore, #tpu.memory_space<semaphore_mem>>)
    %dma_wait3A_12 = arith.constant 0 : i32
    %dma_wait3A_13 = arith.constant 0 : i32
    %dma_wait3A_14 = tpu.memref_slice %arg5[%dma_wait3A_12, %dma_wait3A_13] : memref<7168x768xf32, #tpu.memory_space<hbm>> -> memref<7168x768xf32, #tpu.memory_space<hbm>>
    tpu.wait_indirect_dma semaphore(%arg10 : memref<!tpu.dma_semaphore, #tpu.memory_space<semaphore_mem>>) src(%arg8 : memref<64x768xf32, #tpu.memory_space<vmem>>) dst(%dma_wait3A_14 : memref<7168x768xf32, #tpu.memory_space<hbm>>)
    %add3A_15 = arith.constant 64 : i32
    %add3A_16 = arith.addi %mul3A_2, %add3A_15 : i32
    "tpu.region"() ({
      %run_scoped3A = tpu.sem_alloc : memref<!tpu.dma_semaphore, #tpu.memory_space<semaphore_mem>>
      %dma_start3A_29 = tpu.memref_slice %arg3[%add3A_16] : memref<4096xi32, #tpu.memory_space<hbm>> -> memref<64xi32, #tpu.memory_space<hbm>>
      %dma_start3A_30 = tpu.memref_slice %arg3[%add3A_16] : memref<4096xi32, #tpu.memory_space<hbm>> -> memref<64xi32, #tpu.memory_space<hbm>>
      tpu.enqueue_dma source(%dma_start3A_30 : memref<64xi32, #tpu.memory_space<hbm>>) target(%arg6 : memref<64xi32, #tpu.memory_space<vmem>>) target_semaphore(%run_scoped3A : memref<!tpu.dma_semaphore, #tpu.memory_space<semaphore_mem>>)
      %dma_wait3A_31 = tpu.memref_slice %arg3[%add3A_16] : memref<4096xi32, #tpu.memory_space<hbm>> -> memref<64xi32, #tpu.memory_space<hbm>>
      %dma_wait3A_32 = tpu.memref_slice %arg3[%add3A_16] : memref<4096xi32, #tpu.memory_space<hbm>> -> memref<64xi32, #tpu.memory_space<hbm>>
      tpu.wait_dma2 semaphore(%run_scoped3A : memref<!tpu.dma_semaphore, #tpu.memory_space<semaphore_mem>>) src(%dma_wait3A_32 : memref<64xi32, #tpu.memory_space<hbm>>) dst(%arg6 : memref<64xi32, #tpu.memory_space<vmem>>)
      tpu.yield
    }) : () -> ()
    "tpu.region"() ({
      %run_scoped3A = tpu.sem_alloc : memref<!tpu.dma_semaphore, #tpu.memory_space<semaphore_mem>>
      %dma_start3A_29 = tpu.memref_slice %arg4[%add3A_16] : memref<4096xi32, #tpu.memory_space<hbm>> -> memref<64xi32, #tpu.memory_space<hbm>>
      %dma_start3A_30 = tpu.memref_slice %arg4[%add3A_16] : memref<4096xi32, #tpu.memory_space<hbm>> -> memref<64xi32, #tpu.memory_space<hbm>>
      tpu.enqueue_dma source(%dma_start3A_30 : memref<64xi32, #tpu.memory_space<hbm>>) target(%arg7 : memref<64xi32, #tpu.memory_space<vmem>>) target_semaphore(%run_scoped3A : memref<!tpu.dma_semaphore, #tpu.memory_space<semaphore_mem>>)
      %dma_wait3A_31 = tpu.memref_slice %arg4[%add3A_16] : memref<4096xi32, #tpu.memory_space<hbm>> -> memref<64xi32, #tpu.memory_space<hbm>>
      %dma_wait3A_32 = tpu.memref_slice %arg4[%add3A_16] : memref<4096xi32, #tpu.memory_space<hbm>> -> memref<64xi32, #tpu.memory_space<hbm>>
      tpu.wait_dma2 semaphore(%run_scoped3A : memref<!tpu.dma_semaphore, #tpu.memory_space<semaphore_mem>>) src(%dma_wait3A_32 : memref<64xi32, #tpu.memory_space<hbm>>) dst(%arg7 : memref<64xi32, #tpu.memory_space<vmem>>)
      tpu.yield
    }) : () -> ()
    %dma_start3A_17 = arith.constant 0 : i32
    %dma_start3A_18 = arith.constant 0 : i32
    %dma_start3A_19 = tpu.memref_slice %arg2[%dma_start3A_17, %dma_start3A_18] : memref<2048x768xf32, #tpu.memory_space<hbm>> -> memref<2048x768xf32, #tpu.memory_space<hbm>>
    tpu.enqueue_indirect_dma source(%dma_start3A_19 : memref<2048x768xf32, #tpu.memory_space<hbm>>) target(%arg8 : memref<64x768xf32, #tpu.memory_space<vmem>>) offsets(%arg6 : memref<64xi32, #tpu.memory_space<vmem>>) semaphore(%arg9 : memref<!tpu.dma_semaphore, #tpu.memory_space<semaphore_mem>>)
    %dma_wait3A_20 = arith.constant 0 : i32
    %dma_wait3A_21 = arith.constant 0 : i32
    %dma_wait3A_22 = tpu.memref_slice %arg2[%dma_wait3A_20, %dma_wait3A_21] : memref<2048x768xf32, #tpu.memory_space<hbm>> -> memref<2048x768xf32, #tpu.memory_space<hbm>>
    tpu.wait_indirect_dma semaphore(%arg9 : memref<!tpu.dma_semaphore, #tpu.memory_space<semaphore_mem>>) src(%dma_wait3A_22 : memref<2048x768xf32, #tpu.memory_space<hbm>>) dst(%arg8 : memref<64x768xf32, #tpu.memory_space<vmem>>)
    %dma_start3A_23 = arith.constant 0 : i32
    %dma_start3A_24 = arith.constant 0 : i32
    %dma_start3A_25 = tpu.memref_slice %arg5[%dma_start3A_23, %dma_start3A_24] : memref<7168x768xf32, #tpu.memory_space<hbm>> -> memref<7168x768xf32, #tpu.memory_space<hbm>>
    tpu.enqueue_indirect_dma source(%arg8 : memref<64x768xf32, #tpu.memory_space<vmem>>) target(%dma_start3A_25 : memref<7168x768xf32, #tpu.memory_space<hbm>>) offsets(%arg7 : memref<64xi32, #tpu.memory_space<vmem>>) semaphore(%arg10 : memref<!tpu.dma_semaphore, #tpu.memory_space<semaphore_mem>>)
    %dma_wait3A_26 = arith.constant 0 : i32
    %dma_wait3A_27 = arith.constant 0 : i32
    %dma_wait3A_28 = tpu.memref_slice %arg5[%dma_wait3A_26, %dma_wait3A_27] : memref<7168x768xf32, #tpu.memory_space<hbm>> -> memref<7168x768xf32, #tpu.memory_space<hbm>>
    tpu.wait_indirect_dma semaphore(%arg10 : memref<!tpu.dma_semaphore, #tpu.memory_space<semaphore_mem>>) src(%arg8 : memref<64x768xf32, #tpu.memory_space<vmem>>) dst(%dma_wait3A_28 : memref<7168x768xf32, #tpu.memory_space<hbm>>)
    return
  }
}

#map = affine_map<(d0, d1) -> (0, 0)>
#map1 = affine_map<(d0, d1) -> (0)>
module attributes {stable_mosaic.version = 14 : i64} {
  func.func @k(%arg0: i32, %arg1: i32, %arg2: memref<7168x1536xf32, #tpu.memory_space<hbm>>, %arg3: memref<2048xi32, #tpu.memory_space<hbm>>, %arg4: memref<2048x1536xf32, #tpu.memory_space<hbm>>, %arg5: memref<32xi32, #tpu.memory_space<vmem>>, %arg6: memref<32x1536xf32, #tpu.memory_space<vmem>>, %arg7: memref<!tpu.dma_semaphore, #tpu.memory_space<semaphore_mem>>) attributes {dimension_semantics = [#tpu.dimension_semantics<core_parallel>, #tpu.dimension_semantics<subcore_parallel>], iteration_bounds = array<i64: 2, 16>, scalar_prefetch = 0 : i64, scratch_operands = 3 : i64, tpu.core_type = #tpu.core_type<sc_vector_subcore>, window_params = [{transform_indices = #map}, {transform_indices = #map1}, {transform_indices = #map}]} {
    %mul3A = arith.constant 2 : i32
    %mul3A_0 = arith.muli %arg1, %mul3A : i32
    %add3A = arith.addi %mul3A_0, %arg0 : i32
    %mul3A_1 = arith.constant 64 : i32
    %mul3A_2 = arith.muli %add3A, %mul3A_1 : i32
    %add3A_3 = arith.constant 0 : i32
    %add3A_4 = arith.addi %mul3A_2, %add3A_3 : i32
    "tpu.region"() ({
      %run_scoped3A = tpu.sem_alloc : memref<!tpu.dma_semaphore, #tpu.memory_space<semaphore_mem>>
      %dma_start3A_17 = tpu.memref_slice %arg3[%add3A_4] : memref<2048xi32, #tpu.memory_space<hbm>> -> memref<32xi32, #tpu.memory_space<hbm>>
      %dma_start3A_18 = tpu.memref_slice %arg3[%add3A_4] : memref<2048xi32, #tpu.memory_space<hbm>> -> memref<32xi32, #tpu.memory_space<hbm>>
      tpu.enqueue_dma source(%dma_start3A_18 : memref<32xi32, #tpu.memory_space<hbm>>) target(%arg5 : memref<32xi32, #tpu.memory_space<vmem>>) target_semaphore(%run_scoped3A : memref<!tpu.dma_semaphore, #tpu.memory_space<semaphore_mem>>)
      %dma_wait3A_19 = tpu.memref_slice %arg3[%add3A_4] : memref<2048xi32, #tpu.memory_space<hbm>> -> memref<32xi32, #tpu.memory_space<hbm>>
      %dma_wait3A_20 = tpu.memref_slice %arg3[%add3A_4] : memref<2048xi32, #tpu.memory_space<hbm>> -> memref<32xi32, #tpu.memory_space<hbm>>
      tpu.wait_dma2 semaphore(%run_scoped3A : memref<!tpu.dma_semaphore, #tpu.memory_space<semaphore_mem>>) src(%dma_wait3A_20 : memref<32xi32, #tpu.memory_space<hbm>>) dst(%arg5 : memref<32xi32, #tpu.memory_space<vmem>>)
      tpu.yield
    }) : () -> ()
    %dma_start3A = arith.constant 0 : i32
    %dma_start3A_5 = arith.constant 0 : i32
    %dma_start3A_6 = tpu.memref_slice %arg2[%dma_start3A, %dma_start3A_5] : memref<7168x1536xf32, #tpu.memory_space<hbm>> -> memref<7168x1536xf32, #tpu.memory_space<hbm>>
    tpu.enqueue_indirect_dma source(%dma_start3A_6 : memref<7168x1536xf32, #tpu.memory_space<hbm>>) target(%arg6 : memref<32x1536xf32, #tpu.memory_space<vmem>>) offsets(%arg5 : memref<32xi32, #tpu.memory_space<vmem>>) semaphore(%arg7 : memref<!tpu.dma_semaphore, #tpu.memory_space<semaphore_mem>>)
    %dma_wait3A = arith.constant 0 : i32
    %dma_wait3A_7 = arith.constant 0 : i32
    %dma_wait3A_8 = tpu.memref_slice %arg2[%dma_wait3A, %dma_wait3A_7] : memref<7168x1536xf32, #tpu.memory_space<hbm>> -> memref<7168x1536xf32, #tpu.memory_space<hbm>>
    tpu.wait_indirect_dma semaphore(%arg7 : memref<!tpu.dma_semaphore, #tpu.memory_space<semaphore_mem>>) src(%dma_wait3A_8 : memref<7168x1536xf32, #tpu.memory_space<hbm>>) dst(%arg6 : memref<32x1536xf32, #tpu.memory_space<vmem>>)
    "tpu.region"() ({
      %run_scoped3A = tpu.sem_alloc : memref<!tpu.dma_semaphore, #tpu.memory_space<semaphore_mem>>
      %dma_start3A_17 = arith.constant 0 : i32
      %dma_start3A_18 = tpu.memref_slice %arg4[%add3A_4, %dma_start3A_17] : memref<2048x1536xf32, #tpu.memory_space<hbm>> -> memref<32x1536xf32, #tpu.memory_space<hbm>>
      %dma_start3A_19 = arith.constant 0 : i32
      %dma_start3A_20 = tpu.memref_slice %arg4[%add3A_4, %dma_start3A_19] : memref<2048x1536xf32, #tpu.memory_space<hbm>> -> memref<32x1536xf32, #tpu.memory_space<hbm>>
      tpu.enqueue_dma source(%arg6 : memref<32x1536xf32, #tpu.memory_space<vmem>>) target(%dma_start3A_20 : memref<32x1536xf32, #tpu.memory_space<hbm>>) target_semaphore(%run_scoped3A : memref<!tpu.dma_semaphore, #tpu.memory_space<semaphore_mem>>)
      %dma_wait3A_21 = arith.constant 0 : i32
      %dma_wait3A_22 = tpu.memref_slice %arg4[%add3A_4, %dma_wait3A_21] : memref<2048x1536xf32, #tpu.memory_space<hbm>> -> memref<32x1536xf32, #tpu.memory_space<hbm>>
      %dma_wait3A_23 = arith.constant 0 : i32
      %dma_wait3A_24 = tpu.memref_slice %arg4[%add3A_4, %dma_wait3A_23] : memref<2048x1536xf32, #tpu.memory_space<hbm>> -> memref<32x1536xf32, #tpu.memory_space<hbm>>
      tpu.wait_dma2 semaphore(%run_scoped3A : memref<!tpu.dma_semaphore, #tpu.memory_space<semaphore_mem>>) src(%arg6 : memref<32x1536xf32, #tpu.memory_space<vmem>>) dst(%dma_wait3A_24 : memref<32x1536xf32, #tpu.memory_space<hbm>>)
      tpu.yield
    }) : () -> ()
    %add3A_9 = arith.constant 32 : i32
    %add3A_10 = arith.addi %mul3A_2, %add3A_9 : i32
    "tpu.region"() ({
      %run_scoped3A = tpu.sem_alloc : memref<!tpu.dma_semaphore, #tpu.memory_space<semaphore_mem>>
      %dma_start3A_17 = tpu.memref_slice %arg3[%add3A_10] : memref<2048xi32, #tpu.memory_space<hbm>> -> memref<32xi32, #tpu.memory_space<hbm>>
      %dma_start3A_18 = tpu.memref_slice %arg3[%add3A_10] : memref<2048xi32, #tpu.memory_space<hbm>> -> memref<32xi32, #tpu.memory_space<hbm>>
      tpu.enqueue_dma source(%dma_start3A_18 : memref<32xi32, #tpu.memory_space<hbm>>) target(%arg5 : memref<32xi32, #tpu.memory_space<vmem>>) target_semaphore(%run_scoped3A : memref<!tpu.dma_semaphore, #tpu.memory_space<semaphore_mem>>)
      %dma_wait3A_19 = tpu.memref_slice %arg3[%add3A_10] : memref<2048xi32, #tpu.memory_space<hbm>> -> memref<32xi32, #tpu.memory_space<hbm>>
      %dma_wait3A_20 = tpu.memref_slice %arg3[%add3A_10] : memref<2048xi32, #tpu.memory_space<hbm>> -> memref<32xi32, #tpu.memory_space<hbm>>
      tpu.wait_dma2 semaphore(%run_scoped3A : memref<!tpu.dma_semaphore, #tpu.memory_space<semaphore_mem>>) src(%dma_wait3A_20 : memref<32xi32, #tpu.memory_space<hbm>>) dst(%arg5 : memref<32xi32, #tpu.memory_space<vmem>>)
      tpu.yield
    }) : () -> ()
    %dma_start3A_11 = arith.constant 0 : i32
    %dma_start3A_12 = arith.constant 0 : i32
    %dma_start3A_13 = tpu.memref_slice %arg2[%dma_start3A_11, %dma_start3A_12] : memref<7168x1536xf32, #tpu.memory_space<hbm>> -> memref<7168x1536xf32, #tpu.memory_space<hbm>>
    tpu.enqueue_indirect_dma source(%dma_start3A_13 : memref<7168x1536xf32, #tpu.memory_space<hbm>>) target(%arg6 : memref<32x1536xf32, #tpu.memory_space<vmem>>) offsets(%arg5 : memref<32xi32, #tpu.memory_space<vmem>>) semaphore(%arg7 : memref<!tpu.dma_semaphore, #tpu.memory_space<semaphore_mem>>)
    %dma_wait3A_14 = arith.constant 0 : i32
    %dma_wait3A_15 = arith.constant 0 : i32
    %dma_wait3A_16 = tpu.memref_slice %arg2[%dma_wait3A_14, %dma_wait3A_15] : memref<7168x1536xf32, #tpu.memory_space<hbm>> -> memref<7168x1536xf32, #tpu.memory_space<hbm>>
    tpu.wait_indirect_dma semaphore(%arg7 : memref<!tpu.dma_semaphore, #tpu.memory_space<semaphore_mem>>) src(%dma_wait3A_16 : memref<7168x1536xf32, #tpu.memory_space<hbm>>) dst(%arg6 : memref<32x1536xf32, #tpu.memory_space<vmem>>)
    "tpu.region"() ({
      %run_scoped3A = tpu.sem_alloc : memref<!tpu.dma_semaphore, #tpu.memory_space<semaphore_mem>>
      %dma_start3A_17 = arith.constant 0 : i32
      %dma_start3A_18 = tpu.memref_slice %arg4[%add3A_10, %dma_start3A_17] : memref<2048x1536xf32, #tpu.memory_space<hbm>> -> memref<32x1536xf32, #tpu.memory_space<hbm>>
      %dma_start3A_19 = arith.constant 0 : i32
      %dma_start3A_20 = tpu.memref_slice %arg4[%add3A_10, %dma_start3A_19] : memref<2048x1536xf32, #tpu.memory_space<hbm>> -> memref<32x1536xf32, #tpu.memory_space<hbm>>
      tpu.enqueue_dma source(%arg6 : memref<32x1536xf32, #tpu.memory_space<vmem>>) target(%dma_start3A_20 : memref<32x1536xf32, #tpu.memory_space<hbm>>) target_semaphore(%run_scoped3A : memref<!tpu.dma_semaphore, #tpu.memory_space<semaphore_mem>>)
      %dma_wait3A_21 = arith.constant 0 : i32
      %dma_wait3A_22 = tpu.memref_slice %arg4[%add3A_10, %dma_wait3A_21] : memref<2048x1536xf32, #tpu.memory_space<hbm>> -> memref<32x1536xf32, #tpu.memory_space<hbm>>
      %dma_wait3A_23 = arith.constant 0 : i32
      %dma_wait3A_24 = tpu.memref_slice %arg4[%add3A_10, %dma_wait3A_23] : memref<2048x1536xf32, #tpu.memory_space<hbm>> -> memref<32x1536xf32, #tpu.memory_space<hbm>>
      tpu.wait_dma2 semaphore(%run_scoped3A : memref<!tpu.dma_semaphore, #tpu.memory_space<semaphore_mem>>) src(%arg6 : memref<32x1536xf32, #tpu.memory_space<vmem>>) dst(%dma_wait3A_24 : memref<32x1536xf32, #tpu.memory_space<hbm>>)
      tpu.yield
    }) : () -> ()
    return
  }
}

#map = affine_map<(d0, d1) -> (0, 0)>
#map1 = affine_map<(d0, d1) -> (0)>
module attributes {stable_mosaic.version = 14 : i64} {
  func.func @k(%arg0: i32, %arg1: i32, %arg2: memref<7168x1536xf32, #tpu.memory_space<hbm>>, %arg3: memref<2048xi32, #tpu.memory_space<hbm>>, %arg4: memref<2048x1536xf32, #tpu.memory_space<hbm>>, %arg5: memref<32xi32, #tpu.memory_space<vmem>>, %arg6: memref<32x1536xf32, #tpu.memory_space<vmem>>, %arg7: memref<!tpu.dma_semaphore, #tpu.memory_space<semaphore_mem>>) attributes {dimension_semantics = [#tpu.dimension_semantics<core_parallel>, #tpu.dimension_semantics<subcore_parallel>], iteration_bounds = array<i64: 2, 16>, scalar_prefetch = 0 : i64, scratch_operands = 3 : i64, tpu.core_type = #tpu.core_type<sc_vector_subcore>, window_params = [{transform_indices = #map}, {transform_indices = #map1}, {transform_indices = #map}]} {
    %mul3A = arith.constant 2 : i32
    %mul3A_0 = arith.muli %arg1, %mul3A : i32
    %add3A = arith.addi %mul3A_0, %arg0 : i32
    %mul3A_1 = arith.constant 64 : i32
    %mul3A_2 = arith.muli %add3A, %mul3A_1 : i32
    %add3A_3 = arith.constant 0 : i32
    %add3A_4 = arith.addi %mul3A_2, %add3A_3 : i32
    "tpu.region"() ({
      %run_scoped3A = tpu.sem_alloc : memref<!tpu.dma_semaphore, #tpu.memory_space<semaphore_mem>>
      %dma_start3A_17 = tpu.memref_slice %arg3[%add3A_4] : memref<2048xi32, #tpu.memory_space<hbm>> -> memref<32xi32, #tpu.memory_space<hbm>>
      %dma_start3A_18 = tpu.memref_slice %arg3[%add3A_4] : memref<2048xi32, #tpu.memory_space<hbm>> -> memref<32xi32, #tpu.memory_space<hbm>>
      tpu.enqueue_dma source(%dma_start3A_18 : memref<32xi32, #tpu.memory_space<hbm>>) target(%arg5 : memref<32xi32, #tpu.memory_space<vmem>>) target_semaphore(%run_scoped3A : memref<!tpu.dma_semaphore, #tpu.memory_space<semaphore_mem>>)
      %dma_wait3A_19 = tpu.memref_slice %arg3[%add3A_4] : memref<2048xi32, #tpu.memory_space<hbm>> -> memref<32xi32, #tpu.memory_space<hbm>>
      %dma_wait3A_20 = tpu.memref_slice %arg3[%add3A_4] : memref<2048xi32, #tpu.memory_space<hbm>> -> memref<32xi32, #tpu.memory_space<hbm>>
      tpu.wait_dma2 semaphore(%run_scoped3A : memref<!tpu.dma_semaphore, #tpu.memory_space<semaphore_mem>>) src(%dma_wait3A_20 : memref<32xi32, #tpu.memory_space<hbm>>) dst(%arg5 : memref<32xi32, #tpu.memory_space<vmem>>)
      tpu.yield
    }) : () -> ()
    %dma_start3A = arith.constant 0 : i32
    %dma_start3A_5 = arith.constant 0 : i32
    %dma_start3A_6 = tpu.memref_slice %arg2[%dma_start3A, %dma_start3A_5] : memref<7168x1536xf32, #tpu.memory_space<hbm>> -> memref<7168x1536xf32, #tpu.memory_space<hbm>>
    tpu.enqueue_indirect_dma source(%dma_start3A_6 : memref<7168x1536xf32, #tpu.memory_space<hbm>>) target(%arg6 : memref<32x1536xf32, #tpu.memory_space<vmem>>) offsets(%arg5 : memref<32xi32, #tpu.memory_space<vmem>>) semaphore(%arg7 : memref<!tpu.dma_semaphore, #tpu.memory_space<semaphore_mem>>)
    %dma_wait3A = arith.constant 0 : i32
    %dma_wait3A_7 = arith.constant 0 : i32
    %dma_wait3A_8 = tpu.memref_slice %arg2[%dma_wait3A, %dma_wait3A_7] : memref<7168x1536xf32, #tpu.memory_space<hbm>> -> memref<7168x1536xf32, #tpu.memory_space<hbm>>
    tpu.wait_indirect_dma semaphore(%arg7 : memref<!tpu.dma_semaphore, #tpu.memory_space<semaphore_mem>>) src(%dma_wait3A_8 : memref<7168x1536xf32, #tpu.memory_space<hbm>>) dst(%arg6 : memref<32x1536xf32, #tpu.memory_space<vmem>>)
    "tpu.region"() ({
      %run_scoped3A = tpu.sem_alloc : memref<!tpu.dma_semaphore, #tpu.memory_space<semaphore_mem>>
      %dma_start3A_17 = arith.constant 0 : i32
      %dma_start3A_18 = tpu.memref_slice %arg4[%add3A_4, %dma_start3A_17] : memref<2048x1536xf32, #tpu.memory_space<hbm>> -> memref<32x1536xf32, #tpu.memory_space<hbm>>
      %dma_start3A_19 = arith.constant 0 : i32
      %dma_start3A_20 = tpu.memref_slice %arg4[%add3A_4, %dma_start3A_19] : memref<2048x1536xf32, #tpu.memory_space<hbm>> -> memref<32x1536xf32, #tpu.memory_space<hbm>>
      tpu.enqueue_dma source(%arg6 : memref<32x1536xf32, #tpu.memory_space<vmem>>) target(%dma_start3A_20 : memref<32x1536xf32, #tpu.memory_space<hbm>>) target_semaphore(%run_scoped3A : memref<!tpu.dma_semaphore, #tpu.memory_space<semaphore_mem>>)
      %dma_wait3A_21 = arith.constant 0 : i32
      %dma_wait3A_22 = tpu.memref_slice %arg4[%add3A_4, %dma_wait3A_21] : memref<2048x1536xf32, #tpu.memory_space<hbm>> -> memref<32x1536xf32, #tpu.memory_space<hbm>>
      %dma_wait3A_23 = arith.constant 0 : i32
      %dma_wait3A_24 = tpu.memref_slice %arg4[%add3A_4, %dma_wait3A_23] : memref<2048x1536xf32, #tpu.memory_space<hbm>> -> memref<32x1536xf32, #tpu.memory_space<hbm>>
      tpu.wait_dma2 semaphore(%run_scoped3A : memref<!tpu.dma_semaphore, #tpu.memory_space<semaphore_mem>>) src(%arg6 : memref<32x1536xf32, #tpu.memory_space<vmem>>) dst(%dma_wait3A_24 : memref<32x1536xf32, #tpu.memory_space<hbm>>)
      tpu.yield
    }) : () -> ()
    %add3A_9 = arith.constant 32 : i32
    %add3A_10 = arith.addi %mul3A_2, %add3A_9 : i32
    "tpu.region"() ({
      %run_scoped3A = tpu.sem_alloc : memref<!tpu.dma_semaphore, #tpu.memory_space<semaphore_mem>>
      %dma_start3A_17 = tpu.memref_slice %arg3[%add3A_10] : memref<2048xi32, #tpu.memory_space<hbm>> -> memref<32xi32, #tpu.memory_space<hbm>>
      %dma_start3A_18 = tpu.memref_slice %arg3[%add3A_10] : memref<2048xi32, #tpu.memory_space<hbm>> -> memref<32xi32, #tpu.memory_space<hbm>>
      tpu.enqueue_dma source(%dma_start3A_18 : memref<32xi32, #tpu.memory_space<hbm>>) target(%arg5 : memref<32xi32, #tpu.memory_space<vmem>>) target_semaphore(%run_scoped3A : memref<!tpu.dma_semaphore, #tpu.memory_space<semaphore_mem>>)
      %dma_wait3A_19 = tpu.memref_slice %arg3[%add3A_10] : memref<2048xi32, #tpu.memory_space<hbm>> -> memref<32xi32, #tpu.memory_space<hbm>>
      %dma_wait3A_20 = tpu.memref_slice %arg3[%add3A_10] : memref<2048xi32, #tpu.memory_space<hbm>> -> memref<32xi32, #tpu.memory_space<hbm>>
      tpu.wait_dma2 semaphore(%run_scoped3A : memref<!tpu.dma_semaphore, #tpu.memory_space<semaphore_mem>>) src(%dma_wait3A_20 : memref<32xi32, #tpu.memory_space<hbm>>) dst(%arg5 : memref<32xi32, #tpu.memory_space<vmem>>)
      tpu.yield
    }) : () -> ()
    %dma_start3A_11 = arith.constant 0 : i32
    %dma_start3A_12 = arith.constant 0 : i32
    %dma_start3A_13 = tpu.memref_slice %arg2[%dma_start3A_11, %dma_start3A_12] : memref<7168x1536xf32, #tpu.memory_space<hbm>> -> memref<7168x1536xf32, #tpu.memory_space<hbm>>
    tpu.enqueue_indirect_dma source(%dma_start3A_13 : memref<7168x1536xf32, #tpu.memory_space<hbm>>) target(%arg6 : memref<32x1536xf32, #tpu.memory_space<vmem>>) offsets(%arg5 : memref<32xi32, #tpu.memory_space<vmem>>) semaphore(%arg7 : memref<!tpu.dma_semaphore, #tpu.memory_space<semaphore_mem>>)
    %dma_wait3A_14 = arith.constant 0 : i32
    %dma_wait3A_15 = arith.constant 0 : i32
    %dma_wait3A_16 = tpu.memref_slice %arg2[%dma_wait3A_14, %dma_wait3A_15] : memref<7168x1536xf32, #tpu.memory_space<hbm>> -> memref<7168x1536xf32, #tpu.memory_space<hbm>>
    tpu.wait_indirect_dma semaphore(%arg7 : memref<!tpu.dma_semaphore, #tpu.memory_space<semaphore_mem>>) src(%dma_wait3A_16 : memref<7168x1536xf32, #tpu.memory_space<hbm>>) dst(%arg6 : memref<32x1536xf32, #tpu.memory_space<vmem>>)
    "tpu.region"() ({
      %run_scoped3A = tpu.sem_alloc : memref<!tpu.dma_semaphore, #tpu.memory_space<semaphore_mem>>
      %dma_start3A_17 = arith.constant 0 : i32
      %dma_start3A_18 = tpu.memref_slice %arg4[%add3A_10, %dma_start3A_17] : memref<2048x1536xf32, #tpu.memory_space<hbm>> -> memref<32x1536xf32, #tpu.memory_space<hbm>>
      %dma_start3A_19 = arith.constant 0 : i32
      %dma_start3A_20 = tpu.memref_slice %arg4[%add3A_10, %dma_start3A_19] : memref<2048x1536xf32, #tpu.memory_space<hbm>> -> memref<32x1536xf32, #tpu.memory_space<hbm>>
      tpu.enqueue_dma source(%arg6 : memref<32x1536xf32, #tpu.memory_space<vmem>>) target(%dma_start3A_20 : memref<32x1536xf32, #tpu.memory_space<hbm>>) target_semaphore(%run_scoped3A : memref<!tpu.dma_semaphore, #tpu.memory_space<semaphore_mem>>)
      %dma_wait3A_21 = arith.constant 0 : i32
      %dma_wait3A_22 = tpu.memref_slice %arg4[%add3A_10, %dma_wait3A_21] : memref<2048x1536xf32, #tpu.memory_space<hbm>> -> memref<32x1536xf32, #tpu.memory_space<hbm>>
      %dma_wait3A_23 = arith.constant 0 : i32
      %dma_wait3A_24 = tpu.memref_slice %arg4[%add3A_10, %dma_wait3A_23] : memref<2048x1536xf32, #tpu.memory_space<hbm>> -> memref<32x1536xf32, #tpu.memory_space<hbm>>
      tpu.wait_dma2 semaphore(%run_scoped3A : memref<!tpu.dma_semaphore, #tpu.memory_space<semaphore_mem>>) src(%arg6 : memref<32x1536xf32, #tpu.memory_space<vmem>>) dst(%dma_wait3A_24 : memref<32x1536xf32, #tpu.memory_space<hbm>>)
      tpu.yield
    }) : () -> ()
    return
  }
}

#map = affine_map<(d0, d1) -> (0, 0)>
#map1 = affine_map<(d0, d1) -> (0)>
module attributes {stable_mosaic.version = 14 : i64} {
  func.func @k(%arg0: i32, %arg1: i32, %arg2: memref<2048x1536xf32, #tpu.memory_space<hbm>>, %arg3: memref<4096xi32, #tpu.memory_space<hbm>>, %arg4: memref<4096xi32, #tpu.memory_space<hbm>>, %arg5: memref<7168x1536xf32, #tpu.memory_space<hbm>>, %arg6: memref<32xi32, #tpu.memory_space<vmem>>, %arg7: memref<32xi32, #tpu.memory_space<vmem>>, %arg8: memref<32x1536xf32, #tpu.memory_space<vmem>>, %arg9: memref<!tpu.dma_semaphore, #tpu.memory_space<semaphore_mem>>, %arg10: memref<!tpu.dma_semaphore, #tpu.memory_space<semaphore_mem>>) attributes {dimension_semantics = [#tpu.dimension_semantics<core_parallel>, #tpu.dimension_semantics<subcore_parallel>], iteration_bounds = array<i64: 2, 16>, scalar_prefetch = 0 : i64, scratch_operands = 5 : i64, tpu.core_type = #tpu.core_type<sc_vector_subcore>, window_params = [{transform_indices = #map}, {transform_indices = #map1}, {transform_indices = #map1}, {transform_indices = #map}]} {
    %mul3A = arith.constant 2 : i32
    %mul3A_0 = arith.muli %arg1, %mul3A : i32
    %add3A = arith.addi %mul3A_0, %arg0 : i32
    %mul3A_1 = arith.constant 128 : i32
    %mul3A_2 = arith.muli %add3A, %mul3A_1 : i32
    %add3A_3 = arith.constant 0 : i32
    %add3A_4 = arith.addi %mul3A_2, %add3A_3 : i32
    "tpu.region"() ({
      %run_scoped3A = tpu.sem_alloc : memref<!tpu.dma_semaphore, #tpu.memory_space<semaphore_mem>>
      %dma_start3A_57 = tpu.memref_slice %arg3[%add3A_4] : memref<4096xi32, #tpu.memory_space<hbm>> -> memref<32xi32, #tpu.memory_space<hbm>>
      %dma_start3A_58 = tpu.memref_slice %arg3[%add3A_4] : memref<4096xi32, #tpu.memory_space<hbm>> -> memref<32xi32, #tpu.memory_space<hbm>>
      tpu.enqueue_dma source(%dma_start3A_58 : memref<32xi32, #tpu.memory_space<hbm>>) target(%arg6 : memref<32xi32, #tpu.memory_space<vmem>>) target_semaphore(%run_scoped3A : memref<!tpu.dma_semaphore, #tpu.memory_space<semaphore_mem>>)
      %dma_wait3A_59 = tpu.memref_slice %arg3[%add3A_4] : memref<4096xi32, #tpu.memory_space<hbm>> -> memref<32xi32, #tpu.memory_space<hbm>>
      %dma_wait3A_60 = tpu.memref_slice %arg3[%add3A_4] : memref<4096xi32, #tpu.memory_space<hbm>> -> memref<32xi32, #tpu.memory_space<hbm>>
      tpu.wait_dma2 semaphore(%run_scoped3A : memref<!tpu.dma_semaphore, #tpu.memory_space<semaphore_mem>>) src(%dma_wait3A_60 : memref<32xi32, #tpu.memory_space<hbm>>) dst(%arg6 : memref<32xi32, #tpu.memory_space<vmem>>)
      tpu.yield
    }) : () -> ()
    "tpu.region"() ({
      %run_scoped3A = tpu.sem_alloc : memref<!tpu.dma_semaphore, #tpu.memory_space<semaphore_mem>>
      %dma_start3A_57 = tpu.memref_slice %arg4[%add3A_4] : memref<4096xi32, #tpu.memory_space<hbm>> -> memref<32xi32, #tpu.memory_space<hbm>>
      %dma_start3A_58 = tpu.memref_slice %arg4[%add3A_4] : memref<4096xi32, #tpu.memory_space<hbm>> -> memref<32xi32, #tpu.memory_space<hbm>>
      tpu.enqueue_dma source(%dma_start3A_58 : memref<32xi32, #tpu.memory_space<hbm>>) target(%arg7 : memref<32xi32, #tpu.memory_space<vmem>>) target_semaphore(%run_scoped3A : memref<!tpu.dma_semaphore, #tpu.memory_space<semaphore_mem>>)
      %dma_wait3A_59 = tpu.memref_slice %arg4[%add3A_4] : memref<4096xi32, #tpu.memory_space<hbm>> -> memref<32xi32, #tpu.memory_space<hbm>>
      %dma_wait3A_60 = tpu.memref_slice %arg4[%add3A_4] : memref<4096xi32, #tpu.memory_space<hbm>> -> memref<32xi32, #tpu.memory_space<hbm>>
      tpu.wait_dma2 semaphore(%run_scoped3A : memref<!tpu.dma_semaphore, #tpu.memory_space<semaphore_mem>>) src(%dma_wait3A_60 : memref<32xi32, #tpu.memory_space<hbm>>) dst(%arg7 : memref<32xi32, #tpu.memory_space<vmem>>)
      tpu.yield
    }) : () -> ()
    %dma_start3A = arith.constant 0 : i32
    %dma_start3A_5 = arith.constant 0 : i32
    %dma_start3A_6 = tpu.memref_slice %arg2[%dma_start3A, %dma_start3A_5] : memref<2048x1536xf32, #tpu.memory_space<hbm>> -> memref<2048x1536xf32, #tpu.memory_space<hbm>>
    tpu.enqueue_indirect_dma source(%dma_start3A_6 : memref<2048x1536xf32, #tpu.memory_space<hbm>>) target(%arg8 : memref<32x1536xf32, #tpu.memory_space<vmem>>) offsets(%arg6 : memref<32xi32, #tpu.memory_space<vmem>>) semaphore(%arg9 : memref<!tpu.dma_semaphore, #tpu.memory_space<semaphore_mem>>)
    %dma_wait3A = arith.constant 0 : i32
    %dma_wait3A_7 = arith.constant 0 : i32
    %dma_wait3A_8 = tpu.memref_slice %arg2[%dma_wait3A, %dma_wait3A_7] : memref<2048x1536xf32, #tpu.memory_space<hbm>> -> memref<2048x1536xf32, #tpu.memory_space<hbm>>
    tpu.wait_indirect_dma semaphore(%arg9 : memref<!tpu.dma_semaphore, #tpu.memory_space<semaphore_mem>>) src(%dma_wait3A_8 : memref<2048x1536xf32, #tpu.memory_space<hbm>>) dst(%arg8 : memref<32x1536xf32, #tpu.memory_space<vmem>>)
    %dma_start3A_9 = arith.constant 0 : i32
    %dma_start3A_10 = arith.constant 0 : i32
    %dma_start3A_11 = tpu.memref_slice %arg5[%dma_start3A_9, %dma_start3A_10] : memref<7168x1536xf32, #tpu.memory_space<hbm>> -> memref<7168x1536xf32, #tpu.memory_space<hbm>>
    tpu.enqueue_indirect_dma source(%arg8 : memref<32x1536xf32, #tpu.memory_space<vmem>>) target(%dma_start3A_11 : memref<7168x1536xf32, #tpu.memory_space<hbm>>) offsets(%arg7 : memref<32xi32, #tpu.memory_space<vmem>>) semaphore(%arg10 : memref<!tpu.dma_semaphore, #tpu.memory_space<semaphore_mem>>)
    %dma_wait3A_12 = arith.constant 0 : i32
    %dma_wait3A_13 = arith.constant 0 : i32
    %dma_wait3A_14 = tpu.memref_slice %arg5[%dma_wait3A_12, %dma_wait3A_13] : memref<7168x1536xf32, #tpu.memory_space<hbm>> -> memref<7168x1536xf32, #tpu.memory_space<hbm>>
    tpu.wait_indirect_dma semaphore(%arg10 : memref<!tpu.dma_semaphore, #tpu.memory_space<semaphore_mem>>) src(%arg8 : memref<32x1536xf32, #tpu.memory_space<vmem>>) dst(%dma_wait3A_14 : memref<7168x1536xf32, #tpu.memory_space<hbm>>)
    %add3A_15 = arith.constant 32 : i32
    %add3A_16 = arith.addi %mul3A_2, %add3A_15 : i32
    "tpu.region"() ({
      %run_scoped3A = tpu.sem_alloc : memref<!tpu.dma_semaphore, #tpu.memory_space<semaphore_mem>>
      %dma_start3A_57 = tpu.memref_slice %arg3[%add3A_16] : memref<4096xi32, #tpu.memory_space<hbm>> -> memref<32xi32, #tpu.memory_space<hbm>>
      %dma_start3A_58 = tpu.memref_slice %arg3[%add3A_16] : memref<4096xi32, #tpu.memory_space<hbm>> -> memref<32xi32, #tpu.memory_space<hbm>>
      tpu.enqueue_dma source(%dma_start3A_58 : memref<32xi32, #tpu.memory_space<hbm>>) target(%arg6 : memref<32xi32, #tpu.memory_space<vmem>>) target_semaphore(%run_scoped3A : memref<!tpu.dma_semaphore, #tpu.memory_space<semaphore_mem>>)
      %dma_wait3A_59 = tpu.memref_slice %arg3[%add3A_16] : memref<4096xi32, #tpu.memory_space<hbm>> -> memref<32xi32, #tpu.memory_space<hbm>>
      %dma_wait3A_60 = tpu.memref_slice %arg3[%add3A_16] : memref<4096xi32, #tpu.memory_space<hbm>> -> memref<32xi32, #tpu.memory_space<hbm>>
      tpu.wait_dma2 semaphore(%run_scoped3A : memref<!tpu.dma_semaphore, #tpu.memory_space<semaphore_mem>>) src(%dma_wait3A_60 : memref<32xi32, #tpu.memory_space<hbm>>) dst(%arg6 : memref<32xi32, #tpu.memory_space<vmem>>)
      tpu.yield
    }) : () -> ()
    "tpu.region"() ({
      %run_scoped3A = tpu.sem_alloc : memref<!tpu.dma_semaphore, #tpu.memory_space<semaphore_mem>>
      %dma_start3A_57 = tpu.memref_slice %arg4[%add3A_16] : memref<4096xi32, #tpu.memory_space<hbm>> -> memref<32xi32, #tpu.memory_space<hbm>>
      %dma_start3A_58 = tpu.memref_slice %arg4[%add3A_16] : memref<4096xi32, #tpu.memory_space<hbm>> -> memref<32xi32, #tpu.memory_space<hbm>>
      tpu.enqueue_dma source(%dma_start3A_58 : memref<32xi32, #tpu.memory_space<hbm>>) target(%arg7 : memref<32xi32, #tpu.memory_space<vmem>>) target_semaphore(%run_scoped3A : memref<!tpu.dma_semaphore, #tpu.memory_space<semaphore_mem>>)
      %dma_wait3A_59 = tpu.memref_slice %arg4[%add3A_16] : memref<4096xi32, #tpu.memory_space<hbm>> -> memref<32xi32, #tpu.memory_space<hbm>>
      %dma_wait3A_60 = tpu.memref_slice %arg4[%add3A_16] : memref<4096xi32, #tpu.memory_space<hbm>> -> memref<32xi32, #tpu.memory_space<hbm>>
      tpu.wait_dma2 semaphore(%run_scoped3A : memref<!tpu.dma_semaphore, #tpu.memory_space<semaphore_mem>>) src(%dma_wait3A_60 : memref<32xi32, #tpu.memory_space<hbm>>) dst(%arg7 : memref<32xi32, #tpu.memory_space<vmem>>)
      tpu.yield
    }) : () -> ()
    %dma_start3A_17 = arith.constant 0 : i32
    %dma_start3A_18 = arith.constant 0 : i32
    %dma_start3A_19 = tpu.memref_slice %arg2[%dma_start3A_17, %dma_start3A_18] : memref<2048x1536xf32, #tpu.memory_space<hbm>> -> memref<2048x1536xf32, #tpu.memory_space<hbm>>
    tpu.enqueue_indirect_dma source(%dma_start3A_19 : memref<2048x1536xf32, #tpu.memory_space<hbm>>) target(%arg8 : memref<32x1536xf32, #tpu.memory_space<vmem>>) offsets(%arg6 : memref<32xi32, #tpu.memory_space<vmem>>) semaphore(%arg9 : memref<!tpu.dma_semaphore, #tpu.memory_space<semaphore_mem>>)
    %dma_wait3A_20 = arith.constant 0 : i32
    %dma_wait3A_21 = arith.constant 0 : i32
    %dma_wait3A_22 = tpu.memref_slice %arg2[%dma_wait3A_20, %dma_wait3A_21] : memref<2048x1536xf32, #tpu.memory_space<hbm>> -> memref<2048x1536xf32, #tpu.memory_space<hbm>>
    tpu.wait_indirect_dma semaphore(%arg9 : memref<!tpu.dma_semaphore, #tpu.memory_space<semaphore_mem>>) src(%dma_wait3A_22 : memref<2048x1536xf32, #tpu.memory_space<hbm>>) dst(%arg8 : memref<32x1536xf32, #tpu.memory_space<vmem>>)
    %dma_start3A_23 = arith.constant 0 : i32
    %dma_start3A_24 = arith.constant 0 : i32
    %dma_start3A_25 = tpu.memref_slice %arg5[%dma_start3A_23, %dma_start3A_24] : memref<7168x1536xf32, #tpu.memory_space<hbm>> -> memref<7168x1536xf32, #tpu.memory_space<hbm>>
    tpu.enqueue_indirect_dma source(%arg8 : memref<32x1536xf32, #tpu.memory_space<vmem>>) target(%dma_start3A_25 : memref<7168x1536xf32, #tpu.memory_space<hbm>>) offsets(%arg7 : memref<32xi32, #tpu.memory_space<vmem>>) semaphore(%arg10 : memref<!tpu.dma_semaphore, #tpu.memory_space<semaphore_mem>>)
    %dma_wait3A_26 = arith.constant 0 : i32
    %dma_wait3A_27 = arith.constant 0 : i32
    %dma_wait3A_28 = tpu.memref_slice %arg5[%dma_wait3A_26, %dma_wait3A_27] : memref<7168x1536xf32, #tpu.memory_space<hbm>> -> memref<7168x1536xf32, #tpu.memory_space<hbm>>
    tpu.wait_indirect_dma semaphore(%arg10 : memref<!tpu.dma_semaphore, #tpu.memory_space<semaphore_mem>>) src(%arg8 : memref<32x1536xf32, #tpu.memory_space<vmem>>) dst(%dma_wait3A_28 : memref<7168x1536xf32, #tpu.memory_space<hbm>>)
    %add3A_29 = arith.constant 64 : i32
    %add3A_30 = arith.addi %mul3A_2, %add3A_29 : i32
    "tpu.region"() ({
      %run_scoped3A = tpu.sem_alloc : memref<!tpu.dma_semaphore, #tpu.memory_space<semaphore_mem>>
      %dma_start3A_57 = tpu.memref_slice %arg3[%add3A_30] : memref<4096xi32, #tpu.memory_space<hbm>> -> memref<32xi32, #tpu.memory_space<hbm>>
      %dma_start3A_58 = tpu.memref_slice %arg3[%add3A_30] : memref<4096xi32, #tpu.memory_space<hbm>> -> memref<32xi32, #tpu.memory_space<hbm>>
      tpu.enqueue_dma source(%dma_start3A_58 : memref<32xi32, #tpu.memory_space<hbm>>) target(%arg6 : memref<32xi32, #tpu.memory_space<vmem>>) target_semaphore(%run_scoped3A : memref<!tpu.dma_semaphore, #tpu.memory_space<semaphore_mem>>)
      %dma_wait3A_59 = tpu.memref_slice %arg3[%add3A_30] : memref<4096xi32, #tpu.memory_space<hbm>> -> memref<32xi32, #tpu.memory_space<hbm>>
      %dma_wait3A_60 = tpu.memref_slice %arg3[%add3A_30] : memref<4096xi32, #tpu.memory_space<hbm>> -> memref<32xi32, #tpu.memory_space<hbm>>
      tpu.wait_dma2 semaphore(%run_scoped3A : memref<!tpu.dma_semaphore, #tpu.memory_space<semaphore_mem>>) src(%dma_wait3A_60 : memref<32xi32, #tpu.memory_space<hbm>>) dst(%arg6 : memref<32xi32, #tpu.memory_space<vmem>>)
      tpu.yield
    }) : () -> ()
    "tpu.region"() ({
      %run_scoped3A = tpu.sem_alloc : memref<!tpu.dma_semaphore, #tpu.memory_space<semaphore_mem>>
      %dma_start3A_57 = tpu.memref_slice %arg4[%add3A_30] : memref<4096xi32, #tpu.memory_space<hbm>> -> memref<32xi32, #tpu.memory_space<hbm>>
      %dma_start3A_58 = tpu.memref_slice %arg4[%add3A_30] : memref<4096xi32, #tpu.memory_space<hbm>> -> memref<32xi32, #tpu.memory_space<hbm>>
      tpu.enqueue_dma source(%dma_start3A_58 : memref<32xi32, #tpu.memory_space<hbm>>) target(%arg7 : memref<32xi32, #tpu.memory_space<vmem>>) target_semaphore(%run_scoped3A : memref<!tpu.dma_semaphore, #tpu.memory_space<semaphore_mem>>)
      %dma_wait3A_59 = tpu.memref_slice %arg4[%add3A_30] : memref<4096xi32, #tpu.memory_space<hbm>> -> memref<32xi32, #tpu.memory_space<hbm>>
      %dma_wait3A_60 = tpu.memref_slice %arg4[%add3A_30] : memref<4096xi32, #tpu.memory_space<hbm>> -> memref<32xi32, #tpu.memory_space<hbm>>
      tpu.wait_dma2 semaphore(%run_scoped3A : memref<!tpu.dma_semaphore, #tpu.memory_space<semaphore_mem>>) src(%dma_wait3A_60 : memref<32xi32, #tpu.memory_space<hbm>>) dst(%arg7 : memref<32xi32, #tpu.memory_space<vmem>>)
      tpu.yield
    }) : () -> ()
    %dma_start3A_31 = arith.constant 0 : i32
    %dma_start3A_32 = arith.constant 0 : i32
    %dma_start3A_33 = tpu.memref_slice %arg2[%dma_start3A_31, %dma_start3A_32] : memref<2048x1536xf32, #tpu.memory_space<hbm>> -> memref<2048x1536xf32, #tpu.memory_space<hbm>>
    tpu.enqueue_indirect_dma source(%dma_start3A_33 : memref<2048x1536xf32, #tpu.memory_space<hbm>>) target(%arg8 : memref<32x1536xf32, #tpu.memory_space<vmem>>) offsets(%arg6 : memref<32xi32, #tpu.memory_space<vmem>>) semaphore(%arg9 : memref<!tpu.dma_semaphore, #tpu.memory_space<semaphore_mem>>)
    %dma_wait3A_34 = arith.constant 0 : i32
    %dma_wait3A_35 = arith.constant 0 : i32
    %dma_wait3A_36 = tpu.memref_slice %arg2[%dma_wait3A_34, %dma_wait3A_35] : memref<2048x1536xf32, #tpu.memory_space<hbm>> -> memref<2048x1536xf32, #tpu.memory_space<hbm>>
    tpu.wait_indirect_dma semaphore(%arg9 : memref<!tpu.dma_semaphore, #tpu.memory_space<semaphore_mem>>) src(%dma_wait3A_36 : memref<2048x1536xf32, #tpu.memory_space<hbm>>) dst(%arg8 : memref<32x1536xf32, #tpu.memory_space<vmem>>)
    %dma_start3A_37 = arith.constant 0 : i32
    %dma_start3A_38 = arith.constant 0 : i32
    %dma_start3A_39 = tpu.memref_slice %arg5[%dma_start3A_37, %dma_start3A_38] : memref<7168x1536xf32, #tpu.memory_space<hbm>> -> memref<7168x1536xf32, #tpu.memory_space<hbm>>
    tpu.enqueue_indirect_dma source(%arg8 : memref<32x1536xf32, #tpu.memory_space<vmem>>) target(%dma_start3A_39 : memref<7168x1536xf32, #tpu.memory_space<hbm>>) offsets(%arg7 : memref<32xi32, #tpu.memory_space<vmem>>) semaphore(%arg10 : memref<!tpu.dma_semaphore, #tpu.memory_space<semaphore_mem>>)
    %dma_wait3A_40 = arith.constant 0 : i32
    %dma_wait3A_41 = arith.constant 0 : i32
    %dma_wait3A_42 = tpu.memref_slice %arg5[%dma_wait3A_40, %dma_wait3A_41] : memref<7168x1536xf32, #tpu.memory_space<hbm>> -> memref<7168x1536xf32, #tpu.memory_space<hbm>>
    tpu.wait_indirect_dma semaphore(%arg10 : memref<!tpu.dma_semaphore, #tpu.memory_space<semaphore_mem>>) src(%arg8 : memref<32x1536xf32, #tpu.memory_space<vmem>>) dst(%dma_wait3A_42 : memref<7168x1536xf32, #tpu.memory_space<hbm>>)
    %add3A_43 = arith.constant 96 : i32
    %add3A_44 = arith.addi %mul3A_2, %add3A_43 : i32
    "tpu.region"() ({
      %run_scoped3A = tpu.sem_alloc : memref<!tpu.dma_semaphore, #tpu.memory_space<semaphore_mem>>
      %dma_start3A_57 = tpu.memref_slice %arg3[%add3A_44] : memref<4096xi32, #tpu.memory_space<hbm>> -> memref<32xi32, #tpu.memory_space<hbm>>
      %dma_start3A_58 = tpu.memref_slice %arg3[%add3A_44] : memref<4096xi32, #tpu.memory_space<hbm>> -> memref<32xi32, #tpu.memory_space<hbm>>
      tpu.enqueue_dma source(%dma_start3A_58 : memref<32xi32, #tpu.memory_space<hbm>>) target(%arg6 : memref<32xi32, #tpu.memory_space<vmem>>) target_semaphore(%run_scoped3A : memref<!tpu.dma_semaphore, #tpu.memory_space<semaphore_mem>>)
      %dma_wait3A_59 = tpu.memref_slice %arg3[%add3A_44] : memref<4096xi32, #tpu.memory_space<hbm>> -> memref<32xi32, #tpu.memory_space<hbm>>
      %dma_wait3A_60 = tpu.memref_slice %arg3[%add3A_44] : memref<4096xi32, #tpu.memory_space<hbm>> -> memref<32xi32, #tpu.memory_space<hbm>>
      tpu.wait_dma2 semaphore(%run_scoped3A : memref<!tpu.dma_semaphore, #tpu.memory_space<semaphore_mem>>) src(%dma_wait3A_60 : memref<32xi32, #tpu.memory_space<hbm>>) dst(%arg6 : memref<32xi32, #tpu.memory_space<vmem>>)
      tpu.yield
    }) : () -> ()
    "tpu.region"() ({
      %run_scoped3A = tpu.sem_alloc : memref<!tpu.dma_semaphore, #tpu.memory_space<semaphore_mem>>
      %dma_start3A_57 = tpu.memref_slice %arg4[%add3A_44] : memref<4096xi32, #tpu.memory_space<hbm>> -> memref<32xi32, #tpu.memory_space<hbm>>
      %dma_start3A_58 = tpu.memref_slice %arg4[%add3A_44] : memref<4096xi32, #tpu.memory_space<hbm>> -> memref<32xi32, #tpu.memory_space<hbm>>
      tpu.enqueue_dma source(%dma_start3A_58 : memref<32xi32, #tpu.memory_space<hbm>>) target(%arg7 : memref<32xi32, #tpu.memory_space<vmem>>) target_semaphore(%run_scoped3A : memref<!tpu.dma_semaphore, #tpu.memory_space<semaphore_mem>>)
      %dma_wait3A_59 = tpu.memref_slice %arg4[%add3A_44] : memref<4096xi32, #tpu.memory_space<hbm>> -> memref<32xi32, #tpu.memory_space<hbm>>
      %dma_wait3A_60 = tpu.memref_slice %arg4[%add3A_44] : memref<4096xi32, #tpu.memory_space<hbm>> -> memref<32xi32, #tpu.memory_space<hbm>>
      tpu.wait_dma2 semaphore(%run_scoped3A : memref<!tpu.dma_semaphore, #tpu.memory_space<semaphore_mem>>) src(%dma_wait3A_60 : memref<32xi32, #tpu.memory_space<hbm>>) dst(%arg7 : memref<32xi32, #tpu.memory_space<vmem>>)
      tpu.yield
    }) : () -> ()
    %dma_start3A_45 = arith.constant 0 : i32
    %dma_start3A_46 = arith.constant 0 : i32
    %dma_start3A_47 = tpu.memref_slice %arg2[%dma_start3A_45, %dma_start3A_46] : memref<2048x1536xf32, #tpu.memory_space<hbm>> -> memref<2048x1536xf32, #tpu.memory_space<hbm>>
    tpu.enqueue_indirect_dma source(%dma_start3A_47 : memref<2048x1536xf32, #tpu.memory_space<hbm>>) target(%arg8 : memref<32x1536xf32, #tpu.memory_space<vmem>>) offsets(%arg6 : memref<32xi32, #tpu.memory_space<vmem>>) semaphore(%arg9 : memref<!tpu.dma_semaphore, #tpu.memory_space<semaphore_mem>>)
    %dma_wait3A_48 = arith.constant 0 : i32
    %dma_wait3A_49 = arith.constant 0 : i32
    %dma_wait3A_50 = tpu.memref_slice %arg2[%dma_wait3A_48, %dma_wait3A_49] : memref<2048x1536xf32, #tpu.memory_space<hbm>> -> memref<2048x1536xf32, #tpu.memory_space<hbm>>
    tpu.wait_indirect_dma semaphore(%arg9 : memref<!tpu.dma_semaphore, #tpu.memory_space<semaphore_mem>>) src(%dma_wait3A_50 : memref<2048x1536xf32, #tpu.memory_space<hbm>>) dst(%arg8 : memref<32x1536xf32, #tpu.memory_space<vmem>>)
    %dma_start3A_51 = arith.constant 0 : i32
    %dma_start3A_52 = arith.constant 0 : i32
    %dma_start3A_53 = tpu.memref_slice %arg5[%dma_start3A_51, %dma_start3A_52] : memref<7168x1536xf32, #tpu.memory_space<hbm>> -> memref<7168x1536xf32, #tpu.memory_space<hbm>>
    tpu.enqueue_indirect_dma source(%arg8 : memref<32x1536xf32, #tpu.memory_space<vmem>>) target(%dma_start3A_53 : memref<7168x1536xf32, #tpu.memory_space<hbm>>) offsets(%arg7 : memref<32xi32, #tpu.memory_space<vmem>>) semaphore(%arg10 : memref<!tpu.dma_semaphore, #tpu.memory_space<semaphore_mem>>)
    %dma_wait3A_54 = arith.constant 0 : i32
    %dma_wait3A_55 = arith.constant 0 : i32
    %dma_wait3A_56 = tpu.memref_slice %arg5[%dma_wait3A_54, %dma_wait3A_55] : memref<7168x1536xf32, #tpu.memory_space<hbm>> -> memref<7168x1536xf32, #tpu.memory_space<hbm>>
    tpu.wait_indirect_dma semaphore(%arg10 : memref<!tpu.dma_semaphore, #tpu.memory_space<semaphore_mem>>) src(%arg8 : memref<32x1536xf32, #tpu.memory_space<vmem>>) dst(%dma_wait3A_56 : memref<7168x1536xf32, #tpu.memory_space<hbm>>)
    return
  }
}

#map = affine_map<(d0, d1) -> (0, 0)>
#map1 = affine_map<(d0, d1) -> (0)>
module attributes {stable_mosaic.version = 14 : i64} {
  func.func @k(%arg0: i32, %arg1: i32, %arg2: memref<7168x768xf32, #tpu.memory_space<hbm>>, %arg3: memref<2048xi32, #tpu.memory_space<hbm>>, %arg4: memref<2048x768xf32, #tpu.memory_space<hbm>>, %arg5: memref<64xi32, #tpu.memory_space<vmem>>, %arg6: memref<64x768xf32, #tpu.memory_space<vmem>>, %arg7: memref<!tpu.dma_semaphore, #tpu.memory_space<semaphore_mem>>) attributes {dimension_semantics = [#tpu.dimension_semantics<core_parallel>, #tpu.dimension_semantics<subcore_parallel>], iteration_bounds = array<i64: 2, 16>, scalar_prefetch = 0 : i64, scratch_operands = 3 : i64, tpu.core_type = #tpu.core_type<sc_vector_subcore>, window_params = [{transform_indices = #map}, {transform_indices = #map1}, {transform_indices = #map}]} {
    %mul3A = arith.constant 2 : i32
    %mul3A_0 = arith.muli %arg1, %mul3A : i32
    %add3A = arith.addi %mul3A_0, %arg0 : i32
    %mul3A_1 = arith.constant 64 : i32
    %mul3A_2 = arith.muli %add3A, %mul3A_1 : i32
    %add3A_3 = arith.constant 0 : i32
    %add3A_4 = arith.addi %mul3A_2, %add3A_3 : i32
    "tpu.region"() ({
      %run_scoped3A = tpu.sem_alloc : memref<!tpu.dma_semaphore, #tpu.memory_space<semaphore_mem>>
      %dma_start3A_9 = tpu.memref_slice %arg3[%add3A_4] : memref<2048xi32, #tpu.memory_space<hbm>> -> memref<64xi32, #tpu.memory_space<hbm>>
      %dma_start3A_10 = tpu.memref_slice %arg3[%add3A_4] : memref<2048xi32, #tpu.memory_space<hbm>> -> memref<64xi32, #tpu.memory_space<hbm>>
      tpu.enqueue_dma source(%dma_start3A_10 : memref<64xi32, #tpu.memory_space<hbm>>) target(%arg5 : memref<64xi32, #tpu.memory_space<vmem>>) target_semaphore(%run_scoped3A : memref<!tpu.dma_semaphore, #tpu.memory_space<semaphore_mem>>)
      %dma_wait3A_11 = tpu.memref_slice %arg3[%add3A_4] : memref<2048xi32, #tpu.memory_space<hbm>> -> memref<64xi32, #tpu.memory_space<hbm>>
      %dma_wait3A_12 = tpu.memref_slice %arg3[%add3A_4] : memref<2048xi32, #tpu.memory_space<hbm>> -> memref<64xi32, #tpu.memory_space<hbm>>
      tpu.wait_dma2 semaphore(%run_scoped3A : memref<!tpu.dma_semaphore, #tpu.memory_space<semaphore_mem>>) src(%dma_wait3A_12 : memref<64xi32, #tpu.memory_space<hbm>>) dst(%arg5 : memref<64xi32, #tpu.memory_space<vmem>>)
      tpu.yield
    }) : () -> ()
    %dma_start3A = arith.constant 0 : i32
    %dma_start3A_5 = arith.constant 0 : i32
    %dma_start3A_6 = tpu.memref_slice %arg2[%dma_start3A, %dma_start3A_5] : memref<7168x768xf32, #tpu.memory_space<hbm>> -> memref<7168x768xf32, #tpu.memory_space<hbm>>
    tpu.enqueue_indirect_dma source(%dma_start3A_6 : memref<7168x768xf32, #tpu.memory_space<hbm>>) target(%arg6 : memref<64x768xf32, #tpu.memory_space<vmem>>) offsets(%arg5 : memref<64xi32, #tpu.memory_space<vmem>>) semaphore(%arg7 : memref<!tpu.dma_semaphore, #tpu.memory_space<semaphore_mem>>)
    %dma_wait3A = arith.constant 0 : i32
    %dma_wait3A_7 = arith.constant 0 : i32
    %dma_wait3A_8 = tpu.memref_slice %arg2[%dma_wait3A, %dma_wait3A_7] : memref<7168x768xf32, #tpu.memory_space<hbm>> -> memref<7168x768xf32, #tpu.memory_space<hbm>>
    tpu.wait_indirect_dma semaphore(%arg7 : memref<!tpu.dma_semaphore, #tpu.memory_space<semaphore_mem>>) src(%dma_wait3A_8 : memref<7168x768xf32, #tpu.memory_space<hbm>>) dst(%arg6 : memref<64x768xf32, #tpu.memory_space<vmem>>)
    "tpu.region"() ({
      %run_scoped3A = tpu.sem_alloc : memref<!tpu.dma_semaphore, #tpu.memory_space<semaphore_mem>>
      %dma_start3A_9 = arith.constant 0 : i32
      %dma_start3A_10 = tpu.memref_slice %arg4[%add3A_4, %dma_start3A_9] : memref<2048x768xf32, #tpu.memory_space<hbm>> -> memref<64x768xf32, #tpu.memory_space<hbm>>
      %dma_start3A_11 = arith.constant 0 : i32
      %dma_start3A_12 = tpu.memref_slice %arg4[%add3A_4, %dma_start3A_11] : memref<2048x768xf32, #tpu.memory_space<hbm>> -> memref<64x768xf32, #tpu.memory_space<hbm>>
      tpu.enqueue_dma source(%arg6 : memref<64x768xf32, #tpu.memory_space<vmem>>) target(%dma_start3A_12 : memref<64x768xf32, #tpu.memory_space<hbm>>) target_semaphore(%run_scoped3A : memref<!tpu.dma_semaphore, #tpu.memory_space<semaphore_mem>>)
      %dma_wait3A_13 = arith.constant 0 : i32
      %dma_wait3A_14 = tpu.memref_slice %arg4[%add3A_4, %dma_wait3A_13] : memref<2048x768xf32, #tpu.memory_space<hbm>> -> memref<64x768xf32, #tpu.memory_space<hbm>>
      %dma_wait3A_15 = arith.constant 0 : i32
      %dma_wait3A_16 = tpu.memref_slice %arg4[%add3A_4, %dma_wait3A_15] : memref<2048x768xf32, #tpu.memory_space<hbm>> -> memref<64x768xf32, #tpu.memory_space<hbm>>
      tpu.wait_dma2 semaphore(%run_scoped3A : memref<!tpu.dma_semaphore, #tpu.memory_space<semaphore_mem>>) src(%arg6 : memref<64x768xf32, #tpu.memory_space<vmem>>) dst(%dma_wait3A_16 : memref<64x768xf32, #tpu.memory_space<hbm>>)
      tpu.yield
    }) : () -> ()
    return
  }
}

#map = affine_map<(d0, d1) -> (0, 0)>
#map1 = affine_map<(d0, d1) -> (0)>
module attributes {stable_mosaic.version = 14 : i64} {
  func.func @k(%arg0: i32, %arg1: i32, %arg2: memref<7168x768xf32, #tpu.memory_space<hbm>>, %arg3: memref<2048xi32, #tpu.memory_space<hbm>>, %arg4: memref<2048x768xf32, #tpu.memory_space<hbm>>, %arg5: memref<64xi32, #tpu.memory_space<vmem>>, %arg6: memref<64x768xf32, #tpu.memory_space<vmem>>, %arg7: memref<!tpu.dma_semaphore, #tpu.memory_space<semaphore_mem>>) attributes {dimension_semantics = [#tpu.dimension_semantics<core_parallel>, #tpu.dimension_semantics<subcore_parallel>], iteration_bounds = array<i64: 2, 16>, scalar_prefetch = 0 : i64, scratch_operands = 3 : i64, tpu.core_type = #tpu.core_type<sc_vector_subcore>, window_params = [{transform_indices = #map}, {transform_indices = #map1}, {transform_indices = #map}]} {
    %mul3A = arith.constant 2 : i32
    %mul3A_0 = arith.muli %arg1, %mul3A : i32
    %add3A = arith.addi %mul3A_0, %arg0 : i32
    %mul3A_1 = arith.constant 64 : i32
    %mul3A_2 = arith.muli %add3A, %mul3A_1 : i32
    %add3A_3 = arith.constant 0 : i32
    %add3A_4 = arith.addi %mul3A_2, %add3A_3 : i32
    "tpu.region"() ({
      %run_scoped3A = tpu.sem_alloc : memref<!tpu.dma_semaphore, #tpu.memory_space<semaphore_mem>>
      %dma_start3A_9 = tpu.memref_slice %arg3[%add3A_4] : memref<2048xi32, #tpu.memory_space<hbm>> -> memref<64xi32, #tpu.memory_space<hbm>>
      %dma_start3A_10 = tpu.memref_slice %arg3[%add3A_4] : memref<2048xi32, #tpu.memory_space<hbm>> -> memref<64xi32, #tpu.memory_space<hbm>>
      tpu.enqueue_dma source(%dma_start3A_10 : memref<64xi32, #tpu.memory_space<hbm>>) target(%arg5 : memref<64xi32, #tpu.memory_space<vmem>>) target_semaphore(%run_scoped3A : memref<!tpu.dma_semaphore, #tpu.memory_space<semaphore_mem>>)
      %dma_wait3A_11 = tpu.memref_slice %arg3[%add3A_4] : memref<2048xi32, #tpu.memory_space<hbm>> -> memref<64xi32, #tpu.memory_space<hbm>>
      %dma_wait3A_12 = tpu.memref_slice %arg3[%add3A_4] : memref<2048xi32, #tpu.memory_space<hbm>> -> memref<64xi32, #tpu.memory_space<hbm>>
      tpu.wait_dma2 semaphore(%run_scoped3A : memref<!tpu.dma_semaphore, #tpu.memory_space<semaphore_mem>>) src(%dma_wait3A_12 : memref<64xi32, #tpu.memory_space<hbm>>) dst(%arg5 : memref<64xi32, #tpu.memory_space<vmem>>)
      tpu.yield
    }) : () -> ()
    %dma_start3A = arith.constant 0 : i32
    %dma_start3A_5 = arith.constant 0 : i32
    %dma_start3A_6 = tpu.memref_slice %arg2[%dma_start3A, %dma_start3A_5] : memref<7168x768xf32, #tpu.memory_space<hbm>> -> memref<7168x768xf32, #tpu.memory_space<hbm>>
    tpu.enqueue_indirect_dma source(%dma_start3A_6 : memref<7168x768xf32, #tpu.memory_space<hbm>>) target(%arg6 : memref<64x768xf32, #tpu.memory_space<vmem>>) offsets(%arg5 : memref<64xi32, #tpu.memory_space<vmem>>) semaphore(%arg7 : memref<!tpu.dma_semaphore, #tpu.memory_space<semaphore_mem>>)
    %dma_wait3A = arith.constant 0 : i32
    %dma_wait3A_7 = arith.constant 0 : i32
    %dma_wait3A_8 = tpu.memref_slice %arg2[%dma_wait3A, %dma_wait3A_7] : memref<7168x768xf32, #tpu.memory_space<hbm>> -> memref<7168x768xf32, #tpu.memory_space<hbm>>
    tpu.wait_indirect_dma semaphore(%arg7 : memref<!tpu.dma_semaphore, #tpu.memory_space<semaphore_mem>>) src(%dma_wait3A_8 : memref<7168x768xf32, #tpu.memory_space<hbm>>) dst(%arg6 : memref<64x768xf32, #tpu.memory_space<vmem>>)
    "tpu.region"() ({
      %run_scoped3A = tpu.sem_alloc : memref<!tpu.dma_semaphore, #tpu.memory_space<semaphore_mem>>
      %dma_start3A_9 = arith.constant 0 : i32
      %dma_start3A_10 = tpu.memref_slice %arg4[%add3A_4, %dma_start3A_9] : memref<2048x768xf32, #tpu.memory_space<hbm>> -> memref<64x768xf32, #tpu.memory_space<hbm>>
      %dma_start3A_11 = arith.constant 0 : i32
      %dma_start3A_12 = tpu.memref_slice %arg4[%add3A_4, %dma_start3A_11] : memref<2048x768xf32, #tpu.memory_space<hbm>> -> memref<64x768xf32, #tpu.memory_space<hbm>>
      tpu.enqueue_dma source(%arg6 : memref<64x768xf32, #tpu.memory_space<vmem>>) target(%dma_start3A_12 : memref<64x768xf32, #tpu.memory_space<hbm>>) target_semaphore(%run_scoped3A : memref<!tpu.dma_semaphore, #tpu.memory_space<semaphore_mem>>)
      %dma_wait3A_13 = arith.constant 0 : i32
      %dma_wait3A_14 = tpu.memref_slice %arg4[%add3A_4, %dma_wait3A_13] : memref<2048x768xf32, #tpu.memory_space<hbm>> -> memref<64x768xf32, #tpu.memory_space<hbm>>
      %dma_wait3A_15 = arith.constant 0 : i32
      %dma_wait3A_16 = tpu.memref_slice %arg4[%add3A_4, %dma_wait3A_15] : memref<2048x768xf32, #tpu.memory_space<hbm>> -> memref<64x768xf32, #tpu.memory_space<hbm>>
      tpu.wait_dma2 semaphore(%run_scoped3A : memref<!tpu.dma_semaphore, #tpu.memory_space<semaphore_mem>>) src(%arg6 : memref<64x768xf32, #tpu.memory_space<vmem>>) dst(%dma_wait3A_16 : memref<64x768xf32, #tpu.memory_space<hbm>>)
      tpu.yield
    }) : () -> ()
    return
  }
}

module attributes {stable_mosaic.version = 14 : i64} {
  func.func @_qkv_body(%arg0: i32, %arg1: memref<256x768xf32, #tpu.memory_space<vmem>>, %arg2: memref<768x2304xf32, #tpu.memory_space<vmem>>, %arg3: memref<256x2304xf32, #tpu.memory_space<vmem>>) attributes {dimension_semantics = [#tpu.dimension_semantics<arbitrary>], iteration_bounds = array<i64: 8>, scalar_prefetch = 0 : i64, scratch_operands = 0 : i64, tpu.core_type = #tpu.core_type<tc>, window_params = [{transform_indices = @transform_0, window_bounds = array<i64: 256, 768>}, {pipeline_mode = #tpu.pipeline_mode<synchronous>, transform_indices = @transform_1, window_bounds = array<i64: 768, 2304>}, {transform_indices = @transform_2, window_bounds = array<i64: 256, 2304>}]} {
    %get3A = arith.constant 0 : index
    %get3A_0 = arith.constant 0 : index
    %get3A_1 = vector.load %arg1[%get3A, %get3A_0] : memref<256x768xf32, #tpu.memory_space<vmem>>, vector<256x768xf32>
    %get3A_2 = arith.constant 0 : index
    %get3A_3 = arith.constant 0 : index
    %get3A_4 = vector.load %arg2[%get3A_2, %get3A_3] : memref<768x2304xf32, #tpu.memory_space<vmem>>, vector<768x2304xf32>
    %dot_general3A = arith.constant dense<0.000000e+00> : vector<256x2304xf32>
    %dot_general3A_5 = tpu.matmul %get3A_1, %get3A_4, %dot_general3A {dimension_numbers = #tpu.dot_dimension_numbers<[1], [0], [0], [1], [0, 0, 1, 1], [], []>, transpose_lhs_hint = false} : vector<256x768xf32>, vector<768x2304xf32>, vector<256x2304xf32> -> vector<256x2304xf32>
    %swap3A = arith.constant 0 : index
    %swap3A_6 = arith.constant 0 : index
    %swap3A_7 = vector.load %arg3[%swap3A, %swap3A_6] : memref<256x2304xf32, #tpu.memory_space<vmem>>, vector<256x2304xf32>
    tpu.vector_store %arg3[%swap3A, %swap3A_6], %dot_general3A_5 {strides = array<i32>} : memref<256x2304xf32, #tpu.memory_space<vmem>>, vector<256x2304xf32>,
    return
  }
  func.func @transform_0(%arg0: i32) -> (i32, i32) {
    %c0_i32 = arith.constant 0 : i32
    %c0_i32_0 = arith.constant 0 : i32
    return %arg0, %c0_i32 : i32, i32
  }
  func.func @transform_1(%arg0: i32) -> (i32, i32) {
    %c0_i32 = arith.constant 0 : i32
    %c0_i32_0 = arith.constant 0 : i32
    %c0_i32_1 = arith.constant 0 : i32
    return %c0_i32, %c0_i32_0 : i32, i32
  }
  func.func @transform_2(%arg0: i32) -> (i32, i32) {
    %c0_i32 = arith.constant 0 : i32
    %c0_i32_0 = arith.constant 0 : i32
    return %arg0, %c0_i32 : i32, i32
  }
}

module attributes {stable_mosaic.version = 14 : i64} {
  func.func @_attn_body(%arg0: i32, %arg1: i32, %arg2: memref<1x512x64xf32, #tpu.memory_space<vmem>>, %arg3: memref<1x2048x64xf32, #tpu.memory_space<vmem>>, %arg4: memref<1x2048x64xf32, #tpu.memory_space<vmem>>, %arg5: memref<1x512x64xf32, #tpu.memory_space<vmem>>) attributes {dimension_semantics = [#tpu.dimension_semantics<arbitrary>, #tpu.dimension_semantics<arbitrary>], iteration_bounds = array<i64: 12, 4>, scalar_prefetch = 0 : i64, scratch_operands = 0 : i64, tpu.core_type = #tpu.core_type<tc>, window_params = [{transform_indices = @transform_0, window_bounds = array<i64: 1, 512, 64>}, {transform_indices = @transform_1, window_bounds = array<i64: 1, 2048, 64>}, {transform_indices = @transform_2, window_bounds = array<i64: 1, 2048, 64>}, {transform_indices = @transform_3, window_bounds = array<i64: 1, 512, 64>}]} {
    %get3A = arith.constant 0 : index
    %get3A_0 = arith.constant 0 : index
    %get3A_1 = arith.constant 0 : index
    %get3A_2 = vector.load %arg2[%get3A, %get3A_0, %get3A_1] : memref<1x512x64xf32, #tpu.memory_space<vmem>>, vector<1x512x64xf32>
    %get3A_3 = vector.shape_cast %get3A_2 : vector<1x512x64xf32> to vector<512x64xf32>
    %mul3A = arith.constant 1.250000e-01 : f32
    %mul3A_4 = vector.broadcast %mul3A : f32 to vector<512x64xf32>
    %mul3A_5 = arith.mulf %get3A_3, %mul3A_4 : vector<512x64xf32>
    %get3A_6 = arith.constant 0 : index
    %get3A_7 = arith.constant 0 : index
    %get3A_8 = arith.constant 0 : index
    %get3A_9 = vector.load %arg3[%get3A_6, %get3A_7, %get3A_8] : memref<1x2048x64xf32, #tpu.memory_space<vmem>>, vector<1x2048x64xf32>
    %get3A_10 = vector.shape_cast %get3A_9 : vector<1x2048x64xf32> to vector<2048x64xf32>
    %dot_general3A = arith.constant dense<0.000000e+00> : vector<512x2048xf32>
    %dot_general3A_11 = tpu.matmul %mul3A_5, %get3A_10, %dot_general3A {dimension_numbers = #tpu.dot_dimension_numbers<[1], [1], [0], [0], [0, 0, 1, 0], [], []>, transpose_lhs_hint = false} : vector<512x64xf32>, vector<2048x64xf32>, vector<512x2048xf32> -> vector<512x2048xf32>
    %reduce_max3A = arith.constant dense<0xFF800000> : vector<512xf32>
    %reduce_max3A_12 = vector.multi_reduction <maximumf>, %dot_general3A_11, %reduce_max3A [1] : vector<512x2048xf32> to vector<512xf32>
    %broadcast_in_dim3A = vector.shape_cast %reduce_max3A_12 : vector<512xf32> to vector<512x1xf32>
    %sub3A = vector.broadcast %broadcast_in_dim3A : vector<512x1xf32> to vector<512x2048xf32>
    %sub3A_13 = arith.subf %dot_general3A_11, %sub3A : vector<512x2048xf32>
    %exp3A = math.exp %sub3A_13 : vector<512x2048xf32>
    %reduce_sum3A = arith.constant dense<0.000000e+00> : vector<512xf32>
    %reduce_sum3A_14 = vector.multi_reduction <add>, %exp3A, %reduce_sum3A [1] : vector<512x2048xf32> to vector<512xf32>
    %broadcast_in_dim3A_15 = vector.shape_cast %reduce_sum3A_14 : vector<512xf32> to vector<512x1xf32>
    %div3A = vector.broadcast %broadcast_in_dim3A_15 : vector<512x1xf32> to vector<512x2048xf32>
    %div3A_16 = arith.divf %exp3A, %div3A : vector<512x2048xf32>
    %get3A_17 = arith.constant 0 : index
    %get3A_18 = arith.constant 0 : index
    %get3A_19 = arith.constant 0 : index
    %get3A_20 = vector.load %arg4[%get3A_17, %get3A_18, %get3A_19] : memref<1x2048x64xf32, #tpu.memory_space<vmem>>, vector<1x2048x64xf32>
    %get3A_21 = vector.shape_cast %get3A_20 : vector<1x2048x64xf32> to vector<2048x64xf32>
    %dot_general3A_22 = arith.constant dense<0.000000e+00> : vector<512x64xf32>
    %dot_general3A_23 = tpu.matmul %div3A_16, %get3A_21, %dot_general3A_22 {dimension_numbers = #tpu.dot_dimension_numbers<[1], [0], [0], [1], [0, 0, 1, 1], [], []>, transpose_lhs_hint = false} : vector<512x2048xf32>, vector<2048x64xf32>, vector<512x64xf32> -> vector<512x64xf32>
    %swap3A = arith.constant 0 : index
    %swap3A_24 = arith.constant 0 : index
    %swap3A_25 = arith.constant 0 : index
    %swap3A_26 = vector.load %arg5[%swap3A, %swap3A_24, %swap3A_25] : memref<1x512x64xf32, #tpu.memory_space<vmem>>, vector<1x512x64xf32>
    %swap3A_27 = vector.shape_cast %swap3A_26 : vector<1x512x64xf32> to vector<512x64xf32>
    %swap3A_28 = vector.shape_cast %dot_general3A_23 : vector<512x64xf32> to vector<1x512x64xf32>
    tpu.vector_store %arg5[%swap3A, %swap3A_24, %swap3A_25], %swap3A_28 {strides = array<i32>} : memref<1x512x64xf32, #tpu.memory_space<vmem>>, vector<1x512x64xf32>,
    return
  }
  func.func @transform_0(%arg0: i32, %arg1: i32) -> (i32, i32, i32) {
    %c0_i32 = arith.constant 0 : i32
    %c0_i32_0 = arith.constant 0 : i32
    return %arg0, %arg1, %c0_i32 : i32, i32, i32
  }
  func.func @transform_1(%arg0: i32, %arg1: i32) -> (i32, i32, i32) {
    %add3A = arith.constant 12 : i32
    %add3A_0 = arith.addi %add3A, %arg0 : i32
    %c0_i32 = arith.constant 0 : i32
    %c0_i32_1 = arith.constant 0 : i32
    %c0_i32_2 = arith.constant 0 : i32
    return %add3A_0, %c0_i32, %c0_i32_1 : i32, i32, i32
  }
  func.func @transform_2(%arg0: i32, %arg1: i32) -> (i32, i32, i32) {
    %add3A = arith.constant 24 : i32
    %add3A_0 = arith.addi %add3A, %arg0 : i32
    %c0_i32 = arith.constant 0 : i32
    %c0_i32_1 = arith.constant 0 : i32
    %c0_i32_2 = arith.constant 0 : i32
    return %add3A_0, %c0_i32, %c0_i32_1 : i32, i32, i32
  }
  func.func @transform_3(%arg0: i32, %arg1: i32) -> (i32, i32, i32) {
    %c0_i32 = arith.constant 0 : i32
    %c0_i32_0 = arith.constant 0 : i32
    return %arg0, %arg1, %c0_i32 : i32, i32, i32
  }
}

module attributes {stable_mosaic.version = 14 : i64} {
  func.func @_post_attn_body(%arg0: i32, %arg1: memref<256x768xf32, #tpu.memory_space<vmem>>, %arg2: memref<256x768xf32, #tpu.memory_space<vmem>>, %arg3: memref<768x768xf32, #tpu.memory_space<vmem>>, %arg4: memref<1x768xf32, #tpu.memory_space<vmem>>, %arg5: memref<1x768xf32, #tpu.memory_space<vmem>>, %arg6: memref<768x24xf32, #tpu.memory_space<vmem>>, %arg7: memref<256x768xf32, #tpu.memory_space<vmem>>, %arg8: memref<256x1xi32, #tpu.memory_space<vmem>>, %arg9: memref<256x1xi32, #tpu.memory_space<vmem>>, %arg10: memref<256x1xf32, #tpu.memory_space<vmem>>, %arg11: memref<256x1xf32, #tpu.memory_space<vmem>>) attributes {dimension_semantics = [#tpu.dimension_semantics<arbitrary>], iteration_bounds = array<i64: 8>, scalar_prefetch = 0 : i64, scratch_operands = 0 : i64, tpu.core_type = #tpu.core_type<tc>, window_params = [{transform_indices = @transform_0, window_bounds = array<i64: 256, 768>}, {transform_indices = @transform_1, window_bounds = array<i64: 256, 768>}, {pipeline_mode = #tpu.pipeline_mode<synchronous>, transform_indices = @transform_2, window_bounds = array<i64: 768, 768>}, {pipeline_mode = #tpu.pipeline_mode<synchronous>, transform_indices = @transform_3, window_bounds = array<i64: 1, 768>}, {pipeline_mode = #tpu.pipeline_mode<synchronous>, transform_indices = @transform_4, window_bounds = array<i64: 1, 768>}, {pipeline_mode = #tpu.pipeline_mode<synchronous>, transform_indices = @transform_5, window_bounds = array<i64: 768, 24>}, {transform_indices = @transform_6, window_bounds = array<i64: 256, 768>}, {transform_indices = @transform_7, window_bounds = array<i64: 256, 1>}, {transform_indices = @transform_8, window_bounds = array<i64: 256, 1>}, {transform_indices = @transform_9, window_bounds = array<i64: 256, 1>}, {transform_indices = @transform_10, window_bounds = array<i64: 256, 1>}]} {
    %get3A = arith.constant 0 : index
    %get3A_0 = arith.constant 0 : index
    %get3A_1 = vector.load %arg1[%get3A, %get3A_0] : memref<256x768xf32, #tpu.memory_space<vmem>>, vector<256x768xf32>
    %get3A_2 = arith.constant 0 : index
    %get3A_3 = arith.constant 0 : index
    %get3A_4 = vector.load %arg3[%get3A_2, %get3A_3] : memref<768x768xf32, #tpu.memory_space<vmem>>, vector<768x768xf32>
    %dot_general3A = arith.constant dense<0.000000e+00> : vector<256x768xf32>
    %dot_general3A_5 = tpu.matmul %get3A_1, %get3A_4, %dot_general3A {dimension_numbers = #tpu.dot_dimension_numbers<[1], [0], [0], [1], [0, 0, 1, 1], [], []>, transpose_lhs_hint = false} : vector<256x768xf32>, vector<768x768xf32>, vector<256x768xf32> -> vector<256x768xf32>
    %max3A = arith.constant 0.000000e+00 : f32
    %max3A_6 = vector.broadcast %max3A : f32 to vector<256x768xf32>
    %max3A_7 = arith.maximumf %dot_general3A_5, %max3A_6 : vector<256x768xf32>
    %get3A_8 = arith.constant 0 : index
    %get3A_9 = arith.constant 0 : index
    %get3A_10 = vector.load %arg2[%get3A_8, %get3A_9] : memref<256x768xf32, #tpu.memory_space<vmem>>, vector<256x768xf32>
    %add3A = arith.addf %max3A_7, %get3A_10 : vector<256x768xf32>
    %reduce_sum3A = arith.constant dense<0.000000e+00> : vector<256xf32>
    %reduce_sum3A_11 = vector.multi_reduction <add>, %add3A, %reduce_sum3A [1] : vector<256x768xf32> to vector<256xf32>
    %broadcast_in_dim3A = vector.shape_cast %reduce_sum3A_11 : vector<256xf32> to vector<256x1xf32>
    %div3A = arith.constant 7.680000e+02 : f32
    %div3A_12 = vector.broadcast %div3A : f32 to vector<256x1xf32>
    %div3A_13 = arith.divf %broadcast_in_dim3A, %div3A_12 : vector<256x1xf32>
    %sub3A = vector.broadcast %div3A_13 : vector<256x1xf32> to vector<256x768xf32>
    %sub3A_14 = arith.subf %add3A, %sub3A : vector<256x768xf32>
    %integer_pow3A = arith.mulf %sub3A_14, %sub3A_14 : vector<256x768xf32>
    %reduce_sum3A_15 = arith.constant dense<0.000000e+00> : vector<256xf32>
    %reduce_sum3A_16 = vector.multi_reduction <add>, %integer_pow3A, %reduce_sum3A_15 [1] : vector<256x768xf32> to vector<256xf32>
    %broadcast_in_dim3A_17 = vector.shape_cast %reduce_sum3A_16 : vector<256xf32> to vector<256x1xf32>
    %div3A_18 = arith.constant 7.680000e+02 : f32
    %div3A_19 = vector.broadcast %div3A_18 : f32 to vector<256x1xf32>
    %div3A_20 = arith.divf %broadcast_in_dim3A_17, %div3A_19 : vector<256x1xf32>
    %sub3A_21 = vector.broadcast %div3A_13 : vector<256x1xf32> to vector<256x768xf32>
    %sub3A_22 = arith.subf %add3A, %sub3A_21 : vector<256x768xf32>
    %add3A_23 = arith.constant 9.99999997E-7 : f32
    %add3A_24 = vector.broadcast %add3A_23 : f32 to vector<256x1xf32>
    %add3A_25 = arith.addf %div3A_20, %add3A_24 : vector<256x1xf32>
    %sqrt3A = math.sqrt %add3A_25 : vector<256x1xf32>
    %div3A_26 = vector.broadcast %sqrt3A : vector<256x1xf32> to vector<256x768xf32>
    %div3A_27 = arith.divf %sub3A_22, %div3A_26 : vector<256x768xf32>
    %get3A_28 = arith.constant 0 : index
    %get3A_29 = arith.constant 0 : index
    %get3A_30 = vector.load %arg4[%get3A_28, %get3A_29] : memref<1x768xf32, #tpu.memory_space<vmem>>, vector<1x768xf32>
    %mul3A = vector.broadcast %get3A_30 : vector<1x768xf32> to vector<256x768xf32>
    %mul3A_31 = arith.mulf %div3A_27, %mul3A : vector<256x768xf32>
    %get3A_32 = arith.constant 0 : index
    %get3A_33 = arith.constant 0 : index
    %get3A_34 = vector.load %arg5[%get3A_32, %get3A_33] : memref<1x768xf32, #tpu.memory_space<vmem>>, vector<1x768xf32>
    %add3A_35 = vector.broadcast %get3A_34 : vector<1x768xf32> to vector<256x768xf32>
    %add3A_36 = arith.addf %mul3A_31, %add3A_35 : vector<256x768xf32>
    %swap3A = arith.constant 0 : index
    %swap3A_37 = arith.constant 0 : index
    %swap3A_38 = vector.load %arg7[%swap3A, %swap3A_37] : memref<256x768xf32, #tpu.memory_space<vmem>>, vector<256x768xf32>
    tpu.vector_store %arg7[%swap3A, %swap3A_37], %add3A_36 {strides = array<i32>} : memref<256x768xf32, #tpu.memory_space<vmem>>, vector<256x768xf32>,
    %get3A_39 = arith.constant 0 : index
    %get3A_40 = arith.constant 0 : index
    %get3A_41 = vector.load %arg6[%get3A_39, %get3A_40] : memref<768x24xf32, #tpu.memory_space<vmem>>, vector<768x24xf32>
    %dot_general3A_42 = arith.constant dense<0.000000e+00> : vector<256x24xf32>
    %dot_general3A_43 = tpu.matmul %add3A_36, %get3A_41, %dot_general3A_42 {dimension_numbers = #tpu.dot_dimension_numbers<[1], [0], [0], [1], [0, 0, 1, 1], [], []>, transpose_lhs_hint = false} : vector<256x768xf32>, vector<768x24xf32>, vector<256x24xf32> -> vector<256x24xf32>
    %reduce_max3A = arith.constant dense<0xFF800000> : vector<256xf32>
    %reduce_max3A_44 = vector.multi_reduction <maximumf>, %dot_general3A_43, %reduce_max3A [1] : vector<256x24xf32> to vector<256xf32>
    %broadcast_in_dim3A_45 = vector.shape_cast %reduce_max3A_44 : vector<256xf32> to vector<256x1xf32>
    %sub3A_46 = vector.broadcast %broadcast_in_dim3A_45 : vector<256x1xf32> to vector<256x24xf32>
    %sub3A_47 = arith.subf %dot_general3A_43, %sub3A_46 : vector<256x24xf32>
    %exp3A = math.exp %sub3A_47 : vector<256x24xf32>
    %reduce_sum3A_48 = arith.constant dense<0.000000e+00> : vector<256xf32>
    %reduce_sum3A_49 = vector.multi_reduction <add>, %exp3A, %reduce_sum3A_48 [1] : vector<256x24xf32> to vector<256xf32>
    %broadcast_in_dim3A_50 = vector.shape_cast %reduce_sum3A_49 : vector<256xf32> to vector<256x1xf32>
    %div3A_51 = vector.broadcast %broadcast_in_dim3A_50 : vector<256x1xf32> to vector<256x24xf32>
    %div3A_52 = arith.divf %exp3A, %div3A_51 : vector<256x24xf32>
    %iota3A = tpu.iota {dimensions = array<i32: 1>} : vector<256x24xi32>
    %reduce_max3A_53 = arith.constant dense<0xFF800000> : vector<256xf32>
    %reduce_max3A_54 = vector.multi_reduction <maximumf>, %div3A_52, %reduce_max3A_53 [1] : vector<256x24xf32> to vector<256xf32>
    %broadcast_in_dim3A_55 = vector.shape_cast %reduce_max3A_54 : vector<256xf32> to vector<256x1xf32>
    %eq3A = vector.broadcast %broadcast_in_dim3A_55 : vector<256x1xf32> to vector<256x24xf32>
    %eq3A_56 = arith.cmpf oeq, %div3A_52, %eq3A : vector<256x24xf32>
    %jit3A = arith.constant 24 : i32
    %broadcast_in_dim3A_57 = vector.broadcast %jit3A : i32 to vector<256x24xi32>
    %select_n3A = arith.select %eq3A_56, %iota3A, %broadcast_in_dim3A_57 : vector<256x24xi1>, vector<256x24xi32>
    %reduce_min3A = arith.constant dense<2147483647> : vector<256xi32>
    %reduce_min3A_58 = vector.multi_reduction <minsi>, %select_n3A, %reduce_min3A [1] : vector<256x24xi32> to vector<256xi32>
    %broadcast_in_dim3A_59 = vector.shape_cast %reduce_min3A_58 : vector<256xi32> to vector<256x1xi32>
    %eq3A_60 = vector.broadcast %broadcast_in_dim3A_59 : vector<256x1xi32> to vector<256x24xi32>
    %eq3A_61 = arith.cmpi eq, %iota3A, %eq3A_60 : vector<256x24xi32>
    %jit3A_62 = arith.constant -1.000000e+00 : f32
    %broadcast_in_dim3A_63 = vector.broadcast %jit3A_62 : f32 to vector<256x24xf32>
    %select_n3A_64 = arith.select %eq3A_61, %broadcast_in_dim3A_63, %div3A_52 : vector<256x24xi1>, vector<256x24xf32>
    %reduce_max3A_65 = arith.constant dense<0xFF800000> : vector<256xf32>
    %reduce_max3A_66 = vector.multi_reduction <maximumf>, %select_n3A_64, %reduce_max3A_65 [1] : vector<256x24xf32> to vector<256xf32>
    %broadcast_in_dim3A_67 = vector.shape_cast %reduce_max3A_66 : vector<256xf32> to vector<256x1xf32>
    %eq3A_68 = vector.broadcast %broadcast_in_dim3A_67 : vector<256x1xf32> to vector<256x24xf32>
    %eq3A_69 = arith.cmpf oeq, %select_n3A_64, %eq3A_68 : vector<256x24xf32>
    %jit3A_70 = arith.constant 24 : i32
    %broadcast_in_dim3A_71 = vector.broadcast %jit3A_70 : i32 to vector<256x24xi32>
    %select_n3A_72 = arith.select %eq3A_69, %iota3A, %broadcast_in_dim3A_71 : vector<256x24xi1>, vector<256x24xi32>
    %reduce_min3A_73 = arith.constant dense<2147483647> : vector<256xi32>
    %reduce_min3A_74 = vector.multi_reduction <minsi>, %select_n3A_72, %reduce_min3A_73 [1] : vector<256x24xi32> to vector<256xi32>
    %broadcast_in_dim3A_75 = vector.shape_cast %reduce_min3A_74 : vector<256xi32> to vector<256x1xi32>
    %add3A_76 = arith.addf %broadcast_in_dim3A_55, %broadcast_in_dim3A_67 : vector<256x1xf32>
    %swap3A_77 = arith.constant 0 : index
    %swap3A_78 = arith.constant 0 : index
    %swap3A_79 = vector.load %arg8[%swap3A_77, %swap3A_78] : memref<256x1xi32, #tpu.memory_space<vmem>>, vector<256x1xi32>
    tpu.vector_store %arg8[%swap3A_77, %swap3A_78], %broadcast_in_dim3A_59 {strides = array<i32>} : memref<256x1xi32, #tpu.memory_space<vmem>>, vector<256x1xi32>,
    %swap3A_80 = arith.constant 0 : index
    %swap3A_81 = arith.constant 0 : index
    %swap3A_82 = vector.load %arg9[%swap3A_80, %swap3A_81] : memref<256x1xi32, #tpu.memory_space<vmem>>, vector<256x1xi32>
    tpu.vector_store %arg9[%swap3A_80, %swap3A_81], %broadcast_in_dim3A_75 {strides = array<i32>} : memref<256x1xi32, #tpu.memory_space<vmem>>, vector<256x1xi32>,
    %div3A_83 = arith.divf %broadcast_in_dim3A_55, %add3A_76 : vector<256x1xf32>
    %swap3A_84 = arith.constant 0 : index
    %swap3A_85 = arith.constant 0 : index
    %swap3A_86 = vector.load %arg10[%swap3A_84, %swap3A_85] : memref<256x1xf32, #tpu.memory_space<vmem>>, vector<256x1xf32>
    tpu.vector_store %arg10[%swap3A_84, %swap3A_85], %div3A_83 {strides = array<i32>} : memref<256x1xf32, #tpu.memory_space<vmem>>, vector<256x1xf32>,
    %div3A_87 = arith.divf %broadcast_in_dim3A_67, %add3A_76 : vector<256x1xf32>
    %swap3A_88 = arith.constant 0 : index
    %swap3A_89 = arith.constant 0 : index
    %swap3A_90 = vector.load %arg11[%swap3A_88, %swap3A_89] : memref<256x1xf32, #tpu.memory_space<vmem>>, vector<256x1xf32>
    tpu.vector_store %arg11[%swap3A_88, %swap3A_89], %div3A_87 {strides = array<i32>} : memref<256x1xf32, #tpu.memory_space<vmem>>, vector<256x1xf32>,
    return
  }
  func.func @transform_0(%arg0: i32) -> (i32, i32) {
    %c0_i32 = arith.constant 0 : i32
    %c0_i32_0 = arith.constant 0 : i32
    return %arg0, %c0_i32 : i32, i32
  }
  func.func @transform_1(%arg0: i32) -> (i32, i32) {
    %c0_i32 = arith.constant 0 : i32
    %c0_i32_0 = arith.constant 0 : i32
    return %arg0, %c0_i32 : i32, i32
  }
  func.func @transform_2(%arg0: i32) -> (i32, i32) {
    %c0_i32 = arith.constant 0 : i32
    %c0_i32_0 = arith.constant 0 : i32
    %c0_i32_1 = arith.constant 0 : i32
    return %c0_i32, %c0_i32_0 : i32, i32
  }
  func.func @transform_3(%arg0: i32) -> (i32, i32) {
    %c0_i32 = arith.constant 0 : i32
    %c0_i32_0 = arith.constant 0 : i32
    %c0_i32_1 = arith.constant 0 : i32
    return %c0_i32, %c0_i32_0 : i32, i32
  }
  func.func @transform_4(%arg0: i32) -> (i32, i32) {
    %c0_i32 = arith.constant 0 : i32
    %c0_i32_0 = arith.constant 0 : i32
    %c0_i32_1 = arith.constant 0 : i32
    return %c0_i32, %c0_i32_0 : i32, i32
  }
  func.func @transform_5(%arg0: i32) -> (i32, i32) {
    %c0_i32 = arith.constant 0 : i32
    %c0_i32_0 = arith.constant 0 : i32
    %c0_i32_1 = arith.constant 0 : i32
    return %c0_i32, %c0_i32_0 : i32, i32
  }
  func.func @transform_6(%arg0: i32) -> (i32, i32) {
    %c0_i32 = arith.constant 0 : i32
    %c0_i32_0 = arith.constant 0 : i32
    return %arg0, %c0_i32 : i32, i32
  }
  func.func @transform_7(%arg0: i32) -> (i32, i32) {
    %c0_i32 = arith.constant 0 : i32
    %c0_i32_0 = arith.constant 0 : i32
    return %arg0, %c0_i32 : i32, i32
  }
  func.func @transform_8(%arg0: i32) -> (i32, i32) {
    %c0_i32 = arith.constant 0 : i32
    %c0_i32_0 = arith.constant 0 : i32
    return %arg0, %c0_i32 : i32, i32
  }
  func.func @transform_9(%arg0: i32) -> (i32, i32) {
    %c0_i32 = arith.constant 0 : i32
    %c0_i32_0 = arith.constant 0 : i32
    return %arg0, %c0_i32 : i32, i32
  }
  func.func @transform_10(%arg0: i32) -> (i32, i32) {
    %c0_i32 = arith.constant 0 : i32
    %c0_i32_0 = arith.constant 0 : i32
    return %arg0, %c0_i32 : i32, i32
  }
}

module attributes {stable_mosaic.version = 14 : i64} {
  func.func @_route_body(%arg0: i32, %arg1: memref<4096x1xi32, #tpu.memory_space<vmem>>, %arg2: memref<4096x1xi32, #tpu.memory_space<vmem>>, %arg3: memref<64x1xi32, #tpu.memory_space<vmem>>, %arg4: memref<64x1xi32, #tpu.memory_space<vmem>>) attributes {dimension_semantics = [#tpu.dimension_semantics<arbitrary>], iteration_bounds = array<i64: 1>, scalar_prefetch = 0 : i64, scratch_operands = 0 : i64, tpu.core_type = #tpu.core_type<tc>, window_params = [{pipeline_mode = #tpu.pipeline_mode<synchronous>, transform_indices = @transform_0, window_bounds = array<i64: 4096, 1>}, {pipeline_mode = #tpu.pipeline_mode<synchronous>, transform_indices = @transform_1, window_bounds = array<i64: 4096, 1>}, {pipeline_mode = #tpu.pipeline_mode<synchronous>, transform_indices = @transform_2, window_bounds = array<i64: 64, 1>}, {pipeline_mode = #tpu.pipeline_mode<synchronous>, transform_indices = @transform_3, window_bounds = array<i64: 64, 1>}]} {
    %get3A = arith.constant 0 : index
    %get3A_0 = arith.constant 0 : index
    %get3A_1 = vector.load %arg1[%get3A, %get3A_0] : memref<4096x1xi32, #tpu.memory_space<vmem>>, vector<4096x1xi32>
    %iota3A = tpu.iota {dimensions = array<i32: 1>} : vector<4096x24xi32>
    %eq3A = vector.broadcast %get3A_1 : vector<4096x1xi32> to vector<4096x24xi32>
    %eq3A_2 = arith.cmpi eq, %eq3A, %iota3A : vector<4096x24xi32>
    %convert_element_type3A = arith.extui %eq3A_2 : vector<4096x24xi1> to vector<4096x24xi32>
    %convert_element_type3A_3 = arith.sitofp %convert_element_type3A : vector<4096x24xi32> to vector<4096x24xf32>
    %reshape3A = vector.shape_cast %convert_element_type3A_3 : vector<4096x24xf32> to vector<32x128x24xf32>
    %iota3A_4 = tpu.iota {dimensions = array<i32: 0>} : vector<128x128xi32>
    %iota3A_5 = tpu.iota {dimensions = array<i32: 1>} : vector<128x128xi32>
    %lt3A = arith.cmpi slt, %iota3A_5, %iota3A_4 : vector<128x128xi32>
    %convert_element_type3A_6 = arith.extui %lt3A : vector<128x128xi1> to vector<128x128xi32>
    %convert_element_type3A_7 = arith.sitofp %convert_element_type3A_6 : vector<128x128xi32> to vector<128x128xf32>
    %broadcast_in_dim3A = vector.shape_cast %convert_element_type3A_7 : vector<128x128xf32> to vector<1x128x128xf32>
    %broadcast_in_dim3A_8 = vector.broadcast %broadcast_in_dim3A : vector<1x128x128xf32> to vector<32x128x128xf32>
    %dot_general3A = arith.constant dense<0.000000e+00> : vector<32x128x24xf32>
    %dot_general3A_9 = tpu.matmul %broadcast_in_dim3A_8, %reshape3A, %dot_general3A {dimension_numbers = #tpu.dot_dimension_numbers<[2], [1], [1], [2], [0, 0, 0, 1, 1, 2], [0], [0]>, transpose_lhs_hint = false} : vector<32x128x128xf32>, vector<32x128x24xf32>, vector<32x128x24xf32> -> vector<32x128x24xf32>
    %reduce_sum3A = arith.constant dense<0.000000e+00> : vector<32x24xf32>
    %reduce_sum3A_10 = vector.multi_reduction <add>, %reshape3A, %reduce_sum3A [1] : vector<32x128x24xf32> to vector<32x24xf32>
    %iota3A_11 = tpu.iota {dimensions = array<i32: 0>} : vector<32x32xi32>
    %iota3A_12 = tpu.iota {dimensions = array<i32: 1>} : vector<32x32xi32>
    %lt3A_13 = arith.cmpi slt, %iota3A_12, %iota3A_11 : vector<32x32xi32>
    %convert_element_type3A_14 = arith.extui %lt3A_13 : vector<32x32xi1> to vector<32x32xi32>
    %convert_element_type3A_15 = arith.sitofp %convert_element_type3A_14 : vector<32x32xi32> to vector<32x32xf32>
    %dot_general3A_16 = arith.constant dense<0.000000e+00> : vector<32x24xf32>
    %dot_general3A_17 = tpu.matmul %convert_element_type3A_15, %reduce_sum3A_10, %dot_general3A_16 {dimension_numbers = #tpu.dot_dimension_numbers<[1], [0], [0], [1], [0, 0, 1, 1], [], []>, transpose_lhs_hint = false} : vector<32x32xf32>, vector<32x24xf32>, vector<32x24xf32> -> vector<32x24xf32>
    %broadcast_in_dim3A_18 = vector.shape_cast %dot_general3A_17 : vector<32x24xf32> to vector<32x1x24xf32>
    %add3A = vector.broadcast %broadcast_in_dim3A_18 : vector<32x1x24xf32> to vector<32x128x24xf32>
    %add3A_19 = arith.addf %dot_general3A_9, %add3A : vector<32x128x24xf32>
    %reshape3A_20 = vector.shape_cast %add3A_19 : vector<32x128x24xf32> to vector<4096x24xf32>
    %reduce_sum3A_21 = arith.constant dense<0.000000e+00> : vector<24xf32>
    %reduce_sum3A_22 = vector.multi_reduction <add>, %reduce_sum3A_10, %reduce_sum3A_21 [0] : vector<32x24xf32> to vector<24xf32>
    %broadcast_in_dim3A_23 = vector.shape_cast %reduce_sum3A_22 : vector<24xf32> to vector<1x24xf32>
    %mul3A = arith.constant 7.812500e-03 : f32
    %mul3A_24 = vector.broadcast %mul3A : f32 to vector<1x24xf32>
    %mul3A_25 = arith.mulf %broadcast_in_dim3A_23, %mul3A_24 : vector<1x24xf32>
    %ceil3A = math.ceil %mul3A_25 : vector<1x24xf32>
    %mul3A_26 = arith.constant 1.280000e+02 : f32
    %mul3A_27 = vector.broadcast %mul3A_26 : f32 to vector<1x24xf32>
    %mul3A_28 = arith.mulf %ceil3A, %mul3A_27 : vector<1x24xf32>
    %iota3A_29 = tpu.iota {dimensions = array<i32: 0>} : vector<24x24xi32>
    %iota3A_30 = tpu.iota {dimensions = array<i32: 1>} : vector<24x24xi32>
    %lt3A_31 = arith.cmpi slt, %iota3A_29, %iota3A_30 : vector<24x24xi32>
    %convert_element_type3A_32 = arith.extui %lt3A_31 : vector<24x24xi1> to vector<24x24xi32>
    %convert_element_type3A_33 = arith.sitofp %convert_element_type3A_32 : vector<24x24xi32> to vector<24x24xf32>
    %dot_general3A_34 = arith.constant dense<0.000000e+00> : vector<1x24xf32>
    %dot_general3A_35 = tpu.matmul %mul3A_28, %convert_element_type3A_33, %dot_general3A_34 {dimension_numbers = #tpu.dot_dimension_numbers<[1], [0], [0], [1], [0, 0, 1, 1], [], []>, transpose_lhs_hint = false} : vector<1x24xf32>, vector<24x24xf32>, vector<1x24xf32> -> vector<1x24xf32>
    %add3A_36 = vector.broadcast %dot_general3A_35 : vector<1x24xf32> to vector<4096x24xf32>
    %add3A_37 = arith.addf %reshape3A_20, %add3A_36 : vector<4096x24xf32>
    %mul3A_38 = arith.mulf %add3A_37, %convert_element_type3A_3 : vector<4096x24xf32>
    %reduce_sum3A_39 = arith.constant dense<0.000000e+00> : vector<4096xf32>
    %reduce_sum3A_40 = vector.multi_reduction <add>, %mul3A_38, %reduce_sum3A_39 [1] : vector<4096x24xf32> to vector<4096xf32>
    %broadcast_in_dim3A_41 = vector.shape_cast %reduce_sum3A_40 : vector<4096xf32> to vector<4096x1xf32>
    %convert_element_type3A_42 = arith.fptosi %broadcast_in_dim3A_41 : vector<4096x1xf32> to vector<4096x1xi32>
    %swap3A = arith.constant 0 : index
    %swap3A_43 = arith.constant 0 : index
    %swap3A_44 = vector.load %arg2[%swap3A, %swap3A_43] : memref<4096x1xi32, #tpu.memory_space<vmem>>, vector<4096x1xi32>
    tpu.vector_store %arg2[%swap3A, %swap3A_43], %convert_element_type3A_42 {strides = array<i32>} : memref<4096x1xi32, #tpu.memory_space<vmem>>, vector<4096x1xi32>,
    %add3A_45 = arith.addf %dot_general3A_35, %mul3A_28 : vector<1x24xf32>
    %reduce_sum3A_46 = arith.constant dense<0.000000e+00> : vector<1xf32>
    %reduce_sum3A_47 = vector.multi_reduction <add>, %mul3A_28, %reduce_sum3A_46 [1] : vector<1x24xf32> to vector<1xf32>
    %broadcast_in_dim3A_48 = vector.shape_cast %reduce_sum3A_47 : vector<1xf32> to vector<1x1xf32>
    %iota3A_49 = tpu.iota {dimensions = array<i32: 0>} : vector<64x24xi32>
    %convert_element_type3A_50 = arith.sitofp %iota3A_49 : vector<64x24xi32> to vector<64x24xf32>
    %mul3A_51 = arith.constant 1.280000e+02 : f32
    %mul3A_52 = vector.broadcast %mul3A_51 : f32 to vector<64x24xf32>
    %mul3A_53 = arith.mulf %convert_element_type3A_50, %mul3A_52 : vector<64x24xf32>
    %sub3A = arith.constant 1.280000e+02 : f32
    %sub3A_54 = vector.broadcast %sub3A : f32 to vector<1x1xf32>
    %sub3A_55 = arith.subf %broadcast_in_dim3A_48, %sub3A_54 : vector<1x1xf32>
    %min3A = vector.broadcast %sub3A_55 : vector<1x1xf32> to vector<64x24xf32>
    %min3A_56 = arith.minimumf %mul3A_53, %min3A : vector<64x24xf32>
    %le3A = vector.broadcast %add3A_45 : vector<1x24xf32> to vector<64x24xf32>
    %le3A_57 = arith.cmpf ole, %le3A, %min3A_56 : vector<64x24xf32>
    %convert_element_type3A_58 = arith.extui %le3A_57 : vector<64x24xi1> to vector<64x24xi32>
    %convert_element_type3A_59 = arith.sitofp %convert_element_type3A_58 : vector<64x24xi32> to vector<64x24xf32>
    %reduce_sum3A_60 = arith.constant dense<0.000000e+00> : vector<64xf32>
    %reduce_sum3A_61 = vector.multi_reduction <add>, %convert_element_type3A_59, %reduce_sum3A_60 [1] : vector<64x24xf32> to vector<64xf32>
    %broadcast_in_dim3A_62 = vector.shape_cast %reduce_sum3A_61 : vector<64xf32> to vector<64x1xf32>
    %convert_element_type3A_63 = arith.fptosi %broadcast_in_dim3A_62 : vector<64x1xf32> to vector<64x1xi32>
    %swap3A_64 = arith.constant 0 : index
    %swap3A_65 = arith.constant 0 : index
    %swap3A_66 = vector.load %arg3[%swap3A_64, %swap3A_65] : memref<64x1xi32, #tpu.memory_space<vmem>>, vector<64x1xi32>
    tpu.vector_store %arg3[%swap3A_64, %swap3A_65], %convert_element_type3A_63 {strides = array<i32>} : memref<64x1xi32, #tpu.memory_space<vmem>>, vector<64x1xi32>,
    %iota3A_67 = tpu.iota {dimensions = array<i32: 1>} : vector<64x24xi32>
    %convert_element_type3A_68 = arith.sitofp %iota3A_67 : vector<64x24xi32> to vector<64x24xf32>
    %eq3A_69 = vector.broadcast %broadcast_in_dim3A_62 : vector<64x1xf32> to vector<64x24xf32>
    %eq3A_70 = arith.cmpf oeq, %convert_element_type3A_68, %eq3A_69 : vector<64x24xf32>
    %convert_element_type3A_71 = arith.extui %eq3A_70 : vector<64x24xi1> to vector<64x24xi32>
    %convert_element_type3A_72 = arith.sitofp %convert_element_type3A_71 : vector<64x24xi32> to vector<64x24xf32>
    %mul3A_73 = vector.broadcast %broadcast_in_dim3A_23 : vector<1x24xf32> to vector<64x24xf32>
    %mul3A_74 = arith.mulf %convert_element_type3A_72, %mul3A_73 : vector<64x24xf32>
    %reduce_sum3A_75 = arith.constant dense<0.000000e+00> : vector<64xf32>
    %reduce_sum3A_76 = vector.multi_reduction <add>, %mul3A_74, %reduce_sum3A_75 [1] : vector<64x24xf32> to vector<64xf32>
    %broadcast_in_dim3A_77 = vector.shape_cast %reduce_sum3A_76 : vector<64xf32> to vector<64x1xf32>
    %convert_element_type3A_78 = arith.extui %eq3A_70 : vector<64x24xi1> to vector<64x24xi32>
    %convert_element_type3A_79 = arith.sitofp %convert_element_type3A_78 : vector<64x24xi32> to vector<64x24xf32>
    %mul3A_80 = vector.broadcast %dot_general3A_35 : vector<1x24xf32> to vector<64x24xf32>
    %mul3A_81 = arith.mulf %convert_element_type3A_79, %mul3A_80 : vector<64x24xf32>
    %reduce_sum3A_82 = arith.constant dense<0.000000e+00> : vector<64xf32>
    %reduce_sum3A_83 = vector.multi_reduction <add>, %mul3A_81, %reduce_sum3A_82 [1] : vector<64x24xf32> to vector<64xf32>
    %broadcast_in_dim3A_84 = vector.shape_cast %reduce_sum3A_83 : vector<64xf32> to vector<64x1xf32>
    %slice3A = vector.extract_strided_slice %mul3A_53 {offsets = [0, 0], sizes = [64, 1], strides = [1, 1]} : vector<64x24xf32> to vector<64x1xf32>
    %sub3A_85 = arith.subf %slice3A, %broadcast_in_dim3A_84 : vector<64x1xf32>
    %sub3A_86 = arith.subf %broadcast_in_dim3A_77, %sub3A_85 : vector<64x1xf32>
    %jit3A = arith.constant 0.000000e+00 : f32
    %jit3A_87 = arith.constant 1.280000e+02 : f32
    %max3A = vector.broadcast %jit3A : f32 to vector<64x1xf32>
    %max3A_88 = arith.maximumf %max3A, %sub3A_86 : vector<64x1xf32>
    %min3A_89 = vector.broadcast %jit3A_87 : f32 to vector<64x1xf32>
    %min3A_90 = arith.minimumf %min3A_89, %max3A_88 : vector<64x1xf32>
    %convert_element_type3A_91 = arith.fptosi %min3A_90 : vector<64x1xf32> to vector<64x1xi32>
    %swap3A_92 = arith.constant 0 : index
    %swap3A_93 = arith.constant 0 : index
    %swap3A_94 = vector.load %arg4[%swap3A_92, %swap3A_93] : memref<64x1xi32, #tpu.memory_space<vmem>>, vector<64x1xi32>
    tpu.vector_store %arg4[%swap3A_92, %swap3A_93], %convert_element_type3A_91 {strides = array<i32>} : memref<64x1xi32, #tpu.memory_space<vmem>>, vector<64x1xi32>,
    return
  }
  func.func @transform_0(%arg0: i32) -> (i32, i32) {
    %c0_i32 = arith.constant 0 : i32
    %c0_i32_0 = arith.constant 0 : i32
    %c0_i32_1 = arith.constant 0 : i32
    return %c0_i32, %c0_i32_0 : i32, i32
  }
  func.func @transform_1(%arg0: i32) -> (i32, i32) {
    %c0_i32 = arith.constant 0 : i32
    %c0_i32_0 = arith.constant 0 : i32
    %c0_i32_1 = arith.constant 0 : i32
    return %c0_i32, %c0_i32_0 : i32, i32
  }
  func.func @transform_2(%arg0: i32) -> (i32, i32) {
    %c0_i32 = arith.constant 0 : i32
    %c0_i32_0 = arith.constant 0 : i32
    %c0_i32_1 = arith.constant 0 : i32
    return %c0_i32, %c0_i32_0 : i32, i32
  }
  func.func @transform_3(%arg0: i32) -> (i32, i32) {
    %c0_i32 = arith.constant 0 : i32
    %c0_i32_0 = arith.constant 0 : i32
    %c0_i32_1 = arith.constant 0 : i32
    return %c0_i32, %c0_i32_0 : i32, i32
  }
}

module attributes {stable_mosaic.version = 14 : i64} {
  func.func @_expert_mm_body(%arg0: i32, %arg1: memref<56xi32, #tpu.memory_space<smem>>, %arg2: memref<56xi32, #tpu.memory_space<smem>>, %arg3: memref<128x768xf32, #tpu.memory_space<vmem>>, %arg4: memref<1x768x1536xbf16, #tpu.memory_space<vmem>>, %arg5: memref<1x1x1536xf32, #tpu.memory_space<vmem>>, %arg6: memref<128x1536xf32, #tpu.memory_space<vmem>>) attributes {dimension_semantics = [#tpu.dimension_semantics<arbitrary>], iteration_bounds = array<i64: 56>, scalar_prefetch = 2 : i64, scratch_operands = 0 : i64, tpu.core_type = #tpu.core_type<tc>, window_params = [{transform_indices = @transform_0, window_bounds = array<i64: 128, 768>}, {transform_indices = @transform_1, window_bounds = array<i64: 1, 768, 1536>}, {transform_indices = @transform_2, window_bounds = array<i64: 1, 1, 1536>}, {transform_indices = @transform_3, window_bounds = array<i64: 128, 1536>}]} {
    %get3A = arith.index_cast %arg0 : i32 to index
    %get3A_0 = memref.load %arg2[%get3A] : memref<56xi32, #tpu.memory_space<smem>>
    %gt3A = arith.constant 0 : i32
    %gt3A_1 = arith.cmpi sgt, %get3A_0, %gt3A : i32
    %convert_element_type3A = arith.extui %gt3A_1 : i1 to i32
    %cond3A = arith.constant 0 : i32
    %cond3A_2 = arith.cmpi ne, %convert_element_type3A, %cond3A : i32
    scf.if %cond3A_2 {
      %get3A_3 = arith.constant 0 : index
      %get3A_4 = arith.constant 0 : index
      %get3A_5 = vector.load %arg3[%get3A_3, %get3A_4] : memref<128x768xf32, #tpu.memory_space<vmem>>, vector<128x768xf32>
      %convert_element_type3A_6 = arith.truncf %get3A_5 : vector<128x768xf32> to vector<128x768xbf16>
      %get3A_7 = arith.constant 0 : index
      %get3A_8 = arith.constant 0 : index
      %get3A_9 = arith.constant 0 : index
      %get3A_10 = vector.load %arg4[%get3A_7, %get3A_8, %get3A_9] : memref<1x768x1536xbf16, #tpu.memory_space<vmem>>, vector<1x768x1536xbf16>
      %get3A_11 = vector.shape_cast %get3A_10 : vector<1x768x1536xbf16> to vector<768x1536xbf16>
      %dot_general3A = arith.constant dense<0.000000e+00> : vector<128x1536xf32>
      %dot_general3A_12 = tpu.matmul %convert_element_type3A_6, %get3A_11, %dot_general3A {dimension_numbers = #tpu.dot_dimension_numbers<[1], [0], [0], [1], [0, 0, 1, 1], [], []>, transpose_lhs_hint = false} : vector<128x768xbf16>, vector<768x1536xbf16>, vector<128x1536xf32> -> vector<128x1536xf32>
      %get3A_13 = arith.constant 0 : index
      %get3A_14 = arith.constant 0 : index
      %get3A_15 = arith.constant 0 : index
      %get3A_16 = vector.load %arg5[%get3A_13, %get3A_14, %get3A_15] : memref<1x1x1536xf32, #tpu.memory_space<vmem>>, vector<1x1x1536xf32>
      %get3A_17 = vector.shape_cast %get3A_16 : vector<1x1x1536xf32> to vector<1x1536xf32>
      %add3A = vector.broadcast %get3A_17 : vector<1x1536xf32> to vector<128x1536xf32>
      %add3A_18 = arith.addf %dot_general3A_12, %add3A : vector<128x1536xf32>
      %swap3A = arith.constant 0 : index
      %swap3A_19 = arith.constant 0 : index
      %swap3A_20 = vector.load %arg6[%swap3A, %swap3A_19] : memref<128x1536xf32, #tpu.memory_space<vmem>>, vector<128x1536xf32>
      tpu.vector_store %arg6[%swap3A, %swap3A_19], %add3A_18 {strides = array<i32>} : memref<128x1536xf32, #tpu.memory_space<vmem>>, vector<128x1536xf32>,
    } else {
    }
    return
  }
  func.func @transform_0(%arg0: i32, %arg1: memref<56xi32, #tpu.memory_space<smem>>, %arg2: memref<56xi32, #tpu.memory_space<smem>>) -> (i32, i32) {
    %c0_i32 = arith.constant 0 : i32
    %c0_i32_0 = arith.constant 0 : i32
    return %arg0, %c0_i32 : i32, i32
  }
  func.func @transform_1(%arg0: i32, %arg1: memref<56xi32, #tpu.memory_space<smem>>, %arg2: memref<56xi32, #tpu.memory_space<smem>>) -> (i32, i32, i32) {
    %get3A = arith.index_cast %arg0 : i32 to index
    %get3A_0 = memref.load %arg1[%get3A] : memref<56xi32, #tpu.memory_space<smem>>
    %c0_i32 = arith.constant 0 : i32
    %c0_i32_1 = arith.constant 0 : i32
    %c0_i32_2 = arith.constant 0 : i32
    return %get3A_0, %c0_i32, %c0_i32_1 : i32, i32, i32
  }
  func.func @transform_2(%arg0: i32, %arg1: memref<56xi32, #tpu.memory_space<smem>>, %arg2: memref<56xi32, #tpu.memory_space<smem>>) -> (i32, i32, i32) {
    %get3A = arith.index_cast %arg0 : i32 to index
    %get3A_0 = memref.load %arg1[%get3A] : memref<56xi32, #tpu.memory_space<smem>>
    %c0_i32 = arith.constant 0 : i32
    %c0_i32_1 = arith.constant 0 : i32
    %c0_i32_2 = arith.constant 0 : i32
    return %get3A_0, %c0_i32, %c0_i32_1 : i32, i32, i32
  }
  func.func @transform_3(%arg0: i32, %arg1: memref<56xi32, #tpu.memory_space<smem>>, %arg2: memref<56xi32, #tpu.memory_space<smem>>) -> (i32, i32) {
    %c0_i32 = arith.constant 0 : i32
    %c0_i32_0 = arith.constant 0 : i32
    return %arg0, %c0_i32 : i32, i32
  }
}

module attributes {stable_mosaic.version = 14 : i64} {
  func.func @_mid_body(%arg0: i32, %arg1: memref<512x1536xf32, #tpu.memory_space<vmem>>, %arg2: memref<512x1536xf32, #tpu.memory_space<vmem>>, %arg3: memref<512x1xf32, #tpu.memory_space<vmem>>, %arg4: memref<512x1xf32, #tpu.memory_space<vmem>>, %arg5: memref<1x1x1536xf32, #tpu.memory_space<vmem>>, %arg6: memref<1x1x1536xf32, #tpu.memory_space<vmem>>, %arg7: memref<512x1536xf32, #tpu.memory_space<vmem>>) attributes {dimension_semantics = [#tpu.dimension_semantics<arbitrary>], iteration_bounds = array<i64: 4>, scalar_prefetch = 0 : i64, scratch_operands = 0 : i64, tpu.core_type = #tpu.core_type<tc>, window_params = [{transform_indices = @transform_0, window_bounds = array<i64: 512, 1536>}, {transform_indices = @transform_1, window_bounds = array<i64: 512, 1536>}, {transform_indices = @transform_2, window_bounds = array<i64: 512, 1>}, {transform_indices = @transform_3, window_bounds = array<i64: 512, 1>}, {transform_indices = @transform_4, window_bounds = array<i64: 1, 1, 1536>}, {transform_indices = @transform_5, window_bounds = array<i64: 1, 1, 1536>}, {transform_indices = @transform_6, window_bounds = array<i64: 512, 1536>}]} {
    %get3A = arith.constant 0 : index
    %get3A_0 = arith.constant 0 : index
    %get3A_1 = vector.load %arg3[%get3A, %get3A_0] : memref<512x1xf32, #tpu.memory_space<vmem>>, vector<512x1xf32>
    %get3A_2 = arith.constant 0 : index
    %get3A_3 = arith.constant 0 : index
    %get3A_4 = vector.load %arg1[%get3A_2, %get3A_3] : memref<512x1536xf32, #tpu.memory_space<vmem>>, vector<512x1536xf32>
    %mul3A = vector.broadcast %get3A_1 : vector<512x1xf32> to vector<512x1536xf32>
    %mul3A_5 = arith.mulf %mul3A, %get3A_4 : vector<512x1536xf32>
    %get3A_6 = arith.constant 0 : index
    %get3A_7 = arith.constant 0 : index
    %get3A_8 = vector.load %arg4[%get3A_6, %get3A_7] : memref<512x1xf32, #tpu.memory_space<vmem>>, vector<512x1xf32>
    %get3A_9 = arith.constant 0 : index
    %get3A_10 = arith.constant 0 : index
    %get3A_11 = vector.load %arg2[%get3A_9, %get3A_10] : memref<512x1536xf32, #tpu.memory_space<vmem>>, vector<512x1536xf32>
    %mul3A_12 = vector.broadcast %get3A_8 : vector<512x1xf32> to vector<512x1536xf32>
    %mul3A_13 = arith.mulf %mul3A_12, %get3A_11 : vector<512x1536xf32>
    %add3A = arith.addf %mul3A_5, %mul3A_13 : vector<512x1536xf32>
    %reduce_sum3A = arith.constant dense<0.000000e+00> : vector<512xf32>
    %reduce_sum3A_14 = vector.multi_reduction <add>, %add3A, %reduce_sum3A [1] : vector<512x1536xf32> to vector<512xf32>
    %broadcast_in_dim3A = vector.shape_cast %reduce_sum3A_14 : vector<512xf32> to vector<512x1xf32>
    %div3A = arith.constant 1.536000e+03 : f32
    %div3A_15 = vector.broadcast %div3A : f32 to vector<512x1xf32>
    %div3A_16 = arith.divf %broadcast_in_dim3A, %div3A_15 : vector<512x1xf32>
    %sub3A = vector.broadcast %div3A_16 : vector<512x1xf32> to vector<512x1536xf32>
    %sub3A_17 = arith.subf %add3A, %sub3A : vector<512x1536xf32>
    %integer_pow3A = arith.mulf %sub3A_17, %sub3A_17 : vector<512x1536xf32>
    %reduce_sum3A_18 = arith.constant dense<0.000000e+00> : vector<512xf32>
    %reduce_sum3A_19 = vector.multi_reduction <add>, %integer_pow3A, %reduce_sum3A_18 [1] : vector<512x1536xf32> to vector<512xf32>
    %broadcast_in_dim3A_20 = vector.shape_cast %reduce_sum3A_19 : vector<512xf32> to vector<512x1xf32>
    %div3A_21 = arith.constant 1.536000e+03 : f32
    %div3A_22 = vector.broadcast %div3A_21 : f32 to vector<512x1xf32>
    %div3A_23 = arith.divf %broadcast_in_dim3A_20, %div3A_22 : vector<512x1xf32>
    %sub3A_24 = vector.broadcast %div3A_16 : vector<512x1xf32> to vector<512x1536xf32>
    %sub3A_25 = arith.subf %add3A, %sub3A_24 : vector<512x1536xf32>
    %add3A_26 = arith.constant 9.99999997E-7 : f32
    %add3A_27 = vector.broadcast %add3A_26 : f32 to vector<512x1xf32>
    %add3A_28 = arith.addf %div3A_23, %add3A_27 : vector<512x1xf32>
    %sqrt3A = math.sqrt %add3A_28 : vector<512x1xf32>
    %div3A_29 = vector.broadcast %sqrt3A : vector<512x1xf32> to vector<512x1536xf32>
    %div3A_30 = arith.divf %sub3A_25, %div3A_29 : vector<512x1536xf32>
    %get3A_31 = arith.constant 0 : index
    %get3A_32 = arith.constant 0 : index
    %get3A_33 = arith.constant 0 : index
    %get3A_34 = vector.load %arg5[%get3A_31, %get3A_32, %get3A_33] : memref<1x1x1536xf32, #tpu.memory_space<vmem>>, vector<1x1x1536xf32>
    %get3A_35 = vector.shape_cast %get3A_34 : vector<1x1x1536xf32> to vector<1x1536xf32>
    %mul3A_36 = vector.broadcast %get3A_35 : vector<1x1536xf32> to vector<512x1536xf32>
    %mul3A_37 = arith.mulf %div3A_30, %mul3A_36 : vector<512x1536xf32>
    %get3A_38 = arith.constant 0 : index
    %get3A_39 = arith.constant 0 : index
    %get3A_40 = arith.constant 0 : index
    %get3A_41 = vector.load %arg6[%get3A_38, %get3A_39, %get3A_40] : memref<1x1x1536xf32, #tpu.memory_space<vmem>>, vector<1x1x1536xf32>
    %get3A_42 = vector.shape_cast %get3A_41 : vector<1x1x1536xf32> to vector<1x1536xf32>
    %add3A_43 = vector.broadcast %get3A_42 : vector<1x1536xf32> to vector<512x1536xf32>
    %add3A_44 = arith.addf %mul3A_37, %add3A_43 : vector<512x1536xf32>
    %max3A = arith.constant 0.000000e+00 : f32
    %max3A_45 = vector.broadcast %max3A : f32 to vector<512x1536xf32>
    %max3A_46 = arith.maximumf %add3A_44, %max3A_45 : vector<512x1536xf32>
    %swap3A = arith.constant 0 : index
    %swap3A_47 = arith.constant 0 : index
    %swap3A_48 = vector.load %arg7[%swap3A, %swap3A_47] : memref<512x1536xf32, #tpu.memory_space<vmem>>, vector<512x1536xf32>
    tpu.vector_store %arg7[%swap3A, %swap3A_47], %max3A_46 {strides = array<i32>} : memref<512x1536xf32, #tpu.memory_space<vmem>>, vector<512x1536xf32>,
    return
  }
  func.func @transform_0(%arg0: i32) -> (i32, i32) {
    %c0_i32 = arith.constant 0 : i32
    %c0_i32_0 = arith.constant 0 : i32
    return %arg0, %c0_i32 : i32, i32
  }
  func.func @transform_1(%arg0: i32) -> (i32, i32) {
    %c0_i32 = arith.constant 0 : i32
    %c0_i32_0 = arith.constant 0 : i32
    return %arg0, %c0_i32 : i32, i32
  }
  func.func @transform_2(%arg0: i32) -> (i32, i32) {
    %c0_i32 = arith.constant 0 : i32
    %c0_i32_0 = arith.constant 0 : i32
    return %arg0, %c0_i32 : i32, i32
  }
  func.func @transform_3(%arg0: i32) -> (i32, i32) {
    %c0_i32 = arith.constant 0 : i32
    %c0_i32_0 = arith.constant 0 : i32
    return %arg0, %c0_i32 : i32, i32
  }
  func.func @transform_4(%arg0: i32) -> (i32, i32, i32) {
    %c0_i32 = arith.constant 0 : i32
    %c0_i32_0 = arith.constant 0 : i32
    %c0_i32_1 = arith.constant 0 : i32
    return %arg0, %c0_i32, %c0_i32_0 : i32, i32, i32
  }
  func.func @transform_5(%arg0: i32) -> (i32, i32, i32) {
    %c0_i32 = arith.constant 0 : i32
    %c0_i32_0 = arith.constant 0 : i32
    %c0_i32_1 = arith.constant 0 : i32
    return %arg0, %c0_i32, %c0_i32_0 : i32, i32, i32
  }
  func.func @transform_6(%arg0: i32) -> (i32, i32) {
    %c0_i32 = arith.constant 0 : i32
    %c0_i32_0 = arith.constant 0 : i32
    return %arg0, %c0_i32 : i32, i32
  }
}

module attributes {stable_mosaic.version = 14 : i64} {
  func.func @_expert_mm_body(%arg0: i32, %arg1: memref<56xi32, #tpu.memory_space<smem>>, %arg2: memref<56xi32, #tpu.memory_space<smem>>, %arg3: memref<128x1536xf32, #tpu.memory_space<vmem>>, %arg4: memref<1x1536x768xbf16, #tpu.memory_space<vmem>>, %arg5: memref<1x1x768xf32, #tpu.memory_space<vmem>>, %arg6: memref<128x768xf32, #tpu.memory_space<vmem>>) attributes {dimension_semantics = [#tpu.dimension_semantics<arbitrary>], iteration_bounds = array<i64: 56>, scalar_prefetch = 2 : i64, scratch_operands = 0 : i64, tpu.core_type = #tpu.core_type<tc>, window_params = [{transform_indices = @transform_0, window_bounds = array<i64: 128, 1536>}, {transform_indices = @transform_1, window_bounds = array<i64: 1, 1536, 768>}, {transform_indices = @transform_2, window_bounds = array<i64: 1, 1, 768>}, {transform_indices = @transform_3, window_bounds = array<i64: 128, 768>}]} {
    %get3A = arith.index_cast %arg0 : i32 to index
    %get3A_0 = memref.load %arg2[%get3A] : memref<56xi32, #tpu.memory_space<smem>>
    %gt3A = arith.constant 0 : i32
    %gt3A_1 = arith.cmpi sgt, %get3A_0, %gt3A : i32
    %convert_element_type3A = arith.extui %gt3A_1 : i1 to i32
    %cond3A = arith.constant 0 : i32
    %cond3A_2 = arith.cmpi ne, %convert_element_type3A, %cond3A : i32
    scf.if %cond3A_2 {
      %get3A_3 = arith.constant 0 : index
      %get3A_4 = arith.constant 0 : index
      %get3A_5 = vector.load %arg3[%get3A_3, %get3A_4] : memref<128x1536xf32, #tpu.memory_space<vmem>>, vector<128x1536xf32>
      %convert_element_type3A_6 = arith.truncf %get3A_5 : vector<128x1536xf32> to vector<128x1536xbf16>
      %get3A_7 = arith.constant 0 : index
      %get3A_8 = arith.constant 0 : index
      %get3A_9 = arith.constant 0 : index
      %get3A_10 = vector.load %arg4[%get3A_7, %get3A_8, %get3A_9] : memref<1x1536x768xbf16, #tpu.memory_space<vmem>>, vector<1x1536x768xbf16>
      %get3A_11 = vector.shape_cast %get3A_10 : vector<1x1536x768xbf16> to vector<1536x768xbf16>
      %dot_general3A = arith.constant dense<0.000000e+00> : vector<128x768xf32>
      %dot_general3A_12 = tpu.matmul %convert_element_type3A_6, %get3A_11, %dot_general3A {dimension_numbers = #tpu.dot_dimension_numbers<[1], [0], [0], [1], [0, 0, 1, 1], [], []>, transpose_lhs_hint = false} : vector<128x1536xbf16>, vector<1536x768xbf16>, vector<128x768xf32> -> vector<128x768xf32>
      %get3A_13 = arith.constant 0 : index
      %get3A_14 = arith.constant 0 : index
      %get3A_15 = arith.constant 0 : index
      %get3A_16 = vector.load %arg5[%get3A_13, %get3A_14, %get3A_15] : memref<1x1x768xf32, #tpu.memory_space<vmem>>, vector<1x1x768xf32>
      %get3A_17 = vector.shape_cast %get3A_16 : vector<1x1x768xf32> to vector<1x768xf32>
      %add3A = vector.broadcast %get3A_17 : vector<1x768xf32> to vector<128x768xf32>
      %add3A_18 = arith.addf %dot_general3A_12, %add3A : vector<128x768xf32>
      %swap3A = arith.constant 0 : index
      %swap3A_19 = arith.constant 0 : index
      %swap3A_20 = vector.load %arg6[%swap3A, %swap3A_19] : memref<128x768xf32, #tpu.memory_space<vmem>>, vector<128x768xf32>
      tpu.vector_store %arg6[%swap3A, %swap3A_19], %add3A_18 {strides = array<i32>} : memref<128x768xf32, #tpu.memory_space<vmem>>, vector<128x768xf32>,
    } else {
    }
    return
  }
  func.func @transform_0(%arg0: i32, %arg1: memref<56xi32, #tpu.memory_space<smem>>, %arg2: memref<56xi32, #tpu.memory_space<smem>>) -> (i32, i32) {
    %c0_i32 = arith.constant 0 : i32
    %c0_i32_0 = arith.constant 0 : i32
    return %arg0, %c0_i32 : i32, i32
  }
  func.func @transform_1(%arg0: i32, %arg1: memref<56xi32, #tpu.memory_space<smem>>, %arg2: memref<56xi32, #tpu.memory_space<smem>>) -> (i32, i32, i32) {
    %get3A = arith.index_cast %arg0 : i32 to index
    %get3A_0 = memref.load %arg1[%get3A] : memref<56xi32, #tpu.memory_space<smem>>
    %c0_i32 = arith.constant 0 : i32
    %c0_i32_1 = arith.constant 0 : i32
    %c0_i32_2 = arith.constant 0 : i32
    return %get3A_0, %c0_i32, %c0_i32_1 : i32, i32, i32
  }
  func.func @transform_2(%arg0: i32, %arg1: memref<56xi32, #tpu.memory_space<smem>>, %arg2: memref<56xi32, #tpu.memory_space<smem>>) -> (i32, i32, i32) {
    %get3A = arith.index_cast %arg0 : i32 to index
    %get3A_0 = memref.load %arg1[%get3A] : memref<56xi32, #tpu.memory_space<smem>>
    %c0_i32 = arith.constant 0 : i32
    %c0_i32_1 = arith.constant 0 : i32
    %c0_i32_2 = arith.constant 0 : i32
    return %get3A_0, %c0_i32, %c0_i32_1 : i32, i32, i32
  }
  func.func @transform_3(%arg0: i32, %arg1: memref<56xi32, #tpu.memory_space<smem>>, %arg2: memref<56xi32, #tpu.memory_space<smem>>) -> (i32, i32) {
    %c0_i32 = arith.constant 0 : i32
    %c0_i32_0 = arith.constant 0 : i32
    return %arg0, %c0_i32 : i32, i32
  }
}

module attributes {stable_mosaic.version = 14 : i64} {
  func.func @_final_body(%arg0: i32, %arg1: memref<512x768xf32, #tpu.memory_space<vmem>>, %arg2: memref<512x768xf32, #tpu.memory_space<vmem>>, %arg3: memref<512x1xf32, #tpu.memory_space<vmem>>, %arg4: memref<512x1xf32, #tpu.memory_space<vmem>>, %arg5: memref<512x768xf32, #tpu.memory_space<vmem>>, %arg6: memref<1x768xf32, #tpu.memory_space<vmem>>, %arg7: memref<1x768xf32, #tpu.memory_space<vmem>>, %arg8: memref<512x768xf32, #tpu.memory_space<vmem>>) attributes {dimension_semantics = [#tpu.dimension_semantics<arbitrary>], iteration_bounds = array<i64: 4>, scalar_prefetch = 0 : i64, scratch_operands = 0 : i64, tpu.core_type = #tpu.core_type<tc>, window_params = [{transform_indices = @transform_0, window_bounds = array<i64: 512, 768>}, {transform_indices = @transform_1, window_bounds = array<i64: 512, 768>}, {transform_indices = @transform_2, window_bounds = array<i64: 512, 1>}, {transform_indices = @transform_3, window_bounds = array<i64: 512, 1>}, {transform_indices = @transform_4, window_bounds = array<i64: 512, 768>}, {pipeline_mode = #tpu.pipeline_mode<synchronous>, transform_indices = @transform_5, window_bounds = array<i64: 1, 768>}, {pipeline_mode = #tpu.pipeline_mode<synchronous>, transform_indices = @transform_6, window_bounds = array<i64: 1, 768>}, {transform_indices = @transform_7, window_bounds = array<i64: 512, 768>}]} {
    %get3A = arith.constant 0 : index
    %get3A_0 = arith.constant 0 : index
    %get3A_1 = vector.load %arg3[%get3A, %get3A_0] : memref<512x1xf32, #tpu.memory_space<vmem>>, vector<512x1xf32>
    %get3A_2 = arith.constant 0 : index
    %get3A_3 = arith.constant 0 : index
    %get3A_4 = vector.load %arg1[%get3A_2, %get3A_3] : memref<512x768xf32, #tpu.memory_space<vmem>>, vector<512x768xf32>
    %mul3A = vector.broadcast %get3A_1 : vector<512x1xf32> to vector<512x768xf32>
    %mul3A_5 = arith.mulf %mul3A, %get3A_4 : vector<512x768xf32>
    %get3A_6 = arith.constant 0 : index
    %get3A_7 = arith.constant 0 : index
    %get3A_8 = vector.load %arg4[%get3A_6, %get3A_7] : memref<512x1xf32, #tpu.memory_space<vmem>>, vector<512x1xf32>
    %get3A_9 = arith.constant 0 : index
    %get3A_10 = arith.constant 0 : index
    %get3A_11 = vector.load %arg2[%get3A_9, %get3A_10] : memref<512x768xf32, #tpu.memory_space<vmem>>, vector<512x768xf32>
    %mul3A_12 = vector.broadcast %get3A_8 : vector<512x1xf32> to vector<512x768xf32>
    %mul3A_13 = arith.mulf %mul3A_12, %get3A_11 : vector<512x768xf32>
    %add3A = arith.addf %mul3A_5, %mul3A_13 : vector<512x768xf32>
    %get3A_14 = arith.constant 0 : index
    %get3A_15 = arith.constant 0 : index
    %get3A_16 = vector.load %arg5[%get3A_14, %get3A_15] : memref<512x768xf32, #tpu.memory_space<vmem>>, vector<512x768xf32>
    %add3A_17 = arith.addf %add3A, %get3A_16 : vector<512x768xf32>
    %reduce_sum3A = arith.constant dense<0.000000e+00> : vector<512xf32>
    %reduce_sum3A_18 = vector.multi_reduction <add>, %add3A_17, %reduce_sum3A [1] : vector<512x768xf32> to vector<512xf32>
    %broadcast_in_dim3A = vector.shape_cast %reduce_sum3A_18 : vector<512xf32> to vector<512x1xf32>
    %div3A = arith.constant 7.680000e+02 : f32
    %div3A_19 = vector.broadcast %div3A : f32 to vector<512x1xf32>
    %div3A_20 = arith.divf %broadcast_in_dim3A, %div3A_19 : vector<512x1xf32>
    %sub3A = vector.broadcast %div3A_20 : vector<512x1xf32> to vector<512x768xf32>
    %sub3A_21 = arith.subf %add3A_17, %sub3A : vector<512x768xf32>
    %integer_pow3A = arith.mulf %sub3A_21, %sub3A_21 : vector<512x768xf32>
    %reduce_sum3A_22 = arith.constant dense<0.000000e+00> : vector<512xf32>
    %reduce_sum3A_23 = vector.multi_reduction <add>, %integer_pow3A, %reduce_sum3A_22 [1] : vector<512x768xf32> to vector<512xf32>
    %broadcast_in_dim3A_24 = vector.shape_cast %reduce_sum3A_23 : vector<512xf32> to vector<512x1xf32>
    %div3A_25 = arith.constant 7.680000e+02 : f32
    %div3A_26 = vector.broadcast %div3A_25 : f32 to vector<512x1xf32>
    %div3A_27 = arith.divf %broadcast_in_dim3A_24, %div3A_26 : vector<512x1xf32>
    %sub3A_28 = vector.broadcast %div3A_20 : vector<512x1xf32> to vector<512x768xf32>
    %sub3A_29 = arith.subf %add3A_17, %sub3A_28 : vector<512x768xf32>
    %add3A_30 = arith.constant 9.99999997E-7 : f32
    %add3A_31 = vector.broadcast %add3A_30 : f32 to vector<512x1xf32>
    %add3A_32 = arith.addf %div3A_27, %add3A_31 : vector<512x1xf32>
    %sqrt3A = math.sqrt %add3A_32 : vector<512x1xf32>
    %div3A_33 = vector.broadcast %sqrt3A : vector<512x1xf32> to vector<512x768xf32>
    %div3A_34 = arith.divf %sub3A_29, %div3A_33 : vector<512x768xf32>
    %get3A_35 = arith.constant 0 : index
    %get3A_36 = arith.constant 0 : index
    %get3A_37 = vector.load %arg6[%get3A_35, %get3A_36] : memref<1x768xf32, #tpu.memory_space<vmem>>, vector<1x768xf32>
    %mul3A_38 = vector.broadcast %get3A_37 : vector<1x768xf32> to vector<512x768xf32>
    %mul3A_39 = arith.mulf %div3A_34, %mul3A_38 : vector<512x768xf32>
    %get3A_40 = arith.constant 0 : index
    %get3A_41 = arith.constant 0 : index
    %get3A_42 = vector.load %arg7[%get3A_40, %get3A_41] : memref<1x768xf32, #tpu.memory_space<vmem>>, vector<1x768xf32>
    %add3A_43 = vector.broadcast %get3A_42 : vector<1x768xf32> to vector<512x768xf32>
    %add3A_44 = arith.addf %mul3A_39, %add3A_43 : vector<512x768xf32>
    %swap3A = arith.constant 0 : index
    %swap3A_45 = arith.constant 0 : index
    %swap3A_46 = vector.load %arg8[%swap3A, %swap3A_45] : memref<512x768xf32, #tpu.memory_space<vmem>>, vector<512x768xf32>
    tpu.vector_store %arg8[%swap3A, %swap3A_45], %add3A_44 {strides = array<i32>} : memref<512x768xf32, #tpu.memory_space<vmem>>, vector<512x768xf32>,
    return
  }
  func.func @transform_0(%arg0: i32) -> (i32, i32) {
    %c0_i32 = arith.constant 0 : i32
    %c0_i32_0 = arith.constant 0 : i32
    return %arg0, %c0_i32 : i32, i32
  }
  func.func @transform_1(%arg0: i32) -> (i32, i32) {
    %c0_i32 = arith.constant 0 : i32
    %c0_i32_0 = arith.constant 0 : i32
    return %arg0, %c0_i32 : i32, i32
  }
  func.func @transform_2(%arg0: i32) -> (i32, i32) {
    %c0_i32 = arith.constant 0 : i32
    %c0_i32_0 = arith.constant 0 : i32
    return %arg0, %c0_i32 : i32, i32
  }
  func.func @transform_3(%arg0: i32) -> (i32, i32) {
    %c0_i32 = arith.constant 0 : i32
    %c0_i32_0 = arith.constant 0 : i32
    return %arg0, %c0_i32 : i32, i32
  }
  func.func @transform_4(%arg0: i32) -> (i32, i32) {
    %c0_i32 = arith.constant 0 : i32
    %c0_i32_0 = arith.constant 0 : i32
    return %arg0, %c0_i32 : i32, i32
  }
  func.func @transform_5(%arg0: i32) -> (i32, i32) {
    %c0_i32 = arith.constant 0 : i32
    %c0_i32_0 = arith.constant 0 : i32
    %c0_i32_1 = arith.constant 0 : i32
    return %c0_i32, %c0_i32_0 : i32, i32
  }
  func.func @transform_6(%arg0: i32) -> (i32, i32) {
    %c0_i32 = arith.constant 0 : i32
    %c0_i32_0 = arith.constant 0 : i32
    %c0_i32_1 = arith.constant 0 : i32
    return %c0_i32, %c0_i32_0 : i32, i32
  }
  func.func @transform_7(%arg0: i32) -> (i32, i32) {
    %c0_i32 = arith.constant 0 : i32
    %c0_i32_0 = arith.constant 0 : i32
    return %arg0, %c0_i32 : i32, i32
  }
}

</mosaic_0001>

<sc_bundles>
// kernel: kernel.16.cloned.1.call-start
scs
__scs_entry_jumppad:
0x0: {  	(pc) =	sbr.rel $0x88, $3  }
0x1: {  	(tag) =	ssettag $0x0;
	lr =	simm.s32 $0x1  }
0x2: {  	[smem:$0x3F8B] =	sst lr;
	_ =	strace $0xD0000000  }
0x3: {  	_ = 	snop  }
0x4: {  	_ = 	snop  }
0x5: {  	_ = 	snop  }
0x6: {  	_ = 	snop  }
0x7: {  	_ = 	snop  }
__scs_overlays_trampoline_lowered:
0x8: {  	[smem:$0x3F9A] =	sst s0  }
0x9: {  	[smem:$0x3F9B] =	sst s1  }
0xa: {  	[smem:$0x3F9C] =	sst s2  }
0xb: {  	[smem:$0x3F9D] =	sst s3  }
0xc: {  	[smem:$0x3F9E] =	sst s4  }
0xd: {  	[smem:$0x3F9F] =	sst s5  }
0xe: {  	[smem:$0x3FA0] =	sst s6  }
0xf: {  	[smem:$0x3FA1] =	sst s7  }
0x10: {  	[smem:$0x3FA2] =	sst s8  }
0x11: {  	[smem:$0x3FA3] =	sst s9;
	s0 =	simm.s32 @!p0 $0x0  }
0x12: {  	s1 =	sld [smem:$0x3F89];
	s0 =	simm.s32 @p0 $0x1  }
0x13: {  	[smem:$0x3FA4] =	sst s0;
	s0 =	simm.s32 @!p1 $0x0  }
0x14: {  	s2 =	sld [smem:$0x3F88];
	s0 =	simm.s32 @p1 $0x1  }
0x15: {  	[smem:$0x3FA5] =	sst s0;
	s0 =	simm.s32 @!p2 $0x0  }
0x16: {  	s3 =	sld [smem:$0x3FDB];
	s0 =	simm.s32 @p2 $0x1  }
0x17: {  	s4 =	simm.s32 $0x1BF5;
	[smem:$0x3FA7] =	sst s0  }
0x18: {  	s0 =	sld [smem:$0x3F8A];
	_ =	swait.ge [sflag:s4], $0x0  }
0x19: {  	s7 =	sld [smem:$0x3F8B]  }
0x1a: {  	s8 =	sadd.s32 $0xFFFFE003, lr  }
0x1b: {  	s9 =	sadd.s32 $0xFFFFFEF7, lr;
	s5 =	simm.s32 $0xFFFFFFFF;
	p2 =	slt.u32 s8, $0xFFFFF086  }
0x1c: {  	p1 =	slt.u32 s9, $0xF7A;
	s5 =	simm.s32 @!p2 $0x0  }
0x1d: {  	s5 =	simm.s32 @p1 $0x1;
	p0 =	seq.s32 s7, s2  }
0x1e: {  	s7 =	smul.u32 @!p0 $0xF7A, s2;
	p2 =	seq.s32 @!p0 s5, $0x0  }
0x1f: {  	s9 =	smul.u32 $0xF7A, s1;
	s8 =	simm.s32 @!p0 $0x1BF5;
	p2 =	por !p2, p0  }
0x20: {  	[sflag:s8] =	ssyncset.s32 @!p0 $0xFFFFF086;
	s6 =	sadd.s32 @!p0 s3, s7;
	s7 =	simm.s32 @!p0 $0x108  }
0x21: {  	s3 =	sadd.s32 s3, s9;
	s6 =	sadd.s32 @!p0 $0x88, s6;
	s7 =	simm.s32 @p2 $0x1082  }
0x22: {  	[simem:s7], [sflag:s8] =	dma.local @!p0 [hbm:s6], $0xF7A  }
0x23: {  	s9 =	sor.u32 $0xD0000000, s2;
	s6 =	simm.s32 $0x108;
	_ =	swait.ge @!p0 [sflag:s8], $0x0  }
0x24: {  	s3 =	sadd.s32 $0x88, s3;
	s6 =	simm.s32 @!p1 $0x1082;
	[sflag:s4] =	ssyncset.s32 $0xFFFFF086  }
0x25: {  	[simem:s6], [sflag:s4] =	dma.local [hbm:s3], $0xF7A  }
0x26: {  	[smem:$0x3F8B] =	sst s1;
	(tag) =	ssettag s2;
	_ =	strace s9  }
0x27: {  	s1 =	sld [smem:$0x3F9B]  }
0x28: {  	s2 =	sld [smem:$0x3F9C]  }
0x29: {  	s4 =	sld [smem:$0x3F9E]  }
0x2a: {  	p0 =	seq.s32 s5, $0x0;
	s5 =	sld [smem:$0x3F9F]  }
0x2b: {  	s6 =	sld [smem:$0x3FA0]  }
0x2c: {  	s7 =	sld [smem:$0x3FA1]  }
0x2d: {  	s3 =	simm.s32 $0x108;
	s8 =	sld [smem:$0x3FA2]  }
0x2e: {  	s3 =	simm.s32 @!p0 $0x1082;
	s9 =	sld [smem:$0x3FA3]  }
0x2f: {  	lr =	sadd.s32 s0, s3;
	s0 =	sld [smem:$0x3F9A]  }
0x30: {  	s3 =	sld [smem:$0x3F9D]  }
0x31: {  	[smem:$0x3FA6] =	sst s10  }
0x32: {  	s10 =	sld [smem:$0x3FA4];
	_ =	sdelay $0x3  }
0x33: {  	p0 =	seq.s32 s10, $0x1;
	s10 =	sld [smem:$0x3FA6];
	_ =	sdelay $0x3  }
0x34: {  	[smem:$0x3FA6] =	sst s10  }
0x35: {  	s10 =	sld [smem:$0x3FA5];
	_ =	sdelay $0x3  }
0x36: {  	p1 =	seq.s32 s10, $0x1;
	s10 =	sld [smem:$0x3FA6];
	_ =	sdelay $0x3  }
0x37: {  	[smem:$0x3FA6] =	sst s10  }
0x38: {  	s10 =	sld [smem:$0x3FA7]  }
0x39: {  	_ = 	snop;
	(pc) =	sbr.ind lr, $3  }
0x3a: {  	_ = 	snop  }
0x3b: {  	_ = 	snop  }
0x3c: {  	p2 =	seq.s32 s10, $0x1;
	s10 =	sld [smem:$0x3FA6]  }
0x3d: {  	_ =	shalt  }
0x3e: {  	_ =	shalt  }
0x3f: {  	_ =	shalt  }
0x40: {  	_ =	shalt  }
0x41: {  	_ =	shalt  }
0x42: {  	_ =	shalt  }
0x43: {  	_ =	shalt  }
0x44: {  	_ =	shalt  }
0x45: {  	_ =	shalt  }
0x46: {  	_ =	shalt  }
0x47: {  	_ =	shalt  }
0x48: {  	_ =	shalt  }
0x49: {  	_ =	shalt  }
0x4a: {  	_ =	shalt  }
0x4b: {  	_ =	shalt  }
0x4c: {  	_ =	shalt  }
0x4d: {  	_ =	shalt  }
0x4e: {  	_ =	shalt  }
0x4f: {  	_ =	shalt  }
0x50: {  	_ =	shalt  }
0x51: {  	_ =	shalt  }
0x52: {  	_ =	shalt  }
0x53: {  	_ =	shalt  }
0x54: {  	_ =	shalt  }
0x55: {  	_ =	shalt  }
0x56: {  	_ =	shalt  }
0x57: {  	_ =	shalt  }
0x58: {  	_ =	shalt  }
0x59: {  	_ =	shalt  }
0x5a: {  	_ =	shalt  }
0x5b: {  	_ =	shalt  }
0x5c: {  	_ =	shalt  }
0x5d: {  	_ =	shalt  }
0x5e: {  	_ =	shalt  }
0x5f: {  	_ =	shalt  }
0x60: {  	_ =	shalt  }
0x61: {  	_ =	shalt  }
0x62: {  	_ =	shalt  }
0x63: {  	_ =	shalt  }
0x64: {  	_ =	shalt  }
0x65: {  	_ =	shalt  }
0x66: {  	_ =	shalt  }
0x67: {  	_ =	shalt  }
0x68: {  	_ =	shalt  }
0x69: {  	_ =	shalt  }
0x6a: {  	_ =	shalt  }
0x6b: {  	_ =	shalt  }
0x6c: {  	_ =	shalt  }
0x6d: {  	_ =	shalt  }
0x6e: {  	_ =	shalt  }
0x6f: {  	_ =	shalt  }
0x70: {  	_ =	shalt  }
0x71: {  	_ =	shalt  }
0x72: {  	_ =	shalt  }
0x73: {  	_ =	shalt  }
0x74: {  	_ =	shalt  }
0x75: {  	_ =	shalt  }
0x76: {  	_ =	shalt  }
0x77: {  	_ =	shalt  }
0x78: {  	_ =	shalt  }
0x79: {  	_ =	shalt  }
0x7a: {  	_ =	shalt  }
0x7b: {  	_ =	shalt  }
0x7c: {  	_ =	shalt  }
0x7d: {  	_ =	shalt  }
0x7e: {  	_ =	shalt  }
0x7f: {  	_ =	shalt  }
0x80: {  	_ =	shalt  }
0x81: {  	_ =	shalt  }
0x82: {  	_ =	shalt  }
0x83: {  	_ =	shalt  }
0x84: {  	_ =	shalt  }
0x85: {  	_ =	shalt  }
0x86: {  	_ =	shalt  }
0x87: {  	_ =	shalt  }
.Lfunc_end0:
.L_simem_size_0:
called_computation_lowered:
.L_overlay_start_0:
0x88: {  	s2 =	sld [smem:$0x3FD9]  }
0x89: {  	s3 =	sld [smem:$0x3FFE];
	_ =	sdelay $0x1  }
0x8a: {  	s1 =	srdreg.scid  }
0x8b: {  	s0 =	sand.u32 $0x1, s1  }
0x8c: {  	s17 =	sshll.u32 s0, $0xA;
	s2 =	sadd.s32 s3, s2  }
0x8d: {  	s2 =	sadd.s32 s2, s17  }
0x8e: {  	[smem:$0x3FB2] =	sst s2  }
0x8f: {  	_ = 	snop  }
0x90: {  	s2 =	sld [smem:$0x3FD0];
	(tm) =	ssettm $0x1  }
0x91: {  	s18 =	sld [smem:$0x3FFB];
	_ =	sdelay $0x3  }
0x92: {  	_ =	strace s18  }
0x93: {  	s3 =	sld [smem:$0x3FFC];
	_ =	sdelay $0x3  }
0x94: {  	_ =	strace s3  }
0x95: {  	s3 =	sld [smem:$0x3FFD];
	_ =	sdelay $0x3  }
0x96: {  	_ =	strace s3  }
0x97: {  	_ =	strace $0x8FFFFFFF  }
0x98: {  	s19 =	sld [smem:$0x3FDB];
	_ =	sdelay $0x1  }
0x99: {  	s4 =	simm.s32 $_scs_section_size  }
0x9a: {  	s5 =	simm.s32 $_size__tile_overlayer_lowered;
	s6 =	simm.s32 $_tile_overlayer_lowered  }
0x9b: {  	s22 =	simm.s32 $0x1BFF;
	s21 =	sshll.u32 s6, $0x1;
	s3 =	sadd.s32 s4, s19  }
0x9c: {  	s7 =	simm.s32 $0x0;
	s20 =	sshll.u32 s5, $0x1;
	s5 =	sadd.s32 s21, s3  }
0x9d: {  	[timem:s7], [sflag:s22] =	dma.local [hbm:s5], s20  }
0x9e: {  	_ =	swait.ge [sflag:s22], s20  }
0x9f: {  	s4 =	ssub.s32 $0x0, s20;
	[sflag:s22] =	ssyncset.done $0x0  }
0xa0: {  	[sflag:s22] =	ssyncadd.s32 s4;
	_ =	sdelay $0x1  }
0xa1: {  	s23 =	simm.s32 $0x1B8B  }
0xa2: {  	_ =	swait.ge [sflag:s23], $0x1  }
0xa3: {  	[sflag:s23] =	ssyncset.done $0x0  }
0xa4: {  	s25 =	simm.s32 $0x1B8E;
	s24 =	sld [smem:$0x3FFE];
	[sflag:s23] =	ssyncadd.s32 $0xFFFFFFFF  }
0xa5: {  	s26 =	simm.s32 $execute0_lowered;
	[smem:$0x3FD2] =	sst s25  }
0xa6: {  	s5 =	sshll.u32 s26, $0x1;
	_ =	strace $0x80000046;
	[dreg:$0x1] =	wrdreg $0xFFFFFFFF  }
0xa7: {  	s28 =	simm.s32 $_size_execute0_lowered;
	s3 =	sadd.s32 s3, s5;
	[dreg:$0x0] =	wrdreg $0x0  }
0xa8: {  	s5 =	sshll.u32 s28, $0x1;
	[dreg:$0x2] =	wrdreg s3  }
0xa9: {  	[dreg:$0x3] =	wrdreg s5  }
0xaa: {  	[dreg:$0x4] =	wrdreg $0xC0  }
0xab: {  	_ =	task [dreg:s7], $0x5FFFF  }
0xac: {  	[dreg:$0x1] =	wrdreg $0xFFFFFFFF  }
0xad: {  	[dreg:$0x0] =	wrdreg $0x60  }
0xae: {  	[dreg:$0x2] =	wrdreg s2  }
0xaf: {  	[dreg:$0x3] =	wrdreg s24  }
0xb0: {  	[dreg:$0x4] =	wrdreg $0x9  }
0xb1: {  	_ =	task.clear_ibuf [dreg:s7], $0x5FFFF;
	_ =	strace $0x90000046  }
0xb2: {  	s29 =	simm.s32 $0x9;
	_ =	strace $0x80000048  }
0xb3: {  	_ =	swait.ge [sflag:s29], $0x1  }
0xb4: {  	[sflag:s29] =	ssyncadd.s32 $0xFFFFFFFF  }
0xb5: {  	_ =	strace $0x90000048  }
0xb6: {  	_ =	sfence  }
0xb7: {  	s30 =	sld [smem:$0x0];
	_ =	sdelay $0x2  }
0xb8: {  	s31 =	sshll.u32 s1, $0xD;
	s1 =	sshrl.u32 s1, $0x2  }
0xb9: {  	s3 =	sand.u32 $0x4000, s31;
	s1 =	sadd.s32 s1, s30  }
0xba: {  	s0 =	sor.u32 s3, s0;
	s1 =	sshll.u32 s1, $0x11  }
0xbb: {  	s0 =	sor.u32 s1, s0  }
0xbc: {  	s0 =	sadd.s32 $0x8F2B, s0  }
0xbd: {  	[sflag:s0] =	ssyncadd.remote.s32 $0x1  }
0xbe: {  	_ =	sfence.sel $0xFFFF  }
0xbf: {  	[dreg:$0x0] =	wrdreg $0xFFFFFFFF;
	(pc) =	sbr.abs _section_cstart, $3  }
0xc0: {  	[dreg:$0x1] =	wrdreg $0xFFFFFFFF  }
0xc1: {  	_ =	task.clear_ibuf [dreg:s7], $0x2FFFF;
	_ =	strace $0x9FFFFFFF  }
0xc2: {  	(tm) =	ssettm $0x7FFFFFFF  }
0xc3: {  	_ =	shalt  }
tec
execute0_lowered:
.L_overlay_start_1:
0x0: {  	(tag) =	ssettag $0x1  }
0x1: {  	s1 =	rddreg [dreg:$0x0]  }
0x2: {  	s0 =	rddreg [dreg:$0x1]  }
0x3: {  	s3 =	simm.s32 $0x0;
	s2 =	srdreg.scid;
	s4 =	stileid.u32  }
0x4: {  	[smem:$0x7FF] =	sst s3;
	s2 =	sand.u32 $0x1, s2;
	s8 =	sadd.s32 $0x5A00, s0  }
0x5: {  	s4 =	sshll.u32 s4, $0x5;
	s9 =	sadd.s32 $0x15C00, s0;
	s5 =	sshll.u32 s2, $0x4  }
0x6: {  	_ =	strace $0x80000047;
	s2 =	ssub.s32 $0x2, s2;
	s6 =	sor.u32 s5, s4  }
0x7: {  	s4 =	sadd.s32 $0x15E00, s0;
	s29 =	sshrl.u32 s2, $0x1;
	s5 =	sadd.s32 $0x100, s1  }
0x8: {  	s7 =	sadd.s32 s8, s6;
	s2 =	ssub.s32 s2, s29;
	s30 =	sadd.s32 s9, s6  }
0x9: {  	s10 =	sor.u32 $0x8, s6;
	s6 =	sadd.s32 $0x200, s1;
	[dreg:$0x3] =	wrdreg s7  }
0xa: {  	v2 =	vlaneseq.u32;
	[dreg:$0x4] =	wrdreg s30;
	s7 =	sadd.s32 $0x15F00, s0;
	s11 =	sadd.s32 s8, s10  }
0xb: {  	vm0 =	vmmov $0xffff;
	v1 =	vshrl.u32 v2, $0x3;
	s8 =	sadd.s32 $0x16000, s0;
	s31 =	sadd.s32 s9, s10;
	[dreg:$0x5] =	wrdreg s11  }
0xc: {  	v0 =	vand.u32 $0x7, v2;
	v2 =	vor.u32 $0x8, v2;
	v1 =	vmul.u32 $0x8, v1;
	s9 =	smax.u32 s2, $0x1;
	s10 =	simm.s32 $0x3;
	[dreg:$0x6] =	wrdreg s31  }
.LBB2_1:
0xd: {  	s16 =	rddreg [dreg:$0x3]  }
0xe: {  	[tilespmem:s3], [sflag:$0x3] =	stream.linear.gather [hbm4b:s16+s3], $0x40, $0x38;
	[tilespmem:$0xC100] =	vst v63  }
0xf: {  	_ =	swait.ge [sflag:s10], $0x40  }
0x10: {  	[sflag:s10] =	ssyncset.done $0x0  }
0x11: {  	s0 =	simm.s32 $0x80;
	s30 =	rddreg [dreg:$0x4];
	[sflag:s10] =	ssyncadd.s32 $0xFFFFFFC0  }
0x12: {  	[tilespmem:s0], [sflag:$0x3] =	stream.linear.gather [hbm4b:s30+s3], $0x40, $0x38;
	[tilespmem:$0xC100] =	vst v63  }
0x13: {  	_ =	swait.ge [sflag:s10], $0x40  }
0x14: {  	[sflag:s10] =	ssyncset.done $0x0  }
0x15: {  	[sflag:s10] =	ssyncadd.s32 $0xFFFFFFC0  }
0x16: {  	v3 =	vld [tilespmem:$0x0];
	_ =	sdelay $0x4  }
0x17: {  	v4 =	vshrl.u32 v3, $0x3  }
0x18: {  	v4 =	vmul.u32 $0x30, v4  }
0x19: {  	v3 =	vand.u32 $0x7, v3  }
0x1a: {  	v3 =	vor.u32 v3, v4  }
0x1b: {  	v4 =	vperm.xlane v3, v0;
	_ =	sdelay $0x1  }
0x1c: {  	v4 =	vadd.s32 v1, v4;
	_ =	sdelay $0x3  }
0x1d: {  	s31 =	simm.s32 $0x100;
	v3 =	vperm.xlane v3, v2  }
0x1e: {  	[tilespmem:s31], [sflag:$0x1] =	stream.indirect_vreg.gather [hbm4b:s1+s3], $0x80, v4, vm0, $0xb8;
	[tilespmem:$0xC100] =	vst v63  }
0x1f: {  	s2 =	simm.s32 $0x900;
	v3 =	vadd.s32 v1, v3  }
0x20: {  	[tilespmem:s2], [sflag:$0x1] =	stream.indirect_vreg.gather [hbm4b:s5+s3], $0x80, v4, vm0, $0xb8;
	[tilespmem:$0xC100] =	vst v63  }
0x21: {  	s11 =	simm.s32 $0x1100  }
0x22: {  	[tilespmem:s11], [sflag:$0x1] =	stream.indirect_vreg.gather [hbm4b:s6+s3], $0x80, v4, vm0, $0xb8;
	[tilespmem:$0xC100] =	vst v63  }
0x23: {  	s13 =	simm.s32 $0x1900  }
0x24: {  	[tilespmem:s13], [sflag:$0x1] =	stream.indirect_vreg.gather [hbm4b:s1+s3], $0x80, v3, vm0, $0xb8;
	[tilespmem:$0xC100] =	vst v63  }
0x25: {  	s14 =	simm.s32 $0x2100  }
0x26: {  	[tilespmem:s14], [sflag:$0x1] =	stream.indirect_vreg.gather [hbm4b:s5+s3], $0x80, v3, vm0, $0xb8;
	[tilespmem:$0xC100] =	vst v63  }
0x27: {  	s15 =	simm.s32 $0x2900  }
0x28: {  	[tilespmem:s15], [sflag:$0x1] =	stream.indirect_vreg.gather [hbm4b:s6+s3], $0x80, v3, vm0, $0xb8;
	[tilespmem:$0xC100] =	vst v63  }
0x29: {  	v3 =	vld [tilespmem:$0x10];
	_ =	sdelay $0x4  }
0x2a: {  	v49 =	vshrl.u32 v3, $0x3  }
0x2b: {  	v4 =	vmul.u32 $0x30, v49  }
0x2c: {  	v3 =	vand.u32 $0x7, v3  }
0x2d: {  	v3 =	vor.u32 v3, v4  }
0x2e: {  	v4 =	vperm.xlane v3, v0;
	_ =	sdelay $0x1  }
0x2f: {  	v4 =	vadd.s32 v1, v4;
	_ =	sdelay $0x3  }
0x30: {  	s16 =	simm.s32 $0x3100;
	v3 =	vperm.xlane v3, v2  }
0x31: {  	[tilespmem:s16], [sflag:$0x1] =	stream.indirect_vreg.gather [hbm4b:s1+s3], $0x80, v4, vm0, $0xb8;
	[tilespmem:$0xC100] =	vst v63  }
0x32: {  	s17 =	simm.s32 $0x3900;
	v3 =	vadd.s32 v1, v3  }
0x33: {  	[tilespmem:s17], [sflag:$0x1] =	stream.indirect_vreg.gather [hbm4b:s5+s3], $0x80, v4, vm0, $0xb8;
	[tilespmem:$0xC100] =	vst v63  }
0x34: {  	s18 =	simm.s32 $0x4100  }
0x35: {  	[tilespmem:s18], [sflag:$0x1] =	stream.indirect_vreg.gather [hbm4b:s6+s3], $0x80, v4, vm0, $0xb8;
	[tilespmem:$0xC100] =	vst v63  }
0x36: {  	s19 =	simm.s32 $0x4900  }
0x37: {  	[tilespmem:s19], [sflag:$0x1] =	stream.indirect_vreg.gather [hbm4b:s1+s3], $0x80, v3, vm0, $0xb8;
	[tilespmem:$0xC100] =	vst v63  }
0x38: {  	s24 =	simm.s32 $0x5100  }
0x39: {  	[tilespmem:s24], [sflag:$0x1] =	stream.indirect_vreg.gather [hbm4b:s5+s3], $0x80, v3, vm0, $0xb8;
	[tilespmem:$0xC100] =	vst v63  }
0x3a: {  	s25 =	simm.s32 $0x5900  }
0x3b: {  	[tilespmem:s25], [sflag:$0x1] =	stream.indirect_vreg.gather [hbm4b:s6+s3], $0x80, v3, vm0, $0xb8;
	[tilespmem:$0xC100] =	vst v63  }
0x3c: {  	v3 =	vld [tilespmem:$0x20];
	_ =	sdelay $0x4  }
0x3d: {  	v50 =	vshrl.u32 v3, $0x3  }
0x3e: {  	v4 =	vmul.u32 $0x30, v50  }
0x3f: {  	v3 =	vand.u32 $0x7, v3  }
0x40: {  	v3 =	vor.u32 v3, v4  }
0x41: {  	v4 =	vperm.xlane v3, v0;
	_ =	sdelay $0x1  }
0x42: {  	v4 =	vadd.s32 v1, v4;
	_ =	sdelay $0x3  }
0x43: {  	s31 =	simm.s32 $0x6100;
	v3 =	vperm.xlane v3, v2  }
0x44: {  	[tilespmem:s31], [sflag:$0x1] =	stream.indirect_vreg.gather [hbm4b:s1+s3], $0x80, v4, vm0, $0xb8;
	[tilespmem:$0xC100] =	vst v63  }
0x45: {  	s2 =	simm.s32 $0x6900;
	v3 =	vadd.s32 v1, v3  }
0x46: {  	[tilespmem:s2], [sflag:$0x1] =	stream.indirect_vreg.gather [hbm4b:s5+s3], $0x80, v4, vm0, $0xb8;
	[tilespmem:$0xC100] =	vst v63  }
0x47: {  	s11 =	simm.s32 $0x7100  }
0x48: {  	[tilespmem:s11], [sflag:$0x1] =	stream.indirect_vreg.gather [hbm4b:s6+s3], $0x80, v4, vm0, $0xb8;
	[tilespmem:$0xC100] =	vst v63  }
0x49: {  	s17 =	simm.s32 $0x7900  }
0x4a: {  	[tilespmem:s17], [sflag:$0x1] =	stream.indirect_vreg.gather [hbm4b:s1+s3], $0x80, v3, vm0, $0xb8;
	[tilespmem:$0xC100] =	vst v63  }
0x4b: {  	s18 =	simm.s32 $0x8100  }
0x4c: {  	[tilespmem:s18], [sflag:$0x1] =	stream.indirect_vreg.gather [hbm4b:s5+s3], $0x80, v3, vm0, $0xb8;
	[tilespmem:$0xC100] =	vst v63  }
0x4d: {  	s24 =	simm.s32 $0x8900  }
0x4e: {  	[tilespmem:s24], [sflag:$0x1] =	stream.indirect_vreg.gather [hbm4b:s6+s3], $0x80, v3, vm0, $0xb8;
	[tilespmem:$0xC100] =	vst v63  }
0x4f: {  	v3 =	vld [tilespmem:$0x30];
	_ =	sdelay $0x4  }
0x50: {  	v51 =	vshrl.u32 v3, $0x3  }
0x51: {  	v4 =	vmul.u32 $0x30, v51  }
0x52: {  	v3 =	vand.u32 $0x7, v3  }
0x53: {  	v3 =	vor.u32 v3, v4  }
0x54: {  	v4 =	vperm.xlane v3, v0;
	_ =	sdelay $0x1  }
0x55: {  	v4 =	vadd.s32 v1, v4;
	_ =	sdelay $0x3  }
0x56: {  	s25 =	simm.s32 $0x9100;
	v3 =	vperm.xlane v3, v2  }
0x57: {  	[tilespmem:s25], [sflag:$0x1] =	stream.indirect_vreg.gather [hbm4b:s1+s3], $0x80, v4, vm0, $0xb8;
	[tilespmem:$0xC100] =	vst v63  }
0x58: {  	s31 =	simm.s32 $0x9900;
	v3 =	vadd.s32 v1, v3  }
0x59: {  	[tilespmem:s31], [sflag:$0x1] =	stream.indirect_vreg.gather [hbm4b:s5+s3], $0x80, v4, vm0, $0xb8;
	[tilespmem:$0xC100] =	vst v63  }
0x5a: {  	s17 =	simm.s32 $0xA100  }
0x5b: {  	[tilespmem:s17], [sflag:$0x1] =	stream.indirect_vreg.gather [hbm4b:s6+s3], $0x80, v4, vm0, $0xb8;
	[tilespmem:$0xC100] =	vst v63  }
0x5c: {  	s24 =	simm.s32 $0xA900  }
0x5d: {  	[tilespmem:s24], [sflag:$0x1] =	stream.indirect_vreg.gather [hbm4b:s1+s3], $0x80, v3, vm0, $0xb8;
	[tilespmem:$0xC100] =	vst v63  }
0x5e: {  	s25 =	simm.s32 $0xB100  }
0x5f: {  	[tilespmem:s25], [sflag:$0x1] =	stream.indirect_vreg.gather [hbm4b:s5+s3], $0x80, v3, vm0, $0xb8;
	[tilespmem:$0xC100] =	vst v63  }
0x60: {  	s0 =	simm.s32 $0x1;
	s31 =	simm.s32 $0xB900  }
0x61: {  	[tilespmem:s31], [sflag:$0x1] =	stream.indirect_vreg.gather [hbm4b:s6+s3], $0x80, v3, vm0, $0xb8;
	[tilespmem:$0xC100] =	vst v63  }
0x62: {  	_ =	swait.ge [sflag:s0], $0xC000  }
0x63: {  	[sflag:s0] =	ssyncset.done $0x0  }
0x64: {  	[sflag:s0] =	ssyncadd.s32 $0xFFFF4000  }
0x65: {  	v3 =	vld [tilespmem:$0x80];
	_ =	sdelay $0x4  }
0x66: {  	v52 =	vshrl.u32 v3, $0x3  }
0x67: {  	v4 =	vmul.u32 $0x30, v52  }
0x68: {  	v3 =	vand.u32 $0x7, v3  }
0x69: {  	v3 =	vor.u32 v3, v4  }
0x6a: {  	v4 =	vperm.xlane v3, v0;
	_ =	sdelay $0x1  }
0x6b: {  	v4 =	vadd.s32 v1, v4;
	_ =	sdelay $0x3  }
0x6c: {  	s12 =	simm.s32 $0x100;
	v3 =	vperm.xlane v3, v2  }
0x6d: {  	[hbm4b:s4+s3] =	stream.indirect_vreg.scatter [tilespmem:s12], [sflag:$0x2], $0x80, v4, vm0, $0xb8;
	[tilespmem:$0xC100] =	vst v63  }
0x6e: {  	s20 =	simm.s32 $0x900;
	v3 =	vadd.s32 v1, v3  }
0x6f: {  	[hbm4b:s7+s3] =	stream.indirect_vreg.scatter [tilespmem:s20], [sflag:$0x2], $0x80, v4, vm0, $0xb8;
	[tilespmem:$0xC100] =	vst v63  }
0x70: {  	s21 =	simm.s32 $0x1100  }
0x71: {  	[hbm4b:s8+s3] =	stream.indirect_vreg.scatter [tilespmem:s21], [sflag:$0x2], $0x80, v4, vm0, $0xb8;
	[tilespmem:$0xC100] =	vst v63  }
0x72: {  	s22 =	simm.s32 $0x1900  }
0x73: {  	[hbm4b:s4+s3] =	stream.indirect_vreg.scatter [tilespmem:s22], [sflag:$0x2], $0x80, v3, vm0, $0xb8;
	[tilespmem:$0xC100] =	vst v63  }
0x74: {  	s23 =	simm.s32 $0x2100  }
0x75: {  	[hbm4b:s7+s3] =	stream.indirect_vreg.scatter [tilespmem:s23], [sflag:$0x2], $0x80, v3, vm0, $0xb8;
	[tilespmem:$0xC100] =	vst v63  }
0x76: {  	s13 =	simm.s32 $0x2900  }
0x77: {  	[hbm4b:s8+s3] =	stream.indirect_vreg.scatter [tilespmem:s13], [sflag:$0x2], $0x80, v3, vm0, $0xb8;
	[tilespmem:$0xC100] =	vst v63  }
0x78: {  	v3 =	vld [tilespmem:$0x90];
	_ =	sdelay $0x4  }
0x79: {  	v53 =	vshrl.u32 v3, $0x3  }
0x7a: {  	v4 =	vmul.u32 $0x30, v53  }
0x7b: {  	v3 =	vand.u32 $0x7, v3  }
0x7c: {  	v3 =	vor.u32 v3, v4  }
0x7d: {  	v4 =	vperm.xlane v3, v0;
	_ =	sdelay $0x1  }
0x7e: {  	v4 =	vadd.s32 v1, v4;
	_ =	sdelay $0x3  }
0x7f: {  	s14 =	simm.s32 $0x3100;
	v3 =	vperm.xlane v3, v2  }
0x80: {  	[hbm4b:s4+s3] =	stream.indirect_vreg.scatter [tilespmem:s14], [sflag:$0x2], $0x80, v4, vm0, $0xb8;
	[tilespmem:$0xC100] =	vst v63  }
0x81: {  	s26 =	simm.s32 $0x3900;
	v3 =	vadd.s32 v1, v3  }
0x82: {  	[hbm4b:s7+s3] =	stream.indirect_vreg.scatter [tilespmem:s26], [sflag:$0x2], $0x80, v4, vm0, $0xb8;
	[tilespmem:$0xC100] =	vst v63  }
0x83: {  	s28 =	simm.s32 $0x4100  }
0x84: {  	[hbm4b:s8+s3] =	stream.indirect_vreg.scatter [tilespmem:s28], [sflag:$0x2], $0x80, v4, vm0, $0xb8;
	[tilespmem:$0xC100] =	vst v63  }
0x85: {  	s29 =	simm.s32 $0x4900  }
0x86: {  	[hbm4b:s4+s3] =	stream.indirect_vreg.scatter [tilespmem:s29], [sflag:$0x2], $0x80, v3, vm0, $0xb8;
	[tilespmem:$0xC100] =	vst v63  }
0x87: {  	s30 =	simm.s32 $0x5100  }
0x88: {  	[hbm4b:s7+s3] =	stream.indirect_vreg.scatter [tilespmem:s30], [sflag:$0x2], $0x80, v3, vm0, $0xb8;
	[tilespmem:$0xC100] =	vst v63  }
0x89: {  	s15 =	simm.s32 $0x5900  }
0x8a: {  	[hbm4b:s8+s3] =	stream.indirect_vreg.scatter [tilespmem:s15], [sflag:$0x2], $0x80, v3, vm0, $0xb8;
	[tilespmem:$0xC100] =	vst v63  }
0x8b: {  	v3 =	vld [tilespmem:$0xA0];
	_ =	sdelay $0x4  }
0x8c: {  	v54 =	vshrl.u32 v3, $0x3  }
0x8d: {  	v4 =	vmul.u32 $0x30, v54  }
0x8e: {  	v3 =	vand.u32 $0x7, v3  }
0x8f: {  	v3 =	vor.u32 v3, v4  }
0x90: {  	v4 =	vperm.xlane v3, v0;
	_ =	sdelay $0x1  }
0x91: {  	v4 =	vadd.s32 v1, v4;
	_ =	sdelay $0x3  }
0x92: {  	s16 =	simm.s32 $0x6100;
	v3 =	vperm.xlane v3, v2  }
0x93: {  	[hbm4b:s4+s3] =	stream.indirect_vreg.scatter [tilespmem:s16], [sflag:$0x2], $0x80, v4, vm0, $0xb8;
	[tilespmem:$0xC100] =	vst v63  }
0x94: {  	s19 =	simm.s32 $0x6900;
	v3 =	vadd.s32 v1, v3  }
0x95: {  	[hbm4b:s7+s3] =	stream.indirect_vreg.scatter [tilespmem:s19], [sflag:$0x2], $0x80, v4, vm0, $0xb8;
	[tilespmem:$0xC100] =	vst v63  }
0x96: {  	s15 =	simm.s32 $0x7100  }
0x97: {  	[hbm4b:s8+s3] =	stream.indirect_vreg.scatter [tilespmem:s15], [sflag:$0x2], $0x80, v4, vm0, $0xb8;
	[tilespmem:$0xC100] =	vst v63  }
0x98: {  	s16 =	simm.s32 $0x7900  }
0x99: {  	[hbm4b:s4+s3] =	stream.indirect_vreg.scatter [tilespmem:s16], [sflag:$0x2], $0x80, v3, vm0, $0xb8;
	[tilespmem:$0xC100] =	vst v63  }
0x9a: {  	s19 =	simm.s32 $0x8100  }
0x9b: {  	[hbm4b:s7+s3] =	stream.indirect_vreg.scatter [tilespmem:s19], [sflag:$0x2], $0x80, v3, vm0, $0xb8;
	[tilespmem:$0xC100] =	vst v63  }
0x9c: {  	s2 =	simm.s32 $0x8900  }
0x9d: {  	[hbm4b:s8+s3] =	stream.indirect_vreg.scatter [tilespmem:s2], [sflag:$0x2], $0x80, v3, vm0, $0xb8;
	[tilespmem:$0xC100] =	vst v63  }
0x9e: {  	v3 =	vld [tilespmem:$0xB0];
	_ =	sdelay $0x4  }
0x9f: {  	v55 =	vshrl.u32 v3, $0x3  }
0xa0: {  	v4 =	vmul.u32 $0x30, v55  }
0xa1: {  	v3 =	vand.u32 $0x7, v3  }
0xa2: {  	v3 =	vor.u32 v3, v4  }
0xa3: {  	v4 =	vperm.xlane v3, v0;
	_ =	sdelay $0x1  }
0xa4: {  	v4 =	vadd.s32 v1, v4;
	_ =	sdelay $0x3  }
0xa5: {  	s11 =	simm.s32 $0x9100;
	v3 =	vperm.xlane v3, v2  }
0xa6: {  	[hbm4b:s4+s3] =	stream.indirect_vreg.scatter [tilespmem:s11], [sflag:$0x2], $0x80, v4, vm0, $0xb8;
	[tilespmem:$0xC100] =	vst v63  }
0xa7: {  	s18 =	simm.s32 $0x9900;
	v3 =	vadd.s32 v1, v3  }
0xa8: {  	[hbm4b:s7+s3] =	stream.indirect_vreg.scatter [tilespmem:s18], [sflag:$0x2], $0x80, v4, vm0, $0xb8;
	[tilespmem:$0xC100] =	vst v63  }
0xa9: {  	s17 =	simm.s32 $0xA100  }
0xaa: {  	[hbm4b:s8+s3] =	stream.indirect_vreg.scatter [tilespmem:s17], [sflag:$0x2], $0x80, v4, vm0, $0xb8;
	[tilespmem:$0xC100] =	vst v63  }
0xab: {  	s24 =	simm.s32 $0xA900  }
0xac: {  	[hbm4b:s4+s3] =	stream.indirect_vreg.scatter [tilespmem:s24], [sflag:$0x2], $0x80, v3, vm0, $0xb8;
	[tilespmem:$0xC100] =	vst v63  }
0xad: {  	s25 =	simm.s32 $0xB100  }
0xae: {  	[hbm4b:s7+s3] =	stream.indirect_vreg.scatter [tilespmem:s25], [sflag:$0x2], $0x80, v3, vm0, $0xb8;
	[tilespmem:$0xC100] =	vst v63  }
0xaf: {  	s31 =	simm.s32 $0xB900;
	s2 =	simm.s32 $0x2  }
0xb0: {  	[hbm4b:s8+s3] =	stream.indirect_vreg.scatter [tilespmem:s31], [sflag:$0x2], $0x80, v3, vm0, $0xb8;
	[tilespmem:$0xC100] =	vst v63  }
0xb1: {  	_ =	swait.ge [sflag:s2], $0xC000  }
0xb2: {  	[sflag:s2] =	ssyncset.done $0x0  }
0xb3: {  	s24 =	rddreg [dreg:$0x5];
	[sflag:s2] =	ssyncadd.s32 $0xFFFF4000  }
0xb4: {  	[tilespmem:s3], [sflag:$0x3] =	stream.linear.gather [hbm4b:s24+s3], $0x40, $0x38;
	[tilespmem:$0xC100] =	vst v63  }
0xb5: {  	_ =	swait.ge [sflag:s10], $0x40  }
0xb6: {  	[sflag:s10] =	ssyncset.done $0x0  }
0xb7: {  	s31 =	simm.s32 $0x80;
	s25 =	rddreg [dreg:$0x6];
	[sflag:s10] =	ssyncadd.s32 $0xFFFFFFC0  }
0xb8: {  	[tilespmem:s31], [sflag:$0x3] =	stream.linear.gather [hbm4b:s25+s3], $0x40, $0x38;
	[tilespmem:$0xC100] =	vst v63  }
0xb9: {  	_ =	swait.ge [sflag:s10], $0x40  }
0xba: {  	[sflag:s10] =	ssyncset.done $0x0  }
0xbb: {  	[sflag:s10] =	ssyncadd.s32 $0xFFFFFFC0  }
0xbc: {  	v3 =	vld [tilespmem:$0x0];
	_ =	sdelay $0x4  }
0xbd: {  	v56 =	vshrl.u32 v3, $0x3  }
0xbe: {  	v4 =	vmul.u32 $0x30, v56  }
0xbf: {  	v3 =	vand.u32 $0x7, v3  }
0xc0: {  	v3 =	vor.u32 v3, v4  }
0xc1: {  	v4 =	vperm.xlane v3, v0;
	_ =	sdelay $0x1  }
0xc2: {  	v4 =	vadd.s32 v1, v4;
	_ =	sdelay $0x3  }
0xc3: {  	s17 =	simm.s32 $0x100;
	v3 =	vperm.xlane v3, v2  }
0xc4: {  	[tilespmem:s17], [sflag:$0x1] =	stream.indirect_vreg.gather [hbm4b:s1+s3], $0x80, v4, vm0, $0xb8;
	[tilespmem:$0xC100] =	vst v63  }
0xc5: {  	s20 =	simm.s32 $0x900;
	v3 =	vadd.s32 v1, v3  }
0xc6: {  	[tilespmem:s20], [sflag:$0x1] =	stream.indirect_vreg.gather [hbm4b:s5+s3], $0x80, v4, vm0, $0xb8;
	[tilespmem:$0xC100] =	vst v63  }
0xc7: {  	s21 =	simm.s32 $0x1100  }
0xc8: {  	[tilespmem:s21], [sflag:$0x1] =	stream.indirect_vreg.gather [hbm4b:s6+s3], $0x80, v4, vm0, $0xb8;
	[tilespmem:$0xC100] =	vst v63  }
0xc9: {  	s22 =	simm.s32 $0x1900  }
0xca: {  	[tilespmem:s22], [sflag:$0x1] =	stream.indirect_vreg.gather [hbm4b:s1+s3], $0x80, v3, vm0, $0xb8;
	[tilespmem:$0xC100] =	vst v63  }
0xcb: {  	s23 =	simm.s32 $0x2100  }
0xcc: {  	[tilespmem:s23], [sflag:$0x1] =	stream.indirect_vreg.gather [hbm4b:s5+s3], $0x80, v3, vm0, $0xb8;
	[tilespmem:$0xC100] =	vst v63  }
0xcd: {  	s24 =	simm.s32 $0x2900  }
0xce: {  	[tilespmem:s24], [sflag:$0x1] =	stream.indirect_vreg.gather [hbm4b:s6+s3], $0x80, v3, vm0, $0xb8;
	[tilespmem:$0xC100] =	vst v63  }
0xcf: {  	v3 =	vld [tilespmem:$0x10];
	_ =	sdelay $0x4  }
0xd0: {  	v57 =	vshrl.u32 v3, $0x3  }
0xd1: {  	v4 =	vmul.u32 $0x30, v57  }
0xd2: {  	v3 =	vand.u32 $0x7, v3  }
0xd3: {  	v3 =	vor.u32 v3, v4  }
0xd4: {  	v4 =	vperm.xlane v3, v0;
	_ =	sdelay $0x1  }
0xd5: {  	v4 =	vadd.s32 v1, v4;
	_ =	sdelay $0x3  }
0xd6: {  	s25 =	simm.s32 $0x3100;
	v3 =	vperm.xlane v3, v2  }
0xd7: {  	[tilespmem:s25], [sflag:$0x1] =	stream.indirect_vreg.gather [hbm4b:s1+s3], $0x80, v4, vm0, $0xb8;
	[tilespmem:$0xC100] =	vst v63  }
0xd8: {  	s26 =	simm.s32 $0x3900;
	v3 =	vadd.s32 v1, v3  }
0xd9: {  	[tilespmem:s26], [sflag:$0x1] =	stream.indirect_vreg.gather [hbm4b:s5+s3], $0x80, v4, vm0, $0xb8;
	[tilespmem:$0xC100] =	vst v63  }
0xda: {  	s28 =	simm.s32 $0x4100  }
0xdb: {  	[tilespmem:s28], [sflag:$0x1] =	stream.indirect_vreg.gather [hbm4b:s6+s3], $0x80, v4, vm0, $0xb8;
	[tilespmem:$0xC100] =	vst v63  }
0xdc: {  	s29 =	simm.s32 $0x4900  }
0xdd: {  	[tilespmem:s29], [sflag:$0x1] =	stream.indirect_vreg.gather [hbm4b:s1+s3], $0x80, v3, vm0, $0xb8;
	[tilespmem:$0xC100] =	vst v63  }
0xde: {  	s30 =	simm.s32 $0x5100  }
0xdf: {  	[tilespmem:s30], [sflag:$0x1] =	stream.indirect_vreg.gather [hbm4b:s5+s3], $0x80, v3, vm0, $0xb8;
	[tilespmem:$0xC100] =	vst v63  }
0xe0: {  	s24 =	simm.s32 $0x5900  }
0xe1: {  	[tilespmem:s24], [sflag:$0x1] =	stream.indirect_vreg.gather [hbm4b:s6+s3], $0x80, v3, vm0, $0xb8;
	[tilespmem:$0xC100] =	vst v63  }
0xe2: {  	v3 =	vld [tilespmem:$0x20];
	_ =	sdelay $0x4  }
0xe3: {  	v58 =	vshrl.u32 v3, $0x3  }
0xe4: {  	v4 =	vmul.u32 $0x30, v58  }
0xe5: {  	v3 =	vand.u32 $0x7, v3  }
0xe6: {  	v3 =	vor.u32 v3, v4  }
0xe7: {  	v4 =	vperm.xlane v3, v0;
	_ =	sdelay $0x1  }
0xe8: {  	v4 =	vadd.s32 v1, v4;
	_ =	sdelay $0x3  }
0xe9: {  	s25 =	simm.s32 $0x6100;
	v3 =	vperm.xlane v3, v2  }
0xea: {  	[tilespmem:s25], [sflag:$0x1] =	stream.indirect_vreg.gather [hbm4b:s1+s3], $0x80, v4, vm0, $0xb8;
	[tilespmem:$0xC100] =	vst v63  }
0xeb: {  	s16 =	simm.s32 $0x6900;
	v3 =	vadd.s32 v1, v3  }
0xec: {  	[tilespmem:s16], [sflag:$0x1] =	stream.indirect_vreg.gather [hbm4b:s5+s3], $0x80, v4, vm0, $0xb8;
	[tilespmem:$0xC100] =	vst v63  }
0xed: {  	s12 =	simm.s32 $0x7100  }
0xee: {  	[tilespmem:s12], [sflag:$0x1] =	stream.indirect_vreg.gather [hbm4b:s6+s3], $0x80, v4, vm0, $0xb8;
	[tilespmem:$0xC100] =	vst v63  }
0xef: {  	s13 =	simm.s32 $0x7900  }
0xf0: {  	[tilespmem:s13], [sflag:$0x1] =	stream.indirect_vreg.gather [hbm4b:s1+s3], $0x80, v3, vm0, $0xb8;
	[tilespmem:$0xC100] =	vst v63  }
0xf1: {  	s15 =	simm.s32 $0x8100  }
0xf2: {  	[tilespmem:s15], [sflag:$0x1] =	stream.indirect_vreg.gather [hbm4b:s5+s3], $0x80, v3, vm0, $0xb8;
	[tilespmem:$0xC100] =	vst v63  }
0xf3: {  	s14 =	simm.s32 $0x8900  }
0xf4: {  	[tilespmem:s14], [sflag:$0x1] =	stream.indirect_vreg.gather [hbm4b:s6+s3], $0x80, v3, vm0, $0xb8;
	[tilespmem:$0xC100] =	vst v63  }
0xf5: {  	v3 =	vld [tilespmem:$0x30];
	_ =	sdelay $0x4  }
0xf6: {  	v59 =	vshrl.u32 v3, $0x3  }
0xf7: {  	v4 =	vmul.u32 $0x30, v59  }
0xf8: {  	v3 =	vand.u32 $0x7, v3  }
0xf9: {  	v3 =	vor.u32 v3, v4  }
0xfa: {  	v4 =	vperm.xlane v3, v0;
	_ =	sdelay $0x1  }
0xfb: {  	v4 =	vadd.s32 v1, v4;
	_ =	sdelay $0x3  }
0xfc: {  	s12 =	simm.s32 $0x9100;
	v3 =	vperm.xlane v3, v2  }
0xfd: {  	[tilespmem:s12], [sflag:$0x1] =	stream.indirect_vreg.gather [hbm4b:s1+s3], $0x80, v4, vm0, $0xb8;
	[tilespmem:$0xC100] =	vst v63  }
0xfe: {  	s11 =	simm.s32 $0x9900;
	v3 =	vadd.s32 v1, v3  }
0xff: {  	[tilespmem:s11], [sflag:$0x1] =	stream.indirect_vreg.gather [hbm4b:s5+s3], $0x80, v4, vm0, $0xb8;
	[tilespmem:$0xC100] =	vst v63  }
0x100: {  	s18 =	simm.s32 $0xA100  }
0x101: {  	[tilespmem:s18], [sflag:$0x1] =	stream.indirect_vreg.gather [hbm4b:s6+s3], $0x80, v4, vm0, $0xb8;
	[tilespmem:$0xC100] =	vst v63  }
0x102: {  	s19 =	simm.s32 $0xA900  }
0x103: {  	[tilespmem:s19], [sflag:$0x1] =	stream.indirect_vreg.gather [hbm4b:s1+s3], $0x80, v3, vm0, $0xb8;
	[tilespmem:$0xC100] =	vst v63  }
0x104: {  	s11 =	simm.s32 $0xB100  }
0x105: {  	[tilespmem:s11], [sflag:$0x1] =	stream.indirect_vreg.gather [hbm4b:s5+s3], $0x80, v3, vm0, $0xb8;
	[tilespmem:$0xC100] =	vst v63  }
0x106: {  	s12 =	simm.s32 $0xB900  }
0x107: {  	[tilespmem:s12], [sflag:$0x1] =	stream.indirect_vreg.gather [hbm4b:s6+s3], $0x80, v3, vm0, $0xb8;
	[tilespmem:$0xC100] =	vst v63  }
0x108: {  	_ =	swait.ge [sflag:s0], $0xC000  }
0x109: {  	[sflag:s0] =	ssyncset.done $0x0  }
0x10a: {  	[sflag:s0] =	ssyncadd.s32 $0xFFFF4000  }
0x10b: {  	v3 =	vld [tilespmem:$0x80];
	_ =	sdelay $0x4  }
0x10c: {  	v60 =	vshrl.u32 v3, $0x3  }
0x10d: {  	v4 =	vmul.u32 $0x30, v60  }
0x10e: {  	v3 =	vand.u32 $0x7, v3  }
0x10f: {  	v3 =	vor.u32 v3, v4  }
0x110: {  	v4 =	vperm.xlane v3, v0;
	_ =	sdelay $0x1  }
0x111: {  	v4 =	vadd.s32 v1, v4;
	_ =	sdelay $0x3  }
0x112: {  	s31 =	simm.s32 $0x100;
	v3 =	vperm.xlane v3, v2  }
0x113: {  	[hbm4b:s4+s3] =	stream.indirect_vreg.scatter [tilespmem:s31], [sflag:$0x2], $0x80, v4, vm0, $0xb8;
	[tilespmem:$0xC100] =	vst v63  }
0x114: {  	s20 =	simm.s32 $0x900;
	v3 =	vadd.s32 v1, v3  }
0x115: {  	[hbm4b:s7+s3] =	stream.indirect_vreg.scatter [tilespmem:s20], [sflag:$0x2], $0x80, v4, vm0, $0xb8;
	[tilespmem:$0xC100] =	vst v63  }
0x116: {  	s21 =	simm.s32 $0x1100  }
0x117: {  	[hbm4b:s8+s3] =	stream.indirect_vreg.scatter [tilespmem:s21], [sflag:$0x2], $0x80, v4, vm0, $0xb8;
	[tilespmem:$0xC100] =	vst v63  }
0x118: {  	s22 =	simm.s32 $0x1900  }
0x119: {  	[hbm4b:s4+s3] =	stream.indirect_vreg.scatter [tilespmem:s22], [sflag:$0x2], $0x80, v3, vm0, $0xb8;
	[tilespmem:$0xC100] =	vst v63  }
0x11a: {  	s23 =	simm.s32 $0x2100  }
0x11b: {  	[hbm4b:s7+s3] =	stream.indirect_vreg.scatter [tilespmem:s23], [sflag:$0x2], $0x80, v3, vm0, $0xb8;
	[tilespmem:$0xC100] =	vst v63  }
0x11c: {  	s17 =	simm.s32 $0x2900  }
0x11d: {  	[hbm4b:s8+s3] =	stream.indirect_vreg.scatter [tilespmem:s17], [sflag:$0x2], $0x80, v3, vm0, $0xb8;
	[tilespmem:$0xC100] =	vst v63  }
0x11e: {  	v3 =	vld [tilespmem:$0x90];
	_ =	sdelay $0x4  }
0x11f: {  	v61 =	vshrl.u32 v3, $0x3  }
0x120: {  	v4 =	vmul.u32 $0x30, v61  }
0x121: {  	v3 =	vand.u32 $0x7, v3  }
0x122: {  	v3 =	vor.u32 v3, v4  }
0x123: {  	v4 =	vperm.xlane v3, v0;
	_ =	sdelay $0x1  }
0x124: {  	v4 =	vadd.s32 v1, v4;
	_ =	sdelay $0x3  }
0x125: {  	s23 =	simm.s32 $0x3100;
	v3 =	vperm.xlane v3, v2  }
0x126: {  	[hbm4b:s4+s3] =	stream.indirect_vreg.scatter [tilespmem:s23], [sflag:$0x2], $0x80, v4, vm0, $0xb8;
	[tilespmem:$0xC100] =	vst v63  }
0x127: {  	s26 =	simm.s32 $0x3900;
	v3 =	vadd.s32 v1, v3  }
0x128: {  	[hbm4b:s7+s3] =	stream.indirect_vreg.scatter [tilespmem:s26], [sflag:$0x2], $0x80, v4, vm0, $0xb8;
	[tilespmem:$0xC100] =	vst v63  }
0x129: {  	s28 =	simm.s32 $0x4100  }
0x12a: {  	[hbm4b:s8+s3] =	stream.indirect_vreg.scatter [tilespmem:s28], [sflag:$0x2], $0x80, v4, vm0, $0xb8;
	[tilespmem:$0xC100] =	vst v63  }
0x12b: {  	s29 =	simm.s32 $0x4900  }
0x12c: {  	[hbm4b:s4+s3] =	stream.indirect_vreg.scatter [tilespmem:s29], [sflag:$0x2], $0x80, v3, vm0, $0xb8;
	[tilespmem:$0xC100] =	vst v63  }
0x12d: {  	s30 =	simm.s32 $0x5100  }
0x12e: {  	[hbm4b:s7+s3] =	stream.indirect_vreg.scatter [tilespmem:s30], [sflag:$0x2], $0x80, v3, vm0, $0xb8;
	[tilespmem:$0xC100] =	vst v63  }
0x12f: {  	s29 =	simm.s32 $0x5900  }
0x130: {  	[hbm4b:s8+s3] =	stream.indirect_vreg.scatter [tilespmem:s29], [sflag:$0x2], $0x80, v3, vm0, $0xb8;
	[tilespmem:$0xC100] =	vst v63  }
0x131: {  	v3 =	vld [tilespmem:$0xA0];
	_ =	sdelay $0x4  }
0x132: {  	v62 =	vshrl.u32 v3, $0x3  }
0x133: {  	v4 =	vmul.u32 $0x30, v62  }
0x134: {  	v3 =	vand.u32 $0x7, v3  }
0x135: {  	v3 =	vor.u32 v3, v4  }
0x136: {  	v4 =	vperm.xlane v3, v0;
	_ =	sdelay $0x1  }
0x137: {  	v4 =	vadd.s32 v1, v4;
	_ =	sdelay $0x3  }
0x138: {  	s30 =	simm.s32 $0x6100;
	v3 =	vperm.xlane v3, v2  }
0x139: {  	[hbm4b:s4+s3] =	stream.indirect_vreg.scatter [tilespmem:s30], [sflag:$0x2], $0x80, v4, vm0, $0xb8;
	[tilespmem:$0xC100] =	vst v63  }
0x13a: {  	v3 =	vadd.s32 v1, v3  }
0x13b: {  	[hbm4b:s7+s3] =	stream.indirect_vreg.scatter [tilespmem:s16], [sflag:$0x2], $0x80, v4, vm0, $0xb8;
	[tilespmem:$0xC100] =	vst v63  }
0x13c: {  	s31 =	simm.s32 $0x7100  }
0x13d: {  	[hbm4b:s8+s3] =	stream.indirect_vreg.scatter [tilespmem:s31], [sflag:$0x2], $0x80, v4, vm0, $0xb8;
	[tilespmem:$0xC100] =	vst v63  }
0x13e: {  	s13 =	simm.s32 $0x7900  }
0x13f: {  	[hbm4b:s4+s3] =	stream.indirect_vreg.scatter [tilespmem:s13], [sflag:$0x2], $0x80, v3, vm0, $0xb8;
	[tilespmem:$0xC100] =	vst v63  }
0x140: {  	s15 =	simm.s32 $0x8100  }
0x141: {  	[hbm4b:s7+s3] =	stream.indirect_vreg.scatter [tilespmem:s15], [sflag:$0x2], $0x80, v3, vm0, $0xb8;
	[tilespmem:$0xC100] =	vst v63  }
0x142: {  	s14 =	simm.s32 $0x8900  }
0x143: {  	[hbm4b:s8+s3] =	stream.indirect_vreg.scatter [tilespmem:s14], [sflag:$0x2], $0x80, v3, vm0, $0xb8;
	[tilespmem:$0xC100] =	vst v63  }
0x144: {  	v3 =	vld [tilespmem:$0xB0];
	_ =	sdelay $0x4  }
0x145: {  	v63 =	vshrl.u32 v3, $0x3  }
0x146: {  	v4 =	vmul.u32 $0x30, v63  }
0x147: {  	v3 =	vand.u32 $0x7, v3  }
0x148: {  	v3 =	vor.u32 v3, v4  }
0x149: {  	v4 =	vperm.xlane v3, v0;
	_ =	sdelay $0x1  }
0x14a: {  	v4 =	vadd.s32 v1, v4;
	_ =	sdelay $0x3  }
0x14b: {  	s25 =	simm.s32 $0x9100;
	v3 =	vperm.xlane v3, v2  }
0x14c: {  	[hbm4b:s4+s3] =	stream.indirect_vreg.scatter [tilespmem:s25], [sflag:$0x2], $0x80, v4, vm0, $0xb8;
	[tilespmem:$0xC100] =	vst v63  }
0x14d: {  	s24 =	simm.s32 $0x9900;
	v3 =	vadd.s32 v1, v3  }
0x14e: {  	[hbm4b:s7+s3] =	stream.indirect_vreg.scatter [tilespmem:s24], [sflag:$0x2], $0x80, v4, vm0, $0xb8;
	[tilespmem:$0xC100] =	vst v63  }
0x14f: {  	s18 =	simm.s32 $0xA100  }
0x150: {  	[hbm4b:s8+s3] =	stream.indirect_vreg.scatter [tilespmem:s18], [sflag:$0x2], $0x80, v4, vm0, $0xb8;
	[tilespmem:$0xC100] =	vst v63  }
0x151: {  	s19 =	simm.s32 $0xA900  }
0x152: {  	[hbm4b:s4+s3] =	stream.indirect_vreg.scatter [tilespmem:s19], [sflag:$0x2], $0x80, v3, vm0, $0xb8;
	[tilespmem:$0xC100] =	vst v63  }
0x153: {  	p0 =	sne.s32 s9, $0x1  }
0x154: {  	[hbm4b:s7+s3] =	stream.indirect_vreg.scatter [tilespmem:s11], [sflag:$0x2], $0x80, v3, vm0, $0xb8;
	[tilespmem:$0xC100] =	vst v63  }
.Ltmp0:
0x155: {  	_ = 	snop;
	(pc) =	sbr.rel @p0 .LBB2_1-.Ltmp0, $4  }
0x156: {  	[hbm4b:s8+s3] =	stream.indirect_vreg.scatter [tilespmem:s12], [sflag:$0x2], $0x80, v3, vm0, $0xb8;
	[tilespmem:$0xC100] =	vst v63  }
0x157: {  	_ =	swait.ge [sflag:s2], $0xC000  }
0x158: {  	[sflag:s2] =	ssyncset.done $0x0  }
0x159: {  	s9 =	sadd.s32 $0xFFFFFFFF, s9;
	[sflag:s2] =	ssyncadd.s32 $0xFFFF4000  }
0x15a: {  	_ =	sfence.sel $0x180000  }
0x15b: {  	[bflag:$0x0] =	sbarrier.arrive $0xFFFF  }
0x15c: {  	_ =	strace $0x90000047  }
0x15d: {  	s0 =	stileid.u32;
	[bflag:$0x2] =	sbarrier.arrive $0xFFFF  }
0x15e: {  	p0 =	sne.s32 s0, $0x0;
	s0 =	rddreg [dreg:$0x2]  }
0x15f: {  	s0 =	sadd.s32 @!p0 $0x100000, s0  }
0x160: {  	[sflag:s0] =	ssyncadd.tile.s32 @!p0 $0x1;
	_ =	shalt  }
.Lfunc_end2:
_tile_overlayer_lowered:
.L_overlay_start_2:
0x161: {  	(tag) =	ssettag $0x2  }
0x162: {  	s0 =	rddreg [dreg:$0x0];
	s2 =	stileid.u32  }
0x163: {  	s1 =	rddreg [dreg:$0x1];
	p0 =	sne.s32 s2, $0x0  }
0x164: {  	s3 =	rddreg [dreg:$0x2];
	[bflag:$0x3] =	sbarrier.arrive $0xFFFF;
	s2 =	simm.s32 @!p0 $0x1C03  }
0x165: {  	[timem:s3], [sflag:s2] =	dma.local @!p0 [hbm:s0], s1  }
0x166: {  	s0 =	simm.s32 @!p0 $0x3  }
0x167: {  	_ =	swait.ge @!p0 [sflag:s0], s1  }
0x168: {  	s1 =	ssub.s32 @!p0 $0x0, s1;
	[sflag:s0] =	ssyncset.done @!p0 $0x0  }
0x169: {  	[sflag:s0] =	ssyncadd.s32 @!p0 s1  }
0x16a: {  	[bflag:$0x3] =	sbarrier.arrive $0xFFFF  }
0x16b: {  	_ =	shalt  }

// kernel: kernel.19.cloned.1.call-start
scs
__scs_entry_jumppad:
0x0: {  	(pc) =	sbr.rel $0x88, $3  }
0x1: {  	(tag) =	ssettag $0x0;
	lr =	simm.s32 $0x1  }
0x2: {  	[smem:$0x3F8B] =	sst lr;
	_ =	strace $0xD0000000  }
0x3: {  	_ = 	snop  }
0x4: {  	_ = 	snop  }
0x5: {  	_ = 	snop  }
0x6: {  	_ = 	snop  }
0x7: {  	_ = 	snop  }
__scs_overlays_trampoline_lowered:
0x8: {  	[smem:$0x3F9A] =	sst s0  }
0x9: {  	[smem:$0x3F9B] =	sst s1  }
0xa: {  	[smem:$0x3F9C] =	sst s2  }
0xb: {  	[smem:$0x3F9D] =	sst s3  }
0xc: {  	[smem:$0x3F9E] =	sst s4  }
0xd: {  	[smem:$0x3F9F] =	sst s5  }
0xe: {  	[smem:$0x3FA0] =	sst s6  }
0xf: {  	[smem:$0x3FA1] =	sst s7  }
0x10: {  	[smem:$0x3FA2] =	sst s8  }
0x11: {  	[smem:$0x3FA3] =	sst s9;
	s0 =	simm.s32 @!p0 $0x0  }
0x12: {  	s1 =	sld [smem:$0x3F89];
	s0 =	simm.s32 @p0 $0x1  }
0x13: {  	[smem:$0x3FA4] =	sst s0;
	s0 =	simm.s32 @!p1 $0x0  }
0x14: {  	s2 =	sld [smem:$0x3F88];
	s0 =	simm.s32 @p1 $0x1  }
0x15: {  	[smem:$0x3FA5] =	sst s0;
	s0 =	simm.s32 @!p2 $0x0  }
0x16: {  	s3 =	sld [smem:$0x3FDB];
	s0 =	simm.s32 @p2 $0x1  }
0x17: {  	s4 =	simm.s32 $0x1BF5;
	[smem:$0x3FA7] =	sst s0  }
0x18: {  	s0 =	sld [smem:$0x3F8A];
	_ =	swait.ge [sflag:s4], $0x0  }
0x19: {  	s7 =	sld [smem:$0x3F8B]  }
0x1a: {  	s8 =	sadd.s32 $0xFFFFE003, lr  }
0x1b: {  	s9 =	sadd.s32 $0xFFFFFEF7, lr;
	s5 =	simm.s32 $0xFFFFFFFF;
	p2 =	slt.u32 s8, $0xFFFFF086  }
0x1c: {  	p1 =	slt.u32 s9, $0xF7A;
	s5 =	simm.s32 @!p2 $0x0  }
0x1d: {  	s5 =	simm.s32 @p1 $0x1;
	p0 =	seq.s32 s7, s2  }
0x1e: {  	s7 =	smul.u32 @!p0 $0xF7A, s2;
	p2 =	seq.s32 @!p0 s5, $0x0  }
0x1f: {  	s9 =	smul.u32 $0xF7A, s1;
	s8 =	simm.s32 @!p0 $0x1BF5;
	p2 =	por !p2, p0  }
0x20: {  	[sflag:s8] =	ssyncset.s32 @!p0 $0xFFFFF086;
	s6 =	sadd.s32 @!p0 s3, s7;
	s7 =	simm.s32 @!p0 $0x108  }
0x21: {  	s3 =	sadd.s32 s3, s9;
	s6 =	sadd.s32 @!p0 $0x88, s6;
	s7 =	simm.s32 @p2 $0x1082  }
0x22: {  	[simem:s7], [sflag:s8] =	dma.local @!p0 [hbm:s6], $0xF7A  }
0x23: {  	s9 =	sor.u32 $0xD0000000, s2;
	s6 =	simm.s32 $0x108;
	_ =	swait.ge @!p0 [sflag:s8], $0x0  }
0x24: {  	s3 =	sadd.s32 $0x88, s3;
	s6 =	simm.s32 @!p1 $0x1082;
	[sflag:s4] =	ssyncset.s32 $0xFFFFF086  }
0x25: {  	[simem:s6], [sflag:s4] =	dma.local [hbm:s3], $0xF7A  }
0x26: {  	[smem:$0x3F8B] =	sst s1;
	(tag) =	ssettag s2;
	_ =	strace s9  }
0x27: {  	s1 =	sld [smem:$0x3F9B]  }
0x28: {  	s2 =	sld [smem:$0x3F9C]  }
0x29: {  	s4 =	sld [smem:$0x3F9E]  }
0x2a: {  	p0 =	seq.s32 s5, $0x0;
	s5 =	sld [smem:$0x3F9F]  }
0x2b: {  	s6 =	sld [smem:$0x3FA0]  }
0x2c: {  	s7 =	sld [smem:$0x3FA1]  }
0x2d: {  	s3 =	simm.s32 $0x108;
	s8 =	sld [smem:$0x3FA2]  }
0x2e: {  	s3 =	simm.s32 @!p0 $0x1082;
	s9 =	sld [smem:$0x3FA3]  }
0x2f: {  	lr =	sadd.s32 s0, s3;
	s0 =	sld [smem:$0x3F9A]  }
0x30: {  	s3 =	sld [smem:$0x3F9D]  }
0x31: {  	[smem:$0x3FA6] =	sst s10  }
0x32: {  	s10 =	sld [smem:$0x3FA4];
	_ =	sdelay $0x3  }
0x33: {  	p0 =	seq.s32 s10, $0x1;
	s10 =	sld [smem:$0x3FA6];
	_ =	sdelay $0x3  }
0x34: {  	[smem:$0x3FA6] =	sst s10  }
0x35: {  	s10 =	sld [smem:$0x3FA5];
	_ =	sdelay $0x3  }
0x36: {  	p1 =	seq.s32 s10, $0x1;
	s10 =	sld [smem:$0x3FA6];
	_ =	sdelay $0x3  }
0x37: {  	[smem:$0x3FA6] =	sst s10  }
0x38: {  	s10 =	sld [smem:$0x3FA7]  }
0x39: {  	_ = 	snop;
	(pc) =	sbr.ind lr, $3  }
0x3a: {  	_ = 	snop  }
0x3b: {  	_ = 	snop  }
0x3c: {  	p2 =	seq.s32 s10, $0x1;
	s10 =	sld [smem:$0x3FA6]  }
0x3d: {  	_ =	shalt  }
0x3e: {  	_ =	shalt  }
0x3f: {  	_ =	shalt  }
0x40: {  	_ =	shalt  }
0x41: {  	_ =	shalt  }
0x42: {  	_ =	shalt  }
0x43: {  	_ =	shalt  }
0x44: {  	_ =	shalt  }
0x45: {  	_ =	shalt  }
0x46: {  	_ =	shalt  }
0x47: {  	_ =	shalt  }
0x48: {  	_ =	shalt  }
0x49: {  	_ =	shalt  }
0x4a: {  	_ =	shalt  }
0x4b: {  	_ =	shalt  }
0x4c: {  	_ =	shalt  }
0x4d: {  	_ =	shalt  }
0x4e: {  	_ =	shalt  }
0x4f: {  	_ =	shalt  }
0x50: {  	_ =	shalt  }
0x51: {  	_ =	shalt  }
0x52: {  	_ =	shalt  }
0x53: {  	_ =	shalt  }
0x54: {  	_ =	shalt  }
0x55: {  	_ =	shalt  }
0x56: {  	_ =	shalt  }
0x57: {  	_ =	shalt  }
0x58: {  	_ =	shalt  }
0x59: {  	_ =	shalt  }
0x5a: {  	_ =	shalt  }
0x5b: {  	_ =	shalt  }
0x5c: {  	_ =	shalt  }
0x5d: {  	_ =	shalt  }
0x5e: {  	_ =	shalt  }
0x5f: {  	_ =	shalt  }
0x60: {  	_ =	shalt  }
0x61: {  	_ =	shalt  }
0x62: {  	_ =	shalt  }
0x63: {  	_ =	shalt  }
0x64: {  	_ =	shalt  }
0x65: {  	_ =	shalt  }
0x66: {  	_ =	shalt  }
0x67: {  	_ =	shalt  }
0x68: {  	_ =	shalt  }
0x69: {  	_ =	shalt  }
0x6a: {  	_ =	shalt  }
0x6b: {  	_ =	shalt  }
0x6c: {  	_ =	shalt  }
0x6d: {  	_ =	shalt  }
0x6e: {  	_ =	shalt  }
0x6f: {  	_ =	shalt  }
0x70: {  	_ =	shalt  }
0x71: {  	_ =	shalt  }
0x72: {  	_ =	shalt  }
0x73: {  	_ =	shalt  }
0x74: {  	_ =	shalt  }
0x75: {  	_ =	shalt  }
0x76: {  	_ =	shalt  }
0x77: {  	_ =	shalt  }
0x78: {  	_ =	shalt  }
0x79: {  	_ =	shalt  }
0x7a: {  	_ =	shalt  }
0x7b: {  	_ =	shalt  }
0x7c: {  	_ =	shalt  }
0x7d: {  	_ =	shalt  }
0x7e: {  	_ =	shalt  }
0x7f: {  	_ =	shalt  }
0x80: {  	_ =	shalt  }
0x81: {  	_ =	shalt  }
0x82: {  	_ =	shalt  }
0x83: {  	_ =	shalt  }
0x84: {  	_ =	shalt  }
0x85: {  	_ =	shalt  }
0x86: {  	_ =	shalt  }
0x87: {  	_ =	shalt  }
.Lfunc_end0:
.L_simem_size_0:
called_computation.1_lowered:
.L_overlay_start_0:
0x88: {  	s2 =	sld [smem:$0x3FD9]  }
0x89: {  	s3 =	sld [smem:$0x3FFE];
	_ =	sdelay $0x1  }
0x8a: {  	s1 =	srdreg.scid  }
0x8b: {  	s0 =	sand.u32 $0x1, s1  }
0x8c: {  	s17 =	sshll.u32 s0, $0xA;
	s2 =	sadd.s32 s3, s2  }
0x8d: {  	s2 =	sadd.s32 s2, s17  }
0x8e: {  	[smem:$0x3FB2] =	sst s2  }
0x8f: {  	_ = 	snop  }
0x90: {  	(tm) =	ssettm $0x1  }
0x91: {  	s18 =	sld [smem:$0x3FFB];
	_ =	sdelay $0x3  }
0x92: {  	_ =	strace s18  }
0x93: {  	s2 =	sld [smem:$0x3FFC];
	_ =	sdelay $0x3  }
0x94: {  	_ =	strace s2  }
0x95: {  	s2 =	sld [smem:$0x3FFD];
	_ =	sdelay $0x3  }
0x96: {  	_ =	strace s2  }
0x97: {  	_ =	strace $0x8FFFFFFF  }
0x98: {  	s19 =	sld [smem:$0x3FDB];
	_ =	sdelay $0x1  }
0x99: {  	s20 =	simm.s32 $_scs_section_size  }
0x9a: {  	s4 =	simm.s32 $_size__tile_overlayer_lowered;
	s5 =	simm.s32 $_tile_overlayer_lowered  }
0x9b: {  	s6 =	simm.s32 $0x1BFF;
	s21 =	sshll.u32 s5, $0x1;
	s3 =	sadd.s32 s20, s19  }
0x9c: {  	s22 =	simm.s32 $0x0;
	s4 =	sshll.u32 s4, $0x1;
	s5 =	sadd.s32 s21, s3  }
0x9d: {  	[timem:s22], [sflag:s6] =	dma.local [hbm:s5], s4  }
0x9e: {  	_ =	swait.ge [sflag:s6], s4  }
0x9f: {  	s4 =	ssub.s32 $0x0, s4;
	[sflag:s6] =	ssyncset.done $0x0  }
0xa0: {  	[sflag:s6] =	ssyncadd.s32 s4;
	_ =	sdelay $0x1  }
0xa1: {  	s23 =	simm.s32 $0x1B8B  }
0xa2: {  	_ =	swait.ge [sflag:s23], $0x1  }
0xa3: {  	[sflag:s23] =	ssyncset.done $0x0  }
0xa4: {  	[sflag:s23] =	ssyncadd.s32 $0xFFFFFFFF  }
0xa5: {  	s4 =	sld [smem:$0x0]  }
0xa6: {  	s5 =	sand.u32 $0xFFFFFFFE, s1  }
0xa7: {  	p0 =	sne.s32 s1, s5  }
0xa8: {  	s5 =	sshll.u32 @p0 s5, $0xE  }
0xa9: {  	s5 =	sadd.s32 @p0 $0x11B8D, s5;
	s6 =	sshll.u32 @p0 s4, $0x11  }
0xaa: {  	s5 =	sor.u32 @p0 s6, s5  }
0xab: {  	[sflag:s5] =	ssyncadd.remote.s32 @p0 $0x1;
	_ =	sdelay $0x1  }
0xac: {  	s5 =	simm.s32 @p0 $0x1B8D  }
0xad: {  	_ =	swait.eq @p0 [sflag:s5], $0x1  }
0xae: {  	[sflag:s5] =	ssyncadd.s32 @p0 $0xFFFFFFFF  }
0xaf: {  	s6 =	sshll.u32 @!p0 s1, $0xE  }
0xb0: {  	s6 =	sor.u32 @!p0 $0x4000, s6;
	s5 =	simm.s32 @!p0 $0x1B8D  }
0xb1: {  	s4 =	sshll.u32 @!p0 s4, $0x11;
	s6 =	sadd.s32 @!p0 $0x11B8D, s6;
	_ =	swait.eq @!p0 [sflag:s5], $0x1  }
0xb2: {  	s4 =	sor.u32 @!p0 s4, s6;
	[sflag:s5] =	ssyncadd.s32 @!p0 $0xFFFFFFFF  }
0xb3: {  	s25 =	simm.s32 $0x1B8E;
	s24 =	sld [smem:$0x3FFE];
	[sflag:s4] =	ssyncadd.remote.s32 @!p0 $0x1  }
0xb4: {  	s26 =	simm.s32 $execute0_lowered;
	[smem:$0x3FD2] =	sst s25  }
0xb5: {  	s5 =	sshll.u32 s26, $0x1;
	_ =	strace $0x8000004C;
	[dreg:$0x1] =	wrdreg $0xFFFFFFFF  }
0xb6: {  	s28 =	simm.s32 $_size_execute0_lowered;
	s3 =	sadd.s32 s3, s5;
	[dreg:$0x0] =	wrdreg $0x0  }
0xb7: {  	s5 =	sshll.u32 s28, $0x1;
	[dreg:$0x2] =	wrdreg s3  }
0xb8: {  	[dreg:$0x3] =	wrdreg s5  }
0xb9: {  	[dreg:$0x4] =	wrdreg $0xC0  }
0xba: {  	_ =	task [dreg:s22], $0x5FFFF  }
0xbb: {  	[dreg:$0x1] =	wrdreg $0xFFFFFFFF  }
0xbc: {  	[dreg:$0x0] =	wrdreg $0x60  }
0xbd: {  	[dreg:$0x2] =	wrdreg s24  }
0xbe: {  	[dreg:$0x3] =	wrdreg $0x9  }
0xbf: {  	_ =	task.clear_ibuf [dreg:s22], $0x4FFFF;
	_ =	strace $0x9000004C  }
0xc0: {  	s29 =	simm.s32 $0x9;
	_ =	strace $0x8000004E  }
0xc1: {  	_ =	swait.ge [sflag:s29], $0x1  }
0xc2: {  	[sflag:s29] =	ssyncadd.s32 $0xFFFFFFFF  }
0xc3: {  	_ =	strace $0x9000004E  }
0xc4: {  	_ =	sfence  }
0xc5: {  	s30 =	sld [smem:$0x0];
	_ =	sdelay $0x2  }
0xc6: {  	s31 =	sshll.u32 s1, $0xD;
	s1 =	sshrl.u32 s1, $0x2  }
0xc7: {  	s4 =	sand.u32 $0x4000, s31;
	s1 =	sadd.s32 s1, s30  }
0xc8: {  	s0 =	sor.u32 s4, s0;
	s1 =	sshll.u32 s1, $0x11  }
0xc9: {  	s0 =	sor.u32 s1, s0  }
0xca: {  	s0 =	sadd.s32 $0x8F2B, s0  }
0xcb: {  	[sflag:s0] =	ssyncadd.remote.s32 $0x1  }
0xcc: {  	_ =	sfence.sel $0xFFFF  }
0xcd: {  	[dreg:$0x0] =	wrdreg $0xFFFFFFFF;
	(pc) =	sbr.abs _section_cstart, $3  }
0xce: {  	[dreg:$0x1] =	wrdreg $0xFFFFFFFF  }
0xcf: {  	_ =	task.clear_ibuf [dreg:s22], $0x2FFFF;
	_ =	strace $0x9FFFFFFF  }
0xd0: {  	(tm) =	ssettm $0x7FFFFFFF  }
0xd1: {  	_ =	shalt  }
tec
execute0_lowered:
.L_overlay_start_1:
0x0: {  	(tag) =	ssettag $0x1  }
0x1: {  	s0 =	rddreg [dreg:$0x0];
	s1 =	simm.s32 $0x0;
	s2 =	srdreg.scid  }
0x2: {  	s4 =	stileid.u32;
	s14 =	simm.s32 $0x1;
	s16 =	simm.s32 $0x880  }
0x3: {  	s17 =	simm.s32 $0x1080;
	s18 =	simm.s32 $0x1880;
	s19 =	simm.s32 $0x2080  }
0x4: {  	s20 =	simm.s32 $0x2880;
	s21 =	simm.s32 $0x3080;
	s22 =	simm.s32 $0x3880  }
0x5: {  	s23 =	simm.s32 $0x4080;
	s28 =	simm.s32 $0x6080;
	s29 =	simm.s32 $0x6880  }
0x6: {  	s30 =	simm.s32 $0x7080;
	s31 =	simm.s32 $0x7880;
	s12 =	simm.s32 $0x9080  }
0x7: {  	s13 =	simm.s32 $0x9880;
	s11 =	simm.s32 $0xA080;
	[smem:$0x7FF] =	sst s1  }
0x8: {  	s3 =	sadd.s32 $0x26E400, s0;
	s2 =	sand.u32 $0x1, s2;
	s6 =	sadd.s32 $0x75E00, s0  }
0x9: {  	s4 =	sshll.u32 s4, $0x4;
	s7 =	sadd.s32 $0xBE000, s0;
	s5 =	sshll.u32 s2, $0x3  }
0xa: {  	_ =	strace $0x8000004D;
	s2 =	ssub.s32 $0x2, s2;
	s4 =	sor.u32 s5, s4  }
0xb: {  	s24 =	sshrl.u32 s2, $0x1;
	s5 =	sadd.s32 $0x26E600, s0;
	s8 =	sadd.s32 s6, s4  }
0xc: {  	s9 =	smul.u32 $0x600, s4;
	s2 =	ssub.s32 s2, s24;
	s25 =	sor.u32 $0x4, s4  }
0xd: {  	s4 =	sadd.s32 $0x26E500, s0;
	s24 =	simm.s32 $0x4880;
	[dreg:$0x2] =	wrdreg s8  }
0xe: {  	s10 =	smul.u32 $0x600, s25;
	s8 =	sadd.s32 s6, s25;
	s6 =	sadd.s32 $0x26E700, s0  }
0xf: {  	s25 =	simm.s32 $0x5080;
	s9 =	sadd.s32 s7, s9;
	[dreg:$0x4] =	wrdreg s8  }
0x10: {  	v2 =	vlaneseq.u32;
	s8 =	sadd.s32 $0x26E900, s0;
	[dreg:$0x3] =	wrdreg s9;
	s26 =	sadd.s32 s7, s10  }
0x11: {  	vm0 =	vmmov $0xffff;
	v1 =	vshrl.u32 v2, $0x3;
	s7 =	sadd.s32 $0x26E800, s0;
	s9 =	smax.u32 s2, $0x1;
	s10 =	simm.s32 $0x2  }
0x12: {  	v0 =	vand.u32 $0x7, v2;
	v2 =	vor.u32 $0x8, v2;
	v1 =	vmul.u32 $0x8, v1;
	s0 =	simm.s32 $0x80;
	[dreg:$0x5] =	wrdreg s26;
	s26 =	simm.s32 $0x5880  }
.LBB2_1:
0x13: {  	s15 =	rddreg [dreg:$0x2]  }
0x14: {  	[tilespmem:s1], [sflag:$0x2] =	stream.linear.gather [hbm4b:s15+s1], $0x20, $0x38;
	[tilespmem:$0xC080] =	vst v63  }
0x15: {  	_ =	swait.ge [sflag:s10], $0x20  }
0x16: {  	[sflag:s10] =	ssyncset.done $0x0  }
0x17: {  	[sflag:s10] =	ssyncadd.s32 $0xFFFFFFE0  }
0x18: {  	v3 =	vld [tilespmem:$0x0];
	_ =	sdelay $0x4  }
0x19: {  	v4 =	vshrl.u32 v3, $0x3  }
0x1a: {  	v4 =	vmul.u32 $0x60, v4  }
0x1b: {  	v3 =	vand.u32 $0x7, v3  }
0x1c: {  	v3 =	vor.u32 v3, v4  }
0x1d: {  	v4 =	vperm.xlane v3, v0;
	_ =	sdelay $0x1  }
0x1e: {  	v4 =	vadd.s32 v1, v4;
	_ =	sdelay $0x4  }
0x1f: {  	[tilespmem:s0], [sflag:$0x1] =	stream.indirect_vreg.gather [hbm4b:s3+s1], $0x80, v4, vm0, $0xb8;
	[tilespmem:$0xC080] =	vst v63  }
0x20: {  	_ = 	snop  }
0x21: {  	[tilespmem:s16], [sflag:$0x1] =	stream.indirect_vreg.gather [hbm4b:s4+s1], $0x80, v4, vm0, $0xb8;
	[tilespmem:$0xC080] =	vst v63  }
0x22: {  	_ = 	snop  }
0x23: {  	[tilespmem:s17], [sflag:$0x1] =	stream.indirect_vreg.gather [hbm4b:s5+s1], $0x80, v4, vm0, $0xb8;
	[tilespmem:$0xC080] =	vst v63  }
0x24: {  	v3 =	vperm.xlane v3, v2  }
0x25: {  	[tilespmem:s18], [sflag:$0x1] =	stream.indirect_vreg.gather [hbm4b:s6+s1], $0x80, v4, vm0, $0xb8;
	[tilespmem:$0xC080] =	vst v63  }
0x26: {  	v3 =	vadd.s32 v1, v3  }
0x27: {  	[tilespmem:s19], [sflag:$0x1] =	stream.indirect_vreg.gather [hbm4b:s7+s1], $0x80, v4, vm0, $0xb8;
	[tilespmem:$0xC080] =	vst v63  }
0x28: {  	_ = 	snop  }
0x29: {  	[tilespmem:s20], [sflag:$0x1] =	stream.indirect_vreg.gather [hbm4b:s8+s1], $0x80, v4, vm0, $0xb8;
	[tilespmem:$0xC080] =	vst v63  }
0x2a: {  	_ = 	snop  }
0x2b: {  	[tilespmem:s21], [sflag:$0x1] =	stream.indirect_vreg.gather [hbm4b:s3+s1], $0x80, v3, vm0, $0xb8;
	[tilespmem:$0xC080] =	vst v63  }
0x2c: {  	_ = 	snop  }
0x2d: {  	[tilespmem:s22], [sflag:$0x1] =	stream.indirect_vreg.gather [hbm4b:s4+s1], $0x80, v3, vm0, $0xb8;
	[tilespmem:$0xC080] =	vst v63  }
0x2e: {  	_ = 	snop  }
0x2f: {  	[tilespmem:s23], [sflag:$0x1] =	stream.indirect_vreg.gather [hbm4b:s5+s1], $0x80, v3, vm0, $0xb8;
	[tilespmem:$0xC080] =	vst v63  }
0x30: {  	_ = 	snop  }
0x31: {  	[tilespmem:s24], [sflag:$0x1] =	stream.indirect_vreg.gather [hbm4b:s6+s1], $0x80, v3, vm0, $0xb8;
	[tilespmem:$0xC080] =	vst v63  }
0x32: {  	_ = 	snop  }
0x33: {  	[tilespmem:s25], [sflag:$0x1] =	stream.indirect_vreg.gather [hbm4b:s7+s1], $0x80, v3, vm0, $0xb8;
	[tilespmem:$0xC080] =	vst v63  }
0x34: {  	_ = 	snop  }
0x35: {  	[tilespmem:s26], [sflag:$0x1] =	stream.indirect_vreg.gather [hbm4b:s8+s1], $0x80, v3, vm0, $0xb8;
	[tilespmem:$0xC080] =	vst v63  }
0x36: {  	v3 =	vld [tilespmem:$0x10];
	_ =	sdelay $0x4  }
0x37: {  	v61 =	vshrl.u32 v3, $0x3  }
0x38: {  	v4 =	vmul.u32 $0x60, v61  }
0x39: {  	v3 =	vand.u32 $0x7, v3  }
0x3a: {  	v3 =	vor.u32 v3, v4  }
0x3b: {  	v4 =	vperm.xlane v3, v0;
	_ =	sdelay $0x1  }
0x3c: {  	v4 =	vadd.s32 v1, v4;
	_ =	sdelay $0x4  }
0x3d: {  	[tilespmem:s28], [sflag:$0x1] =	stream.indirect_vreg.gather [hbm4b:s3+s1], $0x80, v4, vm0, $0xb8;
	[tilespmem:$0xC080] =	vst v63  }
0x3e: {  	_ = 	snop  }
0x3f: {  	[tilespmem:s29], [sflag:$0x1] =	stream.indirect_vreg.gather [hbm4b:s4+s1], $0x80, v4, vm0, $0xb8;
	[tilespmem:$0xC080] =	vst v63  }
0x40: {  	_ = 	snop  }
0x41: {  	[tilespmem:s30], [sflag:$0x1] =	stream.indirect_vreg.gather [hbm4b:s5+s1], $0x80, v4, vm0, $0xb8;
	[tilespmem:$0xC080] =	vst v63  }
0x42: {  	v3 =	vperm.xlane v3, v2  }
0x43: {  	[tilespmem:s31], [sflag:$0x1] =	stream.indirect_vreg.gather [hbm4b:s6+s1], $0x80, v4, vm0, $0xb8;
	[tilespmem:$0xC080] =	vst v63  }
0x44: {  	s2 =	simm.s32 $0x8080;
	v3 =	vadd.s32 v1, v3  }
0x45: {  	[tilespmem:s2], [sflag:$0x1] =	stream.indirect_vreg.gather [hbm4b:s7+s1], $0x80, v4, vm0, $0xb8;
	[tilespmem:$0xC080] =	vst v63  }
0x46: {  	s2 =	simm.s32 $0x8880  }
0x47: {  	[tilespmem:s2], [sflag:$0x1] =	stream.indirect_vreg.gather [hbm4b:s8+s1], $0x80, v4, vm0, $0xb8;
	[tilespmem:$0xC080] =	vst v63  }
0x48: {  	_ = 	snop  }
0x49: {  	[tilespmem:s12], [sflag:$0x1] =	stream.indirect_vreg.gather [hbm4b:s3+s1], $0x80, v3, vm0, $0xb8;
	[tilespmem:$0xC080] =	vst v63  }
0x4a: {  	_ = 	snop  }
0x4b: {  	[tilespmem:s13], [sflag:$0x1] =	stream.indirect_vreg.gather [hbm4b:s4+s1], $0x80, v3, vm0, $0xb8;
	[tilespmem:$0xC080] =	vst v63  }
0x4c: {  	_ = 	snop  }
0x4d: {  	[tilespmem:s11], [sflag:$0x1] =	stream.indirect_vreg.gather [hbm4b:s5+s1], $0x80, v3, vm0, $0xb8;
	[tilespmem:$0xC080] =	vst v63  }
0x4e: {  	s15 =	simm.s32 $0xA880  }
0x4f: {  	[tilespmem:s15], [sflag:$0x1] =	stream.indirect_vreg.gather [hbm4b:s6+s1], $0x80, v3, vm0, $0xb8;
	[tilespmem:$0xC080] =	vst v63  }
0x50: {  	s15 =	simm.s32 $0xB080  }
0x51: {  	[tilespmem:s15], [sflag:$0x1] =	stream.indirect_vreg.gather [hbm4b:s7+s1], $0x80, v3, vm0, $0xb8;
	[tilespmem:$0xC080] =	vst v63  }
0x52: {  	s15 =	simm.s32 $0xB880  }
0x53: {  	[tilespmem:s15], [sflag:$0x1] =	stream.indirect_vreg.gather [hbm4b:s8+s1], $0x80, v3, vm0, $0xb8;
	[tilespmem:$0xC080] =	vst v63  }
0x54: {  	_ =	swait.ge [sflag:s14], $0xC000  }
0x55: {  	[sflag:s14] =	ssyncset.done $0x0  }
0x56: {  	s15 =	rddreg [dreg:$0x3];
	[sflag:s14] =	ssyncadd.s32 $0xFFFF4000  }
0x57: {  	[hbm4b:s15+s1] =	stream.linear.scatter [tilespmem:s0], [sflag:$0x2], $0xC000, $0x38;
	[tilespmem:$0xC080] =	vst v63  }
0x58: {  	_ =	swait.ge [sflag:s10], $0xC000  }
0x59: {  	[sflag:s10] =	ssyncset.done $0x0  }
0x5a: {  	s15 =	rddreg [dreg:$0x4];
	[sflag:s10] =	ssyncadd.s32 $0xFFFF4000  }
0x5b: {  	[tilespmem:s1], [sflag:$0x2] =	stream.linear.gather [hbm4b:s15+s1], $0x20, $0x38;
	[tilespmem:$0xC080] =	vst v63  }
0x5c: {  	_ =	swait.ge [sflag:s10], $0x20  }
0x5d: {  	[sflag:s10] =	ssyncset.done $0x0  }
0x5e: {  	[sflag:s10] =	ssyncadd.s32 $0xFFFFFFE0  }
0x5f: {  	v3 =	vld [tilespmem:$0x0];
	_ =	sdelay $0x4  }
0x60: {  	v62 =	vshrl.u32 v3, $0x3  }
0x61: {  	v4 =	vmul.u32 $0x60, v62  }
0x62: {  	v3 =	vand.u32 $0x7, v3  }
0x63: {  	v3 =	vor.u32 v3, v4  }
0x64: {  	v4 =	vperm.xlane v3, v0;
	_ =	sdelay $0x1  }
0x65: {  	v4 =	vadd.s32 v1, v4;
	_ =	sdelay $0x4  }
0x66: {  	[tilespmem:s0], [sflag:$0x1] =	stream.indirect_vreg.gather [hbm4b:s3+s1], $0x80, v4, vm0, $0xb8;
	[tilespmem:$0xC080] =	vst v63  }
0x67: {  	_ = 	snop  }
0x68: {  	[tilespmem:s16], [sflag:$0x1] =	stream.indirect_vreg.gather [hbm4b:s4+s1], $0x80, v4, vm0, $0xb8;
	[tilespmem:$0xC080] =	vst v63  }
0x69: {  	_ = 	snop  }
0x6a: {  	[tilespmem:s17], [sflag:$0x1] =	stream.indirect_vreg.gather [hbm4b:s5+s1], $0x80, v4, vm0, $0xb8;
	[tilespmem:$0xC080] =	vst v63  }
0x6b: {  	v3 =	vperm.xlane v3, v2  }
0x6c: {  	[tilespmem:s18], [sflag:$0x1] =	stream.indirect_vreg.gather [hbm4b:s6+s1], $0x80, v4, vm0, $0xb8;
	[tilespmem:$0xC080] =	vst v63  }
0x6d: {  	v3 =	vadd.s32 v1, v3  }
0x6e: {  	[tilespmem:s19], [sflag:$0x1] =	stream.indirect_vreg.gather [hbm4b:s7+s1], $0x80, v4, vm0, $0xb8;
	[tilespmem:$0xC080] =	vst v63  }
0x6f: {  	_ = 	snop  }
0x70: {  	[tilespmem:s20], [sflag:$0x1] =	stream.indirect_vreg.gather [hbm4b:s8+s1], $0x80, v4, vm0, $0xb8;
	[tilespmem:$0xC080] =	vst v63  }
0x71: {  	_ = 	snop  }
0x72: {  	[tilespmem:s21], [sflag:$0x1] =	stream.indirect_vreg.gather [hbm4b:s3+s1], $0x80, v3, vm0, $0xb8;
	[tilespmem:$0xC080] =	vst v63  }
0x73: {  	_ = 	snop  }
0x74: {  	[tilespmem:s22], [sflag:$0x1] =	stream.indirect_vreg.gather [hbm4b:s4+s1], $0x80, v3, vm0, $0xb8;
	[tilespmem:$0xC080] =	vst v63  }
0x75: {  	_ = 	snop  }
0x76: {  	[tilespmem:s23], [sflag:$0x1] =	stream.indirect_vreg.gather [hbm4b:s5+s1], $0x80, v3, vm0, $0xb8;
	[tilespmem:$0xC080] =	vst v63  }
0x77: {  	_ = 	snop  }
0x78: {  	[tilespmem:s24], [sflag:$0x1] =	stream.indirect_vreg.gather [hbm4b:s6+s1], $0x80, v3, vm0, $0xb8;
	[tilespmem:$0xC080] =	vst v63  }
0x79: {  	_ = 	snop  }
0x7a: {  	[tilespmem:s25], [sflag:$0x1] =	stream.indirect_vreg.gather [hbm4b:s7+s1], $0x80, v3, vm0, $0xb8;
	[tilespmem:$0xC080] =	vst v63  }
0x7b: {  	_ = 	snop  }
0x7c: {  	[tilespmem:s26], [sflag:$0x1] =	stream.indirect_vreg.gather [hbm4b:s8+s1], $0x80, v3, vm0, $0xb8;
	[tilespmem:$0xC080] =	vst v63  }
0x7d: {  	v3 =	vld [tilespmem:$0x10];
	_ =	sdelay $0x4  }
0x7e: {  	v63 =	vshrl.u32 v3, $0x3  }
0x7f: {  	v4 =	vmul.u32 $0x60, v63  }
0x80: {  	v3 =	vand.u32 $0x7, v3  }
0x81: {  	v3 =	vor.u32 v3, v4  }
0x82: {  	v4 =	vperm.xlane v3, v0;
	_ =	sdelay $0x1  }
0x83: {  	v4 =	vadd.s32 v1, v4;
	_ =	sdelay $0x4  }
0x84: {  	[tilespmem:s28], [sflag:$0x1] =	stream.indirect_vreg.gather [hbm4b:s3+s1], $0x80, v4, vm0, $0xb8;
	[tilespmem:$0xC080] =	vst v63  }
0x85: {  	_ = 	snop  }
0x86: {  	[tilespmem:s29], [sflag:$0x1] =	stream.indirect_vreg.gather [hbm4b:s4+s1], $0x80, v4, vm0, $0xb8;
	[tilespmem:$0xC080] =	vst v63  }
0x87: {  	_ = 	snop  }
0x88: {  	[tilespmem:s30], [sflag:$0x1] =	stream.indirect_vreg.gather [hbm4b:s5+s1], $0x80, v4, vm0, $0xb8;
	[tilespmem:$0xC080] =	vst v63  }
0x89: {  	v3 =	vperm.xlane v3, v2  }
0x8a: {  	[tilespmem:s31], [sflag:$0x1] =	stream.indirect_vreg.gather [hbm4b:s6+s1], $0x80, v4, vm0, $0xb8;
	[tilespmem:$0xC080] =	vst v63  }
0x8b: {  	s15 =	simm.s32 $0x8080;
	v3 =	vadd.s32 v1, v3  }
0x8c: {  	[tilespmem:s15], [sflag:$0x1] =	stream.indirect_vreg.gather [hbm4b:s7+s1], $0x80, v4, vm0, $0xb8;
	[tilespmem:$0xC080] =	vst v63  }
0x8d: {  	_ = 	snop  }
0x8e: {  	[tilespmem:s2], [sflag:$0x1] =	stream.indirect_vreg.gather [hbm4b:s8+s1], $0x80, v4, vm0, $0xb8;
	[tilespmem:$0xC080] =	vst v63  }
0x8f: {  	_ = 	snop  }
0x90: {  	[tilespmem:s12], [sflag:$0x1] =	stream.indirect_vreg.gather [hbm4b:s3+s1], $0x80, v3, vm0, $0xb8;
	[tilespmem:$0xC080] =	vst v63  }
0x91: {  	_ = 	snop  }
0x92: {  	[tilespmem:s13], [sflag:$0x1] =	stream.indirect_vreg.gather [hbm4b:s4+s1], $0x80, v3, vm0, $0xb8;
	[tilespmem:$0xC080] =	vst v63  }
0x93: {  	_ = 	snop  }
0x94: {  	[tilespmem:s11], [sflag:$0x1] =	stream.indirect_vreg.gather [hbm4b:s5+s1], $0x80, v3, vm0, $0xb8;
	[tilespmem:$0xC080] =	vst v63  }
0x95: {  	s15 =	simm.s32 $0xA880  }
0x96: {  	[tilespmem:s15], [sflag:$0x1] =	stream.indirect_vreg.gather [hbm4b:s6+s1], $0x80, v3, vm0, $0xb8;
	[tilespmem:$0xC080] =	vst v63  }
0x97: {  	s15 =	simm.s32 $0xB080  }
0x98: {  	[tilespmem:s15], [sflag:$0x1] =	stream.indirect_vreg.gather [hbm4b:s7+s1], $0x80, v3, vm0, $0xb8;
	[tilespmem:$0xC080] =	vst v63  }
0x99: {  	s15 =	simm.s32 $0xB880  }
0x9a: {  	[tilespmem:s15], [sflag:$0x1] =	stream.indirect_vreg.gather [hbm4b:s8+s1], $0x80, v3, vm0, $0xb8;
	[tilespmem:$0xC080] =	vst v63  }
0x9b: {  	_ =	swait.ge [sflag:s14], $0xC000  }
0x9c: {  	p0 =	sne.s32 s9, $0x1;
	[sflag:s14] =	ssyncset.done $0x0  }
.Ltmp0:
0x9d: {  	s2 =	rddreg [dreg:$0x5];
	[sflag:s14] =	ssyncadd.s32 $0xFFFF4000;
	(pc) =	sbr.rel @p0 .LBB2_1-.Ltmp0, $4  }
0x9e: {  	[hbm4b:s2+s1] =	stream.linear.scatter [tilespmem:s0], [sflag:$0x2], $0xC000, $0x38;
	[tilespmem:$0xC080] =	vst v63  }
0x9f: {  	_ =	swait.ge [sflag:s10], $0xC000  }
0xa0: {  	[sflag:s10] =	ssyncset.done $0x0  }
0xa1: {  	s9 =	sadd.s32 $0xFFFFFFFF, s9;
	[sflag:s10] =	ssyncadd.s32 $0xFFFF4000  }
0xa2: {  	_ =	sfence.sel $0x180000  }
0xa3: {  	[bflag:$0x0] =	sbarrier.arrive $0xFFFF  }
0xa4: {  	_ =	strace $0x9000004D  }
0xa5: {  	s0 =	stileid.u32;
	[bflag:$0x2] =	sbarrier.arrive $0xFFFF  }
0xa6: {  	p0 =	sne.s32 s0, $0x0;
	s0 =	rddreg [dreg:$0x1]  }
0xa7: {  	s0 =	sadd.s32 @!p0 $0x100000, s0  }
0xa8: {  	[sflag:s0] =	ssyncadd.tile.s32 @!p0 $0x1;
	_ =	shalt  }
.Lfunc_end2:
_tile_overlayer_lowered:
.L_overlay_start_2:
0xa9: {  	(tag) =	ssettag $0x2  }
0xaa: {  	s0 =	rddreg [dreg:$0x0];
	s2 =	stileid.u32  }
0xab: {  	s1 =	rddreg [dreg:$0x1];
	p0 =	sne.s32 s2, $0x0  }
0xac: {  	s3 =	rddreg [dreg:$0x2];
	[bflag:$0x3] =	sbarrier.arrive $0xFFFF;
	s2 =	simm.s32 @!p0 $0x1C02  }
0xad: {  	[timem:s3], [sflag:s2] =	dma.local @!p0 [hbm:s0], s1  }
0xae: {  	s0 =	simm.s32 @!p0 $0x2  }
0xaf: {  	_ =	swait.ge @!p0 [sflag:s0], s1  }
0xb0: {  	s1 =	ssub.s32 @!p0 $0x0, s1;
	[sflag:s0] =	ssyncset.done @!p0 $0x0  }
0xb1: {  	[sflag:s0] =	ssyncadd.s32 @!p0 s1  }
0xb2: {  	[bflag:$0x3] =	sbarrier.arrive $0xFFFF  }
0xb3: {  	_ =	shalt  }

// kernel: kernel.22.cloned.1.call-start
scs
__scs_entry_jumppad:
0x0: {  	(pc) =	sbr.rel $0x88, $3  }
0x1: {  	(tag) =	ssettag $0x0;
	lr =	simm.s32 $0x1  }
0x2: {  	[smem:$0x3F8B] =	sst lr;
	_ =	strace $0xD0000000  }
0x3: {  	_ = 	snop  }
0x4: {  	_ = 	snop  }
0x5: {  	_ = 	snop  }
0x6: {  	_ = 	snop  }
0x7: {  	_ = 	snop  }
__scs_overlays_trampoline_lowered:
0x8: {  	[smem:$0x3F9A] =	sst s0  }
0x9: {  	[smem:$0x3F9B] =	sst s1  }
0xa: {  	[smem:$0x3F9C] =	sst s2  }
0xb: {  	[smem:$0x3F9D] =	sst s3  }
0xc: {  	[smem:$0x3F9E] =	sst s4  }
0xd: {  	[smem:$0x3F9F] =	sst s5  }
0xe: {  	[smem:$0x3FA0] =	sst s6  }
0xf: {  	[smem:$0x3FA1] =	sst s7  }
0x10: {  	[smem:$0x3FA2] =	sst s8  }
0x11: {  	[smem:$0x3FA3] =	sst s9;
	s0 =	simm.s32 @!p0 $0x0  }
0x12: {  	s1 =	sld [smem:$0x3F89];
	s0 =	simm.s32 @p0 $0x1  }
0x13: {  	[smem:$0x3FA4] =	sst s0;
	s0 =	simm.s32 @!p1 $0x0  }
0x14: {  	s2 =	sld [smem:$0x3F88];
	s0 =	simm.s32 @p1 $0x1  }
0x15: {  	[smem:$0x3FA5] =	sst s0;
	s0 =	simm.s32 @!p2 $0x0  }
0x16: {  	s3 =	sld [smem:$0x3FDB];
	s0 =	simm.s32 @p2 $0x1  }
0x17: {  	s4 =	simm.s32 $0x1BF5;
	[smem:$0x3FA7] =	sst s0  }
0x18: {  	s0 =	sld [smem:$0x3F8A];
	_ =	swait.ge [sflag:s4], $0x0  }
0x19: {  	s7 =	sld [smem:$0x3F8B]  }
0x1a: {  	s8 =	sadd.s32 $0xFFFFE003, lr  }
0x1b: {  	s9 =	sadd.s32 $0xFFFFFEF7, lr;
	s5 =	simm.s32 $0xFFFFFFFF;
	p2 =	slt.u32 s8, $0xFFFFF086  }
0x1c: {  	p1 =	slt.u32 s9, $0xF7A;
	s5 =	simm.s32 @!p2 $0x0  }
0x1d: {  	s5 =	simm.s32 @p1 $0x1;
	p0 =	seq.s32 s7, s2  }
0x1e: {  	s7 =	smul.u32 @!p0 $0xF7A, s2;
	p2 =	seq.s32 @!p0 s5, $0x0  }
0x1f: {  	s9 =	smul.u32 $0xF7A, s1;
	s8 =	simm.s32 @!p0 $0x1BF5;
	p2 =	por !p2, p0  }
0x20: {  	[sflag:s8] =	ssyncset.s32 @!p0 $0xFFFFF086;
	s6 =	sadd.s32 @!p0 s3, s7;
	s7 =	simm.s32 @!p0 $0x108  }
0x21: {  	s3 =	sadd.s32 s3, s9;
	s6 =	sadd.s32 @!p0 $0x88, s6;
	s7 =	simm.s32 @p2 $0x1082  }
0x22: {  	[simem:s7], [sflag:s8] =	dma.local @!p0 [hbm:s6], $0xF7A  }
0x23: {  	s9 =	sor.u32 $0xD0000000, s2;
	s6 =	simm.s32 $0x108;
	_ =	swait.ge @!p0 [sflag:s8], $0x0  }
0x24: {  	s3 =	sadd.s32 $0x88, s3;
	s6 =	simm.s32 @!p1 $0x1082;
	[sflag:s4] =	ssyncset.s32 $0xFFFFF086  }
0x25: {  	[simem:s6], [sflag:s4] =	dma.local [hbm:s3], $0xF7A  }
0x26: {  	[smem:$0x3F8B] =	sst s1;
	(tag) =	ssettag s2;
	_ =	strace s9  }
0x27: {  	s1 =	sld [smem:$0x3F9B]  }
0x28: {  	s2 =	sld [smem:$0x3F9C]  }
0x29: {  	s4 =	sld [smem:$0x3F9E]  }
0x2a: {  	p0 =	seq.s32 s5, $0x0;
	s5 =	sld [smem:$0x3F9F]  }
0x2b: {  	s6 =	sld [smem:$0x3FA0]  }
0x2c: {  	s7 =	sld [smem:$0x3FA1]  }
0x2d: {  	s3 =	simm.s32 $0x108;
	s8 =	sld [smem:$0x3FA2]  }
0x2e: {  	s3 =	simm.s32 @!p0 $0x1082;
	s9 =	sld [smem:$0x3FA3]  }
0x2f: {  	lr =	sadd.s32 s0, s3;
	s0 =	sld [smem:$0x3F9A]  }
0x30: {  	s3 =	sld [smem:$0x3F9D]  }
0x31: {  	[smem:$0x3FA6] =	sst s10  }
0x32: {  	s10 =	sld [smem:$0x3FA4];
	_ =	sdelay $0x3  }
0x33: {  	p0 =	seq.s32 s10, $0x1;
	s10 =	sld [smem:$0x3FA6];
	_ =	sdelay $0x3  }
0x34: {  	[smem:$0x3FA6] =	sst s10  }
0x35: {  	s10 =	sld [smem:$0x3FA5];
	_ =	sdelay $0x3  }
0x36: {  	p1 =	seq.s32 s10, $0x1;
	s10 =	sld [smem:$0x3FA6];
	_ =	sdelay $0x3  }
0x37: {  	[smem:$0x3FA6] =	sst s10  }
0x38: {  	s10 =	sld [smem:$0x3FA7]  }
0x39: {  	_ = 	snop;
	(pc) =	sbr.ind lr, $3  }
0x3a: {  	_ = 	snop  }
0x3b: {  	_ = 	snop  }
0x3c: {  	p2 =	seq.s32 s10, $0x1;
	s10 =	sld [smem:$0x3FA6]  }
0x3d: {  	_ =	shalt  }
0x3e: {  	_ =	shalt  }
0x3f: {  	_ =	shalt  }
0x40: {  	_ =	shalt  }
0x41: {  	_ =	shalt  }
0x42: {  	_ =	shalt  }
0x43: {  	_ =	shalt  }
0x44: {  	_ =	shalt  }
0x45: {  	_ =	shalt  }
0x46: {  	_ =	shalt  }
0x47: {  	_ =	shalt  }
0x48: {  	_ =	shalt  }
0x49: {  	_ =	shalt  }
0x4a: {  	_ =	shalt  }
0x4b: {  	_ =	shalt  }
0x4c: {  	_ =	shalt  }
0x4d: {  	_ =	shalt  }
0x4e: {  	_ =	shalt  }
0x4f: {  	_ =	shalt  }
0x50: {  	_ =	shalt  }
0x51: {  	_ =	shalt  }
0x52: {  	_ =	shalt  }
0x53: {  	_ =	shalt  }
0x54: {  	_ =	shalt  }
0x55: {  	_ =	shalt  }
0x56: {  	_ =	shalt  }
0x57: {  	_ =	shalt  }
0x58: {  	_ =	shalt  }
0x59: {  	_ =	shalt  }
0x5a: {  	_ =	shalt  }
0x5b: {  	_ =	shalt  }
0x5c: {  	_ =	shalt  }
0x5d: {  	_ =	shalt  }
0x5e: {  	_ =	shalt  }
0x5f: {  	_ =	shalt  }
0x60: {  	_ =	shalt  }
0x61: {  	_ =	shalt  }
0x62: {  	_ =	shalt  }
0x63: {  	_ =	shalt  }
0x64: {  	_ =	shalt  }
0x65: {  	_ =	shalt  }
0x66: {  	_ =	shalt  }
0x67: {  	_ =	shalt  }
0x68: {  	_ =	shalt  }
0x69: {  	_ =	shalt  }
0x6a: {  	_ =	shalt  }
0x6b: {  	_ =	shalt  }
0x6c: {  	_ =	shalt  }
0x6d: {  	_ =	shalt  }
0x6e: {  	_ =	shalt  }
0x6f: {  	_ =	shalt  }
0x70: {  	_ =	shalt  }
0x71: {  	_ =	shalt  }
0x72: {  	_ =	shalt  }
0x73: {  	_ =	shalt  }
0x74: {  	_ =	shalt  }
0x75: {  	_ =	shalt  }
0x76: {  	_ =	shalt  }
0x77: {  	_ =	shalt  }
0x78: {  	_ =	shalt  }
0x79: {  	_ =	shalt  }
0x7a: {  	_ =	shalt  }
0x7b: {  	_ =	shalt  }
0x7c: {  	_ =	shalt  }
0x7d: {  	_ =	shalt  }
0x7e: {  	_ =	shalt  }
0x7f: {  	_ =	shalt  }
0x80: {  	_ =	shalt  }
0x81: {  	_ =	shalt  }
0x82: {  	_ =	shalt  }
0x83: {  	_ =	shalt  }
0x84: {  	_ =	shalt  }
0x85: {  	_ =	shalt  }
0x86: {  	_ =	shalt  }
0x87: {  	_ =	shalt  }
.Lfunc_end0:
.L_simem_size_0:
called_computation.2_lowered:
.L_overlay_start_0:
0x88: {  	s2 =	sld [smem:$0x3FD9]  }
0x89: {  	s3 =	sld [smem:$0x3FFE];
	_ =	sdelay $0x1  }
0x8a: {  	s1 =	srdreg.scid  }
0x8b: {  	s0 =	sand.u32 $0x1, s1  }
0x8c: {  	s16 =	sshll.u32 s0, $0xA;
	s2 =	sadd.s32 s3, s2  }
0x8d: {  	s2 =	sadd.s32 s2, s16  }
0x8e: {  	[smem:$0x3FB2] =	sst s2  }
0x8f: {  	_ = 	snop  }
0x90: {  	(tm) =	ssettm $0x1  }
0x91: {  	s17 =	sld [smem:$0x3FFB];
	_ =	sdelay $0x3  }
0x92: {  	_ =	strace s17  }
0x93: {  	s2 =	sld [smem:$0x3FFC];
	_ =	sdelay $0x3  }
0x94: {  	_ =	strace s2  }
0x95: {  	s2 =	sld [smem:$0x3FFD];
	_ =	sdelay $0x3  }
0x96: {  	_ =	strace s2  }
0x97: {  	_ =	strace $0x8FFFFFFF  }
0x98: {  	s18 =	sld [smem:$0x3FDB];
	_ =	sdelay $0x1  }
0x99: {  	s19 =	simm.s32 $_scs_section_size  }
0x9a: {  	s4 =	simm.s32 $_size__tile_overlayer_lowered;
	s5 =	simm.s32 $_tile_overlayer_lowered  }
0x9b: {  	s22 =	simm.s32 $0x1BFF;
	s21 =	sshll.u32 s5, $0x1;
	s2 =	sadd.s32 s19, s18  }
0x9c: {  	s6 =	simm.s32 $0x0;
	s20 =	sshll.u32 s4, $0x1;
	s4 =	sadd.s32 s21, s2  }
0x9d: {  	[timem:s6], [sflag:s22] =	dma.local [hbm:s4], s20  }
0x9e: {  	_ =	swait.ge [sflag:s22], s20  }
0x9f: {  	s3 =	ssub.s32 $0x0, s20;
	[sflag:s22] =	ssyncset.done $0x0  }
0xa0: {  	[sflag:s22] =	ssyncadd.s32 s3;
	_ =	sdelay $0x1  }
0xa1: {  	s23 =	simm.s32 $0x1B8B  }
0xa2: {  	_ =	swait.ge [sflag:s23], $0x1  }
0xa3: {  	[sflag:s23] =	ssyncset.done $0x0  }
0xa4: {  	s25 =	simm.s32 $0x1B8E;
	s24 =	sld [smem:$0x3FFE];
	[sflag:s23] =	ssyncadd.s32 $0xFFFFFFFF  }
0xa5: {  	s26 =	simm.s32 $execute0_lowered;
	[smem:$0x3FD2] =	sst s25  }
0xa6: {  	s4 =	sshll.u32 s26, $0x1;
	_ =	strace $0x80000049;
	[dreg:$0x1] =	wrdreg $0xFFFFFFFF  }
0xa7: {  	s28 =	simm.s32 $_size_execute0_lowered;
	s2 =	sadd.s32 s2, s4;
	[dreg:$0x0] =	wrdreg $0x0  }
0xa8: {  	s4 =	sshll.u32 s28, $0x1;
	[dreg:$0x2] =	wrdreg s2  }
0xa9: {  	[dreg:$0x3] =	wrdreg s4  }
0xaa: {  	[dreg:$0x4] =	wrdreg $0xC0  }
0xab: {  	_ =	task [dreg:s6], $0x5FFFF  }
0xac: {  	[dreg:$0x1] =	wrdreg $0xFFFFFFFF  }
0xad: {  	[dreg:$0x0] =	wrdreg $0x60  }
0xae: {  	[dreg:$0x2] =	wrdreg s24  }
0xaf: {  	[dreg:$0x3] =	wrdreg $0xA  }
0xb0: {  	_ =	task.clear_ibuf [dreg:s6], $0x4FFFF;
	_ =	strace $0x90000049  }
0xb1: {  	s29 =	simm.s32 $0xA;
	_ =	strace $0x8000004B  }
0xb2: {  	_ =	swait.ge [sflag:s29], $0x1  }
0xb3: {  	[sflag:s29] =	ssyncadd.s32 $0xFFFFFFFF  }
0xb4: {  	_ =	strace $0x9000004B  }
0xb5: {  	_ =	sfence  }
0xb6: {  	s30 =	sld [smem:$0x0];
	_ =	sdelay $0x2  }
0xb7: {  	s31 =	sshll.u32 s1, $0xD;
	s1 =	sshrl.u32 s1, $0x2  }
0xb8: {  	s3 =	sand.u32 $0x4000, s31;
	s1 =	sadd.s32 s1, s30  }
0xb9: {  	s0 =	sor.u32 s3, s0;
	s1 =	sshll.u32 s1, $0x11  }
0xba: {  	s0 =	sor.u32 s1, s0  }
0xbb: {  	s0 =	sadd.s32 $0x8F2B, s0  }
0xbc: {  	[sflag:s0] =	ssyncadd.remote.s32 $0x1  }
0xbd: {  	_ =	sfence.sel $0xFFFF  }
0xbe: {  	[dreg:$0x0] =	wrdreg $0xFFFFFFFF;
	(pc) =	sbr.abs _section_cstart, $3  }
0xbf: {  	[dreg:$0x1] =	wrdreg $0xFFFFFFFF  }
0xc0: {  	_ =	task.clear_ibuf [dreg:s6], $0x2FFFF;
	_ =	strace $0x9FFFFFFF  }
0xc1: {  	(tm) =	ssettm $0x7FFFFFFF  }
tec
execute0_lowered:
.L_overlay_start_1:
0x0: {  	(tag) =	ssettag $0x1  }
0x1: {  	s0 =	rddreg [dreg:$0x0];
	s1 =	simm.s32 $0x0;
	s2 =	srdreg.scid  }
0x2: {  	s4 =	stileid.u32;
	s14 =	simm.s32 $0x1;
	s16 =	simm.s32 $0x880  }
0x3: {  	s17 =	simm.s32 $0x1080;
	s18 =	simm.s32 $0x1880;
	s19 =	simm.s32 $0x2080  }
0x4: {  	s20 =	simm.s32 $0x2880;
	s21 =	simm.s32 $0x3080;
	s22 =	simm.s32 $0x3880  }
0x5: {  	s23 =	simm.s32 $0x4080;
	s28 =	simm.s32 $0x6080;
	s29 =	simm.s32 $0x6880  }
0x6: {  	s30 =	simm.s32 $0x7080;
	s31 =	simm.s32 $0x7880;
	s12 =	simm.s32 $0x9080  }
0x7: {  	s13 =	simm.s32 $0x9880;
	s11 =	simm.s32 $0xA080;
	[smem:$0x7FF] =	sst s1  }
0x8: {  	s3 =	sadd.s32 $0x26E400, s0;
	s2 =	sand.u32 $0x1, s2;
	s6 =	sadd.s32 $0xBDE00, s0  }
0x9: {  	s4 =	sshll.u32 s4, $0x4;
	s7 =	sadd.s32 $0x15E00, s0;
	s5 =	sshll.u32 s2, $0x3  }
0xa: {  	_ =	strace $0x8000004A;
	s2 =	ssub.s32 $0x2, s2;
	s4 =	sor.u32 s5, s4  }
0xb: {  	s24 =	sshrl.u32 s2, $0x1;
	s5 =	sadd.s32 $0x26E600, s0;
	s8 =	sadd.s32 s6, s4  }
0xc: {  	s9 =	smul.u32 $0x600, s4;
	s2 =	ssub.s32 s2, s24;
	s25 =	sor.u32 $0x4, s4  }
0xd: {  	s4 =	sadd.s32 $0x26E500, s0;
	s24 =	simm.s32 $0x4880;
	[dreg:$0x2] =	wrdreg s8  }
0xe: {  	s10 =	smul.u32 $0x600, s25;
	s8 =	sadd.s32 s6, s25;
	s6 =	sadd.s32 $0x26E700, s0  }
0xf: {  	s25 =	simm.s32 $0x5080;
	s9 =	sadd.s32 s7, s9;
	[dreg:$0x4] =	wrdreg s8  }
0x10: {  	v2 =	vlaneseq.u32;
	s8 =	sadd.s32 $0x26E900, s0;
	[dreg:$0x3] =	wrdreg s9;
	s26 =	sadd.s32 s7, s10  }
0x11: {  	vm0 =	vmmov $0xffff;
	v1 =	vshrl.u32 v2, $0x3;
	s7 =	sadd.s32 $0x26E800, s0;
	s9 =	smax.u32 s2, $0x1;
	s10 =	simm.s32 $0x2  }
0x12: {  	v0 =	vand.u32 $0x7, v2;
	v2 =	vor.u32 $0x8, v2;
	v1 =	vmul.u32 $0x8, v1;
	s0 =	simm.s32 $0x80;
	[dreg:$0x5] =	wrdreg s26;
	s26 =	simm.s32 $0x5880  }
.LBB2_1:
0x13: {  	s15 =	rddreg [dreg:$0x2]  }
0x14: {  	[tilespmem:s1], [sflag:$0x2] =	stream.linear.gather [hbm4b:s15+s1], $0x20, $0x38;
	[tilespmem:$0xC080] =	vst v63  }
0x15: {  	_ =	swait.ge [sflag:s10], $0x20  }
0x16: {  	[sflag:s10] =	ssyncset.done $0x0  }
0x17: {  	[sflag:s10] =	ssyncadd.s32 $0xFFFFFFE0  }
0x18: {  	v3 =	vld [tilespmem:$0x0];
	_ =	sdelay $0x4  }
0x19: {  	v4 =	vshrl.u32 v3, $0x3  }
0x1a: {  	v4 =	vmul.u32 $0x60, v4  }
0x1b: {  	v3 =	vand.u32 $0x7, v3  }
0x1c: {  	v3 =	vor.u32 v3, v4  }
0x1d: {  	v4 =	vperm.xlane v3, v0;
	_ =	sdelay $0x1  }
0x1e: {  	v4 =	vadd.s32 v1, v4;
	_ =	sdelay $0x4  }
0x1f: {  	[tilespmem:s0], [sflag:$0x1] =	stream.indirect_vreg.gather [hbm4b:s3+s1], $0x80, v4, vm0, $0xb8;
	[tilespmem:$0xC080] =	vst v63  }
0x20: {  	_ = 	snop  }
0x21: {  	[tilespmem:s16], [sflag:$0x1] =	stream.indirect_vreg.gather [hbm4b:s4+s1], $0x80, v4, vm0, $0xb8;
	[tilespmem:$0xC080] =	vst v63  }
0x22: {  	_ = 	snop  }
0x23: {  	[tilespmem:s17], [sflag:$0x1] =	stream.indirect_vreg.gather [hbm4b:s5+s1], $0x80, v4, vm0, $0xb8;
	[tilespmem:$0xC080] =	vst v63  }
0x24: {  	v3 =	vperm.xlane v3, v2  }
0x25: {  	[tilespmem:s18], [sflag:$0x1] =	stream.indirect_vreg.gather [hbm4b:s6+s1], $0x80, v4, vm0, $0xb8;
	[tilespmem:$0xC080] =	vst v63  }
0x26: {  	v3 =	vadd.s32 v1, v3  }
0x27: {  	[tilespmem:s19], [sflag:$0x1] =	stream.indirect_vreg.gather [hbm4b:s7+s1], $0x80, v4, vm0, $0xb8;
	[tilespmem:$0xC080] =	vst v63  }
0x28: {  	_ = 	snop  }
0x29: {  	[tilespmem:s20], [sflag:$0x1] =	stream.indirect_vreg.gather [hbm4b:s8+s1], $0x80, v4, vm0, $0xb8;
	[tilespmem:$0xC080] =	vst v63  }
0x2a: {  	_ = 	snop  }
0x2b: {  	[tilespmem:s21], [sflag:$0x1] =	stream.indirect_vreg.gather [hbm4b:s3+s1], $0x80, v3, vm0, $0xb8;
	[tilespmem:$0xC080] =	vst v63  }
0x2c: {  	_ = 	snop  }
0x2d: {  	[tilespmem:s22], [sflag:$0x1] =	stream.indirect_vreg.gather [hbm4b:s4+s1], $0x80, v3, vm0, $0xb8;
	[tilespmem:$0xC080] =	vst v63  }
0x2e: {  	_ = 	snop  }
0x2f: {  	[tilespmem:s23], [sflag:$0x1] =	stream.indirect_vreg.gather [hbm4b:s5+s1], $0x80, v3, vm0, $0xb8;
	[tilespmem:$0xC080] =	vst v63  }
0x30: {  	_ = 	snop  }
0x31: {  	[tilespmem:s24], [sflag:$0x1] =	stream.indirect_vreg.gather [hbm4b:s6+s1], $0x80, v3, vm0, $0xb8;
	[tilespmem:$0xC080] =	vst v63  }
0x32: {  	_ = 	snop  }
0x33: {  	[tilespmem:s25], [sflag:$0x1] =	stream.indirect_vreg.gather [hbm4b:s7+s1], $0x80, v3, vm0, $0xb8;
	[tilespmem:$0xC080] =	vst v63  }
0x34: {  	_ = 	snop  }
0x35: {  	[tilespmem:s26], [sflag:$0x1] =	stream.indirect_vreg.gather [hbm4b:s8+s1], $0x80, v3, vm0, $0xb8;
	[tilespmem:$0xC080] =	vst v63  }
0x36: {  	v3 =	vld [tilespmem:$0x10];
	_ =	sdelay $0x4  }
0x37: {  	v61 =	vshrl.u32 v3, $0x3  }
0x38: {  	v4 =	vmul.u32 $0x60, v61  }
0x39: {  	v3 =	vand.u32 $0x7, v3  }
0x3a: {  	v3 =	vor.u32 v3, v4  }
0x3b: {  	v4 =	vperm.xlane v3, v0;
	_ =	sdelay $0x1  }
0x3c: {  	v4 =	vadd.s32 v1, v4;
	_ =	sdelay $0x4  }
0x3d: {  	[tilespmem:s28], [sflag:$0x1] =	stream.indirect_vreg.gather [hbm4b:s3+s1], $0x80, v4, vm0, $0xb8;
	[tilespmem:$0xC080] =	vst v63  }
0x3e: {  	_ = 	snop  }
0x3f: {  	[tilespmem:s29], [sflag:$0x1] =	stream.indirect_vreg.gather [hbm4b:s4+s1], $0x80, v4, vm0, $0xb8;
	[tilespmem:$0xC080] =	vst v63  }
0x40: {  	_ = 	snop  }
0x41: {  	[tilespmem:s30], [sflag:$0x1] =	stream.indirect_vreg.gather [hbm4b:s5+s1], $0x80, v4, vm0, $0xb8;
	[tilespmem:$0xC080] =	vst v63  }
0x42: {  	v3 =	vperm.xlane v3, v2  }
0x43: {  	[tilespmem:s31], [sflag:$0x1] =	stream.indirect_vreg.gather [hbm4b:s6+s1], $0x80, v4, vm0, $0xb8;
	[tilespmem:$0xC080] =	vst v63  }
0x44: {  	s2 =	simm.s32 $0x8080;
	v3 =	vadd.s32 v1, v3  }
0x45: {  	[tilespmem:s2], [sflag:$0x1] =	stream.indirect_vreg.gather [hbm4b:s7+s1], $0x80, v4, vm0, $0xb8;
	[tilespmem:$0xC080] =	vst v63  }
0x46: {  	s2 =	simm.s32 $0x8880  }
0x47: {  	[tilespmem:s2], [sflag:$0x1] =	stream.indirect_vreg.gather [hbm4b:s8+s1], $0x80, v4, vm0, $0xb8;
	[tilespmem:$0xC080] =	vst v63  }
0x48: {  	_ = 	snop  }
0x49: {  	[tilespmem:s12], [sflag:$0x1] =	stream.indirect_vreg.gather [hbm4b:s3+s1], $0x80, v3, vm0, $0xb8;
	[tilespmem:$0xC080] =	vst v63  }
0x4a: {  	_ = 	snop  }
0x4b: {  	[tilespmem:s13], [sflag:$0x1] =	stream.indirect_vreg.gather [hbm4b:s4+s1], $0x80, v3, vm0, $0xb8;
	[tilespmem:$0xC080] =	vst v63  }
0x4c: {  	_ = 	snop  }
0x4d: {  	[tilespmem:s11], [sflag:$0x1] =	stream.indirect_vreg.gather [hbm4b:s5+s1], $0x80, v3, vm0, $0xb8;
	[tilespmem:$0xC080] =	vst v63  }
0x4e: {  	s15 =	simm.s32 $0xA880  }
0x4f: {  	[tilespmem:s15], [sflag:$0x1] =	stream.indirect_vreg.gather [hbm4b:s6+s1], $0x80, v3, vm0, $0xb8;
	[tilespmem:$0xC080] =	vst v63  }
0x50: {  	s15 =	simm.s32 $0xB080  }
0x51: {  	[tilespmem:s15], [sflag:$0x1] =	stream.indirect_vreg.gather [hbm4b:s7+s1], $0x80, v3, vm0, $0xb8;
	[tilespmem:$0xC080] =	vst v63  }
0x52: {  	s15 =	simm.s32 $0xB880  }
0x53: {  	[tilespmem:s15], [sflag:$0x1] =	stream.indirect_vreg.gather [hbm4b:s8+s1], $0x80, v3, vm0, $0xb8;
	[tilespmem:$0xC080] =	vst v63  }
0x54: {  	_ =	swait.ge [sflag:s14], $0xC000  }
0x55: {  	[sflag:s14] =	ssyncset.done $0x0  }
0x56: {  	s15 =	rddreg [dreg:$0x3];
	[sflag:s14] =	ssyncadd.s32 $0xFFFF4000  }
0x57: {  	[hbm4b:s15+s1] =	stream.linear.scatter [tilespmem:s0], [sflag:$0x2], $0xC000, $0x38;
	[tilespmem:$0xC080] =	vst v63  }
0x58: {  	_ =	swait.ge [sflag:s10], $0xC000  }
0x59: {  	[sflag:s10] =	ssyncset.done $0x0  }
0x5a: {  	s15 =	rddreg [dreg:$0x4];
	[sflag:s10] =	ssyncadd.s32 $0xFFFF4000  }
0x5b: {  	[tilespmem:s1], [sflag:$0x2] =	stream.linear.gather [hbm4b:s15+s1], $0x20, $0x38;
	[tilespmem:$0xC080] =	vst v63  }
0x5c: {  	_ =	swait.ge [sflag:s10], $0x20  }
0x5d: {  	[sflag:s10] =	ssyncset.done $0x0  }
0x5e: {  	[sflag:s10] =	ssyncadd.s32 $0xFFFFFFE0  }
0x5f: {  	v3 =	vld [tilespmem:$0x0];
	_ =	sdelay $0x4  }
0x60: {  	v62 =	vshrl.u32 v3, $0x3  }
0x61: {  	v4 =	vmul.u32 $0x60, v62  }
0x62: {  	v3 =	vand.u32 $0x7, v3  }
0x63: {  	v3 =	vor.u32 v3, v4  }
0x64: {  	v4 =	vperm.xlane v3, v0;
	_ =	sdelay $0x1  }
0x65: {  	v4 =	vadd.s32 v1, v4;
	_ =	sdelay $0x4  }
0x66: {  	[tilespmem:s0], [sflag:$0x1] =	stream.indirect_vreg.gather [hbm4b:s3+s1], $0x80, v4, vm0, $0xb8;
	[tilespmem:$0xC080] =	vst v63  }
0x67: {  	_ = 	snop  }
0x68: {  	[tilespmem:s16], [sflag:$0x1] =	stream.indirect_vreg.gather [hbm4b:s4+s1], $0x80, v4, vm0, $0xb8;
	[tilespmem:$0xC080] =	vst v63  }
0x69: {  	_ = 	snop  }
0x6a: {  	[tilespmem:s17], [sflag:$0x1] =	stream.indirect_vreg.gather [hbm4b:s5+s1], $0x80, v4, vm0, $0xb8;
	[tilespmem:$0xC080] =	vst v63  }
0x6b: {  	v3 =	vperm.xlane v3, v2  }
0x6c: {  	[tilespmem:s18], [sflag:$0x1] =	stream.indirect_vreg.gather [hbm4b:s6+s1], $0x80, v4, vm0, $0xb8;
	[tilespmem:$0xC080] =	vst v63  }
0x6d: {  	v3 =	vadd.s32 v1, v3  }
0x6e: {  	[tilespmem:s19], [sflag:$0x1] =	stream.indirect_vreg.gather [hbm4b:s7+s1], $0x80, v4, vm0, $0xb8;
	[tilespmem:$0xC080] =	vst v63  }
0x6f: {  	_ = 	snop  }
0x70: {  	[tilespmem:s20], [sflag:$0x1] =	stream.indirect_vreg.gather [hbm4b:s8+s1], $0x80, v4, vm0, $0xb8;
	[tilespmem:$0xC080] =	vst v63  }
0x71: {  	_ = 	snop  }
0x72: {  	[tilespmem:s21], [sflag:$0x1] =	stream.indirect_vreg.gather [hbm4b:s3+s1], $0x80, v3, vm0, $0xb8;
	[tilespmem:$0xC080] =	vst v63  }
0x73: {  	_ = 	snop  }
0x74: {  	[tilespmem:s22], [sflag:$0x1] =	stream.indirect_vreg.gather [hbm4b:s4+s1], $0x80, v3, vm0, $0xb8;
	[tilespmem:$0xC080] =	vst v63  }
0x75: {  	_ = 	snop  }
0x76: {  	[tilespmem:s23], [sflag:$0x1] =	stream.indirect_vreg.gather [hbm4b:s5+s1], $0x80, v3, vm0, $0xb8;
	[tilespmem:$0xC080] =	vst v63  }
0x77: {  	_ = 	snop  }
0x78: {  	[tilespmem:s24], [sflag:$0x1] =	stream.indirect_vreg.gather [hbm4b:s6+s1], $0x80, v3, vm0, $0xb8;
	[tilespmem:$0xC080] =	vst v63  }
0x79: {  	_ = 	snop  }
0x7a: {  	[tilespmem:s25], [sflag:$0x1] =	stream.indirect_vreg.gather [hbm4b:s7+s1], $0x80, v3, vm0, $0xb8;
	[tilespmem:$0xC080] =	vst v63  }
0x7b: {  	_ = 	snop  }
0x7c: {  	[tilespmem:s26], [sflag:$0x1] =	stream.indirect_vreg.gather [hbm4b:s8+s1], $0x80, v3, vm0, $0xb8;
	[tilespmem:$0xC080] =	vst v63  }
0x7d: {  	v3 =	vld [tilespmem:$0x10];
	_ =	sdelay $0x4  }
0x7e: {  	v63 =	vshrl.u32 v3, $0x3  }
0x7f: {  	v4 =	vmul.u32 $0x60, v63  }
0x80: {  	v3 =	vand.u32 $0x7, v3  }
0x81: {  	v3 =	vor.u32 v3, v4  }
0x82: {  	v4 =	vperm.xlane v3, v0;
	_ =	sdelay $0x1  }
0x83: {  	v4 =	vadd.s32 v1, v4;
	_ =	sdelay $0x4  }
0x84: {  	[tilespmem:s28], [sflag:$0x1] =	stream.indirect_vreg.gather [hbm4b:s3+s1], $0x80, v4, vm0, $0xb8;
	[tilespmem:$0xC080] =	vst v63  }
0x85: {  	_ = 	snop  }
0x86: {  	[tilespmem:s29], [sflag:$0x1] =	stream.indirect_vreg.gather [hbm4b:s4+s1], $0x80, v4, vm0, $0xb8;
	[tilespmem:$0xC080] =	vst v63  }
0x87: {  	_ = 	snop  }
0x88: {  	[tilespmem:s30], [sflag:$0x1] =	stream.indirect_vreg.gather [hbm4b:s5+s1], $0x80, v4, vm0, $0xb8;
	[tilespmem:$0xC080] =	vst v63  }
0x89: {  	v3 =	vperm.xlane v3, v2  }
0x8a: {  	[tilespmem:s31], [sflag:$0x1] =	stream.indirect_vreg.gather [hbm4b:s6+s1], $0x80, v4, vm0, $0xb8;
	[tilespmem:$0xC080] =	vst v63  }
0x8b: {  	s15 =	simm.s32 $0x8080;
	v3 =	vadd.s32 v1, v3  }
0x8c: {  	[tilespmem:s15], [sflag:$0x1] =	stream.indirect_vreg.gather [hbm4b:s7+s1], $0x80, v4, vm0, $0xb8;
	[tilespmem:$0xC080] =	vst v63  }
0x8d: {  	_ = 	snop  }
0x8e: {  	[tilespmem:s2], [sflag:$0x1] =	stream.indirect_vreg.gather [hbm4b:s8+s1], $0x80, v4, vm0, $0xb8;
	[tilespmem:$0xC080] =	vst v63  }
0x8f: {  	_ = 	snop  }
0x90: {  	[tilespmem:s12], [sflag:$0x1] =	stream.indirect_vreg.gather [hbm4b:s3+s1], $0x80, v3, vm0, $0xb8;
	[tilespmem:$0xC080] =	vst v63  }
0x91: {  	_ = 	snop  }
0x92: {  	[tilespmem:s13], [sflag:$0x1] =	stream.indirect_vreg.gather [hbm4b:s4+s1], $0x80, v3, vm0, $0xb8;
	[tilespmem:$0xC080] =	vst v63  }
0x93: {  	_ = 	snop  }
0x94: {  	[tilespmem:s11], [sflag:$0x1] =	stream.indirect_vreg.gather [hbm4b:s5+s1], $0x80, v3, vm0, $0xb8;
	[tilespmem:$0xC080] =	vst v63  }
0x95: {  	s15 =	simm.s32 $0xA880  }
0x96: {  	[tilespmem:s15], [sflag:$0x1] =	stream.indirect_vreg.gather [hbm4b:s6+s1], $0x80, v3, vm0, $0xb8;
	[tilespmem:$0xC080] =	vst v63  }
0x97: {  	s15 =	simm.s32 $0xB080  }
0x98: {  	[tilespmem:s15], [sflag:$0x1] =	stream.indirect_vreg.gather [hbm4b:s7+s1], $0x80, v3, vm0, $0xb8;
	[tilespmem:$0xC080] =	vst v63  }
0x99: {  	s15 =	simm.s32 $0xB880  }
0x9a: {  	[tilespmem:s15], [sflag:$0x1] =	stream.indirect_vreg.gather [hbm4b:s8+s1], $0x80, v3, vm0, $0xb8;
	[tilespmem:$0xC080] =	vst v63  }
0x9b: {  	_ =	swait.ge [sflag:s14], $0xC000  }
0x9c: {  	p0 =	sne.s32 s9, $0x1;
	[sflag:s14] =	ssyncset.done $0x0  }
.Ltmp0:
0x9d: {  	s2 =	rddreg [dreg:$0x5];
	[sflag:s14] =	ssyncadd.s32 $0xFFFF4000;
	(pc) =	sbr.rel @p0 .LBB2_1-.Ltmp0, $4  }
0x9e: {  	[hbm4b:s2+s1] =	stream.linear.scatter [tilespmem:s0], [sflag:$0x2], $0xC000, $0x38;
	[tilespmem:$0xC080] =	vst v63  }
0x9f: {  	_ =	swait.ge [sflag:s10], $0xC000  }
0xa0: {  	[sflag:s10] =	ssyncset.done $0x0  }
0xa1: {  	s9 =	sadd.s32 $0xFFFFFFFF, s9;
	[sflag:s10] =	ssyncadd.s32 $0xFFFF4000  }
0xa2: {  	_ =	sfence.sel $0x180000  }
0xa3: {  	[bflag:$0x0] =	sbarrier.arrive $0xFFFF  }
0xa4: {  	_ =	strace $0x9000004A  }
0xa5: {  	s0 =	stileid.u32;
	[bflag:$0x2] =	sbarrier.arrive $0xFFFF  }
0xa6: {  	p0 =	sne.s32 s0, $0x0;
	s0 =	rddreg [dreg:$0x1]  }
0xa7: {  	s0 =	sadd.s32 @!p0 $0x100000, s0  }
0xa8: {  	[sflag:s0] =	ssyncadd.tile.s32 @!p0 $0x1;
	_ =	shalt  }
.Lfunc_end2:
_tile_overlayer_lowered:
.L_overlay_start_2:
0xa9: {  	(tag) =	ssettag $0x2  }
0xaa: {  	s0 =	rddreg [dreg:$0x0];
	s2 =	stileid.u32  }
0xab: {  	s1 =	rddreg [dreg:$0x1];
	p0 =	sne.s32 s2, $0x0  }
0xac: {  	s3 =	rddreg [dreg:$0x2];
	[bflag:$0x3] =	sbarrier.arrive $0xFFFF;
	s2 =	simm.s32 @!p0 $0x1C02  }
0xad: {  	[timem:s3], [sflag:s2] =	dma.local @!p0 [hbm:s0], s1  }
0xae: {  	s0 =	simm.s32 @!p0 $0x2  }
0xaf: {  	_ =	swait.ge @!p0 [sflag:s0], s1  }
0xb0: {  	s1 =	ssub.s32 @!p0 $0x0, s1;
	[sflag:s0] =	ssyncset.done @!p0 $0x0  }
0xb1: {  	[sflag:s0] =	ssyncadd.s32 @!p0 s1  }
0xb2: {  	[bflag:$0x3] =	sbarrier.arrive $0xFFFF  }
0xb3: {  	_ =	shalt  }

// kernel: kernel.25.cloned.1.call-start
scs
__scs_entry_jumppad:
0x0: {  	(pc) =	sbr.rel $0x88, $3  }
0x1: {  	(tag) =	ssettag $0x0;
	lr =	simm.s32 $0x1  }
0x2: {  	[smem:$0x3F8B] =	sst lr;
	_ =	strace $0xD0000000  }
0x3: {  	_ = 	snop  }
0x4: {  	_ = 	snop  }
0x5: {  	_ = 	snop  }
0x6: {  	_ = 	snop  }
0x7: {  	_ = 	snop  }
__scs_overlays_trampoline_lowered:
0x8: {  	[smem:$0x3F9A] =	sst s0  }
0x9: {  	[smem:$0x3F9B] =	sst s1  }
0xa: {  	[smem:$0x3F9C] =	sst s2  }
0xb: {  	[smem:$0x3F9D] =	sst s3  }
0xc: {  	[smem:$0x3F9E] =	sst s4  }
0xd: {  	[smem:$0x3F9F] =	sst s5  }
0xe: {  	[smem:$0x3FA0] =	sst s6  }
0xf: {  	[smem:$0x3FA1] =	sst s7  }
0x10: {  	[smem:$0x3FA2] =	sst s8  }
0x11: {  	[smem:$0x3FA3] =	sst s9;
	s0 =	simm.s32 @!p0 $0x0  }
0x12: {  	s1 =	sld [smem:$0x3F89];
	s0 =	simm.s32 @p0 $0x1  }
0x13: {  	[smem:$0x3FA4] =	sst s0;
	s0 =	simm.s32 @!p1 $0x0  }
0x14: {  	s2 =	sld [smem:$0x3F88];
	s0 =	simm.s32 @p1 $0x1  }
0x15: {  	[smem:$0x3FA5] =	sst s0;
	s0 =	simm.s32 @!p2 $0x0  }
0x16: {  	s3 =	sld [smem:$0x3FDB];
	s0 =	simm.s32 @p2 $0x1  }
0x17: {  	s4 =	simm.s32 $0x1BF5;
	[smem:$0x3FA7] =	sst s0  }
0x18: {  	s0 =	sld [smem:$0x3F8A];
	_ =	swait.ge [sflag:s4], $0x0  }
0x19: {  	s7 =	sld [smem:$0x3F8B]  }
0x1a: {  	s8 =	sadd.s32 $0xFFFFE003, lr  }
0x1b: {  	s9 =	sadd.s32 $0xFFFFFEF7, lr;
	s5 =	simm.s32 $0xFFFFFFFF;
	p2 =	slt.u32 s8, $0xFFFFF086  }
0x1c: {  	p1 =	slt.u32 s9, $0xF7A;
	s5 =	simm.s32 @!p2 $0x0  }
0x1d: {  	s5 =	simm.s32 @p1 $0x1;
	p0 =	seq.s32 s7, s2  }
0x1e: {  	s7 =	smul.u32 @!p0 $0xF7A, s2;
	p2 =	seq.s32 @!p0 s5, $0x0  }
0x1f: {  	s9 =	smul.u32 $0xF7A, s1;
	s8 =	simm.s32 @!p0 $0x1BF5;
	p2 =	por !p2, p0  }
0x20: {  	[sflag:s8] =	ssyncset.s32 @!p0 $0xFFFFF086;
	s6 =	sadd.s32 @!p0 s3, s7;
	s7 =	simm.s32 @!p0 $0x108  }
0x21: {  	s3 =	sadd.s32 s3, s9;
	s6 =	sadd.s32 @!p0 $0x88, s6;
	s7 =	simm.s32 @p2 $0x1082  }
0x22: {  	[simem:s7], [sflag:s8] =	dma.local @!p0 [hbm:s6], $0xF7A  }
0x23: {  	s9 =	sor.u32 $0xD0000000, s2;
	s6 =	simm.s32 $0x108;
	_ =	swait.ge @!p0 [sflag:s8], $0x0  }
0x24: {  	s3 =	sadd.s32 $0x88, s3;
	s6 =	simm.s32 @!p1 $0x1082;
	[sflag:s4] =	ssyncset.s32 $0xFFFFF086  }
0x25: {  	[simem:s6], [sflag:s4] =	dma.local [hbm:s3], $0xF7A  }
0x26: {  	[smem:$0x3F8B] =	sst s1;
	(tag) =	ssettag s2;
	_ =	strace s9  }
0x27: {  	s1 =	sld [smem:$0x3F9B]  }
0x28: {  	s2 =	sld [smem:$0x3F9C]  }
0x29: {  	s4 =	sld [smem:$0x3F9E]  }
0x2a: {  	p0 =	seq.s32 s5, $0x0;
	s5 =	sld [smem:$0x3F9F]  }
0x2b: {  	s6 =	sld [smem:$0x3FA0]  }
0x2c: {  	s7 =	sld [smem:$0x3FA1]  }
0x2d: {  	s3 =	simm.s32 $0x108;
	s8 =	sld [smem:$0x3FA2]  }
0x2e: {  	s3 =	simm.s32 @!p0 $0x1082;
	s9 =	sld [smem:$0x3FA3]  }
0x2f: {  	lr =	sadd.s32 s0, s3;
	s0 =	sld [smem:$0x3F9A]  }
0x30: {  	s3 =	sld [smem:$0x3F9D]  }
0x31: {  	[smem:$0x3FA6] =	sst s10  }
0x32: {  	s10 =	sld [smem:$0x3FA4];
	_ =	sdelay $0x3  }
0x33: {  	p0 =	seq.s32 s10, $0x1;
	s10 =	sld [smem:$0x3FA6];
	_ =	sdelay $0x3  }
0x34: {  	[smem:$0x3FA6] =	sst s10  }
0x35: {  	s10 =	sld [smem:$0x3FA5];
	_ =	sdelay $0x3  }
0x36: {  	p1 =	seq.s32 s10, $0x1;
	s10 =	sld [smem:$0x3FA6];
	_ =	sdelay $0x3  }
0x37: {  	[smem:$0x3FA6] =	sst s10  }
0x38: {  	s10 =	sld [smem:$0x3FA7]  }
0x39: {  	_ = 	snop;
	(pc) =	sbr.ind lr, $3  }
0x3a: {  	_ = 	snop  }
0x3b: {  	_ = 	snop  }
0x3c: {  	p2 =	seq.s32 s10, $0x1;
	s10 =	sld [smem:$0x3FA6]  }
0x3d: {  	_ =	shalt  }
0x3e: {  	_ =	shalt  }
0x3f: {  	_ =	shalt  }
0x40: {  	_ =	shalt  }
0x41: {  	_ =	shalt  }
0x42: {  	_ =	shalt  }
0x43: {  	_ =	shalt  }
0x44: {  	_ =	shalt  }
0x45: {  	_ =	shalt  }
0x46: {  	_ =	shalt  }
0x47: {  	_ =	shalt  }
0x48: {  	_ =	shalt  }
0x49: {  	_ =	shalt  }
0x4a: {  	_ =	shalt  }
0x4b: {  	_ =	shalt  }
0x4c: {  	_ =	shalt  }
0x4d: {  	_ =	shalt  }
0x4e: {  	_ =	shalt  }
0x4f: {  	_ =	shalt  }
0x50: {  	_ =	shalt  }
0x51: {  	_ =	shalt  }
0x52: {  	_ =	shalt  }
0x53: {  	_ =	shalt  }
0x54: {  	_ =	shalt  }
0x55: {  	_ =	shalt  }
0x56: {  	_ =	shalt  }
0x57: {  	_ =	shalt  }
0x58: {  	_ =	shalt  }
0x59: {  	_ =	shalt  }
0x5a: {  	_ =	shalt  }
0x5b: {  	_ =	shalt  }
0x5c: {  	_ =	shalt  }
0x5d: {  	_ =	shalt  }
0x5e: {  	_ =	shalt  }
0x5f: {  	_ =	shalt  }
0x60: {  	_ =	shalt  }
0x61: {  	_ =	shalt  }
0x62: {  	_ =	shalt  }
0x63: {  	_ =	shalt  }
0x64: {  	_ =	shalt  }
0x65: {  	_ =	shalt  }
0x66: {  	_ =	shalt  }
0x67: {  	_ =	shalt  }
0x68: {  	_ =	shalt  }
0x69: {  	_ =	shalt  }
0x6a: {  	_ =	shalt  }
0x6b: {  	_ =	shalt  }
0x6c: {  	_ =	shalt  }
0x6d: {  	_ =	shalt  }
0x6e: {  	_ =	shalt  }
0x6f: {  	_ =	shalt  }
0x70: {  	_ =	shalt  }
0x71: {  	_ =	shalt  }
0x72: {  	_ =	shalt  }
0x73: {  	_ =	shalt  }
0x74: {  	_ =	shalt  }
0x75: {  	_ =	shalt  }
0x76: {  	_ =	shalt  }
0x77: {  	_ =	shalt  }
0x78: {  	_ =	shalt  }
0x79: {  	_ =	shalt  }
0x7a: {  	_ =	shalt  }
0x7b: {  	_ =	shalt  }
0x7c: {  	_ =	shalt  }
0x7d: {  	_ =	shalt  }
0x7e: {  	_ =	shalt  }
0x7f: {  	_ =	shalt  }
0x80: {  	_ =	shalt  }
0x81: {  	_ =	shalt  }
0x82: {  	_ =	shalt  }
0x83: {  	_ =	shalt  }
0x84: {  	_ =	shalt  }
0x85: {  	_ =	shalt  }
0x86: {  	_ =	shalt  }
0x87: {  	_ =	shalt  }
.Lfunc_end0:
.L_simem_size_0:
called_computation.3_lowered:
.L_overlay_start_0:
0x88: {  	s2 =	sld [smem:$0x3FD9]  }
0x89: {  	s3 =	sld [smem:$0x3FFE];
	_ =	sdelay $0x1  }
0x8a: {  	s1 =	srdreg.scid  }
0x8b: {  	s0 =	sand.u32 $0x1, s1  }
0x8c: {  	s16 =	sshll.u32 s0, $0xA;
	s2 =	sadd.s32 s3, s2  }
0x8d: {  	s2 =	sadd.s32 s2, s16  }
0x8e: {  	[smem:$0x3FB2] =	sst s2  }
0x8f: {  	_ = 	snop  }
0x90: {  	(tm) =	ssettm $0x1  }
0x91: {  	s17 =	sld [smem:$0x3FFB];
	_ =	sdelay $0x3  }
0x92: {  	_ =	strace s17  }
0x93: {  	s2 =	sld [smem:$0x3FFC];
	_ =	sdelay $0x3  }
0x94: {  	_ =	strace s2  }
0x95: {  	s2 =	sld [smem:$0x3FFD];
	_ =	sdelay $0x3  }
0x96: {  	_ =	strace s2  }
0x97: {  	_ =	strace $0x8FFFFFFF  }
0x98: {  	s18 =	sld [smem:$0x3FDB];
	_ =	sdelay $0x1  }
0x99: {  	s19 =	simm.s32 $_scs_section_size  }
0x9a: {  	s4 =	simm.s32 $_size__tile_overlayer_lowered;
	s5 =	simm.s32 $_tile_overlayer_lowered  }
0x9b: {  	s22 =	simm.s32 $0x1BFF;
	s21 =	sshll.u32 s5, $0x1;
	s2 =	sadd.s32 s19, s18  }
0x9c: {  	s6 =	simm.s32 $0x0;
	s20 =	sshll.u32 s4, $0x1;
	s4 =	sadd.s32 s21, s2  }
0x9d: {  	[timem:s6], [sflag:s22] =	dma.local [hbm:s4], s20  }
0x9e: {  	_ =	swait.ge [sflag:s22], s20  }
0x9f: {  	s3 =	ssub.s32 $0x0, s20;
	[sflag:s22] =	ssyncset.done $0x0  }
0xa0: {  	[sflag:s22] =	ssyncadd.s32 s3;
	_ =	sdelay $0x1  }
0xa1: {  	s23 =	simm.s32 $0x1B8B  }
0xa2: {  	_ =	swait.ge [sflag:s23], $0x1  }
0xa3: {  	[sflag:s23] =	ssyncset.done $0x0  }
0xa4: {  	s25 =	simm.s32 $0x1B8E;
	s24 =	sld [smem:$0x3FFE];
	[sflag:s23] =	ssyncadd.s32 $0xFFFFFFFF  }
0xa5: {  	s26 =	simm.s32 $execute0_lowered;
	[smem:$0x3FD2] =	sst s25  }
0xa6: {  	s4 =	sshll.u32 s26, $0x1;
	_ =	strace $0x8000004F;
	[dreg:$0x1] =	wrdreg $0xFFFFFFFF  }
0xa7: {  	s28 =	simm.s32 $_size_execute0_lowered;
	s2 =	sadd.s32 s2, s4;
	[dreg:$0x0] =	wrdreg $0x0  }
0xa8: {  	s4 =	sshll.u32 s28, $0x1;
	[dreg:$0x2] =	wrdreg s2  }
0xa9: {  	[dreg:$0x3] =	wrdreg s4  }
0xaa: {  	[dreg:$0x4] =	wrdreg $0xC0  }
0xab: {  	_ =	task [dreg:s6], $0x5FFFF  }
0xac: {  	[dreg:$0x1] =	wrdreg $0xFFFFFFFF  }
0xad: {  	[dreg:$0x0] =	wrdreg $0x60  }
0xae: {  	[dreg:$0x2] =	wrdreg s24  }
0xaf: {  	[dreg:$0x3] =	wrdreg $0x9  }
0xb0: {  	_ =	task.clear_ibuf [dreg:s6], $0x4FFFF;
	_ =	strace $0x9000004F  }
0xb1: {  	s29 =	simm.s32 $0x9;
	_ =	strace $0x80000051  }
0xb2: {  	_ =	swait.ge [sflag:s29], $0x1  }
0xb3: {  	[sflag:s29] =	ssyncadd.s32 $0xFFFFFFFF  }
0xb4: {  	_ =	strace $0x90000051  }
0xb5: {  	_ =	sfence  }
0xb6: {  	s30 =	sld [smem:$0x0];
	_ =	sdelay $0x2  }
0xb7: {  	s31 =	sshll.u32 s1, $0xD;
	s1 =	sshrl.u32 s1, $0x2  }
0xb8: {  	s3 =	sand.u32 $0x4000, s31;
	s1 =	sadd.s32 s1, s30  }
0xb9: {  	s0 =	sor.u32 s3, s0;
	s1 =	sshll.u32 s1, $0x11  }
0xba: {  	s0 =	sor.u32 s1, s0  }
0xbb: {  	s0 =	sadd.s32 $0x8F2B, s0  }
0xbc: {  	[sflag:s0] =	ssyncadd.remote.s32 $0x1  }
0xbd: {  	_ =	sfence.sel $0xFFFF  }
0xbe: {  	[dreg:$0x0] =	wrdreg $0xFFFFFFFF;
	(pc) =	sbr.abs _section_cstart, $3  }
0xbf: {  	[dreg:$0x1] =	wrdreg $0xFFFFFFFF  }
0xc0: {  	_ =	task.clear_ibuf [dreg:s6], $0x2FFFF;
	_ =	strace $0x9FFFFFFF  }
0xc1: {  	(tm) =	ssettm $0x7FFFFFFF  }
tec
execute0_lowered:
.L_overlay_start_1:
0x0: {  	(tag) =	ssettag $0x1  }
0x1: {  	s0 =	rddreg [dreg:$0x0];
	s2 =	simm.s32 $0x0;
	s1 =	srdreg.scid  }
0x2: {  	s3 =	stileid.u32;
	[smem:$0x7FF] =	sst s2;
	s1 =	sand.u32 $0x1, s1  }
0x3: {  	s4 =	sshll.u32 s3, $0x5;
	s3 =	sadd.s32 $0x15E00, s0;
	s14 =	sadd.s32 $0x5A00, s0  }
0x4: {  	s15 =	sadd.s32 $0x15C00, s0;
	s7 =	sadd.s32 $0x16100, s0;
	s8 =	sadd.s32 $0x16200, s0  }
0x5: {  	s9 =	sadd.s32 $0x16300, s0;
	s10 =	sadd.s32 $0xBE100, s0;
	s11 =	sadd.s32 $0xBE200, s0  }
0x6: {  	_ =	strace $0x80000050;
	s5 =	sshll.u32 s1, $0x4;
	s1 =	ssub.s32 $0x2, s1  }
0x7: {  	s13 =	sor.u32 s5, s4;
	s24 =	sshrl.u32 s1, $0x1;
	s5 =	sadd.s32 $0x15F00, s0  }
0x8: {  	s4 =	sadd.s32 s14, s13;
	s6 =	sadd.s32 s15, s13;
	s1 =	ssub.s32 s1, s24  }
0x9: {  	s12 =	sor.u32 $0x4, s13;
	s17 =	sor.u32 $0x8, s13;
	[dreg:$0x2] =	wrdreg s4  }
0xa: {  	s29 =	sor.u32 $0xC, s13;
	[dreg:$0x3] =	wrdreg s6;
	s16 =	sadd.s32 s14, s12  }
0xb: {  	s13 =	sadd.s32 $0xBE400, s0;
	s25 =	sadd.s32 s15, s12;
	[dreg:$0x4] =	wrdreg s16  }
0xc: {  	s4 =	sadd.s32 $0xBE000, s0;
	s26 =	sadd.s32 s14, s17;
	[dreg:$0x5] =	wrdreg s25  }
0xd: {  	s6 =	sadd.s32 $0x16000, s0;
	s28 =	sadd.s32 s15, s17;
	[dreg:$0x6] =	wrdreg s26  }
0xe: {  	v2 =	vlaneseq.u32;
	s12 =	sadd.s32 $0xBE300, s0;
	s30 =	sadd.s32 s14, s29;
	[dreg:$0x7] =	wrdreg s28  }
0xf: {  	vm0 =	vmmov $0xffff;
	v1 =	vshrl.u32 v2, $0x3;
	s14 =	sadd.s32 $0xBE500, s0;
	s31 =	sadd.s32 s15, s29;
	[dreg:$0x8] =	wrdreg s30  }
0x10: {  	v0 =	vand.u32 $0x7, v2;
	v2 =	vor.u32 $0x8, v2;
	v1 =	vmul.u32 $0x8, v1;
	s0 =	smax.u32 s1, $0x1;
	[dreg:$0x9] =	wrdreg s31;
	s16 =	simm.s32 $0x3  }
.LBB2_1:
0x11: {  	[dreg:$0xa] =	wrdreg s0  }
0x12: {  	s29 =	rddreg [dreg:$0x2]  }
0x13: {  	[tilespmem:s2], [sflag:$0x3] =	stream.linear.gather [hbm4b:s29+s2], $0x20, $0x38;
	[tilespmem:$0xC100] =	vst v63  }
0x14: {  	_ =	swait.ge [sflag:s16], $0x20  }
0x15: {  	[sflag:s16] =	ssyncset.done $0x0  }
0x16: {  	s19 =	simm.s32 $0x80;
	s18 =	rddreg [dreg:$0x3];
	[sflag:s16] =	ssyncadd.s32 $0xFFFFFFE0  }
0x17: {  	[tilespmem:s19], [sflag:$0x3] =	stream.linear.gather [hbm4b:s18+s2], $0x20, $0x38;
	[tilespmem:$0xC100] =	vst v63  }
0x18: {  	_ =	swait.ge [sflag:s16], $0x20  }
0x19: {  	[sflag:s16] =	ssyncset.done $0x0  }
0x1a: {  	[sflag:s16] =	ssyncadd.s32 $0xFFFFFFE0  }
0x1b: {  	v3 =	vld [tilespmem:$0x0];
	_ =	sdelay $0x4  }
0x1c: {  	v4 =	vshrl.u32 v3, $0x3  }
0x1d: {  	v4 =	vmul.u32 $0x60, v4  }
0x1e: {  	v3 =	vand.u32 $0x7, v3  }
0x1f: {  	v3 =	vor.u32 v3, v4  }
0x20: {  	v4 =	vperm.xlane v3, v0;
	_ =	sdelay $0x1  }
0x21: {  	v4 =	vadd.s32 v1, v4;
	_ =	sdelay $0x3  }
0x22: {  	s20 =	simm.s32 $0x100  }
0x23: {  	[tilespmem:s20], [sflag:$0x1] =	stream.indirect_vreg.gather [hbm4b:s3+s2], $0x80, v4, vm0, $0xb8;
	[tilespmem:$0xC100] =	vst v63  }
0x24: {  	s21 =	simm.s32 $0x900  }
0x25: {  	[tilespmem:s21], [sflag:$0x1] =	stream.indirect_vreg.gather [hbm4b:s5+s2], $0x80, v4, vm0, $0xb8;
	[tilespmem:$0xC100] =	vst v63  }
0x26: {  	s22 =	simm.s32 $0x1100  }
0x27: {  	[tilespmem:s22], [sflag:$0x1] =	stream.indirect_vreg.gather [hbm4b:s6+s2], $0x80, v4, vm0, $0xb8;
	[tilespmem:$0xC100] =	vst v63  }
0x28: {  	s23 =	simm.s32 $0x1900;
	v3 =	vperm.xlane v3, v2  }
0x29: {  	[tilespmem:s23], [sflag:$0x1] =	stream.indirect_vreg.gather [hbm4b:s7+s2], $0x80, v4, vm0, $0xb8;
	[tilespmem:$0xC100] =	vst v63  }
0x2a: {  	s24 =	simm.s32 $0x2100;
	v3 =	vadd.s32 v1, v3  }
0x2b: {  	[tilespmem:s24], [sflag:$0x1] =	stream.indirect_vreg.gather [hbm4b:s8+s2], $0x80, v4, vm0, $0xb8;
	[tilespmem:$0xC100] =	vst v63  }
0x2c: {  	s25 =	simm.s32 $0x2900  }
0x2d: {  	[tilespmem:s25], [sflag:$0x1] =	stream.indirect_vreg.gather [hbm4b:s9+s2], $0x80, v4, vm0, $0xb8;
	[tilespmem:$0xC100] =	vst v63  }
0x2e: {  	s26 =	simm.s32 $0x3100  }
0x2f: {  	[tilespmem:s26], [sflag:$0x1] =	stream.indirect_vreg.gather [hbm4b:s3+s2], $0x80, v3, vm0, $0xb8;
	[tilespmem:$0xC100] =	vst v63  }
0x30: {  	s28 =	simm.s32 $0x3900  }
0x31: {  	[tilespmem:s28], [sflag:$0x1] =	stream.indirect_vreg.gather [hbm4b:s5+s2], $0x80, v3, vm0, $0xb8;
	[tilespmem:$0xC100] =	vst v63  }
0x32: {  	s29 =	simm.s32 $0x4100  }
0x33: {  	[tilespmem:s29], [sflag:$0x1] =	stream.indirect_vreg.gather [hbm4b:s6+s2], $0x80, v3, vm0, $0xb8;
	[tilespmem:$0xC100] =	vst v63  }
0x34: {  	s30 =	simm.s32 $0x4900  }
0x35: {  	[tilespmem:s30], [sflag:$0x1] =	stream.indirect_vreg.gather [hbm4b:s7+s2], $0x80, v3, vm0, $0xb8;
	[tilespmem:$0xC100] =	vst v63  }
0x36: {  	s31 =	simm.s32 $0x5100  }
0x37: {  	[tilespmem:s31], [sflag:$0x1] =	stream.indirect_vreg.gather [hbm4b:s8+s2], $0x80, v3, vm0, $0xb8;
	[tilespmem:$0xC100] =	vst v63  }
0x38: {  	s15 =	simm.s32 $0x5900  }
0x39: {  	[tilespmem:s15], [sflag:$0x1] =	stream.indirect_vreg.gather [hbm4b:s9+s2], $0x80, v3, vm0, $0xb8;
	[tilespmem:$0xC100] =	vst v63  }
0x3a: {  	v3 =	vld [tilespmem:$0x10];
	_ =	sdelay $0x4  }
0x3b: {  	v49 =	vshrl.u32 v3, $0x3  }
0x3c: {  	v4 =	vmul.u32 $0x60, v49  }
0x3d: {  	v3 =	vand.u32 $0x7, v3  }
0x3e: {  	v3 =	vor.u32 v3, v4  }
0x3f: {  	v4 =	vperm.xlane v3, v0;
	_ =	sdelay $0x1  }
0x40: {  	v4 =	vadd.s32 v1, v4;
	_ =	sdelay $0x3  }
0x41: {  	s17 =	simm.s32 $0x6100  }
0x42: {  	[tilespmem:s17], [sflag:$0x1] =	stream.indirect_vreg.gather [hbm4b:s3+s2], $0x80, v4, vm0, $0xb8;
	[tilespmem:$0xC100] =	vst v63  }
0x43: {  	s20 =	simm.s32 $0x6900  }
0x44: {  	[tilespmem:s20], [sflag:$0x1] =	stream.indirect_vreg.gather [hbm4b:s5+s2], $0x80, v4, vm0, $0xb8;
	[tilespmem:$0xC100] =	vst v63  }
0x45: {  	s21 =	simm.s32 $0x7100  }
0x46: {  	[tilespmem:s21], [sflag:$0x1] =	stream.indirect_vreg.gather [hbm4b:s6+s2], $0x80, v4, vm0, $0xb8;
	[tilespmem:$0xC100] =	vst v63  }
0x47: {  	s28 =	simm.s32 $0x7900;
	v3 =	vperm.xlane v3, v2  }
0x48: {  	[tilespmem:s28], [sflag:$0x1] =	stream.indirect_vreg.gather [hbm4b:s7+s2], $0x80, v4, vm0, $0xb8;
	[tilespmem:$0xC100] =	vst v63  }
0x49: {  	s0 =	simm.s32 $0x8100;
	v3 =	vadd.s32 v1, v3  }
0x4a: {  	[tilespmem:s0], [sflag:$0x1] =	stream.indirect_vreg.gather [hbm4b:s8+s2], $0x80, v4, vm0, $0xb8;
	[tilespmem:$0xC100] =	vst v63  }
0x4b: {  	s15 =	simm.s32 $0x8900  }
0x4c: {  	[tilespmem:s15], [sflag:$0x1] =	stream.indirect_vreg.gather [hbm4b:s9+s2], $0x80, v4, vm0, $0xb8;
	[tilespmem:$0xC100] =	vst v63  }
0x4d: {  	s17 =	simm.s32 $0x9100  }
0x4e: {  	[tilespmem:s17], [sflag:$0x1] =	stream.indirect_vreg.gather [hbm4b:s3+s2], $0x80, v3, vm0, $0xb8;
	[tilespmem:$0xC100] =	vst v63  }
0x4f: {  	s20 =	simm.s32 $0x9900  }
0x50: {  	[tilespmem:s20], [sflag:$0x1] =	stream.indirect_vreg.gather [hbm4b:s5+s2], $0x80, v3, vm0, $0xb8;
	[tilespmem:$0xC100] =	vst v63  }
0x51: {  	s21 =	simm.s32 $0xA100  }
0x52: {  	[tilespmem:s21], [sflag:$0x1] =	stream.indirect_vreg.gather [hbm4b:s6+s2], $0x80, v3, vm0, $0xb8;
	[tilespmem:$0xC100] =	vst v63  }
0x53: {  	s28 =	simm.s32 $0xA900  }
0x54: {  	[tilespmem:s28], [sflag:$0x1] =	stream.indirect_vreg.gather [hbm4b:s7+s2], $0x80, v3, vm0, $0xb8;
	[tilespmem:$0xC100] =	vst v63  }
0x55: {  	s15 =	simm.s32 $0xB100  }
0x56: {  	[tilespmem:s15], [sflag:$0x1] =	stream.indirect_vreg.gather [hbm4b:s8+s2], $0x80, v3, vm0, $0xb8;
	[tilespmem:$0xC100] =	vst v63  }
0x57: {  	s17 =	simm.s32 $0xB900;
	s28 =	simm.s32 $0x1  }
0x58: {  	[tilespmem:s17], [sflag:$0x1] =	stream.indirect_vreg.gather [hbm4b:s9+s2], $0x80, v3, vm0, $0xb8;
	[tilespmem:$0xC100] =	vst v63  }
0x59: {  	_ =	swait.ge [sflag:s28], $0xC000  }
0x5a: {  	[sflag:s28] =	ssyncset.done $0x0  }
0x5b: {  	[sflag:s28] =	ssyncadd.s32 $0xFFFF4000  }
0x5c: {  	v3 =	vld [tilespmem:$0x80];
	_ =	sdelay $0x4  }
0x5d: {  	v50 =	vshrl.u32 v3, $0x3  }
0x5e: {  	v4 =	vmul.u32 $0x60, v50  }
0x5f: {  	v3 =	vand.u32 $0x7, v3  }
0x60: {  	v3 =	vor.u32 v3, v4  }
0x61: {  	v4 =	vperm.xlane v3, v0;
	_ =	sdelay $0x1  }
0x62: {  	v4 =	vadd.s32 v1, v4;
	_ =	sdelay $0x3  }
0x63: {  	s17 =	simm.s32 $0x100  }
0x64: {  	[hbm4b:s4+s2] =	stream.indirect_vreg.scatter [tilespmem:s17], [sflag:$0x2], $0x80, v4, vm0, $0xb8;
	[tilespmem:$0xC100] =	vst v63  }
0x65: {  	s15 =	simm.s32 $0x900  }
0x66: {  	[hbm4b:s10+s2] =	stream.indirect_vreg.scatter [tilespmem:s15], [sflag:$0x2], $0x80, v4, vm0, $0xb8;
	[tilespmem:$0xC100] =	vst v63  }
0x67: {  	s1 =	simm.s32 $0x1100  }
0x68: {  	[hbm4b:s11+s2] =	stream.indirect_vreg.scatter [tilespmem:s1], [sflag:$0x2], $0x80, v4, vm0, $0xb8;
	[tilespmem:$0xC100] =	vst v63  }
0x69: {  	s18 =	simm.s32 $0x1900;
	v3 =	vperm.xlane v3, v2  }
0x6a: {  	[hbm4b:s12+s2] =	stream.indirect_vreg.scatter [tilespmem:s18], [sflag:$0x2], $0x80, v4, vm0, $0xb8;
	[tilespmem:$0xC100] =	vst v63  }
0x6b: {  	s22 =	simm.s32 $0x2100;
	v3 =	vadd.s32 v1, v3  }
0x6c: {  	[hbm4b:s13+s2] =	stream.indirect_vreg.scatter [tilespmem:s22], [sflag:$0x2], $0x80, v4, vm0, $0xb8;
	[tilespmem:$0xC100] =	vst v63  }
0x6d: {  	s23 =	simm.s32 $0x2900  }
0x6e: {  	[hbm4b:s14+s2] =	stream.indirect_vreg.scatter [tilespmem:s23], [sflag:$0x2], $0x80, v4, vm0, $0xb8;
	[tilespmem:$0xC100] =	vst v63  }
0x6f: {  	s24 =	simm.s32 $0x3100  }
0x70: {  	[hbm4b:s4+s2] =	stream.indirect_vreg.scatter [tilespmem:s24], [sflag:$0x2], $0x80, v3, vm0, $0xb8;
	[tilespmem:$0xC100] =	vst v63  }
0x71: {  	s25 =	simm.s32 $0x3900  }
0x72: {  	[hbm4b:s10+s2] =	stream.indirect_vreg.scatter [tilespmem:s25], [sflag:$0x2], $0x80, v3, vm0, $0xb8;
	[tilespmem:$0xC100] =	vst v63  }
0x73: {  	s26 =	simm.s32 $0x4100  }
0x74: {  	[hbm4b:s11+s2] =	stream.indirect_vreg.scatter [tilespmem:s26], [sflag:$0x2], $0x80, v3, vm0, $0xb8;
	[tilespmem:$0xC100] =	vst v63  }
0x75: {  	s19 =	simm.s32 $0x4900  }
0x76: {  	[hbm4b:s12+s2] =	stream.indirect_vreg.scatter [tilespmem:s19], [sflag:$0x2], $0x80, v3, vm0, $0xb8;
	[tilespmem:$0xC100] =	vst v63  }
0x77: {  	s31 =	simm.s32 $0x5100  }
0x78: {  	[hbm4b:s13+s2] =	stream.indirect_vreg.scatter [tilespmem:s31], [sflag:$0x2], $0x80, v3, vm0, $0xb8;
	[tilespmem:$0xC100] =	vst v63  }
0x79: {  	s19 =	simm.s32 $0x5900  }
0x7a: {  	[hbm4b:s14+s2] =	stream.indirect_vreg.scatter [tilespmem:s19], [sflag:$0x2], $0x80, v3, vm0, $0xb8;
	[tilespmem:$0xC100] =	vst v63  }
0x7b: {  	v3 =	vld [tilespmem:$0x90];
	_ =	sdelay $0x4  }
0x7c: {  	v51 =	vshrl.u32 v3, $0x3  }
0x7d: {  	v4 =	vmul.u32 $0x60, v51  }
0x7e: {  	v3 =	vand.u32 $0x7, v3  }
0x7f: {  	v3 =	vor.u32 v3, v4  }
0x80: {  	v4 =	vperm.xlane v3, v0;
	_ =	sdelay $0x1  }
0x81: {  	v4 =	vadd.s32 v1, v4;
	_ =	sdelay $0x3  }
0x82: {  	s26 =	simm.s32 $0x6100  }
0x83: {  	[hbm4b:s4+s2] =	stream.indirect_vreg.scatter [tilespmem:s26], [sflag:$0x2], $0x80, v4, vm0, $0xb8;
	[tilespmem:$0xC100] =	vst v63  }
0x84: {  	s30 =	simm.s32 $0x6900  }
0x85: {  	[hbm4b:s10+s2] =	stream.indirect_vreg.scatter [tilespmem:s30], [sflag:$0x2], $0x80, v4, vm0, $0xb8;
	[tilespmem:$0xC100] =	vst v63  }
0x86: {  	s1 =	simm.s32 $0x7100  }
0x87: {  	[hbm4b:s11+s2] =	stream.indirect_vreg.scatter [tilespmem:s1], [sflag:$0x2], $0x80, v4, vm0, $0xb8;
	[tilespmem:$0xC100] =	vst v63  }
0x88: {  	s18 =	simm.s32 $0x7900;
	v3 =	vperm.xlane v3, v2  }
0x89: {  	[hbm4b:s12+s2] =	stream.indirect_vreg.scatter [tilespmem:s18], [sflag:$0x2], $0x80, v4, vm0, $0xb8;
	[tilespmem:$0xC100] =	vst v63  }
0x8a: {  	s0 =	simm.s32 $0x8100;
	v3 =	vadd.s32 v1, v3  }
0x8b: {  	[hbm4b:s13+s2] =	stream.indirect_vreg.scatter [tilespmem:s0], [sflag:$0x2], $0x80, v4, vm0, $0xb8;
	[tilespmem:$0xC100] =	vst v63  }
0x8c: {  	s31 =	simm.s32 $0x8900  }
0x8d: {  	[hbm4b:s14+s2] =	stream.indirect_vreg.scatter [tilespmem:s31], [sflag:$0x2], $0x80, v4, vm0, $0xb8;
	[tilespmem:$0xC100] =	vst v63  }
0x8e: {  	s22 =	simm.s32 $0x9100  }
0x8f: {  	[hbm4b:s4+s2] =	stream.indirect_vreg.scatter [tilespmem:s22], [sflag:$0x2], $0x80, v3, vm0, $0xb8;
	[tilespmem:$0xC100] =	vst v63  }
0x90: {  	s23 =	simm.s32 $0x9900  }
0x91: {  	[hbm4b:s10+s2] =	stream.indirect_vreg.scatter [tilespmem:s23], [sflag:$0x2], $0x80, v3, vm0, $0xb8;
	[tilespmem:$0xC100] =	vst v63  }
0x92: {  	s24 =	simm.s32 $0xA100  }
0x93: {  	[hbm4b:s11+s2] =	stream.indirect_vreg.scatter [tilespmem:s24], [sflag:$0x2], $0x80, v3, vm0, $0xb8;
	[tilespmem:$0xC100] =	vst v63  }
0x94: {  	s20 =	simm.s32 $0xA900  }
0x95: {  	[hbm4b:s12+s2] =	stream.indirect_vreg.scatter [tilespmem:s20], [sflag:$0x2], $0x80, v3, vm0, $0xb8;
	[tilespmem:$0xC100] =	vst v63  }
0x96: {  	s21 =	simm.s32 $0xB100  }
0x97: {  	[hbm4b:s13+s2] =	stream.indirect_vreg.scatter [tilespmem:s21], [sflag:$0x2], $0x80, v3, vm0, $0xb8;
	[tilespmem:$0xC100] =	vst v63  }
0x98: {  	s29 =	simm.s32 $0xB900;
	s25 =	simm.s32 $0x2  }
0x99: {  	[hbm4b:s14+s2] =	stream.indirect_vreg.scatter [tilespmem:s29], [sflag:$0x2], $0x80, v3, vm0, $0xb8;
	[tilespmem:$0xC100] =	vst v63  }
0x9a: {  	_ =	swait.ge [sflag:s25], $0xC000  }
0x9b: {  	[sflag:s25] =	ssyncset.done $0x0  }
0x9c: {  	s26 =	rddreg [dreg:$0x4];
	[sflag:s25] =	ssyncadd.s32 $0xFFFF4000  }
0x9d: {  	[tilespmem:s2], [sflag:$0x3] =	stream.linear.gather [hbm4b:s26+s2], $0x20, $0x38;
	[tilespmem:$0xC100] =	vst v63  }
0x9e: {  	_ =	swait.ge [sflag:s16], $0x20  }
0x9f: {  	[sflag:s16] =	ssyncset.done $0x0  }
0xa0: {  	s31 =	simm.s32 $0x80;
	s30 =	rddreg [dreg:$0x5];
	[sflag:s16] =	ssyncadd.s32 $0xFFFFFFE0  }
0xa1: {  	[tilespmem:s31], [sflag:$0x3] =	stream.linear.gather [hbm4b:s30+s2], $0x20, $0x38;
	[tilespmem:$0xC100] =	vst v63  }
0xa2: {  	_ =	swait.ge [sflag:s16], $0x20  }
0xa3: {  	[sflag:s16] =	ssyncset.done $0x0  }
0xa4: {  	[sflag:s16] =	ssyncadd.s32 $0xFFFFFFE0  }
0xa5: {  	v3 =	vld [tilespmem:$0x0];
	_ =	sdelay $0x4  }
0xa6: {  	v52 =	vshrl.u32 v3, $0x3  }
0xa7: {  	v4 =	vmul.u32 $0x60, v52  }
0xa8: {  	v3 =	vand.u32 $0x7, v3  }
0xa9: {  	v3 =	vor.u32 v3, v4  }
0xaa: {  	v4 =	vperm.xlane v3, v0;
	_ =	sdelay $0x1  }
0xab: {  	v4 =	vadd.s32 v1, v4;
	_ =	sdelay $0x4  }
0xac: {  	[tilespmem:s17], [sflag:$0x1] =	stream.indirect_vreg.gather [hbm4b:s3+s2], $0x80, v4, vm0, $0xb8;
	[tilespmem:$0xC100] =	vst v63  }
0xad: {  	_ = 	snop  }
0xae: {  	[tilespmem:s15], [sflag:$0x1] =	stream.indirect_vreg.gather [hbm4b:s5+s2], $0x80, v4, vm0, $0xb8;
	[tilespmem:$0xC100] =	vst v63  }
0xaf: {  	s17 =	simm.s32 $0x1100  }
0xb0: {  	[tilespmem:s17], [sflag:$0x1] =	stream.indirect_vreg.gather [hbm4b:s6+s2], $0x80, v4, vm0, $0xb8;
	[tilespmem:$0xC100] =	vst v63  }
0xb1: {  	s20 =	simm.s32 $0x1900;
	v3 =	vperm.xlane v3, v2  }
0xb2: {  	[tilespmem:s20], [sflag:$0x1] =	stream.indirect_vreg.gather [hbm4b:s7+s2], $0x80, v4, vm0, $0xb8;
	[tilespmem:$0xC100] =	vst v63  }
0xb3: {  	s22 =	simm.s32 $0x2100;
	v3 =	vadd.s32 v1, v3  }
0xb4: {  	[tilespmem:s22], [sflag:$0x1] =	stream.indirect_vreg.gather [hbm4b:s8+s2], $0x80, v4, vm0, $0xb8;
	[tilespmem:$0xC100] =	vst v63  }
0xb5: {  	s23 =	simm.s32 $0x2900  }
0xb6: {  	[tilespmem:s23], [sflag:$0x1] =	stream.indirect_vreg.gather [hbm4b:s9+s2], $0x80, v4, vm0, $0xb8;
	[tilespmem:$0xC100] =	vst v63  }
0xb7: {  	s24 =	simm.s32 $0x3100  }
0xb8: {  	[tilespmem:s24], [sflag:$0x1] =	stream.indirect_vreg.gather [hbm4b:s3+s2], $0x80, v3, vm0, $0xb8;
	[tilespmem:$0xC100] =	vst v63  }
0xb9: {  	s25 =	simm.s32 $0x3900  }
0xba: {  	[tilespmem:s25], [sflag:$0x1] =	stream.indirect_vreg.gather [hbm4b:s5+s2], $0x80, v3, vm0, $0xb8;
	[tilespmem:$0xC100] =	vst v63  }
0xbb: {  	s26 =	simm.s32 $0x4100  }
0xbc: {  	[tilespmem:s26], [sflag:$0x1] =	stream.indirect_vreg.gather [hbm4b:s6+s2], $0x80, v3, vm0, $0xb8;
	[tilespmem:$0xC100] =	vst v63  }
0xbd: {  	s29 =	simm.s32 $0x4900  }
0xbe: {  	[tilespmem:s29], [sflag:$0x1] =	stream.indirect_vreg.gather [hbm4b:s7+s2], $0x80, v3, vm0, $0xb8;
	[tilespmem:$0xC100] =	vst v63  }
0xbf: {  	s31 =	simm.s32 $0x5100  }
0xc0: {  	[tilespmem:s31], [sflag:$0x1] =	stream.indirect_vreg.gather [hbm4b:s8+s2], $0x80, v3, vm0, $0xb8;
	[tilespmem:$0xC100] =	vst v63  }
0xc1: {  	_ = 	snop  }
0xc2: {  	[tilespmem:s19], [sflag:$0x1] =	stream.indirect_vreg.gather [hbm4b:s9+s2], $0x80, v3, vm0, $0xb8;
	[tilespmem:$0xC100] =	vst v63  }
0xc3: {  	v3 =	vld [tilespmem:$0x10];
	_ =	sdelay $0x4  }
0xc4: {  	v53 =	vshrl.u32 v3, $0x3  }
0xc5: {  	v4 =	vmul.u32 $0x60, v53  }
0xc6: {  	v3 =	vand.u32 $0x7, v3  }
0xc7: {  	v3 =	vor.u32 v3, v4  }
0xc8: {  	v4 =	vperm.xlane v3, v0;
	_ =	sdelay $0x1  }
0xc9: {  	v4 =	vadd.s32 v1, v4;
	_ =	sdelay $0x3  }
0xca: {  	s30 =	simm.s32 $0x6100  }
0xcb: {  	[tilespmem:s30], [sflag:$0x1] =	stream.indirect_vreg.gather [hbm4b:s3+s2], $0x80, v4, vm0, $0xb8;
	[tilespmem:$0xC100] =	vst v63  }
0xcc: {  	s21 =	simm.s32 $0x6900  }
0xcd: {  	[tilespmem:s21], [sflag:$0x1] =	stream.indirect_vreg.gather [hbm4b:s5+s2], $0x80, v4, vm0, $0xb8;
	[tilespmem:$0xC100] =	vst v63  }
0xce: {  	_ = 	snop  }
0xcf: {  	[tilespmem:s1], [sflag:$0x1] =	stream.indirect_vreg.gather [hbm4b:s6+s2], $0x80, v4, vm0, $0xb8;
	[tilespmem:$0xC100] =	vst v63  }
0xd0: {  	v3 =	vperm.xlane v3, v2  }
0xd1: {  	[tilespmem:s18], [sflag:$0x1] =	stream.indirect_vreg.gather [hbm4b:s7+s2], $0x80, v4, vm0, $0xb8;
	[tilespmem:$0xC100] =	vst v63  }
0xd2: {  	s0 =	simm.s32 $0x8100;
	v3 =	vadd.s32 v1, v3  }
0xd3: {  	[tilespmem:s0], [sflag:$0x1] =	stream.indirect_vreg.gather [hbm4b:s8+s2], $0x80, v4, vm0, $0xb8;
	[tilespmem:$0xC100] =	vst v63  }
0xd4: {  	s1 =	simm.s32 $0x8900  }
0xd5: {  	[tilespmem:s1], [sflag:$0x1] =	stream.indirect_vreg.gather [hbm4b:s9+s2], $0x80, v4, vm0, $0xb8;
	[tilespmem:$0xC100] =	vst v63  }
0xd6: {  	s17 =	simm.s32 $0x9100  }
0xd7: {  	[tilespmem:s17], [sflag:$0x1] =	stream.indirect_vreg.gather [hbm4b:s3+s2], $0x80, v3, vm0, $0xb8;
	[tilespmem:$0xC100] =	vst v63  }
0xd8: {  	s18 =	simm.s32 $0x9900  }
0xd9: {  	[tilespmem:s18], [sflag:$0x1] =	stream.indirect_vreg.gather [hbm4b:s5+s2], $0x80, v3, vm0, $0xb8;
	[tilespmem:$0xC100] =	vst v63  }
0xda: {  	s19 =	simm.s32 $0xA100  }
0xdb: {  	[tilespmem:s19], [sflag:$0x1] =	stream.indirect_vreg.gather [hbm4b:s6+s2], $0x80, v3, vm0, $0xb8;
	[tilespmem:$0xC100] =	vst v63  }
0xdc: {  	s20 =	simm.s32 $0xA900  }
0xdd: {  	[tilespmem:s20], [sflag:$0x1] =	stream.indirect_vreg.gather [hbm4b:s7+s2], $0x80, v3, vm0, $0xb8;
	[tilespmem:$0xC100] =	vst v63  }
0xde: {  	s21 =	simm.s32 $0xB100  }
0xdf: {  	[tilespmem:s21], [sflag:$0x1] =	stream.indirect_vreg.gather [hbm4b:s8+s2], $0x80, v3, vm0, $0xb8;
	[tilespmem:$0xC100] =	vst v63  }
0xe0: {  	s28 =	simm.s32 $0x1;
	s15 =	simm.s32 $0xB900  }
0xe1: {  	[tilespmem:s15], [sflag:$0x1] =	stream.indirect_vreg.gather [hbm4b:s9+s2], $0x80, v3, vm0, $0xb8;
	[tilespmem:$0xC100] =	vst v63  }
0xe2: {  	_ =	swait.ge [sflag:s28], $0xC000  }
0xe3: {  	[sflag:s28] =	ssyncset.done $0x0  }
0xe4: {  	[sflag:s28] =	ssyncadd.s32 $0xFFFF4000  }
0xe5: {  	v3 =	vld [tilespmem:$0x80];
	_ =	sdelay $0x4  }
0xe6: {  	v54 =	vshrl.u32 v3, $0x3  }
0xe7: {  	v4 =	vmul.u32 $0x60, v54  }
0xe8: {  	v3 =	vand.u32 $0x7, v3  }
0xe9: {  	v3 =	vor.u32 v3, v4  }
0xea: {  	v4 =	vperm.xlane v3, v0;
	_ =	sdelay $0x1  }
0xeb: {  	v4 =	vadd.s32 v1, v4;
	_ =	sdelay $0x3  }
0xec: {  	s28 =	simm.s32 $0x100  }
0xed: {  	[hbm4b:s4+s2] =	stream.indirect_vreg.scatter [tilespmem:s28], [sflag:$0x2], $0x80, v4, vm0, $0xb8;
	[tilespmem:$0xC100] =	vst v63  }
0xee: {  	s28 =	simm.s32 $0x900  }
0xef: {  	[hbm4b:s10+s2] =	stream.indirect_vreg.scatter [tilespmem:s28], [sflag:$0x2], $0x80, v4, vm0, $0xb8;
	[tilespmem:$0xC100] =	vst v63  }
0xf0: {  	s28 =	simm.s32 $0x1100  }
0xf1: {  	[hbm4b:s11+s2] =	stream.indirect_vreg.scatter [tilespmem:s28], [sflag:$0x2], $0x80, v4, vm0, $0xb8;
	[tilespmem:$0xC100] =	vst v63  }
0xf2: {  	v3 =	vperm.xlane v3, v2;
	s28 =	simm.s32 $0x1900  }
0xf3: {  	[hbm4b:s12+s2] =	stream.indirect_vreg.scatter [tilespmem:s28], [sflag:$0x2], $0x80, v4, vm0, $0xb8;
	[tilespmem:$0xC100] =	vst v63  }
0xf4: {  	v3 =	vadd.s32 v1, v3  }
0xf5: {  	[hbm4b:s13+s2] =	stream.indirect_vreg.scatter [tilespmem:s22], [sflag:$0x2], $0x80, v4, vm0, $0xb8;
	[tilespmem:$0xC100] =	vst v63  }
0xf6: {  	_ = 	snop  }
0xf7: {  	[hbm4b:s14+s2] =	stream.indirect_vreg.scatter [tilespmem:s23], [sflag:$0x2], $0x80, v4, vm0, $0xb8;
	[tilespmem:$0xC100] =	vst v63  }
0xf8: {  	_ = 	snop  }
0xf9: {  	[hbm4b:s4+s2] =	stream.indirect_vreg.scatter [tilespmem:s24], [sflag:$0x2], $0x80, v3, vm0, $0xb8;
	[tilespmem:$0xC100] =	vst v63  }
0xfa: {  	_ = 	snop  }
0xfb: {  	[hbm4b:s10+s2] =	stream.indirect_vreg.scatter [tilespmem:s25], [sflag:$0x2], $0x80, v3, vm0, $0xb8;
	[tilespmem:$0xC100] =	vst v63  }
0xfc: {  	_ = 	snop  }
0xfd: {  	[hbm4b:s11+s2] =	stream.indirect_vreg.scatter [tilespmem:s26], [sflag:$0x2], $0x80, v3, vm0, $0xb8;
	[tilespmem:$0xC100] =	vst v63  }
0xfe: {  	_ = 	snop  }
0xff: {  	[hbm4b:s12+s2] =	stream.indirect_vreg.scatter [tilespmem:s29], [sflag:$0x2], $0x80, v3, vm0, $0xb8;
	[tilespmem:$0xC100] =	vst v63  }
0x100: {  	_ = 	snop  }
0x101: {  	[hbm4b:s13+s2] =	stream.indirect_vreg.scatter [tilespmem:s31], [sflag:$0x2], $0x80, v3, vm0, $0xb8;
	[tilespmem:$0xC100] =	vst v63  }
0x102: {  	s28 =	simm.s32 $0x5900  }
0x103: {  	[hbm4b:s14+s2] =	stream.indirect_vreg.scatter [tilespmem:s28], [sflag:$0x2], $0x80, v3, vm0, $0xb8;
	[tilespmem:$0xC100] =	vst v63  }
0x104: {  	v3 =	vld [tilespmem:$0x90];
	_ =	sdelay $0x4  }
0x105: {  	v55 =	vshrl.u32 v3, $0x3  }
0x106: {  	v4 =	vmul.u32 $0x60, v55  }
0x107: {  	v3 =	vand.u32 $0x7, v3  }
0x108: {  	v3 =	vor.u32 v3, v4  }
0x109: {  	v4 =	vperm.xlane v3, v0;
	_ =	sdelay $0x1  }
0x10a: {  	v4 =	vadd.s32 v1, v4;
	_ =	sdelay $0x4  }
0x10b: {  	[hbm4b:s4+s2] =	stream.indirect_vreg.scatter [tilespmem:s30], [sflag:$0x2], $0x80, v4, vm0, $0xb8;
	[tilespmem:$0xC100] =	vst v63  }
0x10c: {  	s29 =	simm.s32 $0x6900  }
0x10d: {  	[hbm4b:s10+s2] =	stream.indirect_vreg.scatter [tilespmem:s29], [sflag:$0x2], $0x80, v4, vm0, $0xb8;
	[tilespmem:$0xC100] =	vst v63  }
0x10e: {  	s30 =	simm.s32 $0x7100  }
0x10f: {  	[hbm4b:s11+s2] =	stream.indirect_vreg.scatter [tilespmem:s30], [sflag:$0x2], $0x80, v4, vm0, $0xb8;
	[tilespmem:$0xC100] =	vst v63  }
0x110: {  	s31 =	simm.s32 $0x7900;
	v3 =	vperm.xlane v3, v2  }
0x111: {  	[hbm4b:s12+s2] =	stream.indirect_vreg.scatter [tilespmem:s31], [sflag:$0x2], $0x80, v4, vm0, $0xb8;
	[tilespmem:$0xC100] =	vst v63  }
0x112: {  	v3 =	vadd.s32 v1, v3  }
0x113: {  	[hbm4b:s13+s2] =	stream.indirect_vreg.scatter [tilespmem:s0], [sflag:$0x2], $0x80, v4, vm0, $0xb8;
	[tilespmem:$0xC100] =	vst v63  }
0x114: {  	_ = 	snop  }
0x115: {  	[hbm4b:s14+s2] =	stream.indirect_vreg.scatter [tilespmem:s1], [sflag:$0x2], $0x80, v4, vm0, $0xb8;
	[tilespmem:$0xC100] =	vst v63  }
0x116: {  	_ = 	snop  }
0x117: {  	[hbm4b:s4+s2] =	stream.indirect_vreg.scatter [tilespmem:s17], [sflag:$0x2], $0x80, v3, vm0, $0xb8;
	[tilespmem:$0xC100] =	vst v63  }
0x118: {  	_ = 	snop  }
0x119: {  	[hbm4b:s10+s2] =	stream.indirect_vreg.scatter [tilespmem:s18], [sflag:$0x2], $0x80, v3, vm0, $0xb8;
	[tilespmem:$0xC100] =	vst v63  }
0x11a: {  	_ = 	snop  }
0x11b: {  	[hbm4b:s11+s2] =	stream.indirect_vreg.scatter [tilespmem:s19], [sflag:$0x2], $0x80, v3, vm0, $0xb8;
	[tilespmem:$0xC100] =	vst v63  }
0x11c: {  	_ = 	snop  }
0x11d: {  	[hbm4b:s12+s2] =	stream.indirect_vreg.scatter [tilespmem:s20], [sflag:$0x2], $0x80, v3, vm0, $0xb8;
	[tilespmem:$0xC100] =	vst v63  }
0x11e: {  	_ = 	snop  }
0x11f: {  	[hbm4b:s13+s2] =	stream.indirect_vreg.scatter [tilespmem:s21], [sflag:$0x2], $0x80, v3, vm0, $0xb8;
	[tilespmem:$0xC100] =	vst v63  }
0x120: {  	s15 =	simm.s32 $0xB900  }
0x121: {  	[hbm4b:s14+s2] =	stream.indirect_vreg.scatter [tilespmem:s15], [sflag:$0x2], $0x80, v3, vm0, $0xb8;
	[tilespmem:$0xC100] =	vst v63  }
0x122: {  	s15 =	simm.s32 $0x2  }
0x123: {  	_ =	swait.ge [sflag:s15], $0xC000  }
0x124: {  	[sflag:s15] =	ssyncset.done $0x0  }
0x125: {  	s17 =	rddreg [dreg:$0x6];
	[sflag:s15] =	ssyncadd.s32 $0xFFFF4000  }
0x126: {  	[tilespmem:s2], [sflag:$0x3] =	stream.linear.gather [hbm4b:s17+s2], $0x20, $0x38;
	[tilespmem:$0xC100] =	vst v63  }
0x127: {  	_ =	swait.ge [sflag:s16], $0x20  }
0x128: {  	[sflag:s16] =	ssyncset.done $0x0  }
0x129: {  	s19 =	simm.s32 $0x80;
	s18 =	rddreg [dreg:$0x7];
	[sflag:s16] =	ssyncadd.s32 $0xFFFFFFE0  }
0x12a: {  	[tilespmem:s19], [sflag:$0x3] =	stream.linear.gather [hbm4b:s18+s2], $0x20, $0x38;
	[tilespmem:$0xC100] =	vst v63  }
0x12b: {  	_ =	swait.ge [sflag:s16], $0x20  }
0x12c: {  	[sflag:s16] =	ssyncset.done $0x0  }
0x12d: {  	[sflag:s16] =	ssyncadd.s32 $0xFFFFFFE0  }
0x12e: {  	v3 =	vld [tilespmem:$0x0];
	_ =	sdelay $0x4  }
0x12f: {  	v56 =	vshrl.u32 v3, $0x3  }
0x130: {  	v4 =	vmul.u32 $0x60, v56  }
0x131: {  	v3 =	vand.u32 $0x7, v3  }
0x132: {  	v3 =	vor.u32 v3, v4  }
0x133: {  	v4 =	vperm.xlane v3, v0;
	_ =	sdelay $0x1  }
0x134: {  	v4 =	vadd.s32 v1, v4;
	_ =	sdelay $0x3  }
0x135: {  	s21 =	simm.s32 $0x100  }
0x136: {  	[tilespmem:s21], [sflag:$0x1] =	stream.indirect_vreg.gather [hbm4b:s3+s2], $0x80, v4, vm0, $0xb8;
	[tilespmem:$0xC100] =	vst v63  }
0x137: {  	s24 =	simm.s32 $0x900  }
0x138: {  	[tilespmem:s24], [sflag:$0x1] =	stream.indirect_vreg.gather [hbm4b:s5+s2], $0x80, v4, vm0, $0xb8;
	[tilespmem:$0xC100] =	vst v63  }
0x139: {  	s18 =	simm.s32 $0x1100  }
0x13a: {  	[tilespmem:s18], [sflag:$0x1] =	stream.indirect_vreg.gather [hbm4b:s6+s2], $0x80, v4, vm0, $0xb8;
	[tilespmem:$0xC100] =	vst v63  }
0x13b: {  	s19 =	simm.s32 $0x1900;
	v3 =	vperm.xlane v3, v2  }
0x13c: {  	[tilespmem:s19], [sflag:$0x1] =	stream.indirect_vreg.gather [hbm4b:s7+s2], $0x80, v4, vm0, $0xb8;
	[tilespmem:$0xC100] =	vst v63  }
0x13d: {  	s15 =	simm.s32 $0x2100;
	v3 =	vadd.s32 v1, v3  }
0x13e: {  	[tilespmem:s15], [sflag:$0x1] =	stream.indirect_vreg.gather [hbm4b:s8+s2], $0x80, v4, vm0, $0xb8;
	[tilespmem:$0xC100] =	vst v63  }
0x13f: {  	s22 =	simm.s32 $0x2900  }
0x140: {  	[tilespmem:s22], [sflag:$0x1] =	stream.indirect_vreg.gather [hbm4b:s9+s2], $0x80, v4, vm0, $0xb8;
	[tilespmem:$0xC100] =	vst v63  }
0x141: {  	s23 =	simm.s32 $0x3100  }
0x142: {  	[tilespmem:s23], [sflag:$0x1] =	stream.indirect_vreg.gather [hbm4b:s3+s2], $0x80, v3, vm0, $0xb8;
	[tilespmem:$0xC100] =	vst v63  }
0x143: {  	s28 =	simm.s32 $0x3900  }
0x144: {  	[tilespmem:s28], [sflag:$0x1] =	stream.indirect_vreg.gather [hbm4b:s5+s2], $0x80, v3, vm0, $0xb8;
	[tilespmem:$0xC100] =	vst v63  }
0x145: {  	s20 =	simm.s32 $0x4100  }
0x146: {  	[tilespmem:s20], [sflag:$0x1] =	stream.indirect_vreg.gather [hbm4b:s6+s2], $0x80, v3, vm0, $0xb8;
	[tilespmem:$0xC100] =	vst v63  }
0x147: {  	s29 =	simm.s32 $0x4900  }
0x148: {  	[tilespmem:s29], [sflag:$0x1] =	stream.indirect_vreg.gather [hbm4b:s7+s2], $0x80, v3, vm0, $0xb8;
	[tilespmem:$0xC100] =	vst v63  }
0x149: {  	s1 =	simm.s32 $0x5100  }
0x14a: {  	[tilespmem:s1], [sflag:$0x1] =	stream.indirect_vreg.gather [hbm4b:s8+s2], $0x80, v3, vm0, $0xb8;
	[tilespmem:$0xC100] =	vst v63  }
0x14b: {  	s20 =	simm.s32 $0x5900  }
0x14c: {  	[tilespmem:s20], [sflag:$0x1] =	stream.indirect_vreg.gather [hbm4b:s9+s2], $0x80, v3, vm0, $0xb8;
	[tilespmem:$0xC100] =	vst v63  }
0x14d: {  	v3 =	vld [tilespmem:$0x10];
	_ =	sdelay $0x4  }
0x14e: {  	v57 =	vshrl.u32 v3, $0x3  }
0x14f: {  	v4 =	vmul.u32 $0x60, v57  }
0x150: {  	v3 =	vand.u32 $0x7, v3  }
0x151: {  	v3 =	vor.u32 v3, v4  }
0x152: {  	v4 =	vperm.xlane v3, v0;
	_ =	sdelay $0x1  }
0x153: {  	v4 =	vadd.s32 v1, v4;
	_ =	sdelay $0x3  }
0x154: {  	s17 =	simm.s32 $0x6100  }
0x155: {  	[tilespmem:s17], [sflag:$0x1] =	stream.indirect_vreg.gather [hbm4b:s3+s2], $0x80, v4, vm0, $0xb8;
	[tilespmem:$0xC100] =	vst v63  }
0x156: {  	s29 =	simm.s32 $0x6900  }
0x157: {  	[tilespmem:s29], [sflag:$0x1] =	stream.indirect_vreg.gather [hbm4b:s5+s2], $0x80, v4, vm0, $0xb8;
	[tilespmem:$0xC100] =	vst v63  }
0x158: {  	s1 =	simm.s32 $0x7100  }
0x159: {  	[tilespmem:s1], [sflag:$0x1] =	stream.indirect_vreg.gather [hbm4b:s6+s2], $0x80, v4, vm0, $0xb8;
	[tilespmem:$0xC100] =	vst v63  }
0x15a: {  	v3 =	vperm.xlane v3, v2;
	s17 =	simm.s32 $0x7900  }
0x15b: {  	[tilespmem:s17], [sflag:$0x1] =	stream.indirect_vreg.gather [hbm4b:s7+s2], $0x80, v4, vm0, $0xb8;
	[tilespmem:$0xC100] =	vst v63  }
0x15c: {  	s25 =	simm.s32 $0x8100;
	v3 =	vadd.s32 v1, v3  }
0x15d: {  	[tilespmem:s25], [sflag:$0x1] =	stream.indirect_vreg.gather [hbm4b:s8+s2], $0x80, v4, vm0, $0xb8;
	[tilespmem:$0xC100] =	vst v63  }
0x15e: {  	s26 =	simm.s32 $0x8900  }
0x15f: {  	[tilespmem:s26], [sflag:$0x1] =	stream.indirect_vreg.gather [hbm4b:s9+s2], $0x80, v4, vm0, $0xb8;
	[tilespmem:$0xC100] =	vst v63  }
0x160: {  	s30 =	simm.s32 $0x9100  }
0x161: {  	[tilespmem:s30], [sflag:$0x1] =	stream.indirect_vreg.gather [hbm4b:s3+s2], $0x80, v3, vm0, $0xb8;
	[tilespmem:$0xC100] =	vst v63  }
0x162: {  	s31 =	simm.s32 $0x9900  }
0x163: {  	[tilespmem:s31], [sflag:$0x1] =	stream.indirect_vreg.gather [hbm4b:s5+s2], $0x80, v3, vm0, $0xb8;
	[tilespmem:$0xC100] =	vst v63  }
0x164: {  	s0 =	simm.s32 $0xA100  }
0x165: {  	[tilespmem:s0], [sflag:$0x1] =	stream.indirect_vreg.gather [hbm4b:s6+s2], $0x80, v3, vm0, $0xb8;
	[tilespmem:$0xC100] =	vst v63  }
0x166: {  	s25 =	simm.s32 $0xA900  }
0x167: {  	[tilespmem:s25], [sflag:$0x1] =	stream.indirect_vreg.gather [hbm4b:s7+s2], $0x80, v3, vm0, $0xb8;
	[tilespmem:$0xC100] =	vst v63  }
0x168: {  	s26 =	simm.s32 $0xB100  }
0x169: {  	[tilespmem:s26], [sflag:$0x1] =	stream.indirect_vreg.gather [hbm4b:s8+s2], $0x80, v3, vm0, $0xb8;
	[tilespmem:$0xC100] =	vst v63  }
0x16a: {  	s30 =	simm.s32 $0xB900;
	s31 =	simm.s32 $0x1  }
0x16b: {  	[tilespmem:s30], [sflag:$0x1] =	stream.indirect_vreg.gather [hbm4b:s9+s2], $0x80, v3, vm0, $0xb8;
	[tilespmem:$0xC100] =	vst v63  }
0x16c: {  	_ =	swait.ge [sflag:s31], $0xC000  }
0x16d: {  	[sflag:s31] =	ssyncset.done $0x0  }
0x16e: {  	[sflag:s31] =	ssyncadd.s32 $0xFFFF4000  }
0x16f: {  	v3 =	vld [tilespmem:$0x80];
	_ =	sdelay $0x4  }
0x170: {  	v58 =	vshrl.u32 v3, $0x3  }
0x171: {  	v4 =	vmul.u32 $0x60, v58  }
0x172: {  	v3 =	vand.u32 $0x7, v3  }
0x173: {  	v3 =	vor.u32 v3, v4  }
0x174: {  	v4 =	vperm.xlane v3, v0;
	_ =	sdelay $0x1  }
0x175: {  	v4 =	vadd.s32 v1, v4;
	_ =	sdelay $0x4  }
0x176: {  	[hbm4b:s4+s2] =	stream.indirect_vreg.scatter [tilespmem:s21], [sflag:$0x2], $0x80, v4, vm0, $0xb8;
	[tilespmem:$0xC100] =	vst v63  }
0x177: {  	_ = 	snop  }
0x178: {  	[hbm4b:s10+s2] =	stream.indirect_vreg.scatter [tilespmem:s24], [sflag:$0x2], $0x80, v4, vm0, $0xb8;
	[tilespmem:$0xC100] =	vst v63  }
0x179: {  	_ = 	snop  }
0x17a: {  	[hbm4b:s11+s2] =	stream.indirect_vreg.scatter [tilespmem:s18], [sflag:$0x2], $0x80, v4, vm0, $0xb8;
	[tilespmem:$0xC100] =	vst v63  }
0x17b: {  	v3 =	vperm.xlane v3, v2  }
0x17c: {  	[hbm4b:s12+s2] =	stream.indirect_vreg.scatter [tilespmem:s19], [sflag:$0x2], $0x80, v4, vm0, $0xb8;
	[tilespmem:$0xC100] =	vst v63  }
0x17d: {  	v3 =	vadd.s32 v1, v3  }
0x17e: {  	[hbm4b:s13+s2] =	stream.indirect_vreg.scatter [tilespmem:s15], [sflag:$0x2], $0x80, v4, vm0, $0xb8;
	[tilespmem:$0xC100] =	vst v63  }
0x17f: {  	_ = 	snop  }
0x180: {  	[hbm4b:s14+s2] =	stream.indirect_vreg.scatter [tilespmem:s22], [sflag:$0x2], $0x80, v4, vm0, $0xb8;
	[tilespmem:$0xC100] =	vst v63  }
0x181: {  	_ = 	snop  }
0x182: {  	[hbm4b:s4+s2] =	stream.indirect_vreg.scatter [tilespmem:s23], [sflag:$0x2], $0x80, v3, vm0, $0xb8;
	[tilespmem:$0xC100] =	vst v63  }
0x183: {  	_ = 	snop  }
0x184: {  	[hbm4b:s10+s2] =	stream.indirect_vreg.scatter [tilespmem:s28], [sflag:$0x2], $0x80, v3, vm0, $0xb8;
	[tilespmem:$0xC100] =	vst v63  }
0x185: {  	s28 =	simm.s32 $0x4100  }
0x186: {  	[hbm4b:s11+s2] =	stream.indirect_vreg.scatter [tilespmem:s28], [sflag:$0x2], $0x80, v3, vm0, $0xb8;
	[tilespmem:$0xC100] =	vst v63  }
0x187: {  	s18 =	simm.s32 $0x4900  }
0x188: {  	[hbm4b:s12+s2] =	stream.indirect_vreg.scatter [tilespmem:s18], [sflag:$0x2], $0x80, v3, vm0, $0xb8;
	[tilespmem:$0xC100] =	vst v63  }
0x189: {  	s19 =	simm.s32 $0x5100  }
0x18a: {  	[hbm4b:s13+s2] =	stream.indirect_vreg.scatter [tilespmem:s19], [sflag:$0x2], $0x80, v3, vm0, $0xb8;
	[tilespmem:$0xC100] =	vst v63  }
0x18b: {  	_ = 	snop  }
0x18c: {  	[hbm4b:s14+s2] =	stream.indirect_vreg.scatter [tilespmem:s20], [sflag:$0x2], $0x80, v3, vm0, $0xb8;
	[tilespmem:$0xC100] =	vst v63  }
0x18d: {  	v3 =	vld [tilespmem:$0x90];
	_ =	sdelay $0x4  }
0x18e: {  	v59 =	vshrl.u32 v3, $0x3  }
0x18f: {  	v4 =	vmul.u32 $0x60, v59  }
0x190: {  	v3 =	vand.u32 $0x7, v3  }
0x191: {  	v3 =	vor.u32 v3, v4  }
0x192: {  	v4 =	vperm.xlane v3, v0;
	_ =	sdelay $0x1  }
0x193: {  	v4 =	vadd.s32 v1, v4;
	_ =	sdelay $0x3  }
0x194: {  	s22 =	simm.s32 $0x6100  }
0x195: {  	[hbm4b:s4+s2] =	stream.indirect_vreg.scatter [tilespmem:s22], [sflag:$0x2], $0x80, v4, vm0, $0xb8;
	[tilespmem:$0xC100] =	vst v63  }
0x196: {  	_ = 	snop  }
0x197: {  	[hbm4b:s10+s2] =	stream.indirect_vreg.scatter [tilespmem:s29], [sflag:$0x2], $0x80, v4, vm0, $0xb8;
	[tilespmem:$0xC100] =	vst v63  }
0x198: {  	_ = 	snop  }
0x199: {  	[hbm4b:s11+s2] =	stream.indirect_vreg.scatter [tilespmem:s1], [sflag:$0x2], $0x80, v4, vm0, $0xb8;
	[tilespmem:$0xC100] =	vst v63  }
0x19a: {  	v3 =	vperm.xlane v3, v2  }
0x19b: {  	[hbm4b:s12+s2] =	stream.indirect_vreg.scatter [tilespmem:s17], [sflag:$0x2], $0x80, v4, vm0, $0xb8;
	[tilespmem:$0xC100] =	vst v63  }
0x19c: {  	v3 =	vadd.s32 v1, v3;
	s1 =	simm.s32 $0x8100  }
0x19d: {  	[hbm4b:s13+s2] =	stream.indirect_vreg.scatter [tilespmem:s1], [sflag:$0x2], $0x80, v4, vm0, $0xb8;
	[tilespmem:$0xC100] =	vst v63  }
0x19e: {  	s15 =	simm.s32 $0x8900  }
0x19f: {  	[hbm4b:s14+s2] =	stream.indirect_vreg.scatter [tilespmem:s15], [sflag:$0x2], $0x80, v4, vm0, $0xb8;
	[tilespmem:$0xC100] =	vst v63  }
0x1a0: {  	s17 =	simm.s32 $0x9100  }
0x1a1: {  	[hbm4b:s4+s2] =	stream.indirect_vreg.scatter [tilespmem:s17], [sflag:$0x2], $0x80, v3, vm0, $0xb8;
	[tilespmem:$0xC100] =	vst v63  }
0x1a2: {  	s18 =	simm.s32 $0x9900  }
0x1a3: {  	[hbm4b:s10+s2] =	stream.indirect_vreg.scatter [tilespmem:s18], [sflag:$0x2], $0x80, v3, vm0, $0xb8;
	[tilespmem:$0xC100] =	vst v63  }
0x1a4: {  	_ = 	snop  }
0x1a5: {  	[hbm4b:s11+s2] =	stream.indirect_vreg.scatter [tilespmem:s0], [sflag:$0x2], $0x80, v3, vm0, $0xb8;
	[tilespmem:$0xC100] =	vst v63  }
0x1a6: {  	_ = 	snop  }
0x1a7: {  	[hbm4b:s12+s2] =	stream.indirect_vreg.scatter [tilespmem:s25], [sflag:$0x2], $0x80, v3, vm0, $0xb8;
	[tilespmem:$0xC100] =	vst v63  }
0x1a8: {  	_ = 	snop  }
0x1a9: {  	[hbm4b:s13+s2] =	stream.indirect_vreg.scatter [tilespmem:s26], [sflag:$0x2], $0x80, v3, vm0, $0xb8;
	[tilespmem:$0xC100] =	vst v63  }
0x1aa: {  	s23 =	simm.s32 $0x2  }
0x1ab: {  	[hbm4b:s14+s2] =	stream.indirect_vreg.scatter [tilespmem:s30], [sflag:$0x2], $0x80, v3, vm0, $0xb8;
	[tilespmem:$0xC100] =	vst v63  }
0x1ac: {  	_ =	swait.ge [sflag:s23], $0xC000  }
0x1ad: {  	[sflag:s23] =	ssyncset.done $0x0  }
0x1ae: {  	s25 =	rddreg [dreg:$0x8];
	[sflag:s23] =	ssyncadd.s32 $0xFFFF4000  }
0x1af: {  	[tilespmem:s2], [sflag:$0x3] =	stream.linear.gather [hbm4b:s25+s2], $0x20, $0x38;
	[tilespmem:$0xC100] =	vst v63  }
0x1b0: {  	_ =	swait.ge [sflag:s16], $0x20  }
0x1b1: {  	[sflag:s16] =	ssyncset.done $0x0  }
0x1b2: {  	s30 =	simm.s32 $0x80;
	s26 =	rddreg [dreg:$0x9];
	[sflag:s16] =	ssyncadd.s32 $0xFFFFFFE0  }
0x1b3: {  	[tilespmem:s30], [sflag:$0x3] =	stream.linear.gather [hbm4b:s26+s2], $0x20, $0x38;
	[tilespmem:$0xC100] =	vst v63  }
0x1b4: {  	_ =	swait.ge [sflag:s16], $0x20  }
0x1b5: {  	[sflag:s16] =	ssyncset.done $0x0  }
0x1b6: {  	[sflag:s16] =	ssyncadd.s32 $0xFFFFFFE0  }
0x1b7: {  	v3 =	vld [tilespmem:$0x0];
	_ =	sdelay $0x4  }
0x1b8: {  	v60 =	vshrl.u32 v3, $0x3  }
0x1b9: {  	v4 =	vmul.u32 $0x60, v60  }
0x1ba: {  	v3 =	vand.u32 $0x7, v3  }
0x1bb: {  	v3 =	vor.u32 v3, v4  }
0x1bc: {  	v4 =	vperm.xlane v3, v0;
	_ =	sdelay $0x1  }
0x1bd: {  	v4 =	vadd.s32 v1, v4;
	_ =	sdelay $0x3  }
0x1be: {  	s21 =	simm.s32 $0x100  }
0x1bf: {  	[tilespmem:s21], [sflag:$0x1] =	stream.indirect_vreg.gather [hbm4b:s3+s2], $0x80, v4, vm0, $0xb8;
	[tilespmem:$0xC100] =	vst v63  }
0x1c0: {  	s23 =	simm.s32 $0x900  }
0x1c1: {  	[tilespmem:s23], [sflag:$0x1] =	stream.indirect_vreg.gather [hbm4b:s5+s2], $0x80, v4, vm0, $0xb8;
	[tilespmem:$0xC100] =	vst v63  }
0x1c2: {  	s24 =	simm.s32 $0x1100  }
0x1c3: {  	[tilespmem:s24], [sflag:$0x1] =	stream.indirect_vreg.gather [hbm4b:s6+s2], $0x80, v4, vm0, $0xb8;
	[tilespmem:$0xC100] =	vst v63  }
0x1c4: {  	s25 =	simm.s32 $0x1900;
	v3 =	vperm.xlane v3, v2  }
0x1c5: {  	[tilespmem:s25], [sflag:$0x1] =	stream.indirect_vreg.gather [hbm4b:s7+s2], $0x80, v4, vm0, $0xb8;
	[tilespmem:$0xC100] =	vst v63  }
0x1c6: {  	s26 =	simm.s32 $0x2100;
	v3 =	vadd.s32 v1, v3  }
0x1c7: {  	[tilespmem:s26], [sflag:$0x1] =	stream.indirect_vreg.gather [hbm4b:s8+s2], $0x80, v4, vm0, $0xb8;
	[tilespmem:$0xC100] =	vst v63  }
0x1c8: {  	s29 =	simm.s32 $0x2900  }
0x1c9: {  	[tilespmem:s29], [sflag:$0x1] =	stream.indirect_vreg.gather [hbm4b:s9+s2], $0x80, v4, vm0, $0xb8;
	[tilespmem:$0xC100] =	vst v63  }
0x1ca: {  	s30 =	simm.s32 $0x3100  }
0x1cb: {  	[tilespmem:s30], [sflag:$0x1] =	stream.indirect_vreg.gather [hbm4b:s3+s2], $0x80, v3, vm0, $0xb8;
	[tilespmem:$0xC100] =	vst v63  }
0x1cc: {  	s26 =	simm.s32 $0x3900  }
0x1cd: {  	[tilespmem:s26], [sflag:$0x1] =	stream.indirect_vreg.gather [hbm4b:s5+s2], $0x80, v3, vm0, $0xb8;
	[tilespmem:$0xC100] =	vst v63  }
0x1ce: {  	s29 =	simm.s32 $0x4100  }
0x1cf: {  	[tilespmem:s29], [sflag:$0x1] =	stream.indirect_vreg.gather [hbm4b:s6+s2], $0x80, v3, vm0, $0xb8;
	[tilespmem:$0xC100] =	vst v63  }
0x1d0: {  	s30 =	simm.s32 $0x4900  }
0x1d1: {  	[tilespmem:s30], [sflag:$0x1] =	stream.indirect_vreg.gather [hbm4b:s7+s2], $0x80, v3, vm0, $0xb8;
	[tilespmem:$0xC100] =	vst v63  }
0x1d2: {  	s21 =	simm.s32 $0x5100  }
0x1d3: {  	[tilespmem:s21], [sflag:$0x1] =	stream.indirect_vreg.gather [hbm4b:s8+s2], $0x80, v3, vm0, $0xb8;
	[tilespmem:$0xC100] =	vst v63  }
0x1d4: {  	s28 =	simm.s32 $0x5900  }
0x1d5: {  	[tilespmem:s28], [sflag:$0x1] =	stream.indirect_vreg.gather [hbm4b:s9+s2], $0x80, v3, vm0, $0xb8;
	[tilespmem:$0xC100] =	vst v63  }
0x1d6: {  	v3 =	vld [tilespmem:$0x10];
	_ =	sdelay $0x4  }
0x1d7: {  	v61 =	vshrl.u32 v3, $0x3  }
0x1d8: {  	v4 =	vmul.u32 $0x60, v61  }
0x1d9: {  	v3 =	vand.u32 $0x7, v3  }
0x1da: {  	v3 =	vor.u32 v3, v4  }
0x1db: {  	v4 =	vperm.xlane v3, v0;
	_ =	sdelay $0x1  }
0x1dc: {  	v4 =	vadd.s32 v1, v4;
	_ =	sdelay $0x3  }
0x1dd: {  	s29 =	simm.s32 $0x6100  }
0x1de: {  	[tilespmem:s29], [sflag:$0x1] =	stream.indirect_vreg.gather [hbm4b:s3+s2], $0x80, v4, vm0, $0xb8;
	[tilespmem:$0xC100] =	vst v63  }
0x1df: {  	s19 =	simm.s32 $0x6900  }
0x1e0: {  	[tilespmem:s19], [sflag:$0x1] =	stream.indirect_vreg.gather [hbm4b:s5+s2], $0x80, v4, vm0, $0xb8;
	[tilespmem:$0xC100] =	vst v63  }
0x1e1: {  	s20 =	simm.s32 $0x7100  }
0x1e2: {  	[tilespmem:s20], [sflag:$0x1] =	stream.indirect_vreg.gather [hbm4b:s6+s2], $0x80, v4, vm0, $0xb8;
	[tilespmem:$0xC100] =	vst v63  }
0x1e3: {  	s22 =	simm.s32 $0x7900;
	v3 =	vperm.xlane v3, v2  }
0x1e4: {  	[tilespmem:s22], [sflag:$0x1] =	stream.indirect_vreg.gather [hbm4b:s7+s2], $0x80, v4, vm0, $0xb8;
	[tilespmem:$0xC100] =	vst v63  }
0x1e5: {  	v3 =	vadd.s32 v1, v3  }
0x1e6: {  	[tilespmem:s1], [sflag:$0x1] =	stream.indirect_vreg.gather [hbm4b:s8+s2], $0x80, v4, vm0, $0xb8;
	[tilespmem:$0xC100] =	vst v63  }
0x1e7: {  	_ = 	snop  }
0x1e8: {  	[tilespmem:s15], [sflag:$0x1] =	stream.indirect_vreg.gather [hbm4b:s9+s2], $0x80, v4, vm0, $0xb8;
	[tilespmem:$0xC100] =	vst v63  }
0x1e9: {  	_ = 	snop  }
0x1ea: {  	[tilespmem:s17], [sflag:$0x1] =	stream.indirect_vreg.gather [hbm4b:s3+s2], $0x80, v3, vm0, $0xb8;
	[tilespmem:$0xC100] =	vst v63  }
0x1eb: {  	_ = 	snop  }
0x1ec: {  	[tilespmem:s18], [sflag:$0x1] =	stream.indirect_vreg.gather [hbm4b:s5+s2], $0x80, v3, vm0, $0xb8;
	[tilespmem:$0xC100] =	vst v63  }
0x1ed: {  	s17 =	simm.s32 $0xA100  }
0x1ee: {  	[tilespmem:s17], [sflag:$0x1] =	stream.indirect_vreg.gather [hbm4b:s6+s2], $0x80, v3, vm0, $0xb8;
	[tilespmem:$0xC100] =	vst v63  }
0x1ef: {  	s1 =	simm.s32 $0xA900  }
0x1f0: {  	[tilespmem:s1], [sflag:$0x1] =	stream.indirect_vreg.gather [hbm4b:s7+s2], $0x80, v3, vm0, $0xb8;
	[tilespmem:$0xC100] =	vst v63  }
0x1f1: {  	s17 =	simm.s32 $0xB100  }
0x1f2: {  	[tilespmem:s17], [sflag:$0x1] =	stream.indirect_vreg.gather [hbm4b:s8+s2], $0x80, v3, vm0, $0xb8;
	[tilespmem:$0xC100] =	vst v63  }
0x1f3: {  	s31 =	simm.s32 $0x1;
	s15 =	simm.s32 $0xB900  }
0x1f4: {  	[tilespmem:s15], [sflag:$0x1] =	stream.indirect_vreg.gather [hbm4b:s9+s2], $0x80, v3, vm0, $0xb8;
	[tilespmem:$0xC100] =	vst v63  }
0x1f5: {  	_ =	swait.ge [sflag:s31], $0xC000  }
0x1f6: {  	[sflag:s31] =	ssyncset.done $0x0  }
0x1f7: {  	[sflag:s31] =	ssyncadd.s32 $0xFFFF4000  }
0x1f8: {  	v3 =	vld [tilespmem:$0x80];
	_ =	sdelay $0x4  }
0x1f9: {  	v62 =	vshrl.u32 v3, $0x3  }
0x1fa: {  	v4 =	vmul.u32 $0x60, v62  }
0x1fb: {  	v3 =	vand.u32 $0x7, v3  }
0x1fc: {  	v3 =	vor.u32 v3, v4  }
0x1fd: {  	v4 =	vperm.xlane v3, v0;
	_ =	sdelay $0x1  }
0x1fe: {  	v4 =	vadd.s32 v1, v4;
	_ =	sdelay $0x3  }
0x1ff: {  	s0 =	simm.s32 $0x100  }
0x200: {  	[hbm4b:s4+s2] =	stream.indirect_vreg.scatter [tilespmem:s0], [sflag:$0x2], $0x80, v4, vm0, $0xb8;
	[tilespmem:$0xC100] =	vst v63  }
0x201: {  	s23 =	simm.s32 $0x900  }
0x202: {  	[hbm4b:s10+s2] =	stream.indirect_vreg.scatter [tilespmem:s23], [sflag:$0x2], $0x80, v4, vm0, $0xb8;
	[tilespmem:$0xC100] =	vst v63  }
0x203: {  	s24 =	simm.s32 $0x1100  }
0x204: {  	[hbm4b:s11+s2] =	stream.indirect_vreg.scatter [tilespmem:s24], [sflag:$0x2], $0x80, v4, vm0, $0xb8;
	[tilespmem:$0xC100] =	vst v63  }
0x205: {  	s25 =	simm.s32 $0x1900;
	v3 =	vperm.xlane v3, v2  }
0x206: {  	[hbm4b:s12+s2] =	stream.indirect_vreg.scatter [tilespmem:s25], [sflag:$0x2], $0x80, v4, vm0, $0xb8;
	[tilespmem:$0xC100] =	vst v63  }
0x207: {  	s31 =	simm.s32 $0x2100;
	v3 =	vadd.s32 v1, v3  }
0x208: {  	[hbm4b:s13+s2] =	stream.indirect_vreg.scatter [tilespmem:s31], [sflag:$0x2], $0x80, v4, vm0, $0xb8;
	[tilespmem:$0xC100] =	vst v63  }
0x209: {  	s24 =	simm.s32 $0x2900  }
0x20a: {  	[hbm4b:s14+s2] =	stream.indirect_vreg.scatter [tilespmem:s24], [sflag:$0x2], $0x80, v4, vm0, $0xb8;
	[tilespmem:$0xC100] =	vst v63  }
0x20b: {  	s25 =	simm.s32 $0x3100  }
0x20c: {  	[hbm4b:s4+s2] =	stream.indirect_vreg.scatter [tilespmem:s25], [sflag:$0x2], $0x80, v3, vm0, $0xb8;
	[tilespmem:$0xC100] =	vst v63  }
0x20d: {  	s31 =	simm.s32 $0x3900  }
0x20e: {  	[hbm4b:s10+s2] =	stream.indirect_vreg.scatter [tilespmem:s31], [sflag:$0x2], $0x80, v3, vm0, $0xb8;
	[tilespmem:$0xC100] =	vst v63  }
0x20f: {  	s24 =	simm.s32 $0x4100  }
0x210: {  	[hbm4b:s11+s2] =	stream.indirect_vreg.scatter [tilespmem:s24], [sflag:$0x2], $0x80, v3, vm0, $0xb8;
	[tilespmem:$0xC100] =	vst v63  }
0x211: {  	s25 =	simm.s32 $0x4900  }
0x212: {  	[hbm4b:s12+s2] =	stream.indirect_vreg.scatter [tilespmem:s25], [sflag:$0x2], $0x80, v3, vm0, $0xb8;
	[tilespmem:$0xC100] =	vst v63  }
0x213: {  	_ = 	snop  }
0x214: {  	[hbm4b:s13+s2] =	stream.indirect_vreg.scatter [tilespmem:s21], [sflag:$0x2], $0x80, v3, vm0, $0xb8;
	[tilespmem:$0xC100] =	vst v63  }
0x215: {  	s28 =	simm.s32 $0x5900  }
0x216: {  	[hbm4b:s14+s2] =	stream.indirect_vreg.scatter [tilespmem:s28], [sflag:$0x2], $0x80, v3, vm0, $0xb8;
	[tilespmem:$0xC100] =	vst v63  }
0x217: {  	v3 =	vld [tilespmem:$0x90];
	_ =	sdelay $0x4  }
0x218: {  	v63 =	vshrl.u32 v3, $0x3  }
0x219: {  	v4 =	vmul.u32 $0x60, v63  }
0x21a: {  	v3 =	vand.u32 $0x7, v3  }
0x21b: {  	v3 =	vor.u32 v3, v4  }
0x21c: {  	v4 =	vperm.xlane v3, v0;
	_ =	sdelay $0x1  }
0x21d: {  	v4 =	vadd.s32 v1, v4;
	_ =	sdelay $0x4  }
0x21e: {  	[hbm4b:s4+s2] =	stream.indirect_vreg.scatter [tilespmem:s29], [sflag:$0x2], $0x80, v4, vm0, $0xb8;
	[tilespmem:$0xC100] =	vst v63  }
0x21f: {  	s19 =	simm.s32 $0x6900  }
0x220: {  	[hbm4b:s10+s2] =	stream.indirect_vreg.scatter [tilespmem:s19], [sflag:$0x2], $0x80, v4, vm0, $0xb8;
	[tilespmem:$0xC100] =	vst v63  }
0x221: {  	s20 =	simm.s32 $0x7100  }
0x222: {  	[hbm4b:s11+s2] =	stream.indirect_vreg.scatter [tilespmem:s20], [sflag:$0x2], $0x80, v4, vm0, $0xb8;
	[tilespmem:$0xC100] =	vst v63  }
0x223: {  	s22 =	simm.s32 $0x7900;
	v3 =	vperm.xlane v3, v2  }
0x224: {  	[hbm4b:s12+s2] =	stream.indirect_vreg.scatter [tilespmem:s22], [sflag:$0x2], $0x80, v4, vm0, $0xb8;
	[tilespmem:$0xC100] =	vst v63  }
0x225: {  	s30 =	simm.s32 $0x8100;
	v3 =	vadd.s32 v1, v3  }
0x226: {  	[hbm4b:s13+s2] =	stream.indirect_vreg.scatter [tilespmem:s30], [sflag:$0x2], $0x80, v4, vm0, $0xb8;
	[tilespmem:$0xC100] =	vst v63  }
0x227: {  	s28 =	simm.s32 $0x8900  }
0x228: {  	[hbm4b:s14+s2] =	stream.indirect_vreg.scatter [tilespmem:s28], [sflag:$0x2], $0x80, v4, vm0, $0xb8;
	[tilespmem:$0xC100] =	vst v63  }
0x229: {  	s29 =	simm.s32 $0x9100  }
0x22a: {  	[hbm4b:s4+s2] =	stream.indirect_vreg.scatter [tilespmem:s29], [sflag:$0x2], $0x80, v3, vm0, $0xb8;
	[tilespmem:$0xC100] =	vst v63  }
0x22b: {  	s18 =	simm.s32 $0x9900  }
0x22c: {  	[hbm4b:s10+s2] =	stream.indirect_vreg.scatter [tilespmem:s18], [sflag:$0x2], $0x80, v3, vm0, $0xb8;
	[tilespmem:$0xC100] =	vst v63  }
0x22d: {  	s26 =	simm.s32 $0xA100  }
0x22e: {  	[hbm4b:s11+s2] =	stream.indirect_vreg.scatter [tilespmem:s26], [sflag:$0x2], $0x80, v3, vm0, $0xb8;
	[tilespmem:$0xC100] =	vst v63  }
0x22f: {  	s0 =	rddreg [dreg:$0xa]  }
0x230: {  	[hbm4b:s12+s2] =	stream.indirect_vreg.scatter [tilespmem:s1], [sflag:$0x2], $0x80, v3, vm0, $0xb8;
	[tilespmem:$0xC100] =	vst v63  }
0x231: {  	p0 =	sne.s32 s0, $0x1  }
0x232: {  	[hbm4b:s13+s2] =	stream.indirect_vreg.scatter [tilespmem:s17], [sflag:$0x2], $0x80, v3, vm0, $0xb8;
	[tilespmem:$0xC100] =	vst v63  }
.Ltmp0:
0x233: {  	s30 =	simm.s32 $0x2;
	(pc) =	sbr.rel @p0 .LBB2_1-.Ltmp0, $4  }
0x234: {  	[hbm4b:s14+s2] =	stream.indirect_vreg.scatter [tilespmem:s15], [sflag:$0x2], $0x80, v3, vm0, $0xb8;
	[tilespmem:$0xC100] =	vst v63  }
0x235: {  	_ =	swait.ge [sflag:s30], $0xC000  }
0x236: {  	s31 =	simm.s32 $0x2;
	[sflag:s30] =	ssyncset.done $0x0  }
0x237: {  	s0 =	sadd.s32 $0xFFFFFFFF, s0;
	[sflag:s31] =	ssyncadd.s32 $0xFFFF4000  }
0x238: {  	_ =	sfence.sel $0x180000  }
0x239: {  	[bflag:$0x0] =	sbarrier.arrive $0xFFFF  }
0x23a: {  	_ =	strace $0x90000050  }
0x23b: {  	s0 =	stileid.u32;
	[bflag:$0x2] =	sbarrier.arrive $0xFFFF  }
0x23c: {  	p0 =	sne.s32 s0, $0x0;
	s0 =	rddreg [dreg:$0x1]  }
0x23d: {  	s0 =	sadd.s32 @!p0 $0x100000, s0  }
0x23e: {  	[sflag:s0] =	ssyncadd.tile.s32 @!p0 $0x1;
	_ =	shalt  }
.Lfunc_end2:
_tile_overlayer_lowered:
.L_overlay_start_2:
0x23f: {  	(tag) =	ssettag $0x2  }
0x240: {  	s0 =	rddreg [dreg:$0x0];
	s2 =	stileid.u32  }
0x241: {  	s1 =	rddreg [dreg:$0x1];
	p0 =	sne.s32 s2, $0x0  }
0x242: {  	s3 =	rddreg [dreg:$0x2];
	[bflag:$0x3] =	sbarrier.arrive $0xFFFF;
	s2 =	simm.s32 @!p0 $0x1C03  }
0x243: {  	[timem:s3], [sflag:s2] =	dma.local @!p0 [hbm:s0], s1  }
0x244: {  	s0 =	simm.s32 @!p0 $0x3  }
0x245: {  	_ =	swait.ge @!p0 [sflag:s0], s1  }
0x246: {  	s1 =	ssub.s32 @!p0 $0x0, s1;
	[sflag:s0] =	ssyncset.done @!p0 $0x0  }
0x247: {  	[sflag:s0] =	ssyncadd.s32 @!p0 s1  }
0x248: {  	[bflag:$0x3] =	sbarrier.arrive $0xFFFF  }
0x249: {  	_ =	shalt  }

// kernel: kernel.28.cloned.1.call-start
scs
__scs_entry_jumppad:
0x0: {  	(pc) =	sbr.rel $0x88, $3  }
0x1: {  	(tag) =	ssettag $0x0;
	lr =	simm.s32 $0x1  }
0x2: {  	[smem:$0x3F8B] =	sst lr;
	_ =	strace $0xD0000000  }
0x3: {  	_ = 	snop  }
0x4: {  	_ = 	snop  }
0x5: {  	_ = 	snop  }
0x6: {  	_ = 	snop  }
0x7: {  	_ = 	snop  }
__scs_overlays_trampoline_lowered:
0x8: {  	[smem:$0x3F9A] =	sst s0  }
0x9: {  	[smem:$0x3F9B] =	sst s1  }
0xa: {  	[smem:$0x3F9C] =	sst s2  }
0xb: {  	[smem:$0x3F9D] =	sst s3  }
0xc: {  	[smem:$0x3F9E] =	sst s4  }
0xd: {  	[smem:$0x3F9F] =	sst s5  }
0xe: {  	[smem:$0x3FA0] =	sst s6  }
0xf: {  	[smem:$0x3FA1] =	sst s7  }
0x10: {  	[smem:$0x3FA2] =	sst s8  }
0x11: {  	[smem:$0x3FA3] =	sst s9;
	s0 =	simm.s32 @!p0 $0x0  }
0x12: {  	s1 =	sld [smem:$0x3F89];
	s0 =	simm.s32 @p0 $0x1  }
0x13: {  	[smem:$0x3FA4] =	sst s0;
	s0 =	simm.s32 @!p1 $0x0  }
0x14: {  	s2 =	sld [smem:$0x3F88];
	s0 =	simm.s32 @p1 $0x1  }
0x15: {  	[smem:$0x3FA5] =	sst s0;
	s0 =	simm.s32 @!p2 $0x0  }
0x16: {  	s3 =	sld [smem:$0x3FDB];
	s0 =	simm.s32 @p2 $0x1  }
0x17: {  	s4 =	simm.s32 $0x1BF5;
	[smem:$0x3FA7] =	sst s0  }
0x18: {  	s0 =	sld [smem:$0x3F8A];
	_ =	swait.ge [sflag:s4], $0x0  }
0x19: {  	s7 =	sld [smem:$0x3F8B]  }
0x1a: {  	s8 =	sadd.s32 $0xFFFFE003, lr  }
0x1b: {  	s9 =	sadd.s32 $0xFFFFFEF7, lr;
	s5 =	simm.s32 $0xFFFFFFFF;
	p2 =	slt.u32 s8, $0xFFFFF086  }
0x1c: {  	p1 =	slt.u32 s9, $0xF7A;
	s5 =	simm.s32 @!p2 $0x0  }
0x1d: {  	s5 =	simm.s32 @p1 $0x1;
	p0 =	seq.s32 s7, s2  }
0x1e: {  	s7 =	smul.u32 @!p0 $0xF7A, s2;
	p2 =	seq.s32 @!p0 s5, $0x0  }
0x1f: {  	s9 =	smul.u32 $0xF7A, s1;
	s8 =	simm.s32 @!p0 $0x1BF5;
	p2 =	por !p2, p0  }
0x20: {  	[sflag:s8] =	ssyncset.s32 @!p0 $0xFFFFF086;
	s6 =	sadd.s32 @!p0 s3, s7;
	s7 =	simm.s32 @!p0 $0x108  }
0x21: {  	s3 =	sadd.s32 s3, s9;
	s6 =	sadd.s32 @!p0 $0x88, s6;
	s7 =	simm.s32 @p2 $0x1082  }
0x22: {  	[simem:s7], [sflag:s8] =	dma.local @!p0 [hbm:s6], $0xF7A  }
0x23: {  	s9 =	sor.u32 $0xD0000000, s2;
	s6 =	simm.s32 $0x108;
	_ =	swait.ge @!p0 [sflag:s8], $0x0  }
0x24: {  	s3 =	sadd.s32 $0x88, s3;
	s6 =	simm.s32 @!p1 $0x1082;
	[sflag:s4] =	ssyncset.s32 $0xFFFFF086  }
0x25: {  	[simem:s6], [sflag:s4] =	dma.local [hbm:s3], $0xF7A  }
0x26: {  	[smem:$0x3F8B] =	sst s1;
	(tag) =	ssettag s2;
	_ =	strace s9  }
0x27: {  	s1 =	sld [smem:$0x3F9B]  }
0x28: {  	s2 =	sld [smem:$0x3F9C]  }
0x29: {  	s4 =	sld [smem:$0x3F9E]  }
0x2a: {  	p0 =	seq.s32 s5, $0x0;
	s5 =	sld [smem:$0x3F9F]  }
0x2b: {  	s6 =	sld [smem:$0x3FA0]  }
0x2c: {  	s7 =	sld [smem:$0x3FA1]  }
0x2d: {  	s3 =	simm.s32 $0x108;
	s8 =	sld [smem:$0x3FA2]  }
0x2e: {  	s3 =	simm.s32 @!p0 $0x1082;
	s9 =	sld [smem:$0x3FA3]  }
0x2f: {  	lr =	sadd.s32 s0, s3;
	s0 =	sld [smem:$0x3F9A]  }
0x30: {  	s3 =	sld [smem:$0x3F9D]  }
0x31: {  	[smem:$0x3FA6] =	sst s10  }
0x32: {  	s10 =	sld [smem:$0x3FA4];
	_ =	sdelay $0x3  }
0x33: {  	p0 =	seq.s32 s10, $0x1;
	s10 =	sld [smem:$0x3FA6];
	_ =	sdelay $0x3  }
0x34: {  	[smem:$0x3FA6] =	sst s10  }
0x35: {  	s10 =	sld [smem:$0x3FA5];
	_ =	sdelay $0x3  }
0x36: {  	p1 =	seq.s32 s10, $0x1;
	s10 =	sld [smem:$0x3FA6];
	_ =	sdelay $0x3  }
0x37: {  	[smem:$0x3FA6] =	sst s10  }
0x38: {  	s10 =	sld [smem:$0x3FA7]  }
0x39: {  	_ = 	snop;
	(pc) =	sbr.ind lr, $3  }
0x3a: {  	_ = 	snop  }
0x3b: {  	_ = 	snop  }
0x3c: {  	p2 =	seq.s32 s10, $0x1;
	s10 =	sld [smem:$0x3FA6]  }
0x3d: {  	_ =	shalt  }
0x3e: {  	_ =	shalt  }
0x3f: {  	_ =	shalt  }
0x40: {  	_ =	shalt  }
0x41: {  	_ =	shalt  }
0x42: {  	_ =	shalt  }
0x43: {  	_ =	shalt  }
0x44: {  	_ =	shalt  }
0x45: {  	_ =	shalt  }
0x46: {  	_ =	shalt  }
0x47: {  	_ =	shalt  }
0x48: {  	_ =	shalt  }
0x49: {  	_ =	shalt  }
0x4a: {  	_ =	shalt  }
0x4b: {  	_ =	shalt  }
0x4c: {  	_ =	shalt  }
0x4d: {  	_ =	shalt  }
0x4e: {  	_ =	shalt  }
0x4f: {  	_ =	shalt  }
0x50: {  	_ =	shalt  }
0x51: {  	_ =	shalt  }
0x52: {  	_ =	shalt  }
0x53: {  	_ =	shalt  }
0x54: {  	_ =	shalt  }
0x55: {  	_ =	shalt  }
0x56: {  	_ =	shalt  }
0x57: {  	_ =	shalt  }
0x58: {  	_ =	shalt  }
0x59: {  	_ =	shalt  }
0x5a: {  	_ =	shalt  }
0x5b: {  	_ =	shalt  }
0x5c: {  	_ =	shalt  }
0x5d: {  	_ =	shalt  }
0x5e: {  	_ =	shalt  }
0x5f: {  	_ =	shalt  }
0x60: {  	_ =	shalt  }
0x61: {  	_ =	shalt  }
0x62: {  	_ =	shalt  }
0x63: {  	_ =	shalt  }
0x64: {  	_ =	shalt  }
0x65: {  	_ =	shalt  }
0x66: {  	_ =	shalt  }
0x67: {  	_ =	shalt  }
0x68: {  	_ =	shalt  }
0x69: {  	_ =	shalt  }
0x6a: {  	_ =	shalt  }
0x6b: {  	_ =	shalt  }
0x6c: {  	_ =	shalt  }
0x6d: {  	_ =	shalt  }
0x6e: {  	_ =	shalt  }
0x6f: {  	_ =	shalt  }
0x70: {  	_ =	shalt  }
0x71: {  	_ =	shalt  }
0x72: {  	_ =	shalt  }
0x73: {  	_ =	shalt  }
0x74: {  	_ =	shalt  }
0x75: {  	_ =	shalt  }
0x76: {  	_ =	shalt  }
0x77: {  	_ =	shalt  }
0x78: {  	_ =	shalt  }
0x79: {  	_ =	shalt  }
0x7a: {  	_ =	shalt  }
0x7b: {  	_ =	shalt  }
0x7c: {  	_ =	shalt  }
0x7d: {  	_ =	shalt  }
0x7e: {  	_ =	shalt  }
0x7f: {  	_ =	shalt  }
0x80: {  	_ =	shalt  }
0x81: {  	_ =	shalt  }
0x82: {  	_ =	shalt  }
0x83: {  	_ =	shalt  }
0x84: {  	_ =	shalt  }
0x85: {  	_ =	shalt  }
0x86: {  	_ =	shalt  }
0x87: {  	_ =	shalt  }
.Lfunc_end0:
.L_simem_size_0:
called_computation.4_lowered:
.L_overlay_start_0:
0x88: {  	s2 =	sld [smem:$0x3FD9]  }
0x89: {  	s3 =	sld [smem:$0x3FFE];
	_ =	sdelay $0x1  }
0x8a: {  	s1 =	srdreg.scid  }
0x8b: {  	s0 =	sand.u32 $0x1, s1  }
0x8c: {  	s17 =	sshll.u32 s0, $0xA;
	s2 =	sadd.s32 s3, s2  }
0x8d: {  	s2 =	sadd.s32 s2, s17  }
0x8e: {  	[smem:$0x3FB2] =	sst s2  }
0x8f: {  	_ = 	snop  }
0x90: {  	(tm) =	ssettm $0x1  }
0x91: {  	s18 =	sld [smem:$0x3FFB];
	_ =	sdelay $0x3  }
0x92: {  	_ =	strace s18  }
0x93: {  	s2 =	sld [smem:$0x3FFC];
	_ =	sdelay $0x3  }
0x94: {  	_ =	strace s2  }
0x95: {  	s2 =	sld [smem:$0x3FFD];
	_ =	sdelay $0x3  }
0x96: {  	_ =	strace s2  }
0x97: {  	_ =	strace $0x8FFFFFFF  }
0x98: {  	s19 =	sld [smem:$0x3FDB];
	_ =	sdelay $0x1  }
0x99: {  	s20 =	simm.s32 $_scs_section_size  }
0x9a: {  	s4 =	simm.s32 $_size__tile_overlayer_lowered;
	s5 =	simm.s32 $_tile_overlayer_lowered  }
0x9b: {  	s6 =	simm.s32 $0x1BFF;
	s21 =	sshll.u32 s5, $0x1;
	s3 =	sadd.s32 s20, s19  }
0x9c: {  	s22 =	simm.s32 $0x0;
	s4 =	sshll.u32 s4, $0x1;
	s5 =	sadd.s32 s21, s3  }
0x9d: {  	[timem:s22], [sflag:s6] =	dma.local [hbm:s5], s4  }
0x9e: {  	_ =	swait.ge [sflag:s6], s4  }
0x9f: {  	s4 =	ssub.s32 $0x0, s4;
	[sflag:s6] =	ssyncset.done $0x0  }
0xa0: {  	[sflag:s6] =	ssyncadd.s32 s4;
	_ =	sdelay $0x1  }
0xa1: {  	s23 =	simm.s32 $0x1B8B  }
0xa2: {  	_ =	swait.ge [sflag:s23], $0x1  }
0xa3: {  	[sflag:s23] =	ssyncset.done $0x0  }
0xa4: {  	[sflag:s23] =	ssyncadd.s32 $0xFFFFFFFF  }
0xa5: {  	s4 =	sld [smem:$0x0]  }
0xa6: {  	s5 =	sand.u32 $0xFFFFFFFE, s1  }
0xa7: {  	p0 =	sne.s32 s1, s5  }
0xa8: {  	s5 =	sshll.u32 @p0 s5, $0xE  }
0xa9: {  	s5 =	sadd.s32 @p0 $0x11B8D, s5;
	s6 =	sshll.u32 @p0 s4, $0x11  }
0xaa: {  	s5 =	sor.u32 @p0 s6, s5  }
0xab: {  	[sflag:s5] =	ssyncadd.remote.s32 @p0 $0x1;
	_ =	sdelay $0x1  }
0xac: {  	s5 =	simm.s32 @p0 $0x1B8D  }
0xad: {  	_ =	swait.eq @p0 [sflag:s5], $0x1  }
0xae: {  	[sflag:s5] =	ssyncadd.s32 @p0 $0xFFFFFFFF  }
0xaf: {  	s6 =	sshll.u32 @!p0 s1, $0xE  }
0xb0: {  	s6 =	sor.u32 @!p0 $0x4000, s6;
	s5 =	simm.s32 @!p0 $0x1B8D  }
0xb1: {  	s4 =	sshll.u32 @!p0 s4, $0x11;
	s6 =	sadd.s32 @!p0 $0x11B8D, s6;
	_ =	swait.eq @!p0 [sflag:s5], $0x1  }
0xb2: {  	s4 =	sor.u32 @!p0 s4, s6;
	[sflag:s5] =	ssyncadd.s32 @!p0 $0xFFFFFFFF  }
0xb3: {  	s25 =	simm.s32 $0x1B8E;
	s24 =	sld [smem:$0x3FFE];
	[sflag:s4] =	ssyncadd.remote.s32 @!p0 $0x1  }
0xb4: {  	s26 =	simm.s32 $execute0_lowered;
	[smem:$0x3FD2] =	sst s25  }
0xb5: {  	s5 =	sshll.u32 s26, $0x1;
	_ =	strace $0x80000055;
	[dreg:$0x1] =	wrdreg $0xFFFFFFFF  }
0xb6: {  	s28 =	simm.s32 $_size_execute0_lowered;
	s3 =	sadd.s32 s3, s5;
	[dreg:$0x0] =	wrdreg $0x0  }
0xb7: {  	s5 =	sshll.u32 s28, $0x1;
	[dreg:$0x2] =	wrdreg s3  }
0xb8: {  	[dreg:$0x3] =	wrdreg s5  }
0xb9: {  	[dreg:$0x4] =	wrdreg $0xC0  }
0xba: {  	_ =	task [dreg:s22], $0x5FFFF  }
0xbb: {  	[dreg:$0x1] =	wrdreg $0xFFFFFFFF  }
0xbc: {  	[dreg:$0x0] =	wrdreg $0x60  }
0xbd: {  	[dreg:$0x2] =	wrdreg s24  }
0xbe: {  	[dreg:$0x3] =	wrdreg $0x9  }
0xbf: {  	_ =	task.clear_ibuf [dreg:s22], $0x4FFFF;
	_ =	strace $0x90000055  }
0xc0: {  	s29 =	simm.s32 $0x9;
	_ =	strace $0x80000057  }
0xc1: {  	_ =	swait.ge [sflag:s29], $0x1  }
0xc2: {  	[sflag:s29] =	ssyncadd.s32 $0xFFFFFFFF  }
0xc3: {  	_ =	strace $0x90000057  }
0xc4: {  	_ =	sfence  }
0xc5: {  	s30 =	sld [smem:$0x0];
	_ =	sdelay $0x2  }
0xc6: {  	s31 =	sshll.u32 s1, $0xD;
	s1 =	sshrl.u32 s1, $0x2  }
0xc7: {  	s4 =	sand.u32 $0x4000, s31;
	s1 =	sadd.s32 s1, s30  }
0xc8: {  	s0 =	sor.u32 s4, s0;
	s1 =	sshll.u32 s1, $0x11  }
0xc9: {  	s0 =	sor.u32 s1, s0  }
0xca: {  	s0 =	sadd.s32 $0x8F2B, s0  }
0xcb: {  	[sflag:s0] =	ssyncadd.remote.s32 $0x1  }
0xcc: {  	_ =	sfence.sel $0xFFFF  }
0xcd: {  	[dreg:$0x0] =	wrdreg $0xFFFFFFFF;
	(pc) =	sbr.abs _section_cstart, $3  }
0xce: {  	[dreg:$0x1] =	wrdreg $0xFFFFFFFF  }
0xcf: {  	_ =	task.clear_ibuf [dreg:s22], $0x2FFFF;
	_ =	strace $0x9FFFFFFF  }
0xd0: {  	(tm) =	ssettm $0x7FFFFFFF  }
0xd1: {  	_ =	shalt  }
tec
execute0_lowered:
.L_overlay_start_1:
0x0: {  	(tag) =	ssettag $0x1  }
0x1: {  	s0 =	rddreg [dreg:$0x0]  }
0x2: {  	s2 =	srdreg.scid;
	s1 =	stileid.u32  }
0x3: {  	s8 =	simm.s32 $0x80;
	s26 =	simm.s32 $0x880;
	s9 =	simm.s32 $0x1080  }
0x4: {  	s10 =	simm.s32 $0x1880;
	s11 =	simm.s32 $0x2080;
	s12 =	simm.s32 $0x2880  }
0x5: {  	s13 =	simm.s32 $0x3080;
	s14 =	simm.s32 $0x3880;
	s15 =	simm.s32 $0x4080  }
0x6: {  	s16 =	simm.s32 $0x4880;
	s17 =	simm.s32 $0x5080;
	s18 =	simm.s32 $0x5880  }
0x7: {  	s19 =	simm.s32 $0x6080;
	s20 =	simm.s32 $0x6880;
	s21 =	simm.s32 $0x7080  }
0x8: {  	s22 =	simm.s32 $0x7880;
	s23 =	simm.s32 $0x8080;
	s24 =	simm.s32 $0x8880  }
0x9: {  	s28 =	simm.s32 $0xA080;
	s29 =	simm.s32 $0xA880;
	s30 =	simm.s32 $0xB080  }
0xa: {  	s31 =	simm.s32 $0xB880;
	s3 =	sand.u32 $0x1, s2;
	s2 =	simm.s32 $0x0  }
0xb: {  	s4 =	sshll.u32 s1, $0x4;
	s5 =	sshll.u32 s3, $0x3;
	[smem:$0x7FF] =	sst s2  }
0xc: {  	s6 =	ssub.s32 $0x2, s3;
	s3 =	sadd.s32 $0xBE000, s0;
	s4 =	sor.u32 s5, s4  }
0xd: {  	_ =	strace $0x80000056;
	s7 =	sshrl.u32 s6, $0x1;
	[dreg:$0x4] =	wrdreg s26  }
0xe: {  	s26 =	simm.s32 $0x9880;
	s5 =	smul.u32 $0x300, s4;
	s4 =	sadd.s32 s4, s0  }
0xf: {  	s6 =	ssub.s32 s6, s7;
	s7 =	simm.s32 $0x2;
	s4 =	sadd.s32 $0x75E00, s4  }
0x10: {  	v2 =	vlaneseq.u32;
	s6 =	smax.u32 s6, $0x1;
	s5 =	sadd.s32 s5, s0;
	[dreg:$0x2] =	wrdreg s4  }
0x11: {  	vm0 =	vmmov $0xffff;
	v1 =	vshrl.u32 v2, $0x3;
	s4 =	sadd.s32 $0xBE100, s0;
	s25 =	sadd.s32 $0x15C00, s5;
	s5 =	sadd.s32 $0xBE200, s0  }
0x12: {  	v0 =	vand.u32 $0x7, v2;
	v2 =	vor.u32 $0x8, v2;
	v1 =	vmul.u32 $0x8, v1;
	s0 =	simm.s32 $0x1;
	[dreg:$0x3] =	wrdreg s25;
	s25 =	simm.s32 $0x9080  }
.LBB2_1:
0x13: {  	s1 =	rddreg [dreg:$0x2]  }
0x14: {  	[tilespmem:s2], [sflag:$0x2] =	stream.linear.gather [hbm4b:s1+s2], $0x40, $0x38;
	[tilespmem:$0xC080] =	vst v63  }
0x15: {  	_ =	swait.ge [sflag:s7], $0x40  }
0x16: {  	[sflag:s7] =	ssyncset.done $0x0  }
0x17: {  	[sflag:s7] =	ssyncadd.s32 $0xFFFFFFC0  }
0x18: {  	v3 =	vld [tilespmem:$0x0];
	_ =	sdelay $0x4  }
0x19: {  	v4 =	vshrl.u32 v3, $0x3  }
0x1a: {  	v4 =	vmul.u32 $0x30, v4  }
0x1b: {  	v3 =	vand.u32 $0x7, v3  }
0x1c: {  	v3 =	vor.u32 v3, v4  }
0x1d: {  	v4 =	vperm.xlane v3, v0;
	_ =	sdelay $0x1  }
0x1e: {  	v4 =	vadd.s32 v1, v4;
	_ =	sdelay $0x3  }
0x1f: {  	v3 =	vperm.xlane v3, v2  }
0x20: {  	[tilespmem:s8], [sflag:$0x1] =	stream.indirect_vreg.gather [hbm4b:s3+s2], $0x80, v4, vm0, $0xb8;
	[tilespmem:$0xC080] =	vst v63  }
0x21: {  	s1 =	rddreg [dreg:$0x4];
	v3 =	vadd.s32 v1, v3  }
0x22: {  	[tilespmem:s1], [sflag:$0x1] =	stream.indirect_vreg.gather [hbm4b:s4+s2], $0x80, v4, vm0, $0xb8;
	[tilespmem:$0xC080] =	vst v63  }
0x23: {  	_ = 	snop  }
0x24: {  	[tilespmem:s9], [sflag:$0x1] =	stream.indirect_vreg.gather [hbm4b:s5+s2], $0x80, v4, vm0, $0xb8;
	[tilespmem:$0xC080] =	vst v63  }
0x25: {  	_ = 	snop  }
0x26: {  	[tilespmem:s10], [sflag:$0x1] =	stream.indirect_vreg.gather [hbm4b:s3+s2], $0x80, v3, vm0, $0xb8;
	[tilespmem:$0xC080] =	vst v63  }
0x27: {  	_ = 	snop  }
0x28: {  	[tilespmem:s11], [sflag:$0x1] =	stream.indirect_vreg.gather [hbm4b:s4+s2], $0x80, v3, vm0, $0xb8;
	[tilespmem:$0xC080] =	vst v63  }
0x29: {  	_ = 	snop  }
0x2a: {  	[tilespmem:s12], [sflag:$0x1] =	stream.indirect_vreg.gather [hbm4b:s5+s2], $0x80, v3, vm0, $0xb8;
	[tilespmem:$0xC080] =	vst v63  }
0x2b: {  	v3 =	vld [tilespmem:$0x10];
	_ =	sdelay $0x4  }
0x2c: {  	v61 =	vshrl.u32 v3, $0x3  }
0x2d: {  	v4 =	vmul.u32 $0x30, v61  }
0x2e: {  	v3 =	vand.u32 $0x7, v3  }
0x2f: {  	v3 =	vor.u32 v3, v4  }
0x30: {  	v4 =	vperm.xlane v3, v0;
	_ =	sdelay $0x1  }
0x31: {  	v4 =	vadd.s32 v1, v4;
	_ =	sdelay $0x3  }
0x32: {  	v3 =	vperm.xlane v3, v2  }
0x33: {  	[tilespmem:s13], [sflag:$0x1] =	stream.indirect_vreg.gather [hbm4b:s3+s2], $0x80, v4, vm0, $0xb8;
	[tilespmem:$0xC080] =	vst v63  }
0x34: {  	v3 =	vadd.s32 v1, v3  }
0x35: {  	[tilespmem:s14], [sflag:$0x1] =	stream.indirect_vreg.gather [hbm4b:s4+s2], $0x80, v4, vm0, $0xb8;
	[tilespmem:$0xC080] =	vst v63  }
0x36: {  	_ = 	snop  }
0x37: {  	[tilespmem:s15], [sflag:$0x1] =	stream.indirect_vreg.gather [hbm4b:s5+s2], $0x80, v4, vm0, $0xb8;
	[tilespmem:$0xC080] =	vst v63  }
0x38: {  	_ = 	snop  }
0x39: {  	[tilespmem:s16], [sflag:$0x1] =	stream.indirect_vreg.gather [hbm4b:s3+s2], $0x80, v3, vm0, $0xb8;
	[tilespmem:$0xC080] =	vst v63  }
0x3a: {  	_ = 	snop  }
0x3b: {  	[tilespmem:s17], [sflag:$0x1] =	stream.indirect_vreg.gather [hbm4b:s4+s2], $0x80, v3, vm0, $0xb8;
	[tilespmem:$0xC080] =	vst v63  }
0x3c: {  	_ = 	snop  }
0x3d: {  	[tilespmem:s18], [sflag:$0x1] =	stream.indirect_vreg.gather [hbm4b:s5+s2], $0x80, v3, vm0, $0xb8;
	[tilespmem:$0xC080] =	vst v63  }
0x3e: {  	v3 =	vld [tilespmem:$0x20];
	_ =	sdelay $0x4  }
0x3f: {  	v62 =	vshrl.u32 v3, $0x3  }
0x40: {  	v4 =	vmul.u32 $0x30, v62  }
0x41: {  	v3 =	vand.u32 $0x7, v3  }
0x42: {  	v3 =	vor.u32 v3, v4  }
0x43: {  	v4 =	vperm.xlane v3, v0;
	_ =	sdelay $0x1  }
0x44: {  	v4 =	vadd.s32 v1, v4;
	_ =	sdelay $0x3  }
0x45: {  	v3 =	vperm.xlane v3, v2  }
0x46: {  	[tilespmem:s19], [sflag:$0x1] =	stream.indirect_vreg.gather [hbm4b:s3+s2], $0x80, v4, vm0, $0xb8;
	[tilespmem:$0xC080] =	vst v63  }
0x47: {  	v3 =	vadd.s32 v1, v3  }
0x48: {  	[tilespmem:s20], [sflag:$0x1] =	stream.indirect_vreg.gather [hbm4b:s4+s2], $0x80, v4, vm0, $0xb8;
	[tilespmem:$0xC080] =	vst v63  }
0x49: {  	_ = 	snop  }
0x4a: {  	[tilespmem:s21], [sflag:$0x1] =	stream.indirect_vreg.gather [hbm4b:s5+s2], $0x80, v4, vm0, $0xb8;
	[tilespmem:$0xC080] =	vst v63  }
0x4b: {  	_ = 	snop  }
0x4c: {  	[tilespmem:s22], [sflag:$0x1] =	stream.indirect_vreg.gather [hbm4b:s3+s2], $0x80, v3, vm0, $0xb8;
	[tilespmem:$0xC080] =	vst v63  }
0x4d: {  	_ = 	snop  }
0x4e: {  	[tilespmem:s23], [sflag:$0x1] =	stream.indirect_vreg.gather [hbm4b:s4+s2], $0x80, v3, vm0, $0xb8;
	[tilespmem:$0xC080] =	vst v63  }
0x4f: {  	_ = 	snop  }
0x50: {  	[tilespmem:s24], [sflag:$0x1] =	stream.indirect_vreg.gather [hbm4b:s5+s2], $0x80, v3, vm0, $0xb8;
	[tilespmem:$0xC080] =	vst v63  }
0x51: {  	v3 =	vld [tilespmem:$0x30];
	_ =	sdelay $0x4  }
0x52: {  	v63 =	vshrl.u32 v3, $0x3  }
0x53: {  	v4 =	vmul.u32 $0x30, v63  }
0x54: {  	v3 =	vand.u32 $0x7, v3  }
0x55: {  	v3 =	vor.u32 v3, v4  }
0x56: {  	v4 =	vperm.xlane v3, v0;
	_ =	sdelay $0x1  }
0x57: {  	v4 =	vadd.s32 v1, v4;
	_ =	sdelay $0x3  }
0x58: {  	v3 =	vperm.xlane v3, v2  }
0x59: {  	[tilespmem:s25], [sflag:$0x1] =	stream.indirect_vreg.gather [hbm4b:s3+s2], $0x80, v4, vm0, $0xb8;
	[tilespmem:$0xC080] =	vst v63  }
0x5a: {  	v3 =	vadd.s32 v1, v3  }
0x5b: {  	[tilespmem:s26], [sflag:$0x1] =	stream.indirect_vreg.gather [hbm4b:s4+s2], $0x80, v4, vm0, $0xb8;
	[tilespmem:$0xC080] =	vst v63  }
0x5c: {  	_ = 	snop  }
0x5d: {  	[tilespmem:s28], [sflag:$0x1] =	stream.indirect_vreg.gather [hbm4b:s5+s2], $0x80, v4, vm0, $0xb8;
	[tilespmem:$0xC080] =	vst v63  }
0x5e: {  	_ = 	snop  }
0x5f: {  	[tilespmem:s29], [sflag:$0x1] =	stream.indirect_vreg.gather [hbm4b:s3+s2], $0x80, v3, vm0, $0xb8;
	[tilespmem:$0xC080] =	vst v63  }
0x60: {  	_ = 	snop  }
0x61: {  	[tilespmem:s30], [sflag:$0x1] =	stream.indirect_vreg.gather [hbm4b:s4+s2], $0x80, v3, vm0, $0xb8;
	[tilespmem:$0xC080] =	vst v63  }
0x62: {  	_ = 	snop  }
0x63: {  	[tilespmem:s31], [sflag:$0x1] =	stream.indirect_vreg.gather [hbm4b:s5+s2], $0x80, v3, vm0, $0xb8;
	[tilespmem:$0xC080] =	vst v63  }
0x64: {  	_ =	swait.ge [sflag:s0], $0xC000  }
0x65: {  	p0 =	sne.s32 s6, $0x1;
	[sflag:s0] =	ssyncset.done $0x0  }
.Ltmp0:
0x66: {  	s1 =	rddreg [dreg:$0x3];
	[sflag:s0] =	ssyncadd.s32 $0xFFFF4000;
	(pc) =	sbr.rel @p0 .LBB2_1-.Ltmp0, $4  }
0x67: {  	[hbm4b:s1+s2] =	stream.linear.scatter [tilespmem:s8], [sflag:$0x2], $0xC000, $0x38;
	[tilespmem:$0xC080] =	vst v63  }
0x68: {  	_ =	swait.ge [sflag:s7], $0xC000  }
0x69: {  	[sflag:s7] =	ssyncset.done $0x0  }
0x6a: {  	s6 =	sadd.s32 $0xFFFFFFFF, s6;
	[sflag:s7] =	ssyncadd.s32 $0xFFFF4000  }
0x6b: {  	_ =	sfence.sel $0x180000  }
0x6c: {  	[bflag:$0x0] =	sbarrier.arrive $0xFFFF  }
0x6d: {  	_ =	strace $0x90000056  }
0x6e: {  	s0 =	stileid.u32;
	[bflag:$0x2] =	sbarrier.arrive $0xFFFF  }
0x6f: {  	p0 =	sne.s32 s0, $0x0;
	s0 =	rddreg [dreg:$0x1]  }
0x70: {  	s0 =	sadd.s32 @!p0 $0x100000, s0  }
0x71: {  	[sflag:s0] =	ssyncadd.tile.s32 @!p0 $0x1;
	_ =	shalt  }
.Lfunc_end2:
_tile_overlayer_lowered:
.L_overlay_start_2:
0x72: {  	(tag) =	ssettag $0x2  }
0x73: {  	s0 =	rddreg [dreg:$0x0];
	s2 =	stileid.u32  }
0x74: {  	s1 =	rddreg [dreg:$0x1];
	p0 =	sne.s32 s2, $0x0  }
0x75: {  	s3 =	rddreg [dreg:$0x2];
	[bflag:$0x3] =	sbarrier.arrive $0xFFFF;
	s2 =	simm.s32 @!p0 $0x1C02  }
0x76: {  	[timem:s3], [sflag:s2] =	dma.local @!p0 [hbm:s0], s1  }
0x77: {  	s0 =	simm.s32 @!p0 $0x2  }
0x78: {  	_ =	swait.ge @!p0 [sflag:s0], s1  }
0x79: {  	s1 =	ssub.s32 @!p0 $0x0, s1;
	[sflag:s0] =	ssyncset.done @!p0 $0x0  }
0x7a: {  	[sflag:s0] =	ssyncadd.s32 @!p0 s1  }
0x7b: {  	[bflag:$0x3] =	sbarrier.arrive $0xFFFF  }
0x7c: {  	_ =	shalt  }

// kernel: kernel.31.cloned.1.call-start
scs
__scs_entry_jumppad:
0x0: {  	(pc) =	sbr.rel $0x88, $3  }
0x1: {  	(tag) =	ssettag $0x0;
	lr =	simm.s32 $0x1  }
0x2: {  	[smem:$0x3F8B] =	sst lr;
	_ =	strace $0xD0000000  }
0x3: {  	_ = 	snop  }
0x4: {  	_ = 	snop  }
0x5: {  	_ = 	snop  }
0x6: {  	_ = 	snop  }
0x7: {  	_ = 	snop  }
__scs_overlays_trampoline_lowered:
0x8: {  	[smem:$0x3F9A] =	sst s0  }
0x9: {  	[smem:$0x3F9B] =	sst s1  }
0xa: {  	[smem:$0x3F9C] =	sst s2  }
0xb: {  	[smem:$0x3F9D] =	sst s3  }
0xc: {  	[smem:$0x3F9E] =	sst s4  }
0xd: {  	[smem:$0x3F9F] =	sst s5  }
0xe: {  	[smem:$0x3FA0] =	sst s6  }
0xf: {  	[smem:$0x3FA1] =	sst s7  }
0x10: {  	[smem:$0x3FA2] =	sst s8  }
0x11: {  	[smem:$0x3FA3] =	sst s9;
	s0 =	simm.s32 @!p0 $0x0  }
0x12: {  	s1 =	sld [smem:$0x3F89];
	s0 =	simm.s32 @p0 $0x1  }
0x13: {  	[smem:$0x3FA4] =	sst s0;
	s0 =	simm.s32 @!p1 $0x0  }
0x14: {  	s2 =	sld [smem:$0x3F88];
	s0 =	simm.s32 @p1 $0x1  }
0x15: {  	[smem:$0x3FA5] =	sst s0;
	s0 =	simm.s32 @!p2 $0x0  }
0x16: {  	s3 =	sld [smem:$0x3FDB];
	s0 =	simm.s32 @p2 $0x1  }
0x17: {  	s4 =	simm.s32 $0x1BF5;
	[smem:$0x3FA7] =	sst s0  }
0x18: {  	s0 =	sld [smem:$0x3F8A];
	_ =	swait.ge [sflag:s4], $0x0  }
0x19: {  	s7 =	sld [smem:$0x3F8B]  }
0x1a: {  	s8 =	sadd.s32 $0xFFFFE003, lr  }
0x1b: {  	s9 =	sadd.s32 $0xFFFFFEF7, lr;
	s5 =	simm.s32 $0xFFFFFFFF;
	p2 =	slt.u32 s8, $0xFFFFF086  }
0x1c: {  	p1 =	slt.u32 s9, $0xF7A;
	s5 =	simm.s32 @!p2 $0x0  }
0x1d: {  	s5 =	simm.s32 @p1 $0x1;
	p0 =	seq.s32 s7, s2  }
0x1e: {  	s7 =	smul.u32 @!p0 $0xF7A, s2;
	p2 =	seq.s32 @!p0 s5, $0x0  }
0x1f: {  	s9 =	smul.u32 $0xF7A, s1;
	s8 =	simm.s32 @!p0 $0x1BF5;
	p2 =	por !p2, p0  }
0x20: {  	[sflag:s8] =	ssyncset.s32 @!p0 $0xFFFFF086;
	s6 =	sadd.s32 @!p0 s3, s7;
	s7 =	simm.s32 @!p0 $0x108  }
0x21: {  	s3 =	sadd.s32 s3, s9;
	s6 =	sadd.s32 @!p0 $0x88, s6;
	s7 =	simm.s32 @p2 $0x1082  }
0x22: {  	[simem:s7], [sflag:s8] =	dma.local @!p0 [hbm:s6], $0xF7A  }
0x23: {  	s9 =	sor.u32 $0xD0000000, s2;
	s6 =	simm.s32 $0x108;
	_ =	swait.ge @!p0 [sflag:s8], $0x0  }
0x24: {  	s3 =	sadd.s32 $0x88, s3;
	s6 =	simm.s32 @!p1 $0x1082;
	[sflag:s4] =	ssyncset.s32 $0xFFFFF086  }
0x25: {  	[simem:s6], [sflag:s4] =	dma.local [hbm:s3], $0xF7A  }
0x26: {  	[smem:$0x3F8B] =	sst s1;
	(tag) =	ssettag s2;
	_ =	strace s9  }
0x27: {  	s1 =	sld [smem:$0x3F9B]  }
0x28: {  	s2 =	sld [smem:$0x3F9C]  }
0x29: {  	s4 =	sld [smem:$0x3F9E]  }
0x2a: {  	p0 =	seq.s32 s5, $0x0;
	s5 =	sld [smem:$0x3F9F]  }
0x2b: {  	s6 =	sld [smem:$0x3FA0]  }
0x2c: {  	s7 =	sld [smem:$0x3FA1]  }
0x2d: {  	s3 =	simm.s32 $0x108;
	s8 =	sld [smem:$0x3FA2]  }
0x2e: {  	s3 =	simm.s32 @!p0 $0x1082;
	s9 =	sld [smem:$0x3FA3]  }
0x2f: {  	lr =	sadd.s32 s0, s3;
	s0 =	sld [smem:$0x3F9A]  }
0x30: {  	s3 =	sld [smem:$0x3F9D]  }
0x31: {  	[smem:$0x3FA6] =	sst s10  }
0x32: {  	s10 =	sld [smem:$0x3FA4];
	_ =	sdelay $0x3  }
0x33: {  	p0 =	seq.s32 s10, $0x1;
	s10 =	sld [smem:$0x3FA6];
	_ =	sdelay $0x3  }
0x34: {  	[smem:$0x3FA6] =	sst s10  }
0x35: {  	s10 =	sld [smem:$0x3FA5];
	_ =	sdelay $0x3  }
0x36: {  	p1 =	seq.s32 s10, $0x1;
	s10 =	sld [smem:$0x3FA6];
	_ =	sdelay $0x3  }
0x37: {  	[smem:$0x3FA6] =	sst s10  }
0x38: {  	s10 =	sld [smem:$0x3FA7]  }
0x39: {  	_ = 	snop;
	(pc) =	sbr.ind lr, $3  }
0x3a: {  	_ = 	snop  }
0x3b: {  	_ = 	snop  }
0x3c: {  	p2 =	seq.s32 s10, $0x1;
	s10 =	sld [smem:$0x3FA6]  }
0x3d: {  	_ =	shalt  }
0x3e: {  	_ =	shalt  }
0x3f: {  	_ =	shalt  }
0x40: {  	_ =	shalt  }
0x41: {  	_ =	shalt  }
0x42: {  	_ =	shalt  }
0x43: {  	_ =	shalt  }
0x44: {  	_ =	shalt  }
0x45: {  	_ =	shalt  }
0x46: {  	_ =	shalt  }
0x47: {  	_ =	shalt  }
0x48: {  	_ =	shalt  }
0x49: {  	_ =	shalt  }
0x4a: {  	_ =	shalt  }
0x4b: {  	_ =	shalt  }
0x4c: {  	_ =	shalt  }
0x4d: {  	_ =	shalt  }
0x4e: {  	_ =	shalt  }
0x4f: {  	_ =	shalt  }
0x50: {  	_ =	shalt  }
0x51: {  	_ =	shalt  }
0x52: {  	_ =	shalt  }
0x53: {  	_ =	shalt  }
0x54: {  	_ =	shalt  }
0x55: {  	_ =	shalt  }
0x56: {  	_ =	shalt  }
0x57: {  	_ =	shalt  }
0x58: {  	_ =	shalt  }
0x59: {  	_ =	shalt  }
0x5a: {  	_ =	shalt  }
0x5b: {  	_ =	shalt  }
0x5c: {  	_ =	shalt  }
0x5d: {  	_ =	shalt  }
0x5e: {  	_ =	shalt  }
0x5f: {  	_ =	shalt  }
0x60: {  	_ =	shalt  }
0x61: {  	_ =	shalt  }
0x62: {  	_ =	shalt  }
0x63: {  	_ =	shalt  }
0x64: {  	_ =	shalt  }
0x65: {  	_ =	shalt  }
0x66: {  	_ =	shalt  }
0x67: {  	_ =	shalt  }
0x68: {  	_ =	shalt  }
0x69: {  	_ =	shalt  }
0x6a: {  	_ =	shalt  }
0x6b: {  	_ =	shalt  }
0x6c: {  	_ =	shalt  }
0x6d: {  	_ =	shalt  }
0x6e: {  	_ =	shalt  }
0x6f: {  	_ =	shalt  }
0x70: {  	_ =	shalt  }
0x71: {  	_ =	shalt  }
0x72: {  	_ =	shalt  }
0x73: {  	_ =	shalt  }
0x74: {  	_ =	shalt  }
0x75: {  	_ =	shalt  }
0x76: {  	_ =	shalt  }
0x77: {  	_ =	shalt  }
0x78: {  	_ =	shalt  }
0x79: {  	_ =	shalt  }
0x7a: {  	_ =	shalt  }
0x7b: {  	_ =	shalt  }
0x7c: {  	_ =	shalt  }
0x7d: {  	_ =	shalt  }
0x7e: {  	_ =	shalt  }
0x7f: {  	_ =	shalt  }
0x80: {  	_ =	shalt  }
0x81: {  	_ =	shalt  }
0x82: {  	_ =	shalt  }
0x83: {  	_ =	shalt  }
0x84: {  	_ =	shalt  }
0x85: {  	_ =	shalt  }
0x86: {  	_ =	shalt  }
0x87: {  	_ =	shalt  }
.Lfunc_end0:
.L_simem_size_0:
called_computation.5_lowered:
.L_overlay_start_0:
0x88: {  	s2 =	sld [smem:$0x3FD9]  }
0x89: {  	s3 =	sld [smem:$0x3FFE];
	_ =	sdelay $0x1  }
0x8a: {  	s1 =	srdreg.scid  }
0x8b: {  	s0 =	sand.u32 $0x1, s1  }
0x8c: {  	s16 =	sshll.u32 s0, $0xA;
	s2 =	sadd.s32 s3, s2  }
0x8d: {  	s2 =	sadd.s32 s2, s16  }
0x8e: {  	[smem:$0x3FB2] =	sst s2  }
0x8f: {  	_ = 	snop  }
0x90: {  	(tm) =	ssettm $0x1  }
0x91: {  	s17 =	sld [smem:$0x3FFB];
	_ =	sdelay $0x3  }
0x92: {  	_ =	strace s17  }
0x93: {  	s2 =	sld [smem:$0x3FFC];
	_ =	sdelay $0x3  }
0x94: {  	_ =	strace s2  }
0x95: {  	s2 =	sld [smem:$0x3FFD];
	_ =	sdelay $0x3  }
0x96: {  	_ =	strace s2  }
0x97: {  	_ =	strace $0x8FFFFFFF  }
0x98: {  	s18 =	sld [smem:$0x3FDB];
	_ =	sdelay $0x1  }
0x99: {  	s19 =	simm.s32 $_scs_section_size  }
0x9a: {  	s4 =	simm.s32 $_size__tile_overlayer_lowered;
	s5 =	simm.s32 $_tile_overlayer_lowered  }
0x9b: {  	s22 =	simm.s32 $0x1BFF;
	s21 =	sshll.u32 s5, $0x1;
	s2 =	sadd.s32 s19, s18  }
0x9c: {  	s6 =	simm.s32 $0x0;
	s20 =	sshll.u32 s4, $0x1;
	s4 =	sadd.s32 s21, s2  }
0x9d: {  	[timem:s6], [sflag:s22] =	dma.local [hbm:s4], s20  }
0x9e: {  	_ =	swait.ge [sflag:s22], s20  }
0x9f: {  	s3 =	ssub.s32 $0x0, s20;
	[sflag:s22] =	ssyncset.done $0x0  }
0xa0: {  	[sflag:s22] =	ssyncadd.s32 s3;
	_ =	sdelay $0x1  }
0xa1: {  	s23 =	simm.s32 $0x1B8B  }
0xa2: {  	_ =	swait.ge [sflag:s23], $0x1  }
0xa3: {  	[sflag:s23] =	ssyncset.done $0x0  }
0xa4: {  	s25 =	simm.s32 $0x1B8E;
	s24 =	sld [smem:$0x3FFE];
	[sflag:s23] =	ssyncadd.s32 $0xFFFFFFFF  }
0xa5: {  	s26 =	simm.s32 $execute0_lowered;
	[smem:$0x3FD2] =	sst s25  }
0xa6: {  	s4 =	sshll.u32 s26, $0x1;
	_ =	strace $0x80000052;
	[dreg:$0x1] =	wrdreg $0xFFFFFFFF  }
0xa7: {  	s28 =	simm.s32 $_size_execute0_lowered;
	s2 =	sadd.s32 s2, s4;
	[dreg:$0x0] =	wrdreg $0x0  }
0xa8: {  	s4 =	sshll.u32 s28, $0x1;
	[dreg:$0x2] =	wrdreg s2  }
0xa9: {  	[dreg:$0x3] =	wrdreg s4  }
0xaa: {  	[dreg:$0x4] =	wrdreg $0xC0  }
0xab: {  	_ =	task [dreg:s6], $0x5FFFF  }
0xac: {  	[dreg:$0x1] =	wrdreg $0xFFFFFFFF  }
0xad: {  	[dreg:$0x0] =	wrdreg $0x60  }
0xae: {  	[dreg:$0x2] =	wrdreg s24  }
0xaf: {  	[dreg:$0x3] =	wrdreg $0xA  }
0xb0: {  	_ =	task.clear_ibuf [dreg:s6], $0x4FFFF;
	_ =	strace $0x90000052  }
0xb1: {  	s29 =	simm.s32 $0xA;
	_ =	strace $0x80000054  }
0xb2: {  	_ =	swait.ge [sflag:s29], $0x1  }
0xb3: {  	[sflag:s29] =	ssyncadd.s32 $0xFFFFFFFF  }
0xb4: {  	_ =	strace $0x90000054  }
0xb5: {  	_ =	sfence  }
0xb6: {  	s30 =	sld [smem:$0x0];
	_ =	sdelay $0x2  }
0xb7: {  	s31 =	sshll.u32 s1, $0xD;
	s1 =	sshrl.u32 s1, $0x2  }
0xb8: {  	s3 =	sand.u32 $0x4000, s31;
	s1 =	sadd.s32 s1, s30  }
0xb9: {  	s0 =	sor.u32 s3, s0;
	s1 =	sshll.u32 s1, $0x11  }
0xba: {  	s0 =	sor.u32 s1, s0  }
0xbb: {  	s0 =	sadd.s32 $0x8F2B, s0  }
0xbc: {  	[sflag:s0] =	ssyncadd.remote.s32 $0x1  }
0xbd: {  	_ =	sfence.sel $0xFFFF  }
0xbe: {  	[dreg:$0x0] =	wrdreg $0xFFFFFFFF;
	(pc) =	sbr.abs _section_cstart, $3  }
0xbf: {  	[dreg:$0x1] =	wrdreg $0xFFFFFFFF  }
0xc0: {  	_ =	task.clear_ibuf [dreg:s6], $0x2FFFF;
	_ =	strace $0x9FFFFFFF  }
0xc1: {  	(tm) =	ssettm $0x7FFFFFFF  }
tec
execute0_lowered:
.L_overlay_start_1:
0x0: {  	(tag) =	ssettag $0x1  }
0x1: {  	s0 =	rddreg [dreg:$0x0]  }
0x2: {  	s2 =	srdreg.scid;
	s1 =	stileid.u32  }
0x3: {  	s8 =	simm.s32 $0x80;
	s26 =	simm.s32 $0x880;
	s9 =	simm.s32 $0x1080  }
0x4: {  	s10 =	simm.s32 $0x1880;
	s11 =	simm.s32 $0x2080;
	s12 =	simm.s32 $0x2880  }
0x5: {  	s13 =	simm.s32 $0x3080;
	s14 =	simm.s32 $0x3880;
	s15 =	simm.s32 $0x4080  }
0x6: {  	s16 =	simm.s32 $0x4880;
	s17 =	simm.s32 $0x5080;
	s18 =	simm.s32 $0x5880  }
0x7: {  	s19 =	simm.s32 $0x6080;
	s20 =	simm.s32 $0x6880;
	s21 =	simm.s32 $0x7080  }
0x8: {  	s22 =	simm.s32 $0x7880;
	s23 =	simm.s32 $0x8080;
	s24 =	simm.s32 $0x8880  }
0x9: {  	s28 =	simm.s32 $0xA080;
	s29 =	simm.s32 $0xA880;
	s30 =	simm.s32 $0xB080  }
0xa: {  	s31 =	simm.s32 $0xB880;
	s3 =	sand.u32 $0x1, s2;
	s2 =	simm.s32 $0x0  }
0xb: {  	s4 =	sshll.u32 s1, $0x4;
	s5 =	sshll.u32 s3, $0x3;
	[smem:$0x7FF] =	sst s2  }
0xc: {  	s6 =	ssub.s32 $0x2, s3;
	s3 =	sadd.s32 $0xBE000, s0;
	s4 =	sor.u32 s5, s4  }
0xd: {  	_ =	strace $0x80000053;
	s7 =	sshrl.u32 s6, $0x1;
	[dreg:$0x4] =	wrdreg s26  }
0xe: {  	s26 =	simm.s32 $0x9880;
	s5 =	smul.u32 $0x300, s4;
	s4 =	sadd.s32 s4, s0  }
0xf: {  	s6 =	ssub.s32 s6, s7;
	s7 =	simm.s32 $0x2;
	s4 =	sadd.s32 $0xBDE00, s4  }
0x10: {  	v2 =	vlaneseq.u32;
	s6 =	smax.u32 s6, $0x1;
	s5 =	sadd.s32 s5, s0;
	[dreg:$0x2] =	wrdreg s4  }
0x11: {  	vm0 =	vmmov $0xffff;
	v1 =	vshrl.u32 v2, $0x3;
	s4 =	sadd.s32 $0xBE100, s0;
	s25 =	sadd.s32 $0x76000, s5;
	s5 =	sadd.s32 $0xBE200, s0  }
0x12: {  	v0 =	vand.u32 $0x7, v2;
	v2 =	vor.u32 $0x8, v2;
	v1 =	vmul.u32 $0x8, v1;
	s0 =	simm.s32 $0x1;
	[dreg:$0x3] =	wrdreg s25;
	s25 =	simm.s32 $0x9080  }
.LBB2_1:
0x13: {  	s1 =	rddreg [dreg:$0x2]  }
0x14: {  	[tilespmem:s2], [sflag:$0x2] =	stream.linear.gather [hbm4b:s1+s2], $0x40, $0x38;
	[tilespmem:$0xC080] =	vst v63  }
0x15: {  	_ =	swait.ge [sflag:s7], $0x40  }
0x16: {  	[sflag:s7] =	ssyncset.done $0x0  }
0x17: {  	[sflag:s7] =	ssyncadd.s32 $0xFFFFFFC0  }
0x18: {  	v3 =	vld [tilespmem:$0x0];
	_ =	sdelay $0x4  }
0x19: {  	v4 =	vshrl.u32 v3, $0x3  }
0x1a: {  	v4 =	vmul.u32 $0x30, v4  }
0x1b: {  	v3 =	vand.u32 $0x7, v3  }
0x1c: {  	v3 =	vor.u32 v3, v4  }
0x1d: {  	v4 =	vperm.xlane v3, v0;
	_ =	sdelay $0x1  }
0x1e: {  	v4 =	vadd.s32 v1, v4;
	_ =	sdelay $0x3  }
0x1f: {  	v3 =	vperm.xlane v3, v2  }
0x20: {  	[tilespmem:s8], [sflag:$0x1] =	stream.indirect_vreg.gather [hbm4b:s3+s2], $0x80, v4, vm0, $0xb8;
	[tilespmem:$0xC080] =	vst v63  }
0x21: {  	s1 =	rddreg [dreg:$0x4];
	v3 =	vadd.s32 v1, v3  }
0x22: {  	[tilespmem:s1], [sflag:$0x1] =	stream.indirect_vreg.gather [hbm4b:s4+s2], $0x80, v4, vm0, $0xb8;
	[tilespmem:$0xC080] =	vst v63  }
0x23: {  	_ = 	snop  }
0x24: {  	[tilespmem:s9], [sflag:$0x1] =	stream.indirect_vreg.gather [hbm4b:s5+s2], $0x80, v4, vm0, $0xb8;
	[tilespmem:$0xC080] =	vst v63  }
0x25: {  	_ = 	snop  }
0x26: {  	[tilespmem:s10], [sflag:$0x1] =	stream.indirect_vreg.gather [hbm4b:s3+s2], $0x80, v3, vm0, $0xb8;
	[tilespmem:$0xC080] =	vst v63  }
0x27: {  	_ = 	snop  }
0x28: {  	[tilespmem:s11], [sflag:$0x1] =	stream.indirect_vreg.gather [hbm4b:s4+s2], $0x80, v3, vm0, $0xb8;
	[tilespmem:$0xC080] =	vst v63  }
0x29: {  	_ = 	snop  }
0x2a: {  	[tilespmem:s12], [sflag:$0x1] =	stream.indirect_vreg.gather [hbm4b:s5+s2], $0x80, v3, vm0, $0xb8;
	[tilespmem:$0xC080] =	vst v63  }
0x2b: {  	v3 =	vld [tilespmem:$0x10];
	_ =	sdelay $0x4  }
0x2c: {  	v61 =	vshrl.u32 v3, $0x3  }
0x2d: {  	v4 =	vmul.u32 $0x30, v61  }
0x2e: {  	v3 =	vand.u32 $0x7, v3  }
0x2f: {  	v3 =	vor.u32 v3, v4  }
0x30: {  	v4 =	vperm.xlane v3, v0;
	_ =	sdelay $0x1  }
0x31: {  	v4 =	vadd.s32 v1, v4;
	_ =	sdelay $0x3  }
0x32: {  	v3 =	vperm.xlane v3, v2  }
0x33: {  	[tilespmem:s13], [sflag:$0x1] =	stream.indirect_vreg.gather [hbm4b:s3+s2], $0x80, v4, vm0, $0xb8;
	[tilespmem:$0xC080] =	vst v63  }
0x34: {  	v3 =	vadd.s32 v1, v3  }
0x35: {  	[tilespmem:s14], [sflag:$0x1] =	stream.indirect_vreg.gather [hbm4b:s4+s2], $0x80, v4, vm0, $0xb8;
	[tilespmem:$0xC080] =	vst v63  }
0x36: {  	_ = 	snop  }
0x37: {  	[tilespmem:s15], [sflag:$0x1] =	stream.indirect_vreg.gather [hbm4b:s5+s2], $0x80, v4, vm0, $0xb8;
	[tilespmem:$0xC080] =	vst v63  }
0x38: {  	_ = 	snop  }
0x39: {  	[tilespmem:s16], [sflag:$0x1] =	stream.indirect_vreg.gather [hbm4b:s3+s2], $0x80, v3, vm0, $0xb8;
	[tilespmem:$0xC080] =	vst v63  }
0x3a: {  	_ = 	snop  }
0x3b: {  	[tilespmem:s17], [sflag:$0x1] =	stream.indirect_vreg.gather [hbm4b:s4+s2], $0x80, v3, vm0, $0xb8;
	[tilespmem:$0xC080] =	vst v63  }
0x3c: {  	_ = 	snop  }
0x3d: {  	[tilespmem:s18], [sflag:$0x1] =	stream.indirect_vreg.gather [hbm4b:s5+s2], $0x80, v3, vm0, $0xb8;
	[tilespmem:$0xC080] =	vst v63  }
0x3e: {  	v3 =	vld [tilespmem:$0x20];
	_ =	sdelay $0x4  }
0x3f: {  	v62 =	vshrl.u32 v3, $0x3  }
0x40: {  	v4 =	vmul.u32 $0x30, v62  }
0x41: {  	v3 =	vand.u32 $0x7, v3  }
0x42: {  	v3 =	vor.u32 v3, v4  }
0x43: {  	v4 =	vperm.xlane v3, v0;
	_ =	sdelay $0x1  }
0x44: {  	v4 =	vadd.s32 v1, v4;
	_ =	sdelay $0x3  }
0x45: {  	v3 =	vperm.xlane v3, v2  }
0x46: {  	[tilespmem:s19], [sflag:$0x1] =	stream.indirect_vreg.gather [hbm4b:s3+s2], $0x80, v4, vm0, $0xb8;
	[tilespmem:$0xC080] =	vst v63  }
0x47: {  	v3 =	vadd.s32 v1, v3  }
0x48: {  	[tilespmem:s20], [sflag:$0x1] =	stream.indirect_vreg.gather [hbm4b:s4+s2], $0x80, v4, vm0, $0xb8;
	[tilespmem:$0xC080] =	vst v63  }
0x49: {  	_ = 	snop  }
0x4a: {  	[tilespmem:s21], [sflag:$0x1] =	stream.indirect_vreg.gather [hbm4b:s5+s2], $0x80, v4, vm0, $0xb8;
	[tilespmem:$0xC080] =	vst v63  }
0x4b: {  	_ = 	snop  }
0x4c: {  	[tilespmem:s22], [sflag:$0x1] =	stream.indirect_vreg.gather [hbm4b:s3+s2], $0x80, v3, vm0, $0xb8;
	[tilespmem:$0xC080] =	vst v63  }
0x4d: {  	_ = 	snop  }
0x4e: {  	[tilespmem:s23], [sflag:$0x1] =	stream.indirect_vreg.gather [hbm4b:s4+s2], $0x80, v3, vm0, $0xb8;
	[tilespmem:$0xC080] =	vst v63  }
0x4f: {  	_ = 	snop  }
0x50: {  	[tilespmem:s24], [sflag:$0x1] =	stream.indirect_vreg.gather [hbm4b:s5+s2], $0x80, v3, vm0, $0xb8;
	[tilespmem:$0xC080] =	vst v63  }
0x51: {  	v3 =	vld [tilespmem:$0x30];
	_ =	sdelay $0x4  }
0x52: {  	v63 =	vshrl.u32 v3, $0x3  }
0x53: {  	v4 =	vmul.u32 $0x30, v63  }
0x54: {  	v3 =	vand.u32 $0x7, v3  }
0x55: {  	v3 =	vor.u32 v3, v4  }
0x56: {  	v4 =	vperm.xlane v3, v0;
	_ =	sdelay $0x1  }
0x57: {  	v4 =	vadd.s32 v1, v4;
	_ =	sdelay $0x3  }
0x58: {  	v3 =	vperm.xlane v3, v2  }
0x59: {  	[tilespmem:s25], [sflag:$0x1] =	stream.indirect_vreg.gather [hbm4b:s3+s2], $0x80, v4, vm0, $0xb8;
	[tilespmem:$0xC080] =	vst v63  }
0x5a: {  	v3 =	vadd.s32 v1, v3  }
0x5b: {  	[tilespmem:s26], [sflag:$0x1] =	stream.indirect_vreg.gather [hbm4b:s4+s2], $0x80, v4, vm0, $0xb8;
	[tilespmem:$0xC080] =	vst v63  }
0x5c: {  	_ = 	snop  }
0x5d: {  	[tilespmem:s28], [sflag:$0x1] =	stream.indirect_vreg.gather [hbm4b:s5+s2], $0x80, v4, vm0, $0xb8;
	[tilespmem:$0xC080] =	vst v63  }
0x5e: {  	_ = 	snop  }
0x5f: {  	[tilespmem:s29], [sflag:$0x1] =	stream.indirect_vreg.gather [hbm4b:s3+s2], $0x80, v3, vm0, $0xb8;
	[tilespmem:$0xC080] =	vst v63  }
0x60: {  	_ = 	snop  }
0x61: {  	[tilespmem:s30], [sflag:$0x1] =	stream.indirect_vreg.gather [hbm4b:s4+s2], $0x80, v3, vm0, $0xb8;
	[tilespmem:$0xC080] =	vst v63  }
0x62: {  	_ = 	snop  }
0x63: {  	[tilespmem:s31], [sflag:$0x1] =	stream.indirect_vreg.gather [hbm4b:s5+s2], $0x80, v3, vm0, $0xb8;
	[tilespmem:$0xC080] =	vst v63  }
0x64: {  	_ =	swait.ge [sflag:s0], $0xC000  }
0x65: {  	p0 =	sne.s32 s6, $0x1;
	[sflag:s0] =	ssyncset.done $0x0  }
.Ltmp0:
0x66: {  	s1 =	rddreg [dreg:$0x3];
	[sflag:s0] =	ssyncadd.s32 $0xFFFF4000;
	(pc) =	sbr.rel @p0 .LBB2_1-.Ltmp0, $4  }
0x67: {  	[hbm4b:s1+s2] =	stream.linear.scatter [tilespmem:s8], [sflag:$0x2], $0xC000, $0x38;
	[tilespmem:$0xC080] =	vst v63  }
0x68: {  	_ =	swait.ge [sflag:s7], $0xC000  }
0x69: {  	[sflag:s7] =	ssyncset.done $0x0  }
0x6a: {  	s6 =	sadd.s32 $0xFFFFFFFF, s6;
	[sflag:s7] =	ssyncadd.s32 $0xFFFF4000  }
0x6b: {  	_ =	sfence.sel $0x180000  }
0x6c: {  	[bflag:$0x0] =	sbarrier.arrive $0xFFFF  }
0x6d: {  	_ =	strace $0x90000053  }
0x6e: {  	s0 =	stileid.u32;
	[bflag:$0x2] =	sbarrier.arrive $0xFFFF  }
0x6f: {  	p0 =	sne.s32 s0, $0x0;
	s0 =	rddreg [dreg:$0x1]  }
0x70: {  	s0 =	sadd.s32 @!p0 $0x100000, s0  }
0x71: {  	[sflag:s0] =	ssyncadd.tile.s32 @!p0 $0x1;
	_ =	shalt  }
.Lfunc_end2:
_tile_overlayer_lowered:
.L_overlay_start_2:
0x72: {  	(tag) =	ssettag $0x2  }
0x73: {  	s0 =	rddreg [dreg:$0x0];
	s2 =	stileid.u32  }
0x74: {  	s1 =	rddreg [dreg:$0x1];
	p0 =	sne.s32 s2, $0x0  }
0x75: {  	s3 =	rddreg [dreg:$0x2];
	[bflag:$0x3] =	sbarrier.arrive $0xFFFF;
	s2 =	simm.s32 @!p0 $0x1C02  }
0x76: {  	[timem:s3], [sflag:s2] =	dma.local @!p0 [hbm:s0], s1  }
0x77: {  	s0 =	simm.s32 @!p0 $0x2  }
0x78: {  	_ =	swait.ge @!p0 [sflag:s0], s1  }
0x79: {  	s1 =	ssub.s32 @!p0 $0x0, s1;
	[sflag:s0] =	ssyncset.done @!p0 $0x0  }
0x7a: {  	[sflag:s0] =	ssyncadd.s32 @!p0 s1  }
0x7b: {  	[bflag:$0x3] =	sbarrier.arrive $0xFFFF  }
0x7c: {  	_ =	shalt  }

</sc_bundles>
